<compile_context>
chip_gen: v7x
topology: tpu7x:2x2x1
jax: 0.10.2.dev20260603
libtpu: 0.0.44.dev20260713+nightly
codegen_flags: <defaults>
</compile_context>

<pallas_src>
import functools

import jax
import jax.numpy as jnp
from jax import lax
from jax.experimental import pallas as pl
from jax.experimental.pallas import tpu as pltpu
from jax.experimental.pallas import tpu_sc as plsc

E = 8
K = 2
B = 16
S = 2048
H = 512
V = 16384
R = 8
NW = B * K
C = 64
NCHUNK = S // C


def _router_body(ids_ref, x_ref, w_ref, idx_ref, ch_ref, wf_ref):
    logits = jnp.dot(x_ref[...], w_ref[...],
                     preferred_element_type=jnp.float32)
    col = lax.broadcasted_iota(jnp.int32, (B, E), 1)
    m1 = jnp.max(logits, axis=1, keepdims=True)
    a1 = jnp.min(jnp.where(logits == m1, col, E), axis=1, keepdims=True)
    neg = jnp.float32(-jnp.inf)
    logits2 = jnp.where(col == a1, neg, logits)
    m2 = jnp.max(logits2, axis=1, keepdims=True)
    a2 = jnp.min(jnp.where(logits2 == m2, col, E), axis=1, keepdims=True)
    w1 = 1.0 / (1.0 + jnp.exp(m2 - m1))
    ch_ref[:B, :] = a1
    ch_ref[B:, :] = a2
    wf_ref[:B, :] = w1
    wf_ref[B:, :] = 1.0 - w1
    ids = ids_ref[...]
    idx_ref[:B, :] = ids + a1 * V
    idx_ref[B:, :] = ids + a2 * V


def _router_tc(ids, router_inputs, router_W):
    return pl.pallas_call(
        _router_body,
        out_shape=[
            jax.ShapeDtypeStruct((NW, S), jnp.int32),
            jax.ShapeDtypeStruct((NW, 1), jnp.int32),
            jax.ShapeDtypeStruct((NW, 1), jnp.float32),
        ],
    )(ids, router_inputs, router_W)


def _combine_body(ps_ref, ch_ref, w_ref, la_ref, lb_ref, out_ref):
    pooled = ps_ref[...] * (1.0 / S)
    ch = ch_ref[...]
    u = jnp.zeros((NW, H), jnp.float32)
    for e in range(E):
        m = (ch == e).astype(jnp.float32)
        t = jnp.dot(pooled, la_ref[e],
                    preferred_element_type=jnp.float32)
        u = u + jnp.dot(t * m, lb_ref[e],
                        preferred_element_type=jnp.float32)
    hidden = (pooled + u) * w_ref[...]
    out_ref[...] = hidden[:B, :] + hidden[B:, :]


def _combine_tc(pooled_sum, ch, wf, lora_A, lora_B):
    return pl.pallas_call(
        _combine_body,
        out_shape=jax.ShapeDtypeStruct((B, H), jnp.float32),
    )(pooled_sum, ch, wf, lora_A, lora_B)


def _sc_pool(idx_all, flat_table):
    info = plsc.get_sparse_core_info()
    nc = info.num_cores

    mesh = plsc.VectorSubcoreMesh(core_axis_name="c", subcore_axis_name="s")

    @functools.partial(
        pl.kernel,
        mesh=mesh,
        out_type=jax.ShapeDtypeStruct((NW, H), jnp.float32),
        scratch_types=[
            pltpu.VMEM((NCHUNK, C), jnp.int32),
            pltpu.VMEM((C, H), jnp.float32),
            pltpu.VMEM((C, H), jnp.float32),
            pltpu.VMEM((H,), jnp.float32),
            pltpu.SemaphoreType.DMA,
            pltpu.SemaphoreType.DMA,
        ],
    )
    def sc_kernel(idx_hbm, table_hbm, out_hbm, idx_v, buf0, buf1, acc_v,
                  sem0, sem1):
        wid = lax.axis_index("s") * nc + lax.axis_index("c")
        pltpu.sync_copy(idx_hbm.at[wid], idx_v)
        for h in range(H // 16):
            acc_v[pl.ds(h * 16, 16)] = jnp.zeros((16,), jnp.float32)

        def accum(buf):
            @plsc.parallel_loop(0, H // 16, unroll=2)
            def hbody(h):
                ds = pl.ds(pl.multiple_of(h * 16, 16), 16)
                a0 = buf[0, ds]
                a1 = buf[1, ds]
                a2 = buf[2, ds]
                a3 = buf[3, ds]
                for r in range(4, C, 4):
                    a0 = a0 + buf[r, ds]
                    a1 = a1 + buf[r + 1, ds]
                    a2 = a2 + buf[r + 2, ds]
                    a3 = a3 + buf[r + 3, ds]
                plsc.addupdate(acc_v.at[ds], (a0 + a1) + (a2 + a3))

        pltpu.async_copy(table_hbm.at[idx_v.at[0]], buf0, sem0)
        pltpu.async_copy(table_hbm.at[idx_v.at[1]], buf1, sem1)

        def pair_body(p, carry):
            c0 = 2 * p
            pltpu.make_async_copy(table_hbm.at[idx_v.at[c0]], buf0,
                                  sem0).wait()
            accum(buf0)

            @pl.when(c0 + 2 < NCHUNK)
            def _():
                pltpu.async_copy(table_hbm.at[idx_v.at[c0 + 2]], buf0, sem0)

            pltpu.make_async_copy(table_hbm.at[idx_v.at[c0 + 1]], buf1,
                                  sem1).wait()
            accum(buf1)

            @pl.when(c0 + 3 < NCHUNK)
            def _():
                pltpu.async_copy(table_hbm.at[idx_v.at[c0 + 3]], buf1, sem1)

            return carry

        lax.fori_loop(0, NCHUNK // 2, pair_body, 0)
        pltpu.sync_copy(acc_v, out_hbm.at[wid])

    return sc_kernel(idx_all, flat_table)


def kernel(input_ids, router_inputs, router_W, tables, lora_A, lora_B):
    ids = input_ids.astype(jnp.int32)
    idx, ch, wf = _router_tc(ids, router_inputs, router_W)
    idx_all = idx.reshape(NW, NCHUNK, C)
    flat_table = tables.reshape(E * V, H)
    pooled_sum = _sc_pool(idx_all, flat_table)
    return _combine_tc(pooled_sum, ch, wf, lora_A, lora_B)

# --- scband reference (transcript-rebuilt; emitter-appended) ---
"""Pipeline reference for scband-mo-elora-model-32006096290495 (READ-ONLY COPY).

The authoritative reference and input builder live on the scoring server;
editing this copy changes nothing except your own understanding.
"""

import jax, jax.numpy as jnp
import numpy as np

NUM_EXPERTS = 8
TOP_K = 2
B, S, H, V, R, DR = 16, 2048, 512, 16384, 8, 512


def setup_inputs(seed: int = 0) -> dict:
    key = jax.random.key(seed)
    ks = jax.random.split(key, 6)
    input_ids = jax.random.randint(ks[0], (B, S), 0, V, dtype=jnp.int64) if jax.config.jax_enable_x64 else jax.random.randint(ks[0], (B, S), 0, V)
    router_inputs = jax.random.normal(ks[1], (B, DR), dtype=jnp.float32)
    router_W = jax.random.normal(ks[2], (DR, NUM_EXPERTS), dtype=jnp.float32) * 0.02
    tables = jax.random.normal(ks[3], (NUM_EXPERTS, V, H), dtype=jnp.float32) * 0.02
    lora_A = jax.random.normal(ks[4], (NUM_EXPERTS, H, R), dtype=jnp.float32) * 0.02
    lora_B = jax.random.normal(ks[5], (NUM_EXPERTS, R, H), dtype=jnp.float32) * 0.02
    return {
        "input_ids": input_ids,
        "router_inputs": router_inputs,
        "router_W": router_W,
        "tables": tables,
        "lora_A": lora_A,
        "lora_B": lora_B,
    }


def reference(input_ids, router_inputs, router_W, tables, lora_A, lora_B):
    # routing_network: per-example logits over experts
    logits = router_inputs @ router_W  # [B, E]
    weights, chosen_experts = jax.lax.top_k(logits, TOP_K)  # [B, K]
    weights = jax.nn.softmax(weights, axis=1)
    prediction = jnp.zeros((input_ids.shape[0], tables.shape[-1]), dtype=jnp.float32)
    for e in range(NUM_EXPERTS):
        # dense-masked equivalent of torch.where(chosen_experts == e) routing:
        # combine weight is 0 for examples not routed to expert e
        w_e = jnp.sum(weights * (chosen_experts == e).astype(weights.dtype), axis=1)  # [B]
        # expert model: LoRA-adapted embedding backbone -> pooled hidden state
        emb = jnp.take(tables[e], input_ids, axis=0)  # [B, S, H] gather (memory-bound)
        pooled = emb.mean(axis=1)  # [B, H]
        hidden_states = pooled + (pooled @ lora_A[e]) @ lora_B[e]  # LoRA low-rank update
        prediction = prediction + w_e[:, None] * hidden_states
    return prediction

if __name__ == "__main__":
    import jax
    _d = setup_inputs()
    print(jax.jit(kernel)(*tuple(_d.values())))

</pallas_src>

<mosaic_0001>
#map = affine_map<(d0, d1) -> (0, 0, 0)>
#map1 = affine_map<(d0, d1) -> (0, 0)>
module attributes {stable_mosaic.version = 14 : i64} {
  func.func @sc_kernel(%arg0: i32, %arg1: i32, %arg2: memref<32x32x64xi32, #tpu.memory_space<hbm>>, %arg3: memref<131072x512xf32, #tpu.memory_space<hbm>>, %arg4: memref<32x512xf32, #tpu.memory_space<hbm>>, %arg5: memref<32x64xi32, #tpu.memory_space<vmem>>, %arg6: memref<64x512xf32, #tpu.memory_space<vmem>>, %arg7: memref<64x512xf32, #tpu.memory_space<vmem>>, %arg8: memref<512xf32, #tpu.memory_space<vmem>>, %arg9: memref<!tpu.dma_semaphore, #tpu.memory_space<semaphore_mem>>, %arg10: memref<!tpu.dma_semaphore, #tpu.memory_space<semaphore_mem>>) attributes {dimension_semantics = [#tpu.dimension_semantics<core_parallel>, #tpu.dimension_semantics<subcore_parallel>], iteration_bounds = array<i64: 2, 16>, scalar_prefetch = 0 : i64, scratch_operands = 6 : i64, tpu.core_type = #tpu.core_type<sc_vector_subcore>, window_params = [{transform_indices = #map}, {transform_indices = #map1}, {transform_indices = #map1}]} {
    %mul3A = arith.constant 2 : i32
    %mul3A_0 = arith.muli %arg1, %mul3A : i32
    %add3A = arith.addi %mul3A_0, %arg0 : i32
    "tpu.region"() ({
      %run_scoped3A = tpu.sem_alloc : memref<!tpu.dma_semaphore, #tpu.memory_space<semaphore_mem>>
      %dma_start3A_209 = arith.constant 0 : i32
      %dma_start3A_210 = arith.constant 0 : i32
      %dma_start3A_211 = tpu.memref_slice %arg2[%add3A, %dma_start3A_209, %dma_start3A_210] : memref<32x32x64xi32, #tpu.memory_space<hbm>> -> memref<1x32x64xi32, #tpu.memory_space<hbm>>
      %dma_start3A_212 = tpu.memref_squeeze %dma_start3A_211 : memref<1x32x64xi32, #tpu.memory_space<hbm>> -> memref<32x64xi32, #tpu.memory_space<hbm>>
      %dma_start3A_213 = arith.constant 0 : i32
      %dma_start3A_214 = arith.constant 0 : i32
      %dma_start3A_215 = tpu.memref_slice %arg2[%add3A, %dma_start3A_213, %dma_start3A_214] : memref<32x32x64xi32, #tpu.memory_space<hbm>> -> memref<1x32x64xi32, #tpu.memory_space<hbm>>
      %dma_start3A_216 = tpu.memref_squeeze %dma_start3A_215 : memref<1x32x64xi32, #tpu.memory_space<hbm>> -> memref<32x64xi32, #tpu.memory_space<hbm>>
      tpu.enqueue_dma source(%dma_start3A_216 : memref<32x64xi32, #tpu.memory_space<hbm>>) target(%arg5 : memref<32x64xi32, #tpu.memory_space<vmem>>) target_semaphore(%run_scoped3A : memref<!tpu.dma_semaphore, #tpu.memory_space<semaphore_mem>>)
      %dma_wait3A = arith.constant 0 : i32
      %dma_wait3A_217 = arith.constant 0 : i32
      %dma_wait3A_218 = tpu.memref_slice %arg2[%add3A, %dma_wait3A, %dma_wait3A_217] : memref<32x32x64xi32, #tpu.memory_space<hbm>> -> memref<1x32x64xi32, #tpu.memory_space<hbm>>
      %dma_wait3A_219 = tpu.memref_squeeze %dma_wait3A_218 : memref<1x32x64xi32, #tpu.memory_space<hbm>> -> memref<32x64xi32, #tpu.memory_space<hbm>>
      %dma_wait3A_220 = arith.constant 0 : i32
      %dma_wait3A_221 = arith.constant 0 : i32
      %dma_wait3A_222 = tpu.memref_slice %arg2[%add3A, %dma_wait3A_220, %dma_wait3A_221] : memref<32x32x64xi32, #tpu.memory_space<hbm>> -> memref<1x32x64xi32, #tpu.memory_space<hbm>>
      %dma_wait3A_223 = tpu.memref_squeeze %dma_wait3A_222 : memref<1x32x64xi32, #tpu.memory_space<hbm>> -> memref<32x64xi32, #tpu.memory_space<hbm>>
      tpu.wait_dma2 semaphore(%run_scoped3A : memref<!tpu.dma_semaphore, #tpu.memory_space<semaphore_mem>>) src(%dma_wait3A_223 : memref<32x64xi32, #tpu.memory_space<hbm>>) dst(%arg5 : memref<32x64xi32, #tpu.memory_space<vmem>>)
      tpu.yield
    }) : () -> ()
    %broadcast_in_dim3A = arith.constant 0.000000e+00 : f32
    %broadcast_in_dim3A_1 = vector.broadcast %broadcast_in_dim3A : f32 to vector<16xf32>
    %swap3A = arith.constant 0 : index
    %swap3A_2 = tpu.vector_load %arg8[%swap3A] {strides = array<i32>} : memref<512xf32, #tpu.memory_space<vmem>>, vector<16xf32>,
    %swap3A_3 = vector.shape_cast %swap3A_2 : vector<16xf32> to vector<16xf32>
    %swap3A_4 = vector.shape_cast %broadcast_in_dim3A_1 : vector<16xf32> to vector<16xf32>
    tpu.vector_store %arg8[%swap3A], %swap3A_4 {strides = array<i32>} : memref<512xf32, #tpu.memory_space<vmem>>, vector<16xf32>,
    %broadcast_in_dim3A_5 = arith.constant 0.000000e+00 : f32
    %broadcast_in_dim3A_6 = vector.broadcast %broadcast_in_dim3A_5 : f32 to vector<16xf32>
    %swap3A_7 = arith.constant 16 : index
    %swap3A_8 = tpu.vector_load %arg8[%swap3A_7] {strides = array<i32>} : memref<512xf32, #tpu.memory_space<vmem>>, vector<16xf32>,
    %swap3A_9 = vector.shape_cast %swap3A_8 : vector<16xf32> to vector<16xf32>
    %swap3A_10 = vector.shape_cast %broadcast_in_dim3A_6 : vector<16xf32> to vector<16xf32>
    tpu.vector_store %arg8[%swap3A_7], %swap3A_10 {strides = array<i32>} : memref<512xf32, #tpu.memory_space<vmem>>, vector<16xf32>,
    %broadcast_in_dim3A_11 = arith.constant 0.000000e+00 : f32
    %broadcast_in_dim3A_12 = vector.broadcast %broadcast_in_dim3A_11 : f32 to vector<16xf32>
    %swap3A_13 = arith.constant 32 : index
    %swap3A_14 = tpu.vector_load %arg8[%swap3A_13] {strides = array<i32>} : memref<512xf32, #tpu.memory_space<vmem>>, vector<16xf32>,
    %swap3A_15 = vector.shape_cast %swap3A_14 : vector<16xf32> to vector<16xf32>
    %swap3A_16 = vector.shape_cast %broadcast_in_dim3A_12 : vector<16xf32> to vector<16xf32>
    tpu.vector_store %arg8[%swap3A_13], %swap3A_16 {strides = array<i32>} : memref<512xf32, #tpu.memory_space<vmem>>, vector<16xf32>,
    %broadcast_in_dim3A_17 = arith.constant 0.000000e+00 : f32
    %broadcast_in_dim3A_18 = vector.broadcast %broadcast_in_dim3A_17 : f32 to vector<16xf32>
    %swap3A_19 = arith.constant 48 : index
    %swap3A_20 = tpu.vector_load %arg8[%swap3A_19] {strides = array<i32>} : memref<512xf32, #tpu.memory_space<vmem>>, vector<16xf32>,
    %swap3A_21 = vector.shape_cast %swap3A_20 : vector<16xf32> to vector<16xf32>
    %swap3A_22 = vector.shape_cast %broadcast_in_dim3A_18 : vector<16xf32> to vector<16xf32>
    tpu.vector_store %arg8[%swap3A_19], %swap3A_22 {strides = array<i32>} : memref<512xf32, #tpu.memory_space<vmem>>, vector<16xf32>,
    %broadcast_in_dim3A_23 = arith.constant 0.000000e+00 : f32
    %broadcast_in_dim3A_24 = vector.broadcast %broadcast_in_dim3A_23 : f32 to vector<16xf32>
    %swap3A_25 = arith.constant 64 : index
    %swap3A_26 = tpu.vector_load %arg8[%swap3A_25] {strides = array<i32>} : memref<512xf32, #tpu.memory_space<vmem>>, vector<16xf32>,
    %swap3A_27 = vector.shape_cast %swap3A_26 : vector<16xf32> to vector<16xf32>
    %swap3A_28 = vector.shape_cast %broadcast_in_dim3A_24 : vector<16xf32> to vector<16xf32>
    tpu.vector_store %arg8[%swap3A_25], %swap3A_28 {strides = array<i32>} : memref<512xf32, #tpu.memory_space<vmem>>, vector<16xf32>,
    %broadcast_in_dim3A_29 = arith.constant 0.000000e+00 : f32
    %broadcast_in_dim3A_30 = vector.broadcast %broadcast_in_dim3A_29 : f32 to vector<16xf32>
    %swap3A_31 = arith.constant 80 : index
    %swap3A_32 = tpu.vector_load %arg8[%swap3A_31] {strides = array<i32>} : memref<512xf32, #tpu.memory_space<vmem>>, vector<16xf32>,
    %swap3A_33 = vector.shape_cast %swap3A_32 : vector<16xf32> to vector<16xf32>
    %swap3A_34 = vector.shape_cast %broadcast_in_dim3A_30 : vector<16xf32> to vector<16xf32>
    tpu.vector_store %arg8[%swap3A_31], %swap3A_34 {strides = array<i32>} : memref<512xf32, #tpu.memory_space<vmem>>, vector<16xf32>,
    %broadcast_in_dim3A_35 = arith.constant 0.000000e+00 : f32
    %broadcast_in_dim3A_36 = vector.broadcast %broadcast_in_dim3A_35 : f32 to vector<16xf32>
    %swap3A_37 = arith.constant 96 : index
    %swap3A_38 = tpu.vector_load %arg8[%swap3A_37] {strides = array<i32>} : memref<512xf32, #tpu.memory_space<vmem>>, vector<16xf32>,
    %swap3A_39 = vector.shape_cast %swap3A_38 : vector<16xf32> to vector<16xf32>
    %swap3A_40 = vector.shape_cast %broadcast_in_dim3A_36 : vector<16xf32> to vector<16xf32>
    tpu.vector_store %arg8[%swap3A_37], %swap3A_40 {strides = array<i32>} : memref<512xf32, #tpu.memory_space<vmem>>, vector<16xf32>,
    %broadcast_in_dim3A_41 = arith.constant 0.000000e+00 : f32
    %broadcast_in_dim3A_42 = vector.broadcast %broadcast_in_dim3A_41 : f32 to vector<16xf32>
    %swap3A_43 = arith.constant 112 : index
    %swap3A_44 = tpu.vector_load %arg8[%swap3A_43] {strides = array<i32>} : memref<512xf32, #tpu.memory_space<vmem>>, vector<16xf32>,
    %swap3A_45 = vector.shape_cast %swap3A_44 : vector<16xf32> to vector<16xf32>
    %swap3A_46 = vector.shape_cast %broadcast_in_dim3A_42 : vector<16xf32> to vector<16xf32>
    tpu.vector_store %arg8[%swap3A_43], %swap3A_46 {strides = array<i32>} : memref<512xf32, #tpu.memory_space<vmem>>, vector<16xf32>,
    %broadcast_in_dim3A_47 = arith.constant 0.000000e+00 : f32
    %broadcast_in_dim3A_48 = vector.broadcast %broadcast_in_dim3A_47 : f32 to vector<16xf32>
    %swap3A_49 = arith.constant 128 : index
    %swap3A_50 = tpu.vector_load %arg8[%swap3A_49] {strides = array<i32>} : memref<512xf32, #tpu.memory_space<vmem>>, vector<16xf32>,
    %swap3A_51 = vector.shape_cast %swap3A_50 : vector<16xf32> to vector<16xf32>
    %swap3A_52 = vector.shape_cast %broadcast_in_dim3A_48 : vector<16xf32> to vector<16xf32>
    tpu.vector_store %arg8[%swap3A_49], %swap3A_52 {strides = array<i32>} : memref<512xf32, #tpu.memory_space<vmem>>, vector<16xf32>,
    %broadcast_in_dim3A_53 = arith.constant 0.000000e+00 : f32
    %broadcast_in_dim3A_54 = vector.broadcast %broadcast_in_dim3A_53 : f32 to vector<16xf32>
    %swap3A_55 = arith.constant 144 : index
    %swap3A_56 = tpu.vector_load %arg8[%swap3A_55] {strides = array<i32>} : memref<512xf32, #tpu.memory_space<vmem>>, vector<16xf32>,
    %swap3A_57 = vector.shape_cast %swap3A_56 : vector<16xf32> to vector<16xf32>
    %swap3A_58 = vector.shape_cast %broadcast_in_dim3A_54 : vector<16xf32> to vector<16xf32>
    tpu.vector_store %arg8[%swap3A_55], %swap3A_58 {strides = array<i32>} : memref<512xf32, #tpu.memory_space<vmem>>, vector<16xf32>,
    %broadcast_in_dim3A_59 = arith.constant 0.000000e+00 : f32
    %broadcast_in_dim3A_60 = vector.broadcast %broadcast_in_dim3A_59 : f32 to vector<16xf32>
    %swap3A_61 = arith.constant 160 : index
    %swap3A_62 = tpu.vector_load %arg8[%swap3A_61] {strides = array<i32>} : memref<512xf32, #tpu.memory_space<vmem>>, vector<16xf32>,
    %swap3A_63 = vector.shape_cast %swap3A_62 : vector<16xf32> to vector<16xf32>
    %swap3A_64 = vector.shape_cast %broadcast_in_dim3A_60 : vector<16xf32> to vector<16xf32>
    tpu.vector_store %arg8[%swap3A_61], %swap3A_64 {strides = array<i32>} : memref<512xf32, #tpu.memory_space<vmem>>, vector<16xf32>,
    %broadcast_in_dim3A_65 = arith.constant 0.000000e+00 : f32
    %broadcast_in_dim3A_66 = vector.broadcast %broadcast_in_dim3A_65 : f32 to vector<16xf32>
    %swap3A_67 = arith.constant 176 : index
    %swap3A_68 = tpu.vector_load %arg8[%swap3A_67] {strides = array<i32>} : memref<512xf32, #tpu.memory_space<vmem>>, vector<16xf32>,
    %swap3A_69 = vector.shape_cast %swap3A_68 : vector<16xf32> to vector<16xf32>
    %swap3A_70 = vector.shape_cast %broadcast_in_dim3A_66 : vector<16xf32> to vector<16xf32>
    tpu.vector_store %arg8[%swap3A_67], %swap3A_70 {strides = array<i32>} : memref<512xf32, #tpu.memory_space<vmem>>, vector<16xf32>,
    %broadcast_in_dim3A_71 = arith.constant 0.000000e+00 : f32
    %broadcast_in_dim3A_72 = vector.broadcast %broadcast_in_dim3A_71 : f32 to vector<16xf32>
    %swap3A_73 = arith.constant 192 : index
    %swap3A_74 = tpu.vector_load %arg8[%swap3A_73] {strides = array<i32>} : memref<512xf32, #tpu.memory_space<vmem>>, vector<16xf32>,
    %swap3A_75 = vector.shape_cast %swap3A_74 : vector<16xf32> to vector<16xf32>
    %swap3A_76 = vector.shape_cast %broadcast_in_dim3A_72 : vector<16xf32> to vector<16xf32>
    tpu.vector_store %arg8[%swap3A_73], %swap3A_76 {strides = array<i32>} : memref<512xf32, #tpu.memory_space<vmem>>, vector<16xf32>,
    %broadcast_in_dim3A_77 = arith.constant 0.000000e+00 : f32
    %broadcast_in_dim3A_78 = vector.broadcast %broadcast_in_dim3A_77 : f32 to vector<16xf32>
    %swap3A_79 = arith.constant 208 : index
    %swap3A_80 = tpu.vector_load %arg8[%swap3A_79] {strides = array<i32>} : memref<512xf32, #tpu.memory_space<vmem>>, vector<16xf32>,
    %swap3A_81 = vector.shape_cast %swap3A_80 : vector<16xf32> to vector<16xf32>
    %swap3A_82 = vector.shape_cast %broadcast_in_dim3A_78 : vector<16xf32> to vector<16xf32>
    tpu.vector_store %arg8[%swap3A_79], %swap3A_82 {strides = array<i32>} : memref<512xf32, #tpu.memory_space<vmem>>, vector<16xf32>,
    %broadcast_in_dim3A_83 = arith.constant 0.000000e+00 : f32
    %broadcast_in_dim3A_84 = vector.broadcast %broadcast_in_dim3A_83 : f32 to vector<16xf32>
    %swap3A_85 = arith.constant 224 : index
    %swap3A_86 = tpu.vector_load %arg8[%swap3A_85] {strides = array<i32>} : memref<512xf32, #tpu.memory_space<vmem>>, vector<16xf32>,
    %swap3A_87 = vector.shape_cast %swap3A_86 : vector<16xf32> to vector<16xf32>
    %swap3A_88 = vector.shape_cast %broadcast_in_dim3A_84 : vector<16xf32> to vector<16xf32>
    tpu.vector_store %arg8[%swap3A_85], %swap3A_88 {strides = array<i32>} : memref<512xf32, #tpu.memory_space<vmem>>, vector<16xf32>,
    %broadcast_in_dim3A_89 = arith.constant 0.000000e+00 : f32
    %broadcast_in_dim3A_90 = vector.broadcast %broadcast_in_dim3A_89 : f32 to vector<16xf32>
    %swap3A_91 = arith.constant 240 : index
    %swap3A_92 = tpu.vector_load %arg8[%swap3A_91] {strides = array<i32>} : memref<512xf32, #tpu.memory_space<vmem>>, vector<16xf32>,
    %swap3A_93 = vector.shape_cast %swap3A_92 : vector<16xf32> to vector<16xf32>
    %swap3A_94 = vector.shape_cast %broadcast_in_dim3A_90 : vector<16xf32> to vector<16xf32>
    tpu.vector_store %arg8[%swap3A_91], %swap3A_94 {strides = array<i32>} : memref<512xf32, #tpu.memory_space<vmem>>, vector<16xf32>,
    %broadcast_in_dim3A_95 = arith.constant 0.000000e+00 : f32
    %broadcast_in_dim3A_96 = vector.broadcast %broadcast_in_dim3A_95 : f32 to vector<16xf32>
    %swap3A_97 = arith.constant 256 : index
    %swap3A_98 = tpu.vector_load %arg8[%swap3A_97] {strides = array<i32>} : memref<512xf32, #tpu.memory_space<vmem>>, vector<16xf32>,
    %swap3A_99 = vector.shape_cast %swap3A_98 : vector<16xf32> to vector<16xf32>
    %swap3A_100 = vector.shape_cast %broadcast_in_dim3A_96 : vector<16xf32> to vector<16xf32>
    tpu.vector_store %arg8[%swap3A_97], %swap3A_100 {strides = array<i32>} : memref<512xf32, #tpu.memory_space<vmem>>, vector<16xf32>,
    %broadcast_in_dim3A_101 = arith.constant 0.000000e+00 : f32
    %broadcast_in_dim3A_102 = vector.broadcast %broadcast_in_dim3A_101 : f32 to vector<16xf32>
    %swap3A_103 = arith.constant 272 : index
    %swap3A_104 = tpu.vector_load %arg8[%swap3A_103] {strides = array<i32>} : memref<512xf32, #tpu.memory_space<vmem>>, vector<16xf32>,
    %swap3A_105 = vector.shape_cast %swap3A_104 : vector<16xf32> to vector<16xf32>
    %swap3A_106 = vector.shape_cast %broadcast_in_dim3A_102 : vector<16xf32> to vector<16xf32>
    tpu.vector_store %arg8[%swap3A_103], %swap3A_106 {strides = array<i32>} : memref<512xf32, #tpu.memory_space<vmem>>, vector<16xf32>,
    %broadcast_in_dim3A_107 = arith.constant 0.000000e+00 : f32
    %broadcast_in_dim3A_108 = vector.broadcast %broadcast_in_dim3A_107 : f32 to vector<16xf32>
    %swap3A_109 = arith.constant 288 : index
    %swap3A_110 = tpu.vector_load %arg8[%swap3A_109] {strides = array<i32>} : memref<512xf32, #tpu.memory_space<vmem>>, vector<16xf32>,
    %swap3A_111 = vector.shape_cast %swap3A_110 : vector<16xf32> to vector<16xf32>
    %swap3A_112 = vector.shape_cast %broadcast_in_dim3A_108 : vector<16xf32> to vector<16xf32>
    tpu.vector_store %arg8[%swap3A_109], %swap3A_112 {strides = array<i32>} : memref<512xf32, #tpu.memory_space<vmem>>, vector<16xf32>,
    %broadcast_in_dim3A_113 = arith.constant 0.000000e+00 : f32
    %broadcast_in_dim3A_114 = vector.broadcast %broadcast_in_dim3A_113 : f32 to vector<16xf32>
    %swap3A_115 = arith.constant 304 : index
    %swap3A_116 = tpu.vector_load %arg8[%swap3A_115] {strides = array<i32>} : memref<512xf32, #tpu.memory_space<vmem>>, vector<16xf32>,
    %swap3A_117 = vector.shape_cast %swap3A_116 : vector<16xf32> to vector<16xf32>
    %swap3A_118 = vector.shape_cast %broadcast_in_dim3A_114 : vector<16xf32> to vector<16xf32>
    tpu.vector_store %arg8[%swap3A_115], %swap3A_118 {strides = array<i32>} : memref<512xf32, #tpu.memory_space<vmem>>, vector<16xf32>,
    %broadcast_in_dim3A_119 = arith.constant 0.000000e+00 : f32
    %broadcast_in_dim3A_120 = vector.broadcast %broadcast_in_dim3A_119 : f32 to vector<16xf32>
    %swap3A_121 = arith.constant 320 : index
    %swap3A_122 = tpu.vector_load %arg8[%swap3A_121] {strides = array<i32>} : memref<512xf32, #tpu.memory_space<vmem>>, vector<16xf32>,
    %swap3A_123 = vector.shape_cast %swap3A_122 : vector<16xf32> to vector<16xf32>
    %swap3A_124 = vector.shape_cast %broadcast_in_dim3A_120 : vector<16xf32> to vector<16xf32>
    tpu.vector_store %arg8[%swap3A_121], %swap3A_124 {strides = array<i32>} : memref<512xf32, #tpu.memory_space<vmem>>, vector<16xf32>,
    %broadcast_in_dim3A_125 = arith.constant 0.000000e+00 : f32
    %broadcast_in_dim3A_126 = vector.broadcast %broadcast_in_dim3A_125 : f32 to vector<16xf32>
    %swap3A_127 = arith.constant 336 : index
    %swap3A_128 = tpu.vector_load %arg8[%swap3A_127] {strides = array<i32>} : memref<512xf32, #tpu.memory_space<vmem>>, vector<16xf32>,
    %swap3A_129 = vector.shape_cast %swap3A_128 : vector<16xf32> to vector<16xf32>
    %swap3A_130 = vector.shape_cast %broadcast_in_dim3A_126 : vector<16xf32> to vector<16xf32>
    tpu.vector_store %arg8[%swap3A_127], %swap3A_130 {strides = array<i32>} : memref<512xf32, #tpu.memory_space<vmem>>, vector<16xf32>,
    %broadcast_in_dim3A_131 = arith.constant 0.000000e+00 : f32
    %broadcast_in_dim3A_132 = vector.broadcast %broadcast_in_dim3A_131 : f32 to vector<16xf32>
    %swap3A_133 = arith.constant 352 : index
    %swap3A_134 = tpu.vector_load %arg8[%swap3A_133] {strides = array<i32>} : memref<512xf32, #tpu.memory_space<vmem>>, vector<16xf32>,
    %swap3A_135 = vector.shape_cast %swap3A_134 : vector<16xf32> to vector<16xf32>
    %swap3A_136 = vector.shape_cast %broadcast_in_dim3A_132 : vector<16xf32> to vector<16xf32>
    tpu.vector_store %arg8[%swap3A_133], %swap3A_136 {strides = array<i32>} : memref<512xf32, #tpu.memory_space<vmem>>, vector<16xf32>,
    %broadcast_in_dim3A_137 = arith.constant 0.000000e+00 : f32
    %broadcast_in_dim3A_138 = vector.broadcast %broadcast_in_dim3A_137 : f32 to vector<16xf32>
    %swap3A_139 = arith.constant 368 : index
    %swap3A_140 = tpu.vector_load %arg8[%swap3A_139] {strides = array<i32>} : memref<512xf32, #tpu.memory_space<vmem>>, vector<16xf32>,
    %swap3A_141 = vector.shape_cast %swap3A_140 : vector<16xf32> to vector<16xf32>
    %swap3A_142 = vector.shape_cast %broadcast_in_dim3A_138 : vector<16xf32> to vector<16xf32>
    tpu.vector_store %arg8[%swap3A_139], %swap3A_142 {strides = array<i32>} : memref<512xf32, #tpu.memory_space<vmem>>, vector<16xf32>,
    %broadcast_in_dim3A_143 = arith.constant 0.000000e+00 : f32
    %broadcast_in_dim3A_144 = vector.broadcast %broadcast_in_dim3A_143 : f32 to vector<16xf32>
    %swap3A_145 = arith.constant 384 : index
    %swap3A_146 = tpu.vector_load %arg8[%swap3A_145] {strides = array<i32>} : memref<512xf32, #tpu.memory_space<vmem>>, vector<16xf32>,
    %swap3A_147 = vector.shape_cast %swap3A_146 : vector<16xf32> to vector<16xf32>
    %swap3A_148 = vector.shape_cast %broadcast_in_dim3A_144 : vector<16xf32> to vector<16xf32>
    tpu.vector_store %arg8[%swap3A_145], %swap3A_148 {strides = array<i32>} : memref<512xf32, #tpu.memory_space<vmem>>, vector<16xf32>,
    %broadcast_in_dim3A_149 = arith.constant 0.000000e+00 : f32
    %broadcast_in_dim3A_150 = vector.broadcast %broadcast_in_dim3A_149 : f32 to vector<16xf32>
    %swap3A_151 = arith.constant 400 : index
    %swap3A_152 = tpu.vector_load %arg8[%swap3A_151] {strides = array<i32>} : memref<512xf32, #tpu.memory_space<vmem>>, vector<16xf32>,
    %swap3A_153 = vector.shape_cast %swap3A_152 : vector<16xf32> to vector<16xf32>
    %swap3A_154 = vector.shape_cast %broadcast_in_dim3A_150 : vector<16xf32> to vector<16xf32>
    tpu.vector_store %arg8[%swap3A_151], %swap3A_154 {strides = array<i32>} : memref<512xf32, #tpu.memory_space<vmem>>, vector<16xf32>,
    %broadcast_in_dim3A_155 = arith.constant 0.000000e+00 : f32
    %broadcast_in_dim3A_156 = vector.broadcast %broadcast_in_dim3A_155 : f32 to vector<16xf32>
    %swap3A_157 = arith.constant 416 : index
    %swap3A_158 = tpu.vector_load %arg8[%swap3A_157] {strides = array<i32>} : memref<512xf32, #tpu.memory_space<vmem>>, vector<16xf32>,
    %swap3A_159 = vector.shape_cast %swap3A_158 : vector<16xf32> to vector<16xf32>
    %swap3A_160 = vector.shape_cast %broadcast_in_dim3A_156 : vector<16xf32> to vector<16xf32>
    tpu.vector_store %arg8[%swap3A_157], %swap3A_160 {strides = array<i32>} : memref<512xf32, #tpu.memory_space<vmem>>, vector<16xf32>,
    %broadcast_in_dim3A_161 = arith.constant 0.000000e+00 : f32
    %broadcast_in_dim3A_162 = vector.broadcast %broadcast_in_dim3A_161 : f32 to vector<16xf32>
    %swap3A_163 = arith.constant 432 : index
    %swap3A_164 = tpu.vector_load %arg8[%swap3A_163] {strides = array<i32>} : memref<512xf32, #tpu.memory_space<vmem>>, vector<16xf32>,
    %swap3A_165 = vector.shape_cast %swap3A_164 : vector<16xf32> to vector<16xf32>
    %swap3A_166 = vector.shape_cast %broadcast_in_dim3A_162 : vector<16xf32> to vector<16xf32>
    tpu.vector_store %arg8[%swap3A_163], %swap3A_166 {strides = array<i32>} : memref<512xf32, #tpu.memory_space<vmem>>, vector<16xf32>,
    %broadcast_in_dim3A_167 = arith.constant 0.000000e+00 : f32
    %broadcast_in_dim3A_168 = vector.broadcast %broadcast_in_dim3A_167 : f32 to vector<16xf32>
    %swap3A_169 = arith.constant 448 : index
    %swap3A_170 = tpu.vector_load %arg8[%swap3A_169] {strides = array<i32>} : memref<512xf32, #tpu.memory_space<vmem>>, vector<16xf32>,
    %swap3A_171 = vector.shape_cast %swap3A_170 : vector<16xf32> to vector<16xf32>
    %swap3A_172 = vector.shape_cast %broadcast_in_dim3A_168 : vector<16xf32> to vector<16xf32>
    tpu.vector_store %arg8[%swap3A_169], %swap3A_172 {strides = array<i32>} : memref<512xf32, #tpu.memory_space<vmem>>, vector<16xf32>,
    %broadcast_in_dim3A_173 = arith.constant 0.000000e+00 : f32
    %broadcast_in_dim3A_174 = vector.broadcast %broadcast_in_dim3A_173 : f32 to vector<16xf32>
    %swap3A_175 = arith.constant 464 : index
    %swap3A_176 = tpu.vector_load %arg8[%swap3A_175] {strides = array<i32>} : memref<512xf32, #tpu.memory_space<vmem>>, vector<16xf32>,
    %swap3A_177 = vector.shape_cast %swap3A_176 : vector<16xf32> to vector<16xf32>
    %swap3A_178 = vector.shape_cast %broadcast_in_dim3A_174 : vector<16xf32> to vector<16xf32>
    tpu.vector_store %arg8[%swap3A_175], %swap3A_178 {strides = array<i32>} : memref<512xf32, #tpu.memory_space<vmem>>, vector<16xf32>,
    %broadcast_in_dim3A_179 = arith.constant 0.000000e+00 : f32
    %broadcast_in_dim3A_180 = vector.broadcast %broadcast_in_dim3A_179 : f32 to vector<16xf32>
    %swap3A_181 = arith.constant 480 : index
    %swap3A_182 = tpu.vector_load %arg8[%swap3A_181] {strides = array<i32>} : memref<512xf32, #tpu.memory_space<vmem>>, vector<16xf32>,
    %swap3A_183 = vector.shape_cast %swap3A_182 : vector<16xf32> to vector<16xf32>
    %swap3A_184 = vector.shape_cast %broadcast_in_dim3A_180 : vector<16xf32> to vector<16xf32>
    tpu.vector_store %arg8[%swap3A_181], %swap3A_184 {strides = array<i32>} : memref<512xf32, #tpu.memory_space<vmem>>, vector<16xf32>,
    %broadcast_in_dim3A_185 = arith.constant 0.000000e+00 : f32
    %broadcast_in_dim3A_186 = vector.broadcast %broadcast_in_dim3A_185 : f32 to vector<16xf32>
    %swap3A_187 = arith.constant 496 : index
    %swap3A_188 = tpu.vector_load %arg8[%swap3A_187] {strides = array<i32>} : memref<512xf32, #tpu.memory_space<vmem>>, vector<16xf32>,
    %swap3A_189 = vector.shape_cast %swap3A_188 : vector<16xf32> to vector<16xf32>
    %swap3A_190 = vector.shape_cast %broadcast_in_dim3A_186 : vector<16xf32> to vector<16xf32>
    tpu.vector_store %arg8[%swap3A_187], %swap3A_190 {strides = array<i32>} : memref<512xf32, #tpu.memory_space<vmem>>, vector<16xf32>,
    %dma_start3A = arith.constant 0 : i32
    %dma_start3A_191 = arith.constant 0 : i32
    %dma_start3A_192 = tpu.memref_slice %arg5[%dma_start3A, %dma_start3A_191] : memref<32x64xi32, #tpu.memory_space<vmem>> -> memref<1x64xi32, #tpu.memory_space<vmem>>
    %dma_start3A_193 = tpu.memref_squeeze %dma_start3A_192 : memref<1x64xi32, #tpu.memory_space<vmem>> -> memref<64xi32, #tpu.memory_space<vmem>>
    %dma_start3A_194 = arith.constant 0 : i32
    %dma_start3A_195 = arith.constant 0 : i32
    %dma_start3A_196 = tpu.memref_slice %arg3[%dma_start3A_194, %dma_start3A_195] : memref<131072x512xf32, #tpu.memory_space<hbm>> -> memref<131072x512xf32, #tpu.memory_space<hbm>>
    tpu.enqueue_indirect_dma source(%dma_start3A_196 : memref<131072x512xf32, #tpu.memory_space<hbm>>) target(%arg6 : memref<64x512xf32, #tpu.memory_space<vmem>>) offsets(%dma_start3A_193 : memref<64xi32, #tpu.memory_space<vmem>>) semaphore(%arg9 : memref<!tpu.dma_semaphore, #tpu.memory_space<semaphore_mem>>)
    %dma_start3A_197 = arith.constant 1 : i32
    %dma_start3A_198 = arith.constant 0 : i32
    %dma_start3A_199 = tpu.memref_slice %arg5[%dma_start3A_197, %dma_start3A_198] : memref<32x64xi32, #tpu.memory_space<vmem>> -> memref<1x64xi32, #tpu.memory_space<vmem>>
    %dma_start3A_200 = tpu.memref_squeeze %dma_start3A_199 : memref<1x64xi32, #tpu.memory_space<vmem>> -> memref<64xi32, #tpu.memory_space<vmem>>
    %dma_start3A_201 = arith.constant 0 : i32
    %dma_start3A_202 = arith.constant 0 : i32
    %dma_start3A_203 = tpu.memref_slice %arg3[%dma_start3A_201, %dma_start3A_202] : memref<131072x512xf32, #tpu.memory_space<hbm>> -> memref<131072x512xf32, #tpu.memory_space<hbm>>
    tpu.enqueue_indirect_dma source(%dma_start3A_203 : memref<131072x512xf32, #tpu.memory_space<hbm>>) target(%arg7 : memref<64x512xf32, #tpu.memory_space<vmem>>) offsets(%dma_start3A_200 : memref<64xi32, #tpu.memory_space<vmem>>) semaphore(%arg10 : memref<!tpu.dma_semaphore, #tpu.memory_space<semaphore_mem>>)
    %scan3A = arith.constant 0 : i32
    %scan3A_204 = arith.constant 0 : i32
    %scan3A_205 = arith.constant 16 : i32
    %scan3A_206 = arith.addi %scan3A_204, %scan3A_205 : i32
    %scan3A_207 = arith.constant 1 : i32
    scf.for %scan3A_209 = %scan3A_204 to %scan3A_206 step %scan3A_207  : i32 {
      %mul3A_210 = arith.constant 2 : i32
      %mul3A_211 = arith.muli %mul3A_210, %scan3A_209 : i32
      %dma_wait3A = arith.constant 0 : i32
      %dma_wait3A_212 = tpu.memref_slice %arg5[%mul3A_211, %dma_wait3A] : memref<32x64xi32, #tpu.memory_space<vmem>> -> memref<1x64xi32, #tpu.memory_space<vmem>>
      %dma_wait3A_213 = tpu.memref_squeeze %dma_wait3A_212 : memref<1x64xi32, #tpu.memory_space<vmem>> -> memref<64xi32, #tpu.memory_space<vmem>>
      %dma_wait3A_214 = arith.constant 0 : i32
      %dma_wait3A_215 = arith.constant 0 : i32
      %dma_wait3A_216 = tpu.memref_slice %arg3[%dma_wait3A_214, %dma_wait3A_215] : memref<131072x512xf32, #tpu.memory_space<hbm>> -> memref<131072x512xf32, #tpu.memory_space<hbm>>
      tpu.wait_indirect_dma semaphore(%arg9 : memref<!tpu.dma_semaphore, #tpu.memory_space<semaphore_mem>>) src(%dma_wait3A_216 : memref<131072x512xf32, #tpu.memory_space<hbm>>) dst(%arg6 : memref<64x512xf32, #tpu.memory_space<vmem>>)
      %parallel_loop3A = arith.constant 0 : i32
      %parallel_loop3A_217 = arith.constant 32 : i32
      %parallel_loop3A_218 = arith.constant 1 : i32
      scf.for %parallel_loop3A_241 = %parallel_loop3A to %parallel_loop3A_217 step %parallel_loop3A_218  : i32 {
        %parallel_loop3A_242 = arith.constant 16 : i32
        %parallel_loop3A_243 = arith.muli %parallel_loop3A_241, %parallel_loop3A_242 : i32
        %parallel_loop3A_244 = tpu.assume_multiple %parallel_loop3A_243, 16 : i32
        %parallel_loop3A_245 = arith.constant 0 : i32
        %parallel_loop3A_246 = arith.index_cast %parallel_loop3A_245 : i32 to index
        %parallel_loop3A_247 = arith.index_cast %parallel_loop3A_244 : i32 to index
        %parallel_loop3A_248 = tpu.vector_load %arg6[%parallel_loop3A_246, %parallel_loop3A_247] {strides = array<i32>} : memref<64x512xf32, #tpu.memory_space<vmem>>, vector<1x16xf32>,
        %parallel_loop3A_249 = vector.shape_cast %parallel_loop3A_248 : vector<1x16xf32> to vector<16xf32>
        %parallel_loop3A_250 = arith.constant 1 : i32
        %parallel_loop3A_251 = arith.index_cast %parallel_loop3A_250 : i32 to index
        %parallel_loop3A_252 = arith.index_cast %parallel_loop3A_244 : i32 to index
        %parallel_loop3A_253 = tpu.vector_load %arg6[%parallel_loop3A_251, %parallel_loop3A_252] {strides = array<i32>} : memref<64x512xf32, #tpu.memory_space<vmem>>, vector<1x16xf32>,
        %parallel_loop3A_254 = vector.shape_cast %parallel_loop3A_253 : vector<1x16xf32> to vector<16xf32>
        %parallel_loop3A_255 = arith.constant 2 : i32
        %parallel_loop3A_256 = arith.index_cast %parallel_loop3A_255 : i32 to index
        %parallel_loop3A_257 = arith.index_cast %parallel_loop3A_244 : i32 to index
        %parallel_loop3A_258 = tpu.vector_load %arg6[%parallel_loop3A_256, %parallel_loop3A_257] {strides = array<i32>} : memref<64x512xf32, #tpu.memory_space<vmem>>, vector<1x16xf32>,
        %parallel_loop3A_259 = vector.shape_cast %parallel_loop3A_258 : vector<1x16xf32> to vector<16xf32>
        %parallel_loop3A_260 = arith.constant 3 : i32
        %parallel_loop3A_261 = arith.index_cast %parallel_loop3A_260 : i32 to index
        %parallel_loop3A_262 = arith.index_cast %parallel_loop3A_244 : i32 to index
        %parallel_loop3A_263 = tpu.vector_load %arg6[%parallel_loop3A_261, %parallel_loop3A_262] {strides = array<i32>} : memref<64x512xf32, #tpu.memory_space<vmem>>, vector<1x16xf32>,
        %parallel_loop3A_264 = vector.shape_cast %parallel_loop3A_263 : vector<1x16xf32> to vector<16xf32>
        %parallel_loop3A_265 = arith.constant 4 : i32
        %parallel_loop3A_266 = arith.index_cast %parallel_loop3A_265 : i32 to index
        %parallel_loop3A_267 = arith.index_cast %parallel_loop3A_244 : i32 to index
        %parallel_loop3A_268 = tpu.vector_load %arg6[%parallel_loop3A_266, %parallel_loop3A_267] {strides = array<i32>} : memref<64x512xf32, #tpu.memory_space<vmem>>, vector<1x16xf32>,
        %parallel_loop3A_269 = vector.shape_cast %parallel_loop3A_268 : vector<1x16xf32> to vector<16xf32>
        %parallel_loop3A_270 = arith.addf %parallel_loop3A_249, %parallel_loop3A_269 : vector<16xf32>
        %parallel_loop3A_271 = arith.constant 5 : i32
        %parallel_loop3A_272 = arith.index_cast %parallel_loop3A_271 : i32 to index
        %parallel_loop3A_273 = arith.index_cast %parallel_loop3A_244 : i32 to index
        %parallel_loop3A_274 = tpu.vector_load %arg6[%parallel_loop3A_272, %parallel_loop3A_273] {strides = array<i32>} : memref<64x512xf32, #tpu.memory_space<vmem>>, vector<1x16xf32>,
        %parallel_loop3A_275 = vector.shape_cast %parallel_loop3A_274 : vector<1x16xf32> to vector<16xf32>
        %parallel_loop3A_276 = arith.addf %parallel_loop3A_254, %parallel_loop3A_275 : vector<16xf32>
        %parallel_loop3A_277 = arith.constant 6 : i32
        %parallel_loop3A_278 = arith.index_cast %parallel_loop3A_277 : i32 to index
        %parallel_loop3A_279 = arith.index_cast %parallel_loop3A_244 : i32 to index
        %parallel_loop3A_280 = tpu.vector_load %arg6[%parallel_loop3A_278, %parallel_loop3A_279] {strides = array<i32>} : memref<64x512xf32, #tpu.memory_space<vmem>>, vector<1x16xf32>,
        %parallel_loop3A_281 = vector.shape_cast %parallel_loop3A_280 : vector<1x16xf32> to vector<16xf32>
        %parallel_loop3A_282 = arith.addf %parallel_loop3A_259, %parallel_loop3A_281 : vector<16xf32>
        %parallel_loop3A_283 = arith.constant 7 : i32
        %parallel_loop3A_284 = arith.index_cast %parallel_loop3A_283 : i32 to index
        %parallel_loop3A_285 = arith.index_cast %parallel_loop3A_244 : i32 to index
        %parallel_loop3A_286 = tpu.vector_load %arg6[%parallel_loop3A_284, %parallel_loop3A_285] {strides = array<i32>} : memref<64x512xf32, #tpu.memory_space<vmem>>, vector<1x16xf32>,
        %parallel_loop3A_287 = vector.shape_cast %parallel_loop3A_286 : vector<1x16xf32> to vector<16xf32>
        %parallel_loop3A_288 = arith.addf %parallel_loop3A_264, %parallel_loop3A_287 : vector<16xf32>
        %parallel_loop3A_289 = arith.constant 8 : i32
        %parallel_loop3A_290 = arith.index_cast %parallel_loop3A_289 : i32 to index
        %parallel_loop3A_291 = arith.index_cast %parallel_loop3A_244 : i32 to index
        %parallel_loop3A_292 = tpu.vector_load %arg6[%parallel_loop3A_290, %parallel_loop3A_291] {strides = array<i32>} : memref<64x512xf32, #tpu.memory_space<vmem>>, vector<1x16xf32>,
        %parallel_loop3A_293 = vector.shape_cast %parallel_loop3A_292 : vector<1x16xf32> to vector<16xf32>
        %parallel_loop3A_294 = arith.addf %parallel_loop3A_270, %parallel_loop3A_293 : vector<16xf32>
        %parallel_loop3A_295 = arith.constant 9 : i32
        %parallel_loop3A_296 = arith.index_cast %parallel_loop3A_295 : i32 to index
        %parallel_loop3A_297 = arith.index_cast %parallel_loop3A_244 : i32 to index
        %parallel_loop3A_298 = tpu.vector_load %arg6[%parallel_loop3A_296, %parallel_loop3A_297] {strides = array<i32>} : memref<64x512xf32, #tpu.memory_space<vmem>>, vector<1x16xf32>,
        %parallel_loop3A_299 = vector.shape_cast %parallel_loop3A_298 : vector<1x16xf32> to vector<16xf32>
        %parallel_loop3A_300 = arith.addf %parallel_loop3A_276, %parallel_loop3A_299 : vector<16xf32>
        %parallel_loop3A_301 = arith.constant 10 : i32
        %parallel_loop3A_302 = arith.index_cast %parallel_loop3A_301 : i32 to index
        %parallel_loop3A_303 = arith.index_cast %parallel_loop3A_244 : i32 to index
        %parallel_loop3A_304 = tpu.vector_load %arg6[%parallel_loop3A_302, %parallel_loop3A_303] {strides = array<i32>} : memref<64x512xf32, #tpu.memory_space<vmem>>, vector<1x16xf32>,
        %parallel_loop3A_305 = vector.shape_cast %parallel_loop3A_304 : vector<1x16xf32> to vector<16xf32>
        %parallel_loop3A_306 = arith.addf %parallel_loop3A_282, %parallel_loop3A_305 : vector<16xf32>
        %parallel_loop3A_307 = arith.constant 11 : i32
        %parallel_loop3A_308 = arith.index_cast %parallel_loop3A_307 : i32 to index
        %parallel_loop3A_309 = arith.index_cast %parallel_loop3A_244 : i32 to index
        %parallel_loop3A_310 = tpu.vector_load %arg6[%parallel_loop3A_308, %parallel_loop3A_309] {strides = array<i32>} : memref<64x512xf32, #tpu.memory_space<vmem>>, vector<1x16xf32>,
        %parallel_loop3A_311 = vector.shape_cast %parallel_loop3A_310 : vector<1x16xf32> to vector<16xf32>
        %parallel_loop3A_312 = arith.addf %parallel_loop3A_288, %parallel_loop3A_311 : vector<16xf32>
        %parallel_loop3A_313 = arith.constant 12 : i32
        %parallel_loop3A_314 = arith.index_cast %parallel_loop3A_313 : i32 to index
        %parallel_loop3A_315 = arith.index_cast %parallel_loop3A_244 : i32 to index
        %parallel_loop3A_316 = tpu.vector_load %arg6[%parallel_loop3A_314, %parallel_loop3A_315] {strides = array<i32>} : memref<64x512xf32, #tpu.memory_space<vmem>>, vector<1x16xf32>,
        %parallel_loop3A_317 = vector.shape_cast %parallel_loop3A_316 : vector<1x16xf32> to vector<16xf32>
        %parallel_loop3A_318 = arith.addf %parallel_loop3A_294, %parallel_loop3A_317 : vector<16xf32>
        %parallel_loop3A_319 = arith.constant 13 : i32
        %parallel_loop3A_320 = arith.index_cast %parallel_loop3A_319 : i32 to index
        %parallel_loop3A_321 = arith.index_cast %parallel_loop3A_244 : i32 to index
        %parallel_loop3A_322 = tpu.vector_load %arg6[%parallel_loop3A_320, %parallel_loop3A_321] {strides = array<i32>} : memref<64x512xf32, #tpu.memory_space<vmem>>, vector<1x16xf32>,
        %parallel_loop3A_323 = vector.shape_cast %parallel_loop3A_322 : vector<1x16xf32> to vector<16xf32>
        %parallel_loop3A_324 = arith.addf %parallel_loop3A_300, %parallel_loop3A_323 : vector<16xf32>
        %parallel_loop3A_325 = arith.constant 14 : i32
        %parallel_loop3A_326 = arith.index_cast %parallel_loop3A_325 : i32 to index
        %parallel_loop3A_327 = arith.index_cast %parallel_loop3A_244 : i32 to index
        %parallel_loop3A_328 = tpu.vector_load %arg6[%parallel_loop3A_326, %parallel_loop3A_327] {strides = array<i32>} : memref<64x512xf32, #tpu.memory_space<vmem>>, vector<1x16xf32>,
        %parallel_loop3A_329 = vector.shape_cast %parallel_loop3A_328 : vector<1x16xf32> to vector<16xf32>
        %parallel_loop3A_330 = arith.addf %parallel_loop3A_306, %parallel_loop3A_329 : vector<16xf32>
        %parallel_loop3A_331 = arith.constant 15 : i32
        %parallel_loop3A_332 = arith.index_cast %parallel_loop3A_331 : i32 to index
        %parallel_loop3A_333 = arith.index_cast %parallel_loop3A_244 : i32 to index
        %parallel_loop3A_334 = tpu.vector_load %arg6[%parallel_loop3A_332, %parallel_loop3A_333] {strides = array<i32>} : memref<64x512xf32, #tpu.memory_space<vmem>>, vector<1x16xf32>,
        %parallel_loop3A_335 = vector.shape_cast %parallel_loop3A_334 : vector<1x16xf32> to vector<16xf32>
        %parallel_loop3A_336 = arith.addf %parallel_loop3A_312, %parallel_loop3A_335 : vector<16xf32>
        %parallel_loop3A_337 = arith.constant 16 : i32
        %parallel_loop3A_338 = arith.index_cast %parallel_loop3A_337 : i32 to index
        %parallel_loop3A_339 = arith.index_cast %parallel_loop3A_244 : i32 to index
        %parallel_loop3A_340 = tpu.vector_load %arg6[%parallel_loop3A_338, %parallel_loop3A_339] {strides = array<i32>} : memref<64x512xf32, #tpu.memory_space<vmem>>, vector<1x16xf32>,
        %parallel_loop3A_341 = vector.shape_cast %parallel_loop3A_340 : vector<1x16xf32> to vector<16xf32>
        %parallel_loop3A_342 = arith.addf %parallel_loop3A_318, %parallel_loop3A_341 : vector<16xf32>
        %parallel_loop3A_343 = arith.constant 17 : i32
        %parallel_loop3A_344 = arith.index_cast %parallel_loop3A_343 : i32 to index
        %parallel_loop3A_345 = arith.index_cast %parallel_loop3A_244 : i32 to index
        %parallel_loop3A_346 = tpu.vector_load %arg6[%parallel_loop3A_344, %parallel_loop3A_345] {strides = array<i32>} : memref<64x512xf32, #tpu.memory_space<vmem>>, vector<1x16xf32>,
        %parallel_loop3A_347 = vector.shape_cast %parallel_loop3A_346 : vector<1x16xf32> to vector<16xf32>
        %parallel_loop3A_348 = arith.addf %parallel_loop3A_324, %parallel_loop3A_347 : vector<16xf32>
        %parallel_loop3A_349 = arith.constant 18 : i32
        %parallel_loop3A_350 = arith.index_cast %parallel_loop3A_349 : i32 to index
        %parallel_loop3A_351 = arith.index_cast %parallel_loop3A_244 : i32 to index
        %parallel_loop3A_352 = tpu.vector_load %arg6[%parallel_loop3A_350, %parallel_loop3A_351] {strides = array<i32>} : memref<64x512xf32, #tpu.memory_space<vmem>>, vector<1x16xf32>,
        %parallel_loop3A_353 = vector.shape_cast %parallel_loop3A_352 : vector<1x16xf32> to vector<16xf32>
        %parallel_loop3A_354 = arith.addf %parallel_loop3A_330, %parallel_loop3A_353 : vector<16xf32>
        %parallel_loop3A_355 = arith.constant 19 : i32
        %parallel_loop3A_356 = arith.index_cast %parallel_loop3A_355 : i32 to index
        %parallel_loop3A_357 = arith.index_cast %parallel_loop3A_244 : i32 to index
        %parallel_loop3A_358 = tpu.vector_load %arg6[%parallel_loop3A_356, %parallel_loop3A_357] {strides = array<i32>} : memref<64x512xf32, #tpu.memory_space<vmem>>, vector<1x16xf32>,
        %parallel_loop3A_359 = vector.shape_cast %parallel_loop3A_358 : vector<1x16xf32> to vector<16xf32>
        %parallel_loop3A_360 = arith.addf %parallel_loop3A_336, %parallel_loop3A_359 : vector<16xf32>
        %parallel_loop3A_361 = arith.constant 20 : i32
        %parallel_loop3A_362 = arith.index_cast %parallel_loop3A_361 : i32 to index
        %parallel_loop3A_363 = arith.index_cast %parallel_loop3A_244 : i32 to index
        %parallel_loop3A_364 = tpu.vector_load %arg6[%parallel_loop3A_362, %parallel_loop3A_363] {strides = array<i32>} : memref<64x512xf32, #tpu.memory_space<vmem>>, vector<1x16xf32>,
        %parallel_loop3A_365 = vector.shape_cast %parallel_loop3A_364 : vector<1x16xf32> to vector<16xf32>
        %parallel_loop3A_366 = arith.addf %parallel_loop3A_342, %parallel_loop3A_365 : vector<16xf32>
        %parallel_loop3A_367 = arith.constant 21 : i32
        %parallel_loop3A_368 = arith.index_cast %parallel_loop3A_367 : i32 to index
        %parallel_loop3A_369 = arith.index_cast %parallel_loop3A_244 : i32 to index
        %parallel_loop3A_370 = tpu.vector_load %arg6[%parallel_loop3A_368, %parallel_loop3A_369] {strides = array<i32>} : memref<64x512xf32, #tpu.memory_space<vmem>>, vector<1x16xf32>,
        %parallel_loop3A_371 = vector.shape_cast %parallel_loop3A_370 : vector<1x16xf32> to vector<16xf32>
        %parallel_loop3A_372 = arith.addf %parallel_loop3A_348, %parallel_loop3A_371 : vector<16xf32>
        %parallel_loop3A_373 = arith.constant 22 : i32
        %parallel_loop3A_374 = arith.index_cast %parallel_loop3A_373 : i32 to index
        %parallel_loop3A_375 = arith.index_cast %parallel_loop3A_244 : i32 to index
        %parallel_loop3A_376 = tpu.vector_load %arg6[%parallel_loop3A_374, %parallel_loop3A_375] {strides = array<i32>} : memref<64x512xf32, #tpu.memory_space<vmem>>, vector<1x16xf32>,
        %parallel_loop3A_377 = vector.shape_cast %parallel_loop3A_376 : vector<1x16xf32> to vector<16xf32>
        %parallel_loop3A_378 = arith.addf %parallel_loop3A_354, %parallel_loop3A_377 : vector<16xf32>
        %parallel_loop3A_379 = arith.constant 23 : i32
        %parallel_loop3A_380 = arith.index_cast %parallel_loop3A_379 : i32 to index
        %parallel_loop3A_381 = arith.index_cast %parallel_loop3A_244 : i32 to index
        %parallel_loop3A_382 = tpu.vector_load %arg6[%parallel_loop3A_380, %parallel_loop3A_381] {strides = array<i32>} : memref<64x512xf32, #tpu.memory_space<vmem>>, vector<1x16xf32>,
        %parallel_loop3A_383 = vector.shape_cast %parallel_loop3A_382 : vector<1x16xf32> to vector<16xf32>
        %parallel_loop3A_384 = arith.addf %parallel_loop3A_360, %parallel_loop3A_383 : vector<16xf32>
        %parallel_loop3A_385 = arith.constant 24 : i32
        %parallel_loop3A_386 = arith.index_cast %parallel_loop3A_385 : i32 to index
        %parallel_loop3A_387 = arith.index_cast %parallel_loop3A_244 : i32 to index
        %parallel_loop3A_388 = tpu.vector_load %arg6[%parallel_loop3A_386, %parallel_loop3A_387] {strides = array<i32>} : memref<64x512xf32, #tpu.memory_space<vmem>>, vector<1x16xf32>,
        %parallel_loop3A_389 = vector.shape_cast %parallel_loop3A_388 : vector<1x16xf32> to vector<16xf32>
        %parallel_loop3A_390 = arith.addf %parallel_loop3A_366, %parallel_loop3A_389 : vector<16xf32>
        %parallel_loop3A_391 = arith.constant 25 : i32
        %parallel_loop3A_392 = arith.index_cast %parallel_loop3A_391 : i32 to index
        %parallel_loop3A_393 = arith.index_cast %parallel_loop3A_244 : i32 to index
        %parallel_loop3A_394 = tpu.vector_load %arg6[%parallel_loop3A_392, %parallel_loop3A_393] {strides = array<i32>} : memref<64x512xf32, #tpu.memory_space<vmem>>, vector<1x16xf32>,
        %parallel_loop3A_395 = vector.shape_cast %parallel_loop3A_394 : vector<1x16xf32> to vector<16xf32>
        %parallel_loop3A_396 = arith.addf %parallel_loop3A_372, %parallel_loop3A_395 : vector<16xf32>
        %parallel_loop3A_397 = arith.constant 26 : i32
        %parallel_loop3A_398 = arith.index_cast %parallel_loop3A_397 : i32 to index
        %parallel_loop3A_399 = arith.index_cast %parallel_loop3A_244 : i32 to index
        %parallel_loop3A_400 = tpu.vector_load %arg6[%parallel_loop3A_398, %parallel_loop3A_399] {strides = array<i32>} : memref<64x512xf32, #tpu.memory_space<vmem>>, vector<1x16xf32>,
        %parallel_loop3A_401 = vector.shape_cast %parallel_loop3A_400 : vector<1x16xf32> to vector<16xf32>
        %parallel_loop3A_402 = arith.addf %parallel_loop3A_378, %parallel_loop3A_401 : vector<16xf32>
        %parallel_loop3A_403 = arith.constant 27 : i32
        %parallel_loop3A_404 = arith.index_cast %parallel_loop3A_403 : i32 to index
        %parallel_loop3A_405 = arith.index_cast %parallel_loop3A_244 : i32 to index
        %parallel_loop3A_406 = tpu.vector_load %arg6[%parallel_loop3A_404, %parallel_loop3A_405] {strides = array<i32>} : memref<64x512xf32, #tpu.memory_space<vmem>>, vector<1x16xf32>,
        %parallel_loop3A_407 = vector.shape_cast %parallel_loop3A_406 : vector<1x16xf32> to vector<16xf32>
        %parallel_loop3A_408 = arith.addf %parallel_loop3A_384, %parallel_loop3A_407 : vector<16xf32>
        %parallel_loop3A_409 = arith.constant 28 : i32
        %parallel_loop3A_410 = arith.index_cast %parallel_loop3A_409 : i32 to index
        %parallel_loop3A_411 = arith.index_cast %parallel_loop3A_244 : i32 to index
        %parallel_loop3A_412 = tpu.vector_load %arg6[%parallel_loop3A_410, %parallel_loop3A_411] {strides = array<i32>} : memref<64x512xf32, #tpu.memory_space<vmem>>, vector<1x16xf32>,
        %parallel_loop3A_413 = vector.shape_cast %parallel_loop3A_412 : vector<1x16xf32> to vector<16xf32>
        %parallel_loop3A_414 = arith.addf %parallel_loop3A_390, %parallel_loop3A_413 : vector<16xf32>
        %parallel_loop3A_415 = arith.constant 29 : i32
        %parallel_loop3A_416 = arith.index_cast %parallel_loop3A_415 : i32 to index
        %parallel_loop3A_417 = arith.index_cast %parallel_loop3A_244 : i32 to index
        %parallel_loop3A_418 = tpu.vector_load %arg6[%parallel_loop3A_416, %parallel_loop3A_417] {strides = array<i32>} : memref<64x512xf32, #tpu.memory_space<vmem>>, vector<1x16xf32>,
        %parallel_loop3A_419 = vector.shape_cast %parallel_loop3A_418 : vector<1x16xf32> to vector<16xf32>
        %parallel_loop3A_420 = arith.addf %parallel_loop3A_396, %parallel_loop3A_419 : vector<16xf32>
        %parallel_loop3A_421 = arith.constant 30 : i32
        %parallel_loop3A_422 = arith.index_cast %parallel_loop3A_421 : i32 to index
        %parallel_loop3A_423 = arith.index_cast %parallel_loop3A_244 : i32 to index
        %parallel_loop3A_424 = tpu.vector_load %arg6[%parallel_loop3A_422, %parallel_loop3A_423] {strides = array<i32>} : memref<64x512xf32, #tpu.memory_space<vmem>>, vector<1x16xf32>,
        %parallel_loop3A_425 = vector.shape_cast %parallel_loop3A_424 : vector<1x16xf32> to vector<16xf32>
        %parallel_loop3A_426 = arith.addf %parallel_loop3A_402, %parallel_loop3A_425 : vector<16xf32>
        %parallel_loop3A_427 = arith.constant 31 : i32
        %parallel_loop3A_428 = arith.index_cast %parallel_loop3A_427 : i32 to index
        %parallel_loop3A_429 = arith.index_cast %parallel_loop3A_244 : i32 to index
        %parallel_loop3A_430 = tpu.vector_load %arg6[%parallel_loop3A_428, %parallel_loop3A_429] {strides = array<i32>} : memref<64x512xf32, #tpu.memory_space<vmem>>, vector<1x16xf32>,
        %parallel_loop3A_431 = vector.shape_cast %parallel_loop3A_430 : vector<1x16xf32> to vector<16xf32>
        %parallel_loop3A_432 = arith.addf %parallel_loop3A_408, %parallel_loop3A_431 : vector<16xf32>
        %parallel_loop3A_433 = arith.constant 32 : i32
        %parallel_loop3A_434 = arith.index_cast %parallel_loop3A_433 : i32 to index
        %parallel_loop3A_435 = arith.index_cast %parallel_loop3A_244 : i32 to index
        %parallel_loop3A_436 = tpu.vector_load %arg6[%parallel_loop3A_434, %parallel_loop3A_435] {strides = array<i32>} : memref<64x512xf32, #tpu.memory_space<vmem>>, vector<1x16xf32>,
        %parallel_loop3A_437 = vector.shape_cast %parallel_loop3A_436 : vector<1x16xf32> to vector<16xf32>
        %parallel_loop3A_438 = arith.addf %parallel_loop3A_414, %parallel_loop3A_437 : vector<16xf32>
        %parallel_loop3A_439 = arith.constant 33 : i32
        %parallel_loop3A_440 = arith.index_cast %parallel_loop3A_439 : i32 to index
        %parallel_loop3A_441 = arith.index_cast %parallel_loop3A_244 : i32 to index
        %parallel_loop3A_442 = tpu.vector_load %arg6[%parallel_loop3A_440, %parallel_loop3A_441] {strides = array<i32>} : memref<64x512xf32, #tpu.memory_space<vmem>>, vector<1x16xf32>,
        %parallel_loop3A_443 = vector.shape_cast %parallel_loop3A_442 : vector<1x16xf32> to vector<16xf32>
        %parallel_loop3A_444 = arith.addf %parallel_loop3A_420, %parallel_loop3A_443 : vector<16xf32>
        %parallel_loop3A_445 = arith.constant 34 : i32
        %parallel_loop3A_446 = arith.index_cast %parallel_loop3A_445 : i32 to index
        %parallel_loop3A_447 = arith.index_cast %parallel_loop3A_244 : i32 to index
        %parallel_loop3A_448 = tpu.vector_load %arg6[%parallel_loop3A_446, %parallel_loop3A_447] {strides = array<i32>} : memref<64x512xf32, #tpu.memory_space<vmem>>, vector<1x16xf32>,
        %parallel_loop3A_449 = vector.shape_cast %parallel_loop3A_448 : vector<1x16xf32> to vector<16xf32>
        %parallel_loop3A_450 = arith.addf %parallel_loop3A_426, %parallel_loop3A_449 : vector<16xf32>
        %parallel_loop3A_451 = arith.constant 35 : i32
        %parallel_loop3A_452 = arith.index_cast %parallel_loop3A_451 : i32 to index
        %parallel_loop3A_453 = arith.index_cast %parallel_loop3A_244 : i32 to index
        %parallel_loop3A_454 = tpu.vector_load %arg6[%parallel_loop3A_452, %parallel_loop3A_453] {strides = array<i32>} : memref<64x512xf32, #tpu.memory_space<vmem>>, vector<1x16xf32>,
        %parallel_loop3A_455 = vector.shape_cast %parallel_loop3A_454 : vector<1x16xf32> to vector<16xf32>
        %parallel_loop3A_456 = arith.addf %parallel_loop3A_432, %parallel_loop3A_455 : vector<16xf32>
        %parallel_loop3A_457 = arith.constant 36 : i32
        %parallel_loop3A_458 = arith.index_cast %parallel_loop3A_457 : i32 to index
        %parallel_loop3A_459 = arith.index_cast %parallel_loop3A_244 : i32 to index
        %parallel_loop3A_460 = tpu.vector_load %arg6[%parallel_loop3A_458, %parallel_loop3A_459] {strides = array<i32>} : memref<64x512xf32, #tpu.memory_space<vmem>>, vector<1x16xf32>,
        %parallel_loop3A_461 = vector.shape_cast %parallel_loop3A_460 : vector<1x16xf32> to vector<16xf32>
        %parallel_loop3A_462 = arith.addf %parallel_loop3A_438, %parallel_loop3A_461 : vector<16xf32>
        %parallel_loop3A_463 = arith.constant 37 : i32
        %parallel_loop3A_464 = arith.index_cast %parallel_loop3A_463 : i32 to index
        %parallel_loop3A_465 = arith.index_cast %parallel_loop3A_244 : i32 to index
        %parallel_loop3A_466 = tpu.vector_load %arg6[%parallel_loop3A_464, %parallel_loop3A_465] {strides = array<i32>} : memref<64x512xf32, #tpu.memory_space<vmem>>, vector<1x16xf32>,
        %parallel_loop3A_467 = vector.shape_cast %parallel_loop3A_466 : vector<1x16xf32> to vector<16xf32>
        %parallel_loop3A_468 = arith.addf %parallel_loop3A_444, %parallel_loop3A_467 : vector<16xf32>
        %parallel_loop3A_469 = arith.constant 38 : i32
        %parallel_loop3A_470 = arith.index_cast %parallel_loop3A_469 : i32 to index
        %parallel_loop3A_471 = arith.index_cast %parallel_loop3A_244 : i32 to index
        %parallel_loop3A_472 = tpu.vector_load %arg6[%parallel_loop3A_470, %parallel_loop3A_471] {strides = array<i32>} : memref<64x512xf32, #tpu.memory_space<vmem>>, vector<1x16xf32>,
        %parallel_loop3A_473 = vector.shape_cast %parallel_loop3A_472 : vector<1x16xf32> to vector<16xf32>
        %parallel_loop3A_474 = arith.addf %parallel_loop3A_450, %parallel_loop3A_473 : vector<16xf32>
        %parallel_loop3A_475 = arith.constant 39 : i32
        %parallel_loop3A_476 = arith.index_cast %parallel_loop3A_475 : i32 to index
        %parallel_loop3A_477 = arith.index_cast %parallel_loop3A_244 : i32 to index
        %parallel_loop3A_478 = tpu.vector_load %arg6[%parallel_loop3A_476, %parallel_loop3A_477] {strides = array<i32>} : memref<64x512xf32, #tpu.memory_space<vmem>>, vector<1x16xf32>,
        %parallel_loop3A_479 = vector.shape_cast %parallel_loop3A_478 : vector<1x16xf32> to vector<16xf32>
        %parallel_loop3A_480 = arith.addf %parallel_loop3A_456, %parallel_loop3A_479 : vector<16xf32>
        %parallel_loop3A_481 = arith.constant 40 : i32
        %parallel_loop3A_482 = arith.index_cast %parallel_loop3A_481 : i32 to index
        %parallel_loop3A_483 = arith.index_cast %parallel_loop3A_244 : i32 to index
        %parallel_loop3A_484 = tpu.vector_load %arg6[%parallel_loop3A_482, %parallel_loop3A_483] {strides = array<i32>} : memref<64x512xf32, #tpu.memory_space<vmem>>, vector<1x16xf32>,
        %parallel_loop3A_485 = vector.shape_cast %parallel_loop3A_484 : vector<1x16xf32> to vector<16xf32>
        %parallel_loop3A_486 = arith.addf %parallel_loop3A_462, %parallel_loop3A_485 : vector<16xf32>
        %parallel_loop3A_487 = arith.constant 41 : i32
        %parallel_loop3A_488 = arith.index_cast %parallel_loop3A_487 : i32 to index
        %parallel_loop3A_489 = arith.index_cast %parallel_loop3A_244 : i32 to index
        %parallel_loop3A_490 = tpu.vector_load %arg6[%parallel_loop3A_488, %parallel_loop3A_489] {strides = array<i32>} : memref<64x512xf32, #tpu.memory_space<vmem>>, vector<1x16xf32>,
        %parallel_loop3A_491 = vector.shape_cast %parallel_loop3A_490 : vector<1x16xf32> to vector<16xf32>
        %parallel_loop3A_492 = arith.addf %parallel_loop3A_468, %parallel_loop3A_491 : vector<16xf32>
        %parallel_loop3A_493 = arith.constant 42 : i32
        %parallel_loop3A_494 = arith.index_cast %parallel_loop3A_493 : i32 to index
        %parallel_loop3A_495 = arith.index_cast %parallel_loop3A_244 : i32 to index
        %parallel_loop3A_496 = tpu.vector_load %arg6[%parallel_loop3A_494, %parallel_loop3A_495] {strides = array<i32>} : memref<64x512xf32, #tpu.memory_space<vmem>>, vector<1x16xf32>,
        %parallel_loop3A_497 = vector.shape_cast %parallel_loop3A_496 : vector<1x16xf32> to vector<16xf32>
        %parallel_loop3A_498 = arith.addf %parallel_loop3A_474, %parallel_loop3A_497 : vector<16xf32>
        %parallel_loop3A_499 = arith.constant 43 : i32
        %parallel_loop3A_500 = arith.index_cast %parallel_loop3A_499 : i32 to index
        %parallel_loop3A_501 = arith.index_cast %parallel_loop3A_244 : i32 to index
        %parallel_loop3A_502 = tpu.vector_load %arg6[%parallel_loop3A_500, %parallel_loop3A_501] {strides = array<i32>} : memref<64x512xf32, #tpu.memory_space<vmem>>, vector<1x16xf32>,
        %parallel_loop3A_503 = vector.shape_cast %parallel_loop3A_502 : vector<1x16xf32> to vector<16xf32>
        %parallel_loop3A_504 = arith.addf %parallel_loop3A_480, %parallel_loop3A_503 : vector<16xf32>
        %parallel_loop3A_505 = arith.constant 44 : i32
        %parallel_loop3A_506 = arith.index_cast %parallel_loop3A_505 : i32 to index
        %parallel_loop3A_507 = arith.index_cast %parallel_loop3A_244 : i32 to index
        %parallel_loop3A_508 = tpu.vector_load %arg6[%parallel_loop3A_506, %parallel_loop3A_507] {strides = array<i32>} : memref<64x512xf32, #tpu.memory_space<vmem>>, vector<1x16xf32>,
        %parallel_loop3A_509 = vector.shape_cast %parallel_loop3A_508 : vector<1x16xf32> to vector<16xf32>
        %parallel_loop3A_510 = arith.addf %parallel_loop3A_486, %parallel_loop3A_509 : vector<16xf32>
        %parallel_loop3A_511 = arith.constant 45 : i32
        %parallel_loop3A_512 = arith.index_cast %parallel_loop3A_511 : i32 to index
        %parallel_loop3A_513 = arith.index_cast %parallel_loop3A_244 : i32 to index
        %parallel_loop3A_514 = tpu.vector_load %arg6[%parallel_loop3A_512, %parallel_loop3A_513] {strides = array<i32>} : memref<64x512xf32, #tpu.memory_space<vmem>>, vector<1x16xf32>,
        %parallel_loop3A_515 = vector.shape_cast %parallel_loop3A_514 : vector<1x16xf32> to vector<16xf32>
        %parallel_loop3A_516 = arith.addf %parallel_loop3A_492, %parallel_loop3A_515 : vector<16xf32>
        %parallel_loop3A_517 = arith.constant 46 : i32
        %parallel_loop3A_518 = arith.index_cast %parallel_loop3A_517 : i32 to index
        %parallel_loop3A_519 = arith.index_cast %parallel_loop3A_244 : i32 to index
        %parallel_loop3A_520 = tpu.vector_load %arg6[%parallel_loop3A_518, %parallel_loop3A_519] {strides = array<i32>} : memref<64x512xf32, #tpu.memory_space<vmem>>, vector<1x16xf32>,
        %parallel_loop3A_521 = vector.shape_cast %parallel_loop3A_520 : vector<1x16xf32> to vector<16xf32>
        %parallel_loop3A_522 = arith.addf %parallel_loop3A_498, %parallel_loop3A_521 : vector<16xf32>
        %parallel_loop3A_523 = arith.constant 47 : i32
        %parallel_loop3A_524 = arith.index_cast %parallel_loop3A_523 : i32 to index
        %parallel_loop3A_525 = arith.index_cast %parallel_loop3A_244 : i32 to index
        %parallel_loop3A_526 = tpu.vector_load %arg6[%parallel_loop3A_524, %parallel_loop3A_525] {strides = array<i32>} : memref<64x512xf32, #tpu.memory_space<vmem>>, vector<1x16xf32>,
        %parallel_loop3A_527 = vector.shape_cast %parallel_loop3A_526 : vector<1x16xf32> to vector<16xf32>
        %parallel_loop3A_528 = arith.addf %parallel_loop3A_504, %parallel_loop3A_527 : vector<16xf32>
        %parallel_loop3A_529 = arith.constant 48 : i32
        %parallel_loop3A_530 = arith.index_cast %parallel_loop3A_529 : i32 to index
        %parallel_loop3A_531 = arith.index_cast %parallel_loop3A_244 : i32 to index
        %parallel_loop3A_532 = tpu.vector_load %arg6[%parallel_loop3A_530, %parallel_loop3A_531] {strides = array<i32>} : memref<64x512xf32, #tpu.memory_space<vmem>>, vector<1x16xf32>,
        %parallel_loop3A_533 = vector.shape_cast %parallel_loop3A_532 : vector<1x16xf32> to vector<16xf32>
        %parallel_loop3A_534 = arith.addf %parallel_loop3A_510, %parallel_loop3A_533 : vector<16xf32>
        %parallel_loop3A_535 = arith.constant 49 : i32
        %parallel_loop3A_536 = arith.index_cast %parallel_loop3A_535 : i32 to index
        %parallel_loop3A_537 = arith.index_cast %parallel_loop3A_244 : i32 to index
        %parallel_loop3A_538 = tpu.vector_load %arg6[%parallel_loop3A_536, %parallel_loop3A_537] {strides = array<i32>} : memref<64x512xf32, #tpu.memory_space<vmem>>, vector<1x16xf32>,
        %parallel_loop3A_539 = vector.shape_cast %parallel_loop3A_538 : vector<1x16xf32> to vector<16xf32>
        %parallel_loop3A_540 = arith.addf %parallel_loop3A_516, %parallel_loop3A_539 : vector<16xf32>
        %parallel_loop3A_541 = arith.constant 50 : i32
        %parallel_loop3A_542 = arith.index_cast %parallel_loop3A_541 : i32 to index
        %parallel_loop3A_543 = arith.index_cast %parallel_loop3A_244 : i32 to index
        %parallel_loop3A_544 = tpu.vector_load %arg6[%parallel_loop3A_542, %parallel_loop3A_543] {strides = array<i32>} : memref<64x512xf32, #tpu.memory_space<vmem>>, vector<1x16xf32>,
        %parallel_loop3A_545 = vector.shape_cast %parallel_loop3A_544 : vector<1x16xf32> to vector<16xf32>
        %parallel_loop3A_546 = arith.addf %parallel_loop3A_522, %parallel_loop3A_545 : vector<16xf32>
        %parallel_loop3A_547 = arith.constant 51 : i32
        %parallel_loop3A_548 = arith.index_cast %parallel_loop3A_547 : i32 to index
        %parallel_loop3A_549 = arith.index_cast %parallel_loop3A_244 : i32 to index
        %parallel_loop3A_550 = tpu.vector_load %arg6[%parallel_loop3A_548, %parallel_loop3A_549] {strides = array<i32>} : memref<64x512xf32, #tpu.memory_space<vmem>>, vector<1x16xf32>,
        %parallel_loop3A_551 = vector.shape_cast %parallel_loop3A_550 : vector<1x16xf32> to vector<16xf32>
        %parallel_loop3A_552 = arith.addf %parallel_loop3A_528, %parallel_loop3A_551 : vector<16xf32>
        %parallel_loop3A_553 = arith.constant 52 : i32
        %parallel_loop3A_554 = arith.index_cast %parallel_loop3A_553 : i32 to index
        %parallel_loop3A_555 = arith.index_cast %parallel_loop3A_244 : i32 to index
        %parallel_loop3A_556 = tpu.vector_load %arg6[%parallel_loop3A_554, %parallel_loop3A_555] {strides = array<i32>} : memref<64x512xf32, #tpu.memory_space<vmem>>, vector<1x16xf32>,
        %parallel_loop3A_557 = vector.shape_cast %parallel_loop3A_556 : vector<1x16xf32> to vector<16xf32>
        %parallel_loop3A_558 = arith.addf %parallel_loop3A_534, %parallel_loop3A_557 : vector<16xf32>
        %parallel_loop3A_559 = arith.constant 53 : i32
        %parallel_loop3A_560 = arith.index_cast %parallel_loop3A_559 : i32 to index
        %parallel_loop3A_561 = arith.index_cast %parallel_loop3A_244 : i32 to index
        %parallel_loop3A_562 = tpu.vector_load %arg6[%parallel_loop3A_560, %parallel_loop3A_561] {strides = array<i32>} : memref<64x512xf32, #tpu.memory_space<vmem>>, vector<1x16xf32>,
        %parallel_loop3A_563 = vector.shape_cast %parallel_loop3A_562 : vector<1x16xf32> to vector<16xf32>
        %parallel_loop3A_564 = arith.addf %parallel_loop3A_540, %parallel_loop3A_563 : vector<16xf32>
        %parallel_loop3A_565 = arith.constant 54 : i32
        %parallel_loop3A_566 = arith.index_cast %parallel_loop3A_565 : i32 to index
        %parallel_loop3A_567 = arith.index_cast %parallel_loop3A_244 : i32 to index
        %parallel_loop3A_568 = tpu.vector_load %arg6[%parallel_loop3A_566, %parallel_loop3A_567] {strides = array<i32>} : memref<64x512xf32, #tpu.memory_space<vmem>>, vector<1x16xf32>,
        %parallel_loop3A_569 = vector.shape_cast %parallel_loop3A_568 : vector<1x16xf32> to vector<16xf32>
        %parallel_loop3A_570 = arith.addf %parallel_loop3A_546, %parallel_loop3A_569 : vector<16xf32>
        %parallel_loop3A_571 = arith.constant 55 : i32
        %parallel_loop3A_572 = arith.index_cast %parallel_loop3A_571 : i32 to index
        %parallel_loop3A_573 = arith.index_cast %parallel_loop3A_244 : i32 to index
        %parallel_loop3A_574 = tpu.vector_load %arg6[%parallel_loop3A_572, %parallel_loop3A_573] {strides = array<i32>} : memref<64x512xf32, #tpu.memory_space<vmem>>, vector<1x16xf32>,
        %parallel_loop3A_575 = vector.shape_cast %parallel_loop3A_574 : vector<1x16xf32> to vector<16xf32>
        %parallel_loop3A_576 = arith.addf %parallel_loop3A_552, %parallel_loop3A_575 : vector<16xf32>
        %parallel_loop3A_577 = arith.constant 56 : i32
        %parallel_loop3A_578 = arith.index_cast %parallel_loop3A_577 : i32 to index
        %parallel_loop3A_579 = arith.index_cast %parallel_loop3A_244 : i32 to index
        %parallel_loop3A_580 = tpu.vector_load %arg6[%parallel_loop3A_578, %parallel_loop3A_579] {strides = array<i32>} : memref<64x512xf32, #tpu.memory_space<vmem>>, vector<1x16xf32>,
        %parallel_loop3A_581 = vector.shape_cast %parallel_loop3A_580 : vector<1x16xf32> to vector<16xf32>
        %parallel_loop3A_582 = arith.addf %parallel_loop3A_558, %parallel_loop3A_581 : vector<16xf32>
        %parallel_loop3A_583 = arith.constant 57 : i32
        %parallel_loop3A_584 = arith.index_cast %parallel_loop3A_583 : i32 to index
        %parallel_loop3A_585 = arith.index_cast %parallel_loop3A_244 : i32 to index
        %parallel_loop3A_586 = tpu.vector_load %arg6[%parallel_loop3A_584, %parallel_loop3A_585] {strides = array<i32>} : memref<64x512xf32, #tpu.memory_space<vmem>>, vector<1x16xf32>,
        %parallel_loop3A_587 = vector.shape_cast %parallel_loop3A_586 : vector<1x16xf32> to vector<16xf32>
        %parallel_loop3A_588 = arith.addf %parallel_loop3A_564, %parallel_loop3A_587 : vector<16xf32>
        %parallel_loop3A_589 = arith.constant 58 : i32
        %parallel_loop3A_590 = arith.index_cast %parallel_loop3A_589 : i32 to index
        %parallel_loop3A_591 = arith.index_cast %parallel_loop3A_244 : i32 to index
        %parallel_loop3A_592 = tpu.vector_load %arg6[%parallel_loop3A_590, %parallel_loop3A_591] {strides = array<i32>} : memref<64x512xf32, #tpu.memory_space<vmem>>, vector<1x16xf32>,
        %parallel_loop3A_593 = vector.shape_cast %parallel_loop3A_592 : vector<1x16xf32> to vector<16xf32>
        %parallel_loop3A_594 = arith.addf %parallel_loop3A_570, %parallel_loop3A_593 : vector<16xf32>
        %parallel_loop3A_595 = arith.constant 59 : i32
        %parallel_loop3A_596 = arith.index_cast %parallel_loop3A_595 : i32 to index
        %parallel_loop3A_597 = arith.index_cast %parallel_loop3A_244 : i32 to index
        %parallel_loop3A_598 = tpu.vector_load %arg6[%parallel_loop3A_596, %parallel_loop3A_597] {strides = array<i32>} : memref<64x512xf32, #tpu.memory_space<vmem>>, vector<1x16xf32>,
        %parallel_loop3A_599 = vector.shape_cast %parallel_loop3A_598 : vector<1x16xf32> to vector<16xf32>
        %parallel_loop3A_600 = arith.addf %parallel_loop3A_576, %parallel_loop3A_599 : vector<16xf32>
        %parallel_loop3A_601 = arith.constant 60 : i32
        %parallel_loop3A_602 = arith.index_cast %parallel_loop3A_601 : i32 to index
        %parallel_loop3A_603 = arith.index_cast %parallel_loop3A_244 : i32 to index
        %parallel_loop3A_604 = tpu.vector_load %arg6[%parallel_loop3A_602, %parallel_loop3A_603] {strides = array<i32>} : memref<64x512xf32, #tpu.memory_space<vmem>>, vector<1x16xf32>,
        %parallel_loop3A_605 = vector.shape_cast %parallel_loop3A_604 : vector<1x16xf32> to vector<16xf32>
        %parallel_loop3A_606 = arith.addf %parallel_loop3A_582, %parallel_loop3A_605 : vector<16xf32>
        %parallel_loop3A_607 = arith.constant 61 : i32
        %parallel_loop3A_608 = arith.index_cast %parallel_loop3A_607 : i32 to index
        %parallel_loop3A_609 = arith.index_cast %parallel_loop3A_244 : i32 to index
        %parallel_loop3A_610 = tpu.vector_load %arg6[%parallel_loop3A_608, %parallel_loop3A_609] {strides = array<i32>} : memref<64x512xf32, #tpu.memory_space<vmem>>, vector<1x16xf32>,
        %parallel_loop3A_611 = vector.shape_cast %parallel_loop3A_610 : vector<1x16xf32> to vector<16xf32>
        %parallel_loop3A_612 = arith.addf %parallel_loop3A_588, %parallel_loop3A_611 : vector<16xf32>
        %parallel_loop3A_613 = arith.constant 62 : i32
        %parallel_loop3A_614 = arith.index_cast %parallel_loop3A_613 : i32 to index
        %parallel_loop3A_615 = arith.index_cast %parallel_loop3A_244 : i32 to index
        %parallel_loop3A_616 = tpu.vector_load %arg6[%parallel_loop3A_614, %parallel_loop3A_615] {strides = array<i32>} : memref<64x512xf32, #tpu.memory_space<vmem>>, vector<1x16xf32>,
        %parallel_loop3A_617 = vector.shape_cast %parallel_loop3A_616 : vector<1x16xf32> to vector<16xf32>
        %parallel_loop3A_618 = arith.addf %parallel_loop3A_594, %parallel_loop3A_617 : vector<16xf32>
        %parallel_loop3A_619 = arith.constant 63 : i32
        %parallel_loop3A_620 = arith.index_cast %parallel_loop3A_619 : i32 to index
        %parallel_loop3A_621 = arith.index_cast %parallel_loop3A_244 : i32 to index
        %parallel_loop3A_622 = tpu.vector_load %arg6[%parallel_loop3A_620, %parallel_loop3A_621] {strides = array<i32>} : memref<64x512xf32, #tpu.memory_space<vmem>>, vector<1x16xf32>,
        %parallel_loop3A_623 = vector.shape_cast %parallel_loop3A_622 : vector<1x16xf32> to vector<16xf32>
        %parallel_loop3A_624 = arith.addf %parallel_loop3A_600, %parallel_loop3A_623 : vector<16xf32>
        %parallel_loop3A_625 = arith.addf %parallel_loop3A_606, %parallel_loop3A_612 : vector<16xf32>
        %parallel_loop3A_626 = arith.addf %parallel_loop3A_618, %parallel_loop3A_624 : vector<16xf32>
        %parallel_loop3A_627 = arith.addf %parallel_loop3A_625, %parallel_loop3A_626 : vector<16xf32>
        %parallel_loop3A_628 = arith.index_cast %parallel_loop3A_244 : i32 to index
        %parallel_loop3A_629 = tpu.vector_load %arg8[%parallel_loop3A_628] {strides = array<i32>} : memref<512xf32, #tpu.memory_space<vmem>>, vector<16xf32>,
        %parallel_loop3A_630 = vector.shape_cast %parallel_loop3A_629 : vector<16xf32> to vector<16xf32>
        %parallel_loop3A_631 = vector.shape_cast %parallel_loop3A_627 : vector<16xf32> to vector<16xf32>
        tpu.vector_store %arg8[%parallel_loop3A_628], %parallel_loop3A_631 {add = true, strides = array<i32>} : memref<512xf32, #tpu.memory_space<vmem>>, vector<16xf32>,
      } {sc.loop_unroll_factor = 2 : i64, sc.parallel_access}
      %add3A_219 = arith.constant 2 : i32
      %add3A_220 = arith.addi %mul3A_211, %add3A_219 : i32
      %lt3A = arith.constant 32 : i32
      %lt3A_221 = arith.cmpi slt, %add3A_220, %lt3A : i32
      %convert_element_type3A = arith.extui %lt3A_221 : i1 to i32
      %cond3A = arith.constant 0 : i32
      %cond3A_222 = arith.cmpi ne, %convert_element_type3A, %cond3A : i32
      scf.if %cond3A_222 {
        %add3A_241 = arith.constant 2 : i32
        %add3A_242 = arith.addi %mul3A_211, %add3A_241 : i32
        %dma_start3A_243 = arith.constant 0 : i32
        %dma_start3A_244 = tpu.memref_slice %arg5[%add3A_242, %dma_start3A_243] : memref<32x64xi32, #tpu.memory_space<vmem>> -> memref<1x64xi32, #tpu.memory_space<vmem>>
        %dma_start3A_245 = tpu.memref_squeeze %dma_start3A_244 : memref<1x64xi32, #tpu.memory_space<vmem>> -> memref<64xi32, #tpu.memory_space<vmem>>
        %dma_start3A_246 = arith.constant 0 : i32
        %dma_start3A_247 = arith.constant 0 : i32
        %dma_start3A_248 = tpu.memref_slice %arg3[%dma_start3A_246, %dma_start3A_247] : memref<131072x512xf32, #tpu.memory_space<hbm>> -> memref<131072x512xf32, #tpu.memory_space<hbm>>
        tpu.enqueue_indirect_dma source(%dma_start3A_248 : memref<131072x512xf32, #tpu.memory_space<hbm>>) target(%arg6 : memref<64x512xf32, #tpu.memory_space<vmem>>) offsets(%dma_start3A_245 : memref<64xi32, #tpu.memory_space<vmem>>) semaphore(%arg9 : memref<!tpu.dma_semaphore, #tpu.memory_space<semaphore_mem>>)
      } else {
      }
      %add3A_223 = arith.constant 1 : i32
      %add3A_224 = arith.addi %mul3A_211, %add3A_223 : i32
      %dma_wait3A_225 = arith.constant 0 : i32
      %dma_wait3A_226 = tpu.memref_slice %arg5[%add3A_224, %dma_wait3A_225] : memref<32x64xi32, #tpu.memory_space<vmem>> -> memref<1x64xi32, #tpu.memory_space<vmem>>
      %dma_wait3A_227 = tpu.memref_squeeze %dma_wait3A_226 : memref<1x64xi32, #tpu.memory_space<vmem>> -> memref<64xi32, #tpu.memory_space<vmem>>
      %dma_wait3A_228 = arith.constant 0 : i32
      %dma_wait3A_229 = arith.constant 0 : i32
      %dma_wait3A_230 = tpu.memref_slice %arg3[%dma_wait3A_228, %dma_wait3A_229] : memref<131072x512xf32, #tpu.memory_space<hbm>> -> memref<131072x512xf32, #tpu.memory_space<hbm>>
      tpu.wait_indirect_dma semaphore(%arg10 : memref<!tpu.dma_semaphore, #tpu.memory_space<semaphore_mem>>) src(%dma_wait3A_230 : memref<131072x512xf32, #tpu.memory_space<hbm>>) dst(%arg7 : memref<64x512xf32, #tpu.memory_space<vmem>>)
      %parallel_loop3A_231 = arith.constant 0 : i32
      %parallel_loop3A_232 = arith.constant 32 : i32
      %parallel_loop3A_233 = arith.constant 1 : i32
      scf.for %parallel_loop3A_241 = %parallel_loop3A_231 to %parallel_loop3A_232 step %parallel_loop3A_233  : i32 {
        %parallel_loop3A_242 = arith.constant 16 : i32
        %parallel_loop3A_243 = arith.muli %parallel_loop3A_241, %parallel_loop3A_242 : i32
        %parallel_loop3A_244 = tpu.assume_multiple %parallel_loop3A_243, 16 : i32
        %parallel_loop3A_245 = arith.constant 0 : i32
        %parallel_loop3A_246 = arith.index_cast %parallel_loop3A_245 : i32 to index
        %parallel_loop3A_247 = arith.index_cast %parallel_loop3A_244 : i32 to index
        %parallel_loop3A_248 = tpu.vector_load %arg7[%parallel_loop3A_246, %parallel_loop3A_247] {strides = array<i32>} : memref<64x512xf32, #tpu.memory_space<vmem>>, vector<1x16xf32>,
        %parallel_loop3A_249 = vector.shape_cast %parallel_loop3A_248 : vector<1x16xf32> to vector<16xf32>
        %parallel_loop3A_250 = arith.constant 1 : i32
        %parallel_loop3A_251 = arith.index_cast %parallel_loop3A_250 : i32 to index
        %parallel_loop3A_252 = arith.index_cast %parallel_loop3A_244 : i32 to index
        %parallel_loop3A_253 = tpu.vector_load %arg7[%parallel_loop3A_251, %parallel_loop3A_252] {strides = array<i32>} : memref<64x512xf32, #tpu.memory_space<vmem>>, vector<1x16xf32>,
        %parallel_loop3A_254 = vector.shape_cast %parallel_loop3A_253 : vector<1x16xf32> to vector<16xf32>
        %parallel_loop3A_255 = arith.constant 2 : i32
        %parallel_loop3A_256 = arith.index_cast %parallel_loop3A_255 : i32 to index
        %parallel_loop3A_257 = arith.index_cast %parallel_loop3A_244 : i32 to index
        %parallel_loop3A_258 = tpu.vector_load %arg7[%parallel_loop3A_256, %parallel_loop3A_257] {strides = array<i32>} : memref<64x512xf32, #tpu.memory_space<vmem>>, vector<1x16xf32>,
        %parallel_loop3A_259 = vector.shape_cast %parallel_loop3A_258 : vector<1x16xf32> to vector<16xf32>
        %parallel_loop3A_260 = arith.constant 3 : i32
        %parallel_loop3A_261 = arith.index_cast %parallel_loop3A_260 : i32 to index
        %parallel_loop3A_262 = arith.index_cast %parallel_loop3A_244 : i32 to index
        %parallel_loop3A_263 = tpu.vector_load %arg7[%parallel_loop3A_261, %parallel_loop3A_262] {strides = array<i32>} : memref<64x512xf32, #tpu.memory_space<vmem>>, vector<1x16xf32>,
        %parallel_loop3A_264 = vector.shape_cast %parallel_loop3A_263 : vector<1x16xf32> to vector<16xf32>
        %parallel_loop3A_265 = arith.constant 4 : i32
        %parallel_loop3A_266 = arith.index_cast %parallel_loop3A_265 : i32 to index
        %parallel_loop3A_267 = arith.index_cast %parallel_loop3A_244 : i32 to index
        %parallel_loop3A_268 = tpu.vector_load %arg7[%parallel_loop3A_266, %parallel_loop3A_267] {strides = array<i32>} : memref<64x512xf32, #tpu.memory_space<vmem>>, vector<1x16xf32>,
        %parallel_loop3A_269 = vector.shape_cast %parallel_loop3A_268 : vector<1x16xf32> to vector<16xf32>
        %parallel_loop3A_270 = arith.addf %parallel_loop3A_249, %parallel_loop3A_269 : vector<16xf32>
        %parallel_loop3A_271 = arith.constant 5 : i32
        %parallel_loop3A_272 = arith.index_cast %parallel_loop3A_271 : i32 to index
        %parallel_loop3A_273 = arith.index_cast %parallel_loop3A_244 : i32 to index
        %parallel_loop3A_274 = tpu.vector_load %arg7[%parallel_loop3A_272, %parallel_loop3A_273] {strides = array<i32>} : memref<64x512xf32, #tpu.memory_space<vmem>>, vector<1x16xf32>,
        %parallel_loop3A_275 = vector.shape_cast %parallel_loop3A_274 : vector<1x16xf32> to vector<16xf32>
        %parallel_loop3A_276 = arith.addf %parallel_loop3A_254, %parallel_loop3A_275 : vector<16xf32>
        %parallel_loop3A_277 = arith.constant 6 : i32
        %parallel_loop3A_278 = arith.index_cast %parallel_loop3A_277 : i32 to index
        %parallel_loop3A_279 = arith.index_cast %parallel_loop3A_244 : i32 to index
        %parallel_loop3A_280 = tpu.vector_load %arg7[%parallel_loop3A_278, %parallel_loop3A_279] {strides = array<i32>} : memref<64x512xf32, #tpu.memory_space<vmem>>, vector<1x16xf32>,
        %parallel_loop3A_281 = vector.shape_cast %parallel_loop3A_280 : vector<1x16xf32> to vector<16xf32>
        %parallel_loop3A_282 = arith.addf %parallel_loop3A_259, %parallel_loop3A_281 : vector<16xf32>
        %parallel_loop3A_283 = arith.constant 7 : i32
        %parallel_loop3A_284 = arith.index_cast %parallel_loop3A_283 : i32 to index
        %parallel_loop3A_285 = arith.index_cast %parallel_loop3A_244 : i32 to index
        %parallel_loop3A_286 = tpu.vector_load %arg7[%parallel_loop3A_284, %parallel_loop3A_285] {strides = array<i32>} : memref<64x512xf32, #tpu.memory_space<vmem>>, vector<1x16xf32>,
        %parallel_loop3A_287 = vector.shape_cast %parallel_loop3A_286 : vector<1x16xf32> to vector<16xf32>
        %parallel_loop3A_288 = arith.addf %parallel_loop3A_264, %parallel_loop3A_287 : vector<16xf32>
        %parallel_loop3A_289 = arith.constant 8 : i32
        %parallel_loop3A_290 = arith.index_cast %parallel_loop3A_289 : i32 to index
        %parallel_loop3A_291 = arith.index_cast %parallel_loop3A_244 : i32 to index
        %parallel_loop3A_292 = tpu.vector_load %arg7[%parallel_loop3A_290, %parallel_loop3A_291] {strides = array<i32>} : memref<64x512xf32, #tpu.memory_space<vmem>>, vector<1x16xf32>,
        %parallel_loop3A_293 = vector.shape_cast %parallel_loop3A_292 : vector<1x16xf32> to vector<16xf32>
        %parallel_loop3A_294 = arith.addf %parallel_loop3A_270, %parallel_loop3A_293 : vector<16xf32>
        %parallel_loop3A_295 = arith.constant 9 : i32
        %parallel_loop3A_296 = arith.index_cast %parallel_loop3A_295 : i32 to index
        %parallel_loop3A_297 = arith.index_cast %parallel_loop3A_244 : i32 to index
        %parallel_loop3A_298 = tpu.vector_load %arg7[%parallel_loop3A_296, %parallel_loop3A_297] {strides = array<i32>} : memref<64x512xf32, #tpu.memory_space<vmem>>, vector<1x16xf32>,
        %parallel_loop3A_299 = vector.shape_cast %parallel_loop3A_298 : vector<1x16xf32> to vector<16xf32>
        %parallel_loop3A_300 = arith.addf %parallel_loop3A_276, %parallel_loop3A_299 : vector<16xf32>
        %parallel_loop3A_301 = arith.constant 10 : i32
        %parallel_loop3A_302 = arith.index_cast %parallel_loop3A_301 : i32 to index
        %parallel_loop3A_303 = arith.index_cast %parallel_loop3A_244 : i32 to index
        %parallel_loop3A_304 = tpu.vector_load %arg7[%parallel_loop3A_302, %parallel_loop3A_303] {strides = array<i32>} : memref<64x512xf32, #tpu.memory_space<vmem>>, vector<1x16xf32>,
        %parallel_loop3A_305 = vector.shape_cast %parallel_loop3A_304 : vector<1x16xf32> to vector<16xf32>
        %parallel_loop3A_306 = arith.addf %parallel_loop3A_282, %parallel_loop3A_305 : vector<16xf32>
        %parallel_loop3A_307 = arith.constant 11 : i32
        %parallel_loop3A_308 = arith.index_cast %parallel_loop3A_307 : i32 to index
        %parallel_loop3A_309 = arith.index_cast %parallel_loop3A_244 : i32 to index
        %parallel_loop3A_310 = tpu.vector_load %arg7[%parallel_loop3A_308, %parallel_loop3A_309] {strides = array<i32>} : memref<64x512xf32, #tpu.memory_space<vmem>>, vector<1x16xf32>,
        %parallel_loop3A_311 = vector.shape_cast %parallel_loop3A_310 : vector<1x16xf32> to vector<16xf32>
        %parallel_loop3A_312 = arith.addf %parallel_loop3A_288, %parallel_loop3A_311 : vector<16xf32>
        %parallel_loop3A_313 = arith.constant 12 : i32
        %parallel_loop3A_314 = arith.index_cast %parallel_loop3A_313 : i32 to index
        %parallel_loop3A_315 = arith.index_cast %parallel_loop3A_244 : i32 to index
        %parallel_loop3A_316 = tpu.vector_load %arg7[%parallel_loop3A_314, %parallel_loop3A_315] {strides = array<i32>} : memref<64x512xf32, #tpu.memory_space<vmem>>, vector<1x16xf32>,
        %parallel_loop3A_317 = vector.shape_cast %parallel_loop3A_316 : vector<1x16xf32> to vector<16xf32>
        %parallel_loop3A_318 = arith.addf %parallel_loop3A_294, %parallel_loop3A_317 : vector<16xf32>
        %parallel_loop3A_319 = arith.constant 13 : i32
        %parallel_loop3A_320 = arith.index_cast %parallel_loop3A_319 : i32 to index
        %parallel_loop3A_321 = arith.index_cast %parallel_loop3A_244 : i32 to index
        %parallel_loop3A_322 = tpu.vector_load %arg7[%parallel_loop3A_320, %parallel_loop3A_321] {strides = array<i32>} : memref<64x512xf32, #tpu.memory_space<vmem>>, vector<1x16xf32>,
        %parallel_loop3A_323 = vector.shape_cast %parallel_loop3A_322 : vector<1x16xf32> to vector<16xf32>
        %parallel_loop3A_324 = arith.addf %parallel_loop3A_300, %parallel_loop3A_323 : vector<16xf32>
        %parallel_loop3A_325 = arith.constant 14 : i32
        %parallel_loop3A_326 = arith.index_cast %parallel_loop3A_325 : i32 to index
        %parallel_loop3A_327 = arith.index_cast %parallel_loop3A_244 : i32 to index
        %parallel_loop3A_328 = tpu.vector_load %arg7[%parallel_loop3A_326, %parallel_loop3A_327] {strides = array<i32>} : memref<64x512xf32, #tpu.memory_space<vmem>>, vector<1x16xf32>,
        %parallel_loop3A_329 = vector.shape_cast %parallel_loop3A_328 : vector<1x16xf32> to vector<16xf32>
        %parallel_loop3A_330 = arith.addf %parallel_loop3A_306, %parallel_loop3A_329 : vector<16xf32>
        %parallel_loop3A_331 = arith.constant 15 : i32
        %parallel_loop3A_332 = arith.index_cast %parallel_loop3A_331 : i32 to index
        %parallel_loop3A_333 = arith.index_cast %parallel_loop3A_244 : i32 to index
        %parallel_loop3A_334 = tpu.vector_load %arg7[%parallel_loop3A_332, %parallel_loop3A_333] {strides = array<i32>} : memref<64x512xf32, #tpu.memory_space<vmem>>, vector<1x16xf32>,
        %parallel_loop3A_335 = vector.shape_cast %parallel_loop3A_334 : vector<1x16xf32> to vector<16xf32>
        %parallel_loop3A_336 = arith.addf %parallel_loop3A_312, %parallel_loop3A_335 : vector<16xf32>
        %parallel_loop3A_337 = arith.constant 16 : i32
        %parallel_loop3A_338 = arith.index_cast %parallel_loop3A_337 : i32 to index
        %parallel_loop3A_339 = arith.index_cast %parallel_loop3A_244 : i32 to index
        %parallel_loop3A_340 = tpu.vector_load %arg7[%parallel_loop3A_338, %parallel_loop3A_339] {strides = array<i32>} : memref<64x512xf32, #tpu.memory_space<vmem>>, vector<1x16xf32>,
        %parallel_loop3A_341 = vector.shape_cast %parallel_loop3A_340 : vector<1x16xf32> to vector<16xf32>
        %parallel_loop3A_342 = arith.addf %parallel_loop3A_318, %parallel_loop3A_341 : vector<16xf32>
        %parallel_loop3A_343 = arith.constant 17 : i32
        %parallel_loop3A_344 = arith.index_cast %parallel_loop3A_343 : i32 to index
        %parallel_loop3A_345 = arith.index_cast %parallel_loop3A_244 : i32 to index
        %parallel_loop3A_346 = tpu.vector_load %arg7[%parallel_loop3A_344, %parallel_loop3A_345] {strides = array<i32>} : memref<64x512xf32, #tpu.memory_space<vmem>>, vector<1x16xf32>,
        %parallel_loop3A_347 = vector.shape_cast %parallel_loop3A_346 : vector<1x16xf32> to vector<16xf32>
        %parallel_loop3A_348 = arith.addf %parallel_loop3A_324, %parallel_loop3A_347 : vector<16xf32>
        %parallel_loop3A_349 = arith.constant 18 : i32
        %parallel_loop3A_350 = arith.index_cast %parallel_loop3A_349 : i32 to index
        %parallel_loop3A_351 = arith.index_cast %parallel_loop3A_244 : i32 to index
        %parallel_loop3A_352 = tpu.vector_load %arg7[%parallel_loop3A_350, %parallel_loop3A_351] {strides = array<i32>} : memref<64x512xf32, #tpu.memory_space<vmem>>, vector<1x16xf32>,
        %parallel_loop3A_353 = vector.shape_cast %parallel_loop3A_352 : vector<1x16xf32> to vector<16xf32>
        %parallel_loop3A_354 = arith.addf %parallel_loop3A_330, %parallel_loop3A_353 : vector<16xf32>
        %parallel_loop3A_355 = arith.constant 19 : i32
        %parallel_loop3A_356 = arith.index_cast %parallel_loop3A_355 : i32 to index
        %parallel_loop3A_357 = arith.index_cast %parallel_loop3A_244 : i32 to index
        %parallel_loop3A_358 = tpu.vector_load %arg7[%parallel_loop3A_356, %parallel_loop3A_357] {strides = array<i32>} : memref<64x512xf32, #tpu.memory_space<vmem>>, vector<1x16xf32>,
        %parallel_loop3A_359 = vector.shape_cast %parallel_loop3A_358 : vector<1x16xf32> to vector<16xf32>
        %parallel_loop3A_360 = arith.addf %parallel_loop3A_336, %parallel_loop3A_359 : vector<16xf32>
        %parallel_loop3A_361 = arith.constant 20 : i32
        %parallel_loop3A_362 = arith.index_cast %parallel_loop3A_361 : i32 to index
        %parallel_loop3A_363 = arith.index_cast %parallel_loop3A_244 : i32 to index
        %parallel_loop3A_364 = tpu.vector_load %arg7[%parallel_loop3A_362, %parallel_loop3A_363] {strides = array<i32>} : memref<64x512xf32, #tpu.memory_space<vmem>>, vector<1x16xf32>,
        %parallel_loop3A_365 = vector.shape_cast %parallel_loop3A_364 : vector<1x16xf32> to vector<16xf32>
        %parallel_loop3A_366 = arith.addf %parallel_loop3A_342, %parallel_loop3A_365 : vector<16xf32>
        %parallel_loop3A_367 = arith.constant 21 : i32
        %parallel_loop3A_368 = arith.index_cast %parallel_loop3A_367 : i32 to index
        %parallel_loop3A_369 = arith.index_cast %parallel_loop3A_244 : i32 to index
        %parallel_loop3A_370 = tpu.vector_load %arg7[%parallel_loop3A_368, %parallel_loop3A_369] {strides = array<i32>} : memref<64x512xf32, #tpu.memory_space<vmem>>, vector<1x16xf32>,
        %parallel_loop3A_371 = vector.shape_cast %parallel_loop3A_370 : vector<1x16xf32> to vector<16xf32>
        %parallel_loop3A_372 = arith.addf %parallel_loop3A_348, %parallel_loop3A_371 : vector<16xf32>
        %parallel_loop3A_373 = arith.constant 22 : i32
        %parallel_loop3A_374 = arith.index_cast %parallel_loop3A_373 : i32 to index
        %parallel_loop3A_375 = arith.index_cast %parallel_loop3A_244 : i32 to index
        %parallel_loop3A_376 = tpu.vector_load %arg7[%parallel_loop3A_374, %parallel_loop3A_375] {strides = array<i32>} : memref<64x512xf32, #tpu.memory_space<vmem>>, vector<1x16xf32>,
        %parallel_loop3A_377 = vector.shape_cast %parallel_loop3A_376 : vector<1x16xf32> to vector<16xf32>
        %parallel_loop3A_378 = arith.addf %parallel_loop3A_354, %parallel_loop3A_377 : vector<16xf32>
        %parallel_loop3A_379 = arith.constant 23 : i32
        %parallel_loop3A_380 = arith.index_cast %parallel_loop3A_379 : i32 to index
        %parallel_loop3A_381 = arith.index_cast %parallel_loop3A_244 : i32 to index
        %parallel_loop3A_382 = tpu.vector_load %arg7[%parallel_loop3A_380, %parallel_loop3A_381] {strides = array<i32>} : memref<64x512xf32, #tpu.memory_space<vmem>>, vector<1x16xf32>,
        %parallel_loop3A_383 = vector.shape_cast %parallel_loop3A_382 : vector<1x16xf32> to vector<16xf32>
        %parallel_loop3A_384 = arith.addf %parallel_loop3A_360, %parallel_loop3A_383 : vector<16xf32>
        %parallel_loop3A_385 = arith.constant 24 : i32
        %parallel_loop3A_386 = arith.index_cast %parallel_loop3A_385 : i32 to index
        %parallel_loop3A_387 = arith.index_cast %parallel_loop3A_244 : i32 to index
        %parallel_loop3A_388 = tpu.vector_load %arg7[%parallel_loop3A_386, %parallel_loop3A_387] {strides = array<i32>} : memref<64x512xf32, #tpu.memory_space<vmem>>, vector<1x16xf32>,
        %parallel_loop3A_389 = vector.shape_cast %parallel_loop3A_388 : vector<1x16xf32> to vector<16xf32>
        %parallel_loop3A_390 = arith.addf %parallel_loop3A_366, %parallel_loop3A_389 : vector<16xf32>
        %parallel_loop3A_391 = arith.constant 25 : i32
        %parallel_loop3A_392 = arith.index_cast %parallel_loop3A_391 : i32 to index
        %parallel_loop3A_393 = arith.index_cast %parallel_loop3A_244 : i32 to index
        %parallel_loop3A_394 = tpu.vector_load %arg7[%parallel_loop3A_392, %parallel_loop3A_393] {strides = array<i32>} : memref<64x512xf32, #tpu.memory_space<vmem>>, vector<1x16xf32>,
        %parallel_loop3A_395 = vector.shape_cast %parallel_loop3A_394 : vector<1x16xf32> to vector<16xf32>
        %parallel_loop3A_396 = arith.addf %parallel_loop3A_372, %parallel_loop3A_395 : vector<16xf32>
        %parallel_loop3A_397 = arith.constant 26 : i32
        %parallel_loop3A_398 = arith.index_cast %parallel_loop3A_397 : i32 to index
        %parallel_loop3A_399 = arith.index_cast %parallel_loop3A_244 : i32 to index
        %parallel_loop3A_400 = tpu.vector_load %arg7[%parallel_loop3A_398, %parallel_loop3A_399] {strides = array<i32>} : memref<64x512xf32, #tpu.memory_space<vmem>>, vector<1x16xf32>,
        %parallel_loop3A_401 = vector.shape_cast %parallel_loop3A_400 : vector<1x16xf32> to vector<16xf32>
        %parallel_loop3A_402 = arith.addf %parallel_loop3A_378, %parallel_loop3A_401 : vector<16xf32>
        %parallel_loop3A_403 = arith.constant 27 : i32
        %parallel_loop3A_404 = arith.index_cast %parallel_loop3A_403 : i32 to index
        %parallel_loop3A_405 = arith.index_cast %parallel_loop3A_244 : i32 to index
        %parallel_loop3A_406 = tpu.vector_load %arg7[%parallel_loop3A_404, %parallel_loop3A_405] {strides = array<i32>} : memref<64x512xf32, #tpu.memory_space<vmem>>, vector<1x16xf32>,
        %parallel_loop3A_407 = vector.shape_cast %parallel_loop3A_406 : vector<1x16xf32> to vector<16xf32>
        %parallel_loop3A_408 = arith.addf %parallel_loop3A_384, %parallel_loop3A_407 : vector<16xf32>
        %parallel_loop3A_409 = arith.constant 28 : i32
        %parallel_loop3A_410 = arith.index_cast %parallel_loop3A_409 : i32 to index
        %parallel_loop3A_411 = arith.index_cast %parallel_loop3A_244 : i32 to index
        %parallel_loop3A_412 = tpu.vector_load %arg7[%parallel_loop3A_410, %parallel_loop3A_411] {strides = array<i32>} : memref<64x512xf32, #tpu.memory_space<vmem>>, vector<1x16xf32>,
        %parallel_loop3A_413 = vector.shape_cast %parallel_loop3A_412 : vector<1x16xf32> to vector<16xf32>
        %parallel_loop3A_414 = arith.addf %parallel_loop3A_390, %parallel_loop3A_413 : vector<16xf32>
        %parallel_loop3A_415 = arith.constant 29 : i32
        %parallel_loop3A_416 = arith.index_cast %parallel_loop3A_415 : i32 to index
        %parallel_loop3A_417 = arith.index_cast %parallel_loop3A_244 : i32 to index
        %parallel_loop3A_418 = tpu.vector_load %arg7[%parallel_loop3A_416, %parallel_loop3A_417] {strides = array<i32>} : memref<64x512xf32, #tpu.memory_space<vmem>>, vector<1x16xf32>,
        %parallel_loop3A_419 = vector.shape_cast %parallel_loop3A_418 : vector<1x16xf32> to vector<16xf32>
        %parallel_loop3A_420 = arith.addf %parallel_loop3A_396, %parallel_loop3A_419 : vector<16xf32>
        %parallel_loop3A_421 = arith.constant 30 : i32
        %parallel_loop3A_422 = arith.index_cast %parallel_loop3A_421 : i32 to index
        %parallel_loop3A_423 = arith.index_cast %parallel_loop3A_244 : i32 to index
        %parallel_loop3A_424 = tpu.vector_load %arg7[%parallel_loop3A_422, %parallel_loop3A_423] {strides = array<i32>} : memref<64x512xf32, #tpu.memory_space<vmem>>, vector<1x16xf32>,
        %parallel_loop3A_425 = vector.shape_cast %parallel_loop3A_424 : vector<1x16xf32> to vector<16xf32>
        %parallel_loop3A_426 = arith.addf %parallel_loop3A_402, %parallel_loop3A_425 : vector<16xf32>
        %parallel_loop3A_427 = arith.constant 31 : i32
        %parallel_loop3A_428 = arith.index_cast %parallel_loop3A_427 : i32 to index
        %parallel_loop3A_429 = arith.index_cast %parallel_loop3A_244 : i32 to index
        %parallel_loop3A_430 = tpu.vector_load %arg7[%parallel_loop3A_428, %parallel_loop3A_429] {strides = array<i32>} : memref<64x512xf32, #tpu.memory_space<vmem>>, vector<1x16xf32>,
        %parallel_loop3A_431 = vector.shape_cast %parallel_loop3A_430 : vector<1x16xf32> to vector<16xf32>
        %parallel_loop3A_432 = arith.addf %parallel_loop3A_408, %parallel_loop3A_431 : vector<16xf32>
        %parallel_loop3A_433 = arith.constant 32 : i32
        %parallel_loop3A_434 = arith.index_cast %parallel_loop3A_433 : i32 to index
        %parallel_loop3A_435 = arith.index_cast %parallel_loop3A_244 : i32 to index
        %parallel_loop3A_436 = tpu.vector_load %arg7[%parallel_loop3A_434, %parallel_loop3A_435] {strides = array<i32>} : memref<64x512xf32, #tpu.memory_space<vmem>>, vector<1x16xf32>,
        %parallel_loop3A_437 = vector.shape_cast %parallel_loop3A_436 : vector<1x16xf32> to vector<16xf32>
        %parallel_loop3A_438 = arith.addf %parallel_loop3A_414, %parallel_loop3A_437 : vector<16xf32>
        %parallel_loop3A_439 = arith.constant 33 : i32
        %parallel_loop3A_440 = arith.index_cast %parallel_loop3A_439 : i32 to index
        %parallel_loop3A_441 = arith.index_cast %parallel_loop3A_244 : i32 to index
        %parallel_loop3A_442 = tpu.vector_load %arg7[%parallel_loop3A_440, %parallel_loop3A_441] {strides = array<i32>} : memref<64x512xf32, #tpu.memory_space<vmem>>, vector<1x16xf32>,
        %parallel_loop3A_443 = vector.shape_cast %parallel_loop3A_442 : vector<1x16xf32> to vector<16xf32>
        %parallel_loop3A_444 = arith.addf %parallel_loop3A_420, %parallel_loop3A_443 : vector<16xf32>
        %parallel_loop3A_445 = arith.constant 34 : i32
        %parallel_loop3A_446 = arith.index_cast %parallel_loop3A_445 : i32 to index
        %parallel_loop3A_447 = arith.index_cast %parallel_loop3A_244 : i32 to index
        %parallel_loop3A_448 = tpu.vector_load %arg7[%parallel_loop3A_446, %parallel_loop3A_447] {strides = array<i32>} : memref<64x512xf32, #tpu.memory_space<vmem>>, vector<1x16xf32>,
        %parallel_loop3A_449 = vector.shape_cast %parallel_loop3A_448 : vector<1x16xf32> to vector<16xf32>
        %parallel_loop3A_450 = arith.addf %parallel_loop3A_426, %parallel_loop3A_449 : vector<16xf32>
        %parallel_loop3A_451 = arith.constant 35 : i32
        %parallel_loop3A_452 = arith.index_cast %parallel_loop3A_451 : i32 to index
        %parallel_loop3A_453 = arith.index_cast %parallel_loop3A_244 : i32 to index
        %parallel_loop3A_454 = tpu.vector_load %arg7[%parallel_loop3A_452, %parallel_loop3A_453] {strides = array<i32>} : memref<64x512xf32, #tpu.memory_space<vmem>>, vector<1x16xf32>,
        %parallel_loop3A_455 = vector.shape_cast %parallel_loop3A_454 : vector<1x16xf32> to vector<16xf32>
        %parallel_loop3A_456 = arith.addf %parallel_loop3A_432, %parallel_loop3A_455 : vector<16xf32>
        %parallel_loop3A_457 = arith.constant 36 : i32
        %parallel_loop3A_458 = arith.index_cast %parallel_loop3A_457 : i32 to index
        %parallel_loop3A_459 = arith.index_cast %parallel_loop3A_244 : i32 to index
        %parallel_loop3A_460 = tpu.vector_load %arg7[%parallel_loop3A_458, %parallel_loop3A_459] {strides = array<i32>} : memref<64x512xf32, #tpu.memory_space<vmem>>, vector<1x16xf32>,
        %parallel_loop3A_461 = vector.shape_cast %parallel_loop3A_460 : vector<1x16xf32> to vector<16xf32>
        %parallel_loop3A_462 = arith.addf %parallel_loop3A_438, %parallel_loop3A_461 : vector<16xf32>
        %parallel_loop3A_463 = arith.constant 37 : i32
        %parallel_loop3A_464 = arith.index_cast %parallel_loop3A_463 : i32 to index
        %parallel_loop3A_465 = arith.index_cast %parallel_loop3A_244 : i32 to index
        %parallel_loop3A_466 = tpu.vector_load %arg7[%parallel_loop3A_464, %parallel_loop3A_465] {strides = array<i32>} : memref<64x512xf32, #tpu.memory_space<vmem>>, vector<1x16xf32>,
        %parallel_loop3A_467 = vector.shape_cast %parallel_loop3A_466 : vector<1x16xf32> to vector<16xf32>
        %parallel_loop3A_468 = arith.addf %parallel_loop3A_444, %parallel_loop3A_467 : vector<16xf32>
        %parallel_loop3A_469 = arith.constant 38 : i32
        %parallel_loop3A_470 = arith.index_cast %parallel_loop3A_469 : i32 to index
        %parallel_loop3A_471 = arith.index_cast %parallel_loop3A_244 : i32 to index
        %parallel_loop3A_472 = tpu.vector_load %arg7[%parallel_loop3A_470, %parallel_loop3A_471] {strides = array<i32>} : memref<64x512xf32, #tpu.memory_space<vmem>>, vector<1x16xf32>,
        %parallel_loop3A_473 = vector.shape_cast %parallel_loop3A_472 : vector<1x16xf32> to vector<16xf32>
        %parallel_loop3A_474 = arith.addf %parallel_loop3A_450, %parallel_loop3A_473 : vector<16xf32>
        %parallel_loop3A_475 = arith.constant 39 : i32
        %parallel_loop3A_476 = arith.index_cast %parallel_loop3A_475 : i32 to index
        %parallel_loop3A_477 = arith.index_cast %parallel_loop3A_244 : i32 to index
        %parallel_loop3A_478 = tpu.vector_load %arg7[%parallel_loop3A_476, %parallel_loop3A_477] {strides = array<i32>} : memref<64x512xf32, #tpu.memory_space<vmem>>, vector<1x16xf32>,
        %parallel_loop3A_479 = vector.shape_cast %parallel_loop3A_478 : vector<1x16xf32> to vector<16xf32>
        %parallel_loop3A_480 = arith.addf %parallel_loop3A_456, %parallel_loop3A_479 : vector<16xf32>
        %parallel_loop3A_481 = arith.constant 40 : i32
        %parallel_loop3A_482 = arith.index_cast %parallel_loop3A_481 : i32 to index
        %parallel_loop3A_483 = arith.index_cast %parallel_loop3A_244 : i32 to index
        %parallel_loop3A_484 = tpu.vector_load %arg7[%parallel_loop3A_482, %parallel_loop3A_483] {strides = array<i32>} : memref<64x512xf32, #tpu.memory_space<vmem>>, vector<1x16xf32>,
        %parallel_loop3A_485 = vector.shape_cast %parallel_loop3A_484 : vector<1x16xf32> to vector<16xf32>
        %parallel_loop3A_486 = arith.addf %parallel_loop3A_462, %parallel_loop3A_485 : vector<16xf32>
        %parallel_loop3A_487 = arith.constant 41 : i32
        %parallel_loop3A_488 = arith.index_cast %parallel_loop3A_487 : i32 to index
        %parallel_loop3A_489 = arith.index_cast %parallel_loop3A_244 : i32 to index
        %parallel_loop3A_490 = tpu.vector_load %arg7[%parallel_loop3A_488, %parallel_loop3A_489] {strides = array<i32>} : memref<64x512xf32, #tpu.memory_space<vmem>>, vector<1x16xf32>,
        %parallel_loop3A_491 = vector.shape_cast %parallel_loop3A_490 : vector<1x16xf32> to vector<16xf32>
        %parallel_loop3A_492 = arith.addf %parallel_loop3A_468, %parallel_loop3A_491 : vector<16xf32>
        %parallel_loop3A_493 = arith.constant 42 : i32
        %parallel_loop3A_494 = arith.index_cast %parallel_loop3A_493 : i32 to index
        %parallel_loop3A_495 = arith.index_cast %parallel_loop3A_244 : i32 to index
        %parallel_loop3A_496 = tpu.vector_load %arg7[%parallel_loop3A_494, %parallel_loop3A_495] {strides = array<i32>} : memref<64x512xf32, #tpu.memory_space<vmem>>, vector<1x16xf32>,
        %parallel_loop3A_497 = vector.shape_cast %parallel_loop3A_496 : vector<1x16xf32> to vector<16xf32>
        %parallel_loop3A_498 = arith.addf %parallel_loop3A_474, %parallel_loop3A_497 : vector<16xf32>
        %parallel_loop3A_499 = arith.constant 43 : i32
        %parallel_loop3A_500 = arith.index_cast %parallel_loop3A_499 : i32 to index
        %parallel_loop3A_501 = arith.index_cast %parallel_loop3A_244 : i32 to index
        %parallel_loop3A_502 = tpu.vector_load %arg7[%parallel_loop3A_500, %parallel_loop3A_501] {strides = array<i32>} : memref<64x512xf32, #tpu.memory_space<vmem>>, vector<1x16xf32>,
        %parallel_loop3A_503 = vector.shape_cast %parallel_loop3A_502 : vector<1x16xf32> to vector<16xf32>
        %parallel_loop3A_504 = arith.addf %parallel_loop3A_480, %parallel_loop3A_503 : vector<16xf32>
        %parallel_loop3A_505 = arith.constant 44 : i32
        %parallel_loop3A_506 = arith.index_cast %parallel_loop3A_505 : i32 to index
        %parallel_loop3A_507 = arith.index_cast %parallel_loop3A_244 : i32 to index
        %parallel_loop3A_508 = tpu.vector_load %arg7[%parallel_loop3A_506, %parallel_loop3A_507] {strides = array<i32>} : memref<64x512xf32, #tpu.memory_space<vmem>>, vector<1x16xf32>,
        %parallel_loop3A_509 = vector.shape_cast %parallel_loop3A_508 : vector<1x16xf32> to vector<16xf32>
        %parallel_loop3A_510 = arith.addf %parallel_loop3A_486, %parallel_loop3A_509 : vector<16xf32>
        %parallel_loop3A_511 = arith.constant 45 : i32
        %parallel_loop3A_512 = arith.index_cast %parallel_loop3A_511 : i32 to index
        %parallel_loop3A_513 = arith.index_cast %parallel_loop3A_244 : i32 to index
        %parallel_loop3A_514 = tpu.vector_load %arg7[%parallel_loop3A_512, %parallel_loop3A_513] {strides = array<i32>} : memref<64x512xf32, #tpu.memory_space<vmem>>, vector<1x16xf32>,
        %parallel_loop3A_515 = vector.shape_cast %parallel_loop3A_514 : vector<1x16xf32> to vector<16xf32>
        %parallel_loop3A_516 = arith.addf %parallel_loop3A_492, %parallel_loop3A_515 : vector<16xf32>
        %parallel_loop3A_517 = arith.constant 46 : i32
        %parallel_loop3A_518 = arith.index_cast %parallel_loop3A_517 : i32 to index
        %parallel_loop3A_519 = arith.index_cast %parallel_loop3A_244 : i32 to index
        %parallel_loop3A_520 = tpu.vector_load %arg7[%parallel_loop3A_518, %parallel_loop3A_519] {strides = array<i32>} : memref<64x512xf32, #tpu.memory_space<vmem>>, vector<1x16xf32>,
        %parallel_loop3A_521 = vector.shape_cast %parallel_loop3A_520 : vector<1x16xf32> to vector<16xf32>
        %parallel_loop3A_522 = arith.addf %parallel_loop3A_498, %parallel_loop3A_521 : vector<16xf32>
        %parallel_loop3A_523 = arith.constant 47 : i32
        %parallel_loop3A_524 = arith.index_cast %parallel_loop3A_523 : i32 to index
        %parallel_loop3A_525 = arith.index_cast %parallel_loop3A_244 : i32 to index
        %parallel_loop3A_526 = tpu.vector_load %arg7[%parallel_loop3A_524, %parallel_loop3A_525] {strides = array<i32>} : memref<64x512xf32, #tpu.memory_space<vmem>>, vector<1x16xf32>,
        %parallel_loop3A_527 = vector.shape_cast %parallel_loop3A_526 : vector<1x16xf32> to vector<16xf32>
        %parallel_loop3A_528 = arith.addf %parallel_loop3A_504, %parallel_loop3A_527 : vector<16xf32>
        %parallel_loop3A_529 = arith.constant 48 : i32
        %parallel_loop3A_530 = arith.index_cast %parallel_loop3A_529 : i32 to index
        %parallel_loop3A_531 = arith.index_cast %parallel_loop3A_244 : i32 to index
        %parallel_loop3A_532 = tpu.vector_load %arg7[%parallel_loop3A_530, %parallel_loop3A_531] {strides = array<i32>} : memref<64x512xf32, #tpu.memory_space<vmem>>, vector<1x16xf32>,
        %parallel_loop3A_533 = vector.shape_cast %parallel_loop3A_532 : vector<1x16xf32> to vector<16xf32>
        %parallel_loop3A_534 = arith.addf %parallel_loop3A_510, %parallel_loop3A_533 : vector<16xf32>
        %parallel_loop3A_535 = arith.constant 49 : i32
        %parallel_loop3A_536 = arith.index_cast %parallel_loop3A_535 : i32 to index
        %parallel_loop3A_537 = arith.index_cast %parallel_loop3A_244 : i32 to index
        %parallel_loop3A_538 = tpu.vector_load %arg7[%parallel_loop3A_536, %parallel_loop3A_537] {strides = array<i32>} : memref<64x512xf32, #tpu.memory_space<vmem>>, vector<1x16xf32>,
        %parallel_loop3A_539 = vector.shape_cast %parallel_loop3A_538 : vector<1x16xf32> to vector<16xf32>
        %parallel_loop3A_540 = arith.addf %parallel_loop3A_516, %parallel_loop3A_539 : vector<16xf32>
        %parallel_loop3A_541 = arith.constant 50 : i32
        %parallel_loop3A_542 = arith.index_cast %parallel_loop3A_541 : i32 to index
        %parallel_loop3A_543 = arith.index_cast %parallel_loop3A_244 : i32 to index
        %parallel_loop3A_544 = tpu.vector_load %arg7[%parallel_loop3A_542, %parallel_loop3A_543] {strides = array<i32>} : memref<64x512xf32, #tpu.memory_space<vmem>>, vector<1x16xf32>,
        %parallel_loop3A_545 = vector.shape_cast %parallel_loop3A_544 : vector<1x16xf32> to vector<16xf32>
        %parallel_loop3A_546 = arith.addf %parallel_loop3A_522, %parallel_loop3A_545 : vector<16xf32>
        %parallel_loop3A_547 = arith.constant 51 : i32
        %parallel_loop3A_548 = arith.index_cast %parallel_loop3A_547 : i32 to index
        %parallel_loop3A_549 = arith.index_cast %parallel_loop3A_244 : i32 to index
        %parallel_loop3A_550 = tpu.vector_load %arg7[%parallel_loop3A_548, %parallel_loop3A_549] {strides = array<i32>} : memref<64x512xf32, #tpu.memory_space<vmem>>, vector<1x16xf32>,
        %parallel_loop3A_551 = vector.shape_cast %parallel_loop3A_550 : vector<1x16xf32> to vector<16xf32>
        %parallel_loop3A_552 = arith.addf %parallel_loop3A_528, %parallel_loop3A_551 : vector<16xf32>
        %parallel_loop3A_553 = arith.constant 52 : i32
        %parallel_loop3A_554 = arith.index_cast %parallel_loop3A_553 : i32 to index
        %parallel_loop3A_555 = arith.index_cast %parallel_loop3A_244 : i32 to index
        %parallel_loop3A_556 = tpu.vector_load %arg7[%parallel_loop3A_554, %parallel_loop3A_555] {strides = array<i32>} : memref<64x512xf32, #tpu.memory_space<vmem>>, vector<1x16xf32>,
        %parallel_loop3A_557 = vector.shape_cast %parallel_loop3A_556 : vector<1x16xf32> to vector<16xf32>
        %parallel_loop3A_558 = arith.addf %parallel_loop3A_534, %parallel_loop3A_557 : vector<16xf32>
        %parallel_loop3A_559 = arith.constant 53 : i32
        %parallel_loop3A_560 = arith.index_cast %parallel_loop3A_559 : i32 to index
        %parallel_loop3A_561 = arith.index_cast %parallel_loop3A_244 : i32 to index
        %parallel_loop3A_562 = tpu.vector_load %arg7[%parallel_loop3A_560, %parallel_loop3A_561] {strides = array<i32>} : memref<64x512xf32, #tpu.memory_space<vmem>>, vector<1x16xf32>,
        %parallel_loop3A_563 = vector.shape_cast %parallel_loop3A_562 : vector<1x16xf32> to vector<16xf32>
        %parallel_loop3A_564 = arith.addf %parallel_loop3A_540, %parallel_loop3A_563 : vector<16xf32>
        %parallel_loop3A_565 = arith.constant 54 : i32
        %parallel_loop3A_566 = arith.index_cast %parallel_loop3A_565 : i32 to index
        %parallel_loop3A_567 = arith.index_cast %parallel_loop3A_244 : i32 to index
        %parallel_loop3A_568 = tpu.vector_load %arg7[%parallel_loop3A_566, %parallel_loop3A_567] {strides = array<i32>} : memref<64x512xf32, #tpu.memory_space<vmem>>, vector<1x16xf32>,
        %parallel_loop3A_569 = vector.shape_cast %parallel_loop3A_568 : vector<1x16xf32> to vector<16xf32>
        %parallel_loop3A_570 = arith.addf %parallel_loop3A_546, %parallel_loop3A_569 : vector<16xf32>
        %parallel_loop3A_571 = arith.constant 55 : i32
        %parallel_loop3A_572 = arith.index_cast %parallel_loop3A_571 : i32 to index
        %parallel_loop3A_573 = arith.index_cast %parallel_loop3A_244 : i32 to index
        %parallel_loop3A_574 = tpu.vector_load %arg7[%parallel_loop3A_572, %parallel_loop3A_573] {strides = array<i32>} : memref<64x512xf32, #tpu.memory_space<vmem>>, vector<1x16xf32>,
        %parallel_loop3A_575 = vector.shape_cast %parallel_loop3A_574 : vector<1x16xf32> to vector<16xf32>
        %parallel_loop3A_576 = arith.addf %parallel_loop3A_552, %parallel_loop3A_575 : vector<16xf32>
        %parallel_loop3A_577 = arith.constant 56 : i32
        %parallel_loop3A_578 = arith.index_cast %parallel_loop3A_577 : i32 to index
        %parallel_loop3A_579 = arith.index_cast %parallel_loop3A_244 : i32 to index
        %parallel_loop3A_580 = tpu.vector_load %arg7[%parallel_loop3A_578, %parallel_loop3A_579] {strides = array<i32>} : memref<64x512xf32, #tpu.memory_space<vmem>>, vector<1x16xf32>,
        %parallel_loop3A_581 = vector.shape_cast %parallel_loop3A_580 : vector<1x16xf32> to vector<16xf32>
        %parallel_loop3A_582 = arith.addf %parallel_loop3A_558, %parallel_loop3A_581 : vector<16xf32>
        %parallel_loop3A_583 = arith.constant 57 : i32
        %parallel_loop3A_584 = arith.index_cast %parallel_loop3A_583 : i32 to index
        %parallel_loop3A_585 = arith.index_cast %parallel_loop3A_244 : i32 to index
        %parallel_loop3A_586 = tpu.vector_load %arg7[%parallel_loop3A_584, %parallel_loop3A_585] {strides = array<i32>} : memref<64x512xf32, #tpu.memory_space<vmem>>, vector<1x16xf32>,
        %parallel_loop3A_587 = vector.shape_cast %parallel_loop3A_586 : vector<1x16xf32> to vector<16xf32>
        %parallel_loop3A_588 = arith.addf %parallel_loop3A_564, %parallel_loop3A_587 : vector<16xf32>
        %parallel_loop3A_589 = arith.constant 58 : i32
        %parallel_loop3A_590 = arith.index_cast %parallel_loop3A_589 : i32 to index
        %parallel_loop3A_591 = arith.index_cast %parallel_loop3A_244 : i32 to index
        %parallel_loop3A_592 = tpu.vector_load %arg7[%parallel_loop3A_590, %parallel_loop3A_591] {strides = array<i32>} : memref<64x512xf32, #tpu.memory_space<vmem>>, vector<1x16xf32>,
        %parallel_loop3A_593 = vector.shape_cast %parallel_loop3A_592 : vector<1x16xf32> to vector<16xf32>
        %parallel_loop3A_594 = arith.addf %parallel_loop3A_570, %parallel_loop3A_593 : vector<16xf32>
        %parallel_loop3A_595 = arith.constant 59 : i32
        %parallel_loop3A_596 = arith.index_cast %parallel_loop3A_595 : i32 to index
        %parallel_loop3A_597 = arith.index_cast %parallel_loop3A_244 : i32 to index
        %parallel_loop3A_598 = tpu.vector_load %arg7[%parallel_loop3A_596, %parallel_loop3A_597] {strides = array<i32>} : memref<64x512xf32, #tpu.memory_space<vmem>>, vector<1x16xf32>,
        %parallel_loop3A_599 = vector.shape_cast %parallel_loop3A_598 : vector<1x16xf32> to vector<16xf32>
        %parallel_loop3A_600 = arith.addf %parallel_loop3A_576, %parallel_loop3A_599 : vector<16xf32>
        %parallel_loop3A_601 = arith.constant 60 : i32
        %parallel_loop3A_602 = arith.index_cast %parallel_loop3A_601 : i32 to index
        %parallel_loop3A_603 = arith.index_cast %parallel_loop3A_244 : i32 to index
        %parallel_loop3A_604 = tpu.vector_load %arg7[%parallel_loop3A_602, %parallel_loop3A_603] {strides = array<i32>} : memref<64x512xf32, #tpu.memory_space<vmem>>, vector<1x16xf32>,
        %parallel_loop3A_605 = vector.shape_cast %parallel_loop3A_604 : vector<1x16xf32> to vector<16xf32>
        %parallel_loop3A_606 = arith.addf %parallel_loop3A_582, %parallel_loop3A_605 : vector<16xf32>
        %parallel_loop3A_607 = arith.constant 61 : i32
        %parallel_loop3A_608 = arith.index_cast %parallel_loop3A_607 : i32 to index
        %parallel_loop3A_609 = arith.index_cast %parallel_loop3A_244 : i32 to index
        %parallel_loop3A_610 = tpu.vector_load %arg7[%parallel_loop3A_608, %parallel_loop3A_609] {strides = array<i32>} : memref<64x512xf32, #tpu.memory_space<vmem>>, vector<1x16xf32>,
        %parallel_loop3A_611 = vector.shape_cast %parallel_loop3A_610 : vector<1x16xf32> to vector<16xf32>
        %parallel_loop3A_612 = arith.addf %parallel_loop3A_588, %parallel_loop3A_611 : vector<16xf32>
        %parallel_loop3A_613 = arith.constant 62 : i32
        %parallel_loop3A_614 = arith.index_cast %parallel_loop3A_613 : i32 to index
        %parallel_loop3A_615 = arith.index_cast %parallel_loop3A_244 : i32 to index
        %parallel_loop3A_616 = tpu.vector_load %arg7[%parallel_loop3A_614, %parallel_loop3A_615] {strides = array<i32>} : memref<64x512xf32, #tpu.memory_space<vmem>>, vector<1x16xf32>,
        %parallel_loop3A_617 = vector.shape_cast %parallel_loop3A_616 : vector<1x16xf32> to vector<16xf32>
        %parallel_loop3A_618 = arith.addf %parallel_loop3A_594, %parallel_loop3A_617 : vector<16xf32>
        %parallel_loop3A_619 = arith.constant 63 : i32
        %parallel_loop3A_620 = arith.index_cast %parallel_loop3A_619 : i32 to index
        %parallel_loop3A_621 = arith.index_cast %parallel_loop3A_244 : i32 to index
        %parallel_loop3A_622 = tpu.vector_load %arg7[%parallel_loop3A_620, %parallel_loop3A_621] {strides = array<i32>} : memref<64x512xf32, #tpu.memory_space<vmem>>, vector<1x16xf32>,
        %parallel_loop3A_623 = vector.shape_cast %parallel_loop3A_622 : vector<1x16xf32> to vector<16xf32>
        %parallel_loop3A_624 = arith.addf %parallel_loop3A_600, %parallel_loop3A_623 : vector<16xf32>
        %parallel_loop3A_625 = arith.addf %parallel_loop3A_606, %parallel_loop3A_612 : vector<16xf32>
        %parallel_loop3A_626 = arith.addf %parallel_loop3A_618, %parallel_loop3A_624 : vector<16xf32>
        %parallel_loop3A_627 = arith.addf %parallel_loop3A_625, %parallel_loop3A_626 : vector<16xf32>
        %parallel_loop3A_628 = arith.index_cast %parallel_loop3A_244 : i32 to index
        %parallel_loop3A_629 = tpu.vector_load %arg8[%parallel_loop3A_628] {strides = array<i32>} : memref<512xf32, #tpu.memory_space<vmem>>, vector<16xf32>,
        %parallel_loop3A_630 = vector.shape_cast %parallel_loop3A_629 : vector<16xf32> to vector<16xf32>
        %parallel_loop3A_631 = vector.shape_cast %parallel_loop3A_627 : vector<16xf32> to vector<16xf32>
        tpu.vector_store %arg8[%parallel_loop3A_628], %parallel_loop3A_631 {add = true, strides = array<i32>} : memref<512xf32, #tpu.memory_space<vmem>>, vector<16xf32>,
      } {sc.loop_unroll_factor = 2 : i64, sc.parallel_access}
      %add3A_234 = arith.constant 3 : i32
      %add3A_235 = arith.addi %mul3A_211, %add3A_234 : i32
      %lt3A_236 = arith.constant 32 : i32
      %lt3A_237 = arith.cmpi slt, %add3A_235, %lt3A_236 : i32
      %convert_element_type3A_238 = arith.extui %lt3A_237 : i1 to i32
      %cond3A_239 = arith.constant 0 : i32
      %cond3A_240 = arith.cmpi ne, %convert_element_type3A_238, %cond3A_239 : i32
      scf.if %cond3A_240 {
        %add3A_241 = arith.constant 3 : i32
        %add3A_242 = arith.addi %mul3A_211, %add3A_241 : i32
        %dma_start3A_243 = arith.constant 0 : i32
        %dma_start3A_244 = tpu.memref_slice %arg5[%add3A_242, %dma_start3A_243] : memref<32x64xi32, #tpu.memory_space<vmem>> -> memref<1x64xi32, #tpu.memory_space<vmem>>
        %dma_start3A_245 = tpu.memref_squeeze %dma_start3A_244 : memref<1x64xi32, #tpu.memory_space<vmem>> -> memref<64xi32, #tpu.memory_space<vmem>>
        %dma_start3A_246 = arith.constant 0 : i32
        %dma_start3A_247 = arith.constant 0 : i32
        %dma_start3A_248 = tpu.memref_slice %arg3[%dma_start3A_246, %dma_start3A_247] : memref<131072x512xf32, #tpu.memory_space<hbm>> -> memref<131072x512xf32, #tpu.memory_space<hbm>>
        tpu.enqueue_indirect_dma source(%dma_start3A_248 : memref<131072x512xf32, #tpu.memory_space<hbm>>) target(%arg7 : memref<64x512xf32, #tpu.memory_space<vmem>>) offsets(%dma_start3A_245 : memref<64xi32, #tpu.memory_space<vmem>>) semaphore(%arg10 : memref<!tpu.dma_semaphore, #tpu.memory_space<semaphore_mem>>)
      } else {
      }
    }
    %scan3A_208 = arith.constant 16 : i32
    "tpu.region"() ({
      %run_scoped3A = tpu.sem_alloc : memref<!tpu.dma_semaphore, #tpu.memory_space<semaphore_mem>>
      %dma_start3A_209 = arith.constant 0 : i32
      %dma_start3A_210 = tpu.memref_slice %arg4[%add3A, %dma_start3A_209] : memref<32x512xf32, #tpu.memory_space<hbm>> -> memref<1x512xf32, #tpu.memory_space<hbm>>
      %dma_start3A_211 = tpu.memref_squeeze %dma_start3A_210 : memref<1x512xf32, #tpu.memory_space<hbm>> -> memref<512xf32, #tpu.memory_space<hbm>>
      %dma_start3A_212 = arith.constant 0 : i32
      %dma_start3A_213 = tpu.memref_slice %arg4[%add3A, %dma_start3A_212] : memref<32x512xf32, #tpu.memory_space<hbm>> -> memref<1x512xf32, #tpu.memory_space<hbm>>
      %dma_start3A_214 = tpu.memref_squeeze %dma_start3A_213 : memref<1x512xf32, #tpu.memory_space<hbm>> -> memref<512xf32, #tpu.memory_space<hbm>>
      tpu.enqueue_dma source(%arg8 : memref<512xf32, #tpu.memory_space<vmem>>) target(%dma_start3A_214 : memref<512xf32, #tpu.memory_space<hbm>>) target_semaphore(%run_scoped3A : memref<!tpu.dma_semaphore, #tpu.memory_space<semaphore_mem>>)
      %dma_wait3A = arith.constant 0 : i32
      %dma_wait3A_215 = tpu.memref_slice %arg4[%add3A, %dma_wait3A] : memref<32x512xf32, #tpu.memory_space<hbm>> -> memref<1x512xf32, #tpu.memory_space<hbm>>
      %dma_wait3A_216 = tpu.memref_squeeze %dma_wait3A_215 : memref<1x512xf32, #tpu.memory_space<hbm>> -> memref<512xf32, #tpu.memory_space<hbm>>
      %dma_wait3A_217 = arith.constant 0 : i32
      %dma_wait3A_218 = tpu.memref_slice %arg4[%add3A, %dma_wait3A_217] : memref<32x512xf32, #tpu.memory_space<hbm>> -> memref<1x512xf32, #tpu.memory_space<hbm>>
      %dma_wait3A_219 = tpu.memref_squeeze %dma_wait3A_218 : memref<1x512xf32, #tpu.memory_space<hbm>> -> memref<512xf32, #tpu.memory_space<hbm>>
      tpu.wait_dma2 semaphore(%run_scoped3A : memref<!tpu.dma_semaphore, #tpu.memory_space<semaphore_mem>>) src(%arg8 : memref<512xf32, #tpu.memory_space<vmem>>) dst(%dma_wait3A_219 : memref<512xf32, #tpu.memory_space<hbm>>)
      tpu.yield
    }) : () -> ()
    return
  }
}

module attributes {stable_mosaic.version = 14 : i64} {
  func.func @_router_body(%arg0: memref<16x2048xi32, #tpu.memory_space<vmem>>, %arg1: memref<16x512xf32, #tpu.memory_space<vmem>>, %arg2: memref<512x8xf32, #tpu.memory_space<vmem>>, %arg3: memref<32x2048xi32, #tpu.memory_space<vmem>>, %arg4: memref<32x1xi32, #tpu.memory_space<vmem>>, %arg5: memref<32x1xf32, #tpu.memory_space<vmem>>) attributes {dimension_semantics = [], scalar_prefetch = 0 : i64, scratch_operands = 0 : i64, tpu.core_type = #tpu.core_type<tc>} {
    %get3A = arith.constant 0 : index
    %get3A_0 = arith.constant 0 : index
    %get3A_1 = vector.load %arg1[%get3A, %get3A_0] : memref<16x512xf32, #tpu.memory_space<vmem>>, vector<16x512xf32>
    %get3A_2 = arith.constant 0 : index
    %get3A_3 = arith.constant 0 : index
    %get3A_4 = vector.load %arg2[%get3A_2, %get3A_3] : memref<512x8xf32, #tpu.memory_space<vmem>>, vector<512x8xf32>
    %dot_general3A = arith.constant dense<0.000000e+00> : vector<16x8xf32>
    %dot_general3A_5 = tpu.matmul %get3A_1, %get3A_4, %dot_general3A {dimension_numbers = #tpu.dot_dimension_numbers<[1], [0], [0], [1], [0, 0, 1, 1], [], []>, transpose_lhs_hint = false} : vector<16x512xf32>, vector<512x8xf32>, vector<16x8xf32> -> vector<16x8xf32>
    %iota3A = tpu.iota {dimensions = array<i32: 1>} : vector<16x8xi32>
    %reduce_max3A = arith.constant dense<0xFF800000> : vector<16xf32>
    %reduce_max3A_6 = vector.multi_reduction <maximumf>, %dot_general3A_5, %reduce_max3A [1] : vector<16x8xf32> to vector<16xf32>
    %broadcast_in_dim3A = vector.shape_cast %reduce_max3A_6 : vector<16xf32> to vector<16x1xf32>
    %eq3A = vector.broadcast %broadcast_in_dim3A : vector<16x1xf32> to vector<16x8xf32>
    %eq3A_7 = arith.cmpf oeq, %dot_general3A_5, %eq3A : vector<16x8xf32>
    %jit3A = arith.constant 8 : i32
    %broadcast_in_dim3A_8 = vector.broadcast %jit3A : i32 to vector<16x8xi32>
    %select_n3A = arith.select %eq3A_7, %iota3A, %broadcast_in_dim3A_8 : vector<16x8xi1>, vector<16x8xi32>
    %reduce_min3A = arith.constant dense<2147483647> : vector<16xi32>
    %reduce_min3A_9 = vector.multi_reduction <minsi>, %select_n3A, %reduce_min3A [1] : vector<16x8xi32> to vector<16xi32>
    %broadcast_in_dim3A_10 = vector.shape_cast %reduce_min3A_9 : vector<16xi32> to vector<16x1xi32>
    %eq3A_11 = vector.broadcast %broadcast_in_dim3A_10 : vector<16x1xi32> to vector<16x8xi32>
    %eq3A_12 = arith.cmpi eq, %iota3A, %eq3A_11 : vector<16x8xi32>
    %jit3A_13 = arith.constant 0xFF800000 : f32
    %broadcast_in_dim3A_14 = vector.broadcast %jit3A_13 : f32 to vector<16x8xf32>
    %select_n3A_15 = arith.select %eq3A_12, %broadcast_in_dim3A_14, %dot_general3A_5 : vector<16x8xi1>, vector<16x8xf32>
    %reduce_max3A_16 = arith.constant dense<0xFF800000> : vector<16xf32>
    %reduce_max3A_17 = vector.multi_reduction <maximumf>, %select_n3A_15, %reduce_max3A_16 [1] : vector<16x8xf32> to vector<16xf32>
    %broadcast_in_dim3A_18 = vector.shape_cast %reduce_max3A_17 : vector<16xf32> to vector<16x1xf32>
    %eq3A_19 = vector.broadcast %broadcast_in_dim3A_18 : vector<16x1xf32> to vector<16x8xf32>
    %eq3A_20 = arith.cmpf oeq, %select_n3A_15, %eq3A_19 : vector<16x8xf32>
    %jit3A_21 = arith.constant 8 : i32
    %broadcast_in_dim3A_22 = vector.broadcast %jit3A_21 : i32 to vector<16x8xi32>
    %select_n3A_23 = arith.select %eq3A_20, %iota3A, %broadcast_in_dim3A_22 : vector<16x8xi1>, vector<16x8xi32>
    %reduce_min3A_24 = arith.constant dense<2147483647> : vector<16xi32>
    %reduce_min3A_25 = vector.multi_reduction <minsi>, %select_n3A_23, %reduce_min3A_24 [1] : vector<16x8xi32> to vector<16xi32>
    %broadcast_in_dim3A_26 = vector.shape_cast %reduce_min3A_25 : vector<16xi32> to vector<16x1xi32>
    %sub3A = arith.subf %broadcast_in_dim3A_18, %broadcast_in_dim3A : vector<16x1xf32>
    %exp3A = math.exp %sub3A : vector<16x1xf32>
    %add3A = arith.constant 1.000000e+00 : f32
    %add3A_27 = vector.broadcast %add3A : f32 to vector<16x1xf32>
    %add3A_28 = arith.addf %add3A_27, %exp3A : vector<16x1xf32>
    %div3A = arith.constant 1.000000e+00 : f32
    %div3A_29 = vector.broadcast %div3A : f32 to vector<16x1xf32>
    %div3A_30 = arith.divf %div3A_29, %add3A_28 : vector<16x1xf32>
    %swap3A = arith.constant 0 : index
    %swap3A_31 = arith.constant 0 : index
    %swap3A_32 = vector.load %arg4[%swap3A, %swap3A_31] : memref<32x1xi32, #tpu.memory_space<vmem>>, vector<16x1xi32>
    tpu.vector_store %arg4[%swap3A, %swap3A_31], %broadcast_in_dim3A_10 {strides = array<i32>} : memref<32x1xi32, #tpu.memory_space<vmem>>, vector<16x1xi32>,
    %swap3A_33 = arith.constant 16 : index
    %swap3A_34 = arith.constant 0 : index
    %swap3A_35 = vector.load %arg4[%swap3A_33, %swap3A_34] : memref<32x1xi32, #tpu.memory_space<vmem>>, vector<16x1xi32>
    tpu.vector_store %arg4[%swap3A_33, %swap3A_34], %broadcast_in_dim3A_26 {strides = array<i32>} : memref<32x1xi32, #tpu.memory_space<vmem>>, vector<16x1xi32>,
    %swap3A_36 = arith.constant 0 : index
    %swap3A_37 = arith.constant 0 : index
    %swap3A_38 = vector.load %arg5[%swap3A_36, %swap3A_37] : memref<32x1xf32, #tpu.memory_space<vmem>>, vector<16x1xf32>
    tpu.vector_store %arg5[%swap3A_36, %swap3A_37], %div3A_30 {strides = array<i32>} : memref<32x1xf32, #tpu.memory_space<vmem>>, vector<16x1xf32>,
    %sub3A_39 = arith.constant 1.000000e+00 : f32
    %sub3A_40 = vector.broadcast %sub3A_39 : f32 to vector<16x1xf32>
    %sub3A_41 = arith.subf %sub3A_40, %div3A_30 : vector<16x1xf32>
    %swap3A_42 = arith.constant 16 : index
    %swap3A_43 = arith.constant 0 : index
    %swap3A_44 = vector.load %arg5[%swap3A_42, %swap3A_43] : memref<32x1xf32, #tpu.memory_space<vmem>>, vector<16x1xf32>
    tpu.vector_store %arg5[%swap3A_42, %swap3A_43], %sub3A_41 {strides = array<i32>} : memref<32x1xf32, #tpu.memory_space<vmem>>, vector<16x1xf32>,
    %get3A_45 = arith.constant 0 : index
    %get3A_46 = arith.constant 0 : index
    %get3A_47 = vector.load %arg0[%get3A_45, %get3A_46] : memref<16x2048xi32, #tpu.memory_space<vmem>>, vector<16x2048xi32>
    %mul3A = arith.constant 16384 : i32
    %mul3A_48 = vector.broadcast %mul3A : i32 to vector<16x1xi32>
    %mul3A_49 = arith.muli %broadcast_in_dim3A_10, %mul3A_48 : vector<16x1xi32>
    %add3A_50 = vector.broadcast %mul3A_49 : vector<16x1xi32> to vector<16x2048xi32>
    %add3A_51 = arith.addi %get3A_47, %add3A_50 : vector<16x2048xi32>
    %swap3A_52 = arith.constant 0 : index
    %swap3A_53 = arith.constant 0 : index
    %swap3A_54 = vector.load %arg3[%swap3A_52, %swap3A_53] : memref<32x2048xi32, #tpu.memory_space<vmem>>, vector<16x2048xi32>
    tpu.vector_store %arg3[%swap3A_52, %swap3A_53], %add3A_51 {strides = array<i32>} : memref<32x2048xi32, #tpu.memory_space<vmem>>, vector<16x2048xi32>,
    %mul3A_55 = arith.constant 16384 : i32
    %mul3A_56 = vector.broadcast %mul3A_55 : i32 to vector<16x1xi32>
    %mul3A_57 = arith.muli %broadcast_in_dim3A_26, %mul3A_56 : vector<16x1xi32>
    %add3A_58 = vector.broadcast %mul3A_57 : vector<16x1xi32> to vector<16x2048xi32>
    %add3A_59 = arith.addi %get3A_47, %add3A_58 : vector<16x2048xi32>
    %swap3A_60 = arith.constant 16 : index
    %swap3A_61 = arith.constant 0 : index
    %swap3A_62 = vector.load %arg3[%swap3A_60, %swap3A_61] : memref<32x2048xi32, #tpu.memory_space<vmem>>, vector<16x2048xi32>
    tpu.vector_store %arg3[%swap3A_60, %swap3A_61], %add3A_59 {strides = array<i32>} : memref<32x2048xi32, #tpu.memory_space<vmem>>, vector<16x2048xi32>,
    return
  }
}

module attributes {stable_mosaic.version = 14 : i64} {
  func.func @_combine_body(%arg0: memref<32x512xf32, #tpu.memory_space<vmem>>, %arg1: memref<32x1xi32, #tpu.memory_space<vmem>>, %arg2: memref<32x1xf32, #tpu.memory_space<vmem>>, %arg3: memref<8x512x8xf32, #tpu.memory_space<vmem>>, %arg4: memref<8x8x512xf32, #tpu.memory_space<vmem>>, %arg5: memref<16x512xf32, #tpu.memory_space<vmem>>) attributes {dimension_semantics = [], scalar_prefetch = 0 : i64, scratch_operands = 0 : i64, tpu.core_type = #tpu.core_type<tc>} {
    %get3A = arith.constant 0 : index
    %get3A_0 = arith.constant 0 : index
    %get3A_1 = vector.load %arg0[%get3A, %get3A_0] : memref<32x512xf32, #tpu.memory_space<vmem>>, vector<32x512xf32>
    %mul3A = arith.constant 4.8828125E-4 : f32
    %mul3A_2 = vector.broadcast %mul3A : f32 to vector<32x512xf32>
    %mul3A_3 = arith.mulf %get3A_1, %mul3A_2 : vector<32x512xf32>
    %get3A_4 = arith.constant 0 : index
    %get3A_5 = arith.constant 0 : index
    %get3A_6 = vector.load %arg1[%get3A_4, %get3A_5] : memref<32x1xi32, #tpu.memory_space<vmem>>, vector<32x1xi32>
    %broadcast_in_dim3A = arith.constant 0.000000e+00 : f32
    %broadcast_in_dim3A_7 = vector.broadcast %broadcast_in_dim3A : f32 to vector<32x512xf32>
    %eq3A = arith.constant 0 : i32
    %eq3A_8 = vector.broadcast %eq3A : i32 to vector<32x1xi32>
    %eq3A_9 = arith.cmpi eq, %get3A_6, %eq3A_8 : vector<32x1xi32>
    %convert_element_type3A = arith.extui %eq3A_9 : vector<32x1xi1> to vector<32x1xi32>
    %convert_element_type3A_10 = arith.sitofp %convert_element_type3A : vector<32x1xi32> to vector<32x1xf32>
    %get3A_11 = arith.constant 0 : index
    %get3A_12 = arith.constant 0 : index
    %get3A_13 = arith.constant 0 : index
    %get3A_14 = vector.load %arg3[%get3A_11, %get3A_12, %get3A_13] : memref<8x512x8xf32, #tpu.memory_space<vmem>>, vector<1x512x8xf32>
    %get3A_15 = vector.shape_cast %get3A_14 : vector<1x512x8xf32> to vector<512x8xf32>
    %dot_general3A = arith.constant dense<0.000000e+00> : vector<32x8xf32>
    %dot_general3A_16 = tpu.matmul %mul3A_3, %get3A_15, %dot_general3A {dimension_numbers = #tpu.dot_dimension_numbers<[1], [0], [0], [1], [0, 0, 1, 1], [], []>, transpose_lhs_hint = false} : vector<32x512xf32>, vector<512x8xf32>, vector<32x8xf32> -> vector<32x8xf32>
    %mul3A_17 = vector.broadcast %convert_element_type3A_10 : vector<32x1xf32> to vector<32x8xf32>
    %mul3A_18 = arith.mulf %dot_general3A_16, %mul3A_17 : vector<32x8xf32>
    %get3A_19 = arith.constant 0 : index
    %get3A_20 = arith.constant 0 : index
    %get3A_21 = arith.constant 0 : index
    %get3A_22 = vector.load %arg4[%get3A_19, %get3A_20, %get3A_21] : memref<8x8x512xf32, #tpu.memory_space<vmem>>, vector<1x8x512xf32>
    %get3A_23 = vector.shape_cast %get3A_22 : vector<1x8x512xf32> to vector<8x512xf32>
    %dot_general3A_24 = arith.constant dense<0.000000e+00> : vector<32x512xf32>
    %dot_general3A_25 = tpu.matmul %mul3A_18, %get3A_23, %dot_general3A_24 {dimension_numbers = #tpu.dot_dimension_numbers<[1], [0], [0], [1], [0, 0, 1, 1], [], []>, transpose_lhs_hint = false} : vector<32x8xf32>, vector<8x512xf32>, vector<32x512xf32> -> vector<32x512xf32>
    %add3A = arith.addf %broadcast_in_dim3A_7, %dot_general3A_25 : vector<32x512xf32>
    %eq3A_26 = arith.constant 1 : i32
    %eq3A_27 = vector.broadcast %eq3A_26 : i32 to vector<32x1xi32>
    %eq3A_28 = arith.cmpi eq, %get3A_6, %eq3A_27 : vector<32x1xi32>
    %convert_element_type3A_29 = arith.extui %eq3A_28 : vector<32x1xi1> to vector<32x1xi32>
    %convert_element_type3A_30 = arith.sitofp %convert_element_type3A_29 : vector<32x1xi32> to vector<32x1xf32>
    %get3A_31 = arith.constant 1 : index
    %get3A_32 = arith.constant 0 : index
    %get3A_33 = arith.constant 0 : index
    %get3A_34 = vector.load %arg3[%get3A_31, %get3A_32, %get3A_33] : memref<8x512x8xf32, #tpu.memory_space<vmem>>, vector<1x512x8xf32>
    %get3A_35 = vector.shape_cast %get3A_34 : vector<1x512x8xf32> to vector<512x8xf32>
    %dot_general3A_36 = arith.constant dense<0.000000e+00> : vector<32x8xf32>
    %dot_general3A_37 = tpu.matmul %mul3A_3, %get3A_35, %dot_general3A_36 {dimension_numbers = #tpu.dot_dimension_numbers<[1], [0], [0], [1], [0, 0, 1, 1], [], []>, transpose_lhs_hint = false} : vector<32x512xf32>, vector<512x8xf32>, vector<32x8xf32> -> vector<32x8xf32>
    %mul3A_38 = vector.broadcast %convert_element_type3A_30 : vector<32x1xf32> to vector<32x8xf32>
    %mul3A_39 = arith.mulf %dot_general3A_37, %mul3A_38 : vector<32x8xf32>
    %get3A_40 = arith.constant 1 : index
    %get3A_41 = arith.constant 0 : index
    %get3A_42 = arith.constant 0 : index
    %get3A_43 = vector.load %arg4[%get3A_40, %get3A_41, %get3A_42] : memref<8x8x512xf32, #tpu.memory_space<vmem>>, vector<1x8x512xf32>
    %get3A_44 = vector.shape_cast %get3A_43 : vector<1x8x512xf32> to vector<8x512xf32>
    %dot_general3A_45 = arith.constant dense<0.000000e+00> : vector<32x512xf32>
    %dot_general3A_46 = tpu.matmul %mul3A_39, %get3A_44, %dot_general3A_45 {dimension_numbers = #tpu.dot_dimension_numbers<[1], [0], [0], [1], [0, 0, 1, 1], [], []>, transpose_lhs_hint = false} : vector<32x8xf32>, vector<8x512xf32>, vector<32x512xf32> -> vector<32x512xf32>
    %add3A_47 = arith.addf %add3A, %dot_general3A_46 : vector<32x512xf32>
    %eq3A_48 = arith.constant 2 : i32
    %eq3A_49 = vector.broadcast %eq3A_48 : i32 to vector<32x1xi32>
    %eq3A_50 = arith.cmpi eq, %get3A_6, %eq3A_49 : vector<32x1xi32>
    %convert_element_type3A_51 = arith.extui %eq3A_50 : vector<32x1xi1> to vector<32x1xi32>
    %convert_element_type3A_52 = arith.sitofp %convert_element_type3A_51 : vector<32x1xi32> to vector<32x1xf32>
    %get3A_53 = arith.constant 2 : index
    %get3A_54 = arith.constant 0 : index
    %get3A_55 = arith.constant 0 : index
    %get3A_56 = vector.load %arg3[%get3A_53, %get3A_54, %get3A_55] : memref<8x512x8xf32, #tpu.memory_space<vmem>>, vector<1x512x8xf32>
    %get3A_57 = vector.shape_cast %get3A_56 : vector<1x512x8xf32> to vector<512x8xf32>
    %dot_general3A_58 = arith.constant dense<0.000000e+00> : vector<32x8xf32>
    %dot_general3A_59 = tpu.matmul %mul3A_3, %get3A_57, %dot_general3A_58 {dimension_numbers = #tpu.dot_dimension_numbers<[1], [0], [0], [1], [0, 0, 1, 1], [], []>, transpose_lhs_hint = false} : vector<32x512xf32>, vector<512x8xf32>, vector<32x8xf32> -> vector<32x8xf32>
    %mul3A_60 = vector.broadcast %convert_element_type3A_52 : vector<32x1xf32> to vector<32x8xf32>
    %mul3A_61 = arith.mulf %dot_general3A_59, %mul3A_60 : vector<32x8xf32>
    %get3A_62 = arith.constant 2 : index
    %get3A_63 = arith.constant 0 : index
    %get3A_64 = arith.constant 0 : index
    %get3A_65 = vector.load %arg4[%get3A_62, %get3A_63, %get3A_64] : memref<8x8x512xf32, #tpu.memory_space<vmem>>, vector<1x8x512xf32>
    %get3A_66 = vector.shape_cast %get3A_65 : vector<1x8x512xf32> to vector<8x512xf32>
    %dot_general3A_67 = arith.constant dense<0.000000e+00> : vector<32x512xf32>
    %dot_general3A_68 = tpu.matmul %mul3A_61, %get3A_66, %dot_general3A_67 {dimension_numbers = #tpu.dot_dimension_numbers<[1], [0], [0], [1], [0, 0, 1, 1], [], []>, transpose_lhs_hint = false} : vector<32x8xf32>, vector<8x512xf32>, vector<32x512xf32> -> vector<32x512xf32>
    %add3A_69 = arith.addf %add3A_47, %dot_general3A_68 : vector<32x512xf32>
    %eq3A_70 = arith.constant 3 : i32
    %eq3A_71 = vector.broadcast %eq3A_70 : i32 to vector<32x1xi32>
    %eq3A_72 = arith.cmpi eq, %get3A_6, %eq3A_71 : vector<32x1xi32>
    %convert_element_type3A_73 = arith.extui %eq3A_72 : vector<32x1xi1> to vector<32x1xi32>
    %convert_element_type3A_74 = arith.sitofp %convert_element_type3A_73 : vector<32x1xi32> to vector<32x1xf32>
    %get3A_75 = arith.constant 3 : index
    %get3A_76 = arith.constant 0 : index
    %get3A_77 = arith.constant 0 : index
    %get3A_78 = vector.load %arg3[%get3A_75, %get3A_76, %get3A_77] : memref<8x512x8xf32, #tpu.memory_space<vmem>>, vector<1x512x8xf32>
    %get3A_79 = vector.shape_cast %get3A_78 : vector<1x512x8xf32> to vector<512x8xf32>
    %dot_general3A_80 = arith.constant dense<0.000000e+00> : vector<32x8xf32>
    %dot_general3A_81 = tpu.matmul %mul3A_3, %get3A_79, %dot_general3A_80 {dimension_numbers = #tpu.dot_dimension_numbers<[1], [0], [0], [1], [0, 0, 1, 1], [], []>, transpose_lhs_hint = false} : vector<32x512xf32>, vector<512x8xf32>, vector<32x8xf32> -> vector<32x8xf32>
    %mul3A_82 = vector.broadcast %convert_element_type3A_74 : vector<32x1xf32> to vector<32x8xf32>
    %mul3A_83 = arith.mulf %dot_general3A_81, %mul3A_82 : vector<32x8xf32>
    %get3A_84 = arith.constant 3 : index
    %get3A_85 = arith.constant 0 : index
    %get3A_86 = arith.constant 0 : index
    %get3A_87 = vector.load %arg4[%get3A_84, %get3A_85, %get3A_86] : memref<8x8x512xf32, #tpu.memory_space<vmem>>, vector<1x8x512xf32>
    %get3A_88 = vector.shape_cast %get3A_87 : vector<1x8x512xf32> to vector<8x512xf32>
    %dot_general3A_89 = arith.constant dense<0.000000e+00> : vector<32x512xf32>
    %dot_general3A_90 = tpu.matmul %mul3A_83, %get3A_88, %dot_general3A_89 {dimension_numbers = #tpu.dot_dimension_numbers<[1], [0], [0], [1], [0, 0, 1, 1], [], []>, transpose_lhs_hint = false} : vector<32x8xf32>, vector<8x512xf32>, vector<32x512xf32> -> vector<32x512xf32>
    %add3A_91 = arith.addf %add3A_69, %dot_general3A_90 : vector<32x512xf32>
    %eq3A_92 = arith.constant 4 : i32
    %eq3A_93 = vector.broadcast %eq3A_92 : i32 to vector<32x1xi32>
    %eq3A_94 = arith.cmpi eq, %get3A_6, %eq3A_93 : vector<32x1xi32>
    %convert_element_type3A_95 = arith.extui %eq3A_94 : vector<32x1xi1> to vector<32x1xi32>
    %convert_element_type3A_96 = arith.sitofp %convert_element_type3A_95 : vector<32x1xi32> to vector<32x1xf32>
    %get3A_97 = arith.constant 4 : index
    %get3A_98 = arith.constant 0 : index
    %get3A_99 = arith.constant 0 : index
    %get3A_100 = vector.load %arg3[%get3A_97, %get3A_98, %get3A_99] : memref<8x512x8xf32, #tpu.memory_space<vmem>>, vector<1x512x8xf32>
    %get3A_101 = vector.shape_cast %get3A_100 : vector<1x512x8xf32> to vector<512x8xf32>
    %dot_general3A_102 = arith.constant dense<0.000000e+00> : vector<32x8xf32>
    %dot_general3A_103 = tpu.matmul %mul3A_3, %get3A_101, %dot_general3A_102 {dimension_numbers = #tpu.dot_dimension_numbers<[1], [0], [0], [1], [0, 0, 1, 1], [], []>, transpose_lhs_hint = false} : vector<32x512xf32>, vector<512x8xf32>, vector<32x8xf32> -> vector<32x8xf32>
    %mul3A_104 = vector.broadcast %convert_element_type3A_96 : vector<32x1xf32> to vector<32x8xf32>
    %mul3A_105 = arith.mulf %dot_general3A_103, %mul3A_104 : vector<32x8xf32>
    %get3A_106 = arith.constant 4 : index
    %get3A_107 = arith.constant 0 : index
    %get3A_108 = arith.constant 0 : index
    %get3A_109 = vector.load %arg4[%get3A_106, %get3A_107, %get3A_108] : memref<8x8x512xf32, #tpu.memory_space<vmem>>, vector<1x8x512xf32>
    %get3A_110 = vector.shape_cast %get3A_109 : vector<1x8x512xf32> to vector<8x512xf32>
    %dot_general3A_111 = arith.constant dense<0.000000e+00> : vector<32x512xf32>
    %dot_general3A_112 = tpu.matmul %mul3A_105, %get3A_110, %dot_general3A_111 {dimension_numbers = #tpu.dot_dimension_numbers<[1], [0], [0], [1], [0, 0, 1, 1], [], []>, transpose_lhs_hint = false} : vector<32x8xf32>, vector<8x512xf32>, vector<32x512xf32> -> vector<32x512xf32>
    %add3A_113 = arith.addf %add3A_91, %dot_general3A_112 : vector<32x512xf32>
    %eq3A_114 = arith.constant 5 : i32
    %eq3A_115 = vector.broadcast %eq3A_114 : i32 to vector<32x1xi32>
    %eq3A_116 = arith.cmpi eq, %get3A_6, %eq3A_115 : vector<32x1xi32>
    %convert_element_type3A_117 = arith.extui %eq3A_116 : vector<32x1xi1> to vector<32x1xi32>
    %convert_element_type3A_118 = arith.sitofp %convert_element_type3A_117 : vector<32x1xi32> to vector<32x1xf32>
    %get3A_119 = arith.constant 5 : index
    %get3A_120 = arith.constant 0 : index
    %get3A_121 = arith.constant 0 : index
    %get3A_122 = vector.load %arg3[%get3A_119, %get3A_120, %get3A_121] : memref<8x512x8xf32, #tpu.memory_space<vmem>>, vector<1x512x8xf32>
    %get3A_123 = vector.shape_cast %get3A_122 : vector<1x512x8xf32> to vector<512x8xf32>
    %dot_general3A_124 = arith.constant dense<0.000000e+00> : vector<32x8xf32>
    %dot_general3A_125 = tpu.matmul %mul3A_3, %get3A_123, %dot_general3A_124 {dimension_numbers = #tpu.dot_dimension_numbers<[1], [0], [0], [1], [0, 0, 1, 1], [], []>, transpose_lhs_hint = false} : vector<32x512xf32>, vector<512x8xf32>, vector<32x8xf32> -> vector<32x8xf32>
    %mul3A_126 = vector.broadcast %convert_element_type3A_118 : vector<32x1xf32> to vector<32x8xf32>
    %mul3A_127 = arith.mulf %dot_general3A_125, %mul3A_126 : vector<32x8xf32>
    %get3A_128 = arith.constant 5 : index
    %get3A_129 = arith.constant 0 : index
    %get3A_130 = arith.constant 0 : index
    %get3A_131 = vector.load %arg4[%get3A_128, %get3A_129, %get3A_130] : memref<8x8x512xf32, #tpu.memory_space<vmem>>, vector<1x8x512xf32>
    %get3A_132 = vector.shape_cast %get3A_131 : vector<1x8x512xf32> to vector<8x512xf32>
    %dot_general3A_133 = arith.constant dense<0.000000e+00> : vector<32x512xf32>
    %dot_general3A_134 = tpu.matmul %mul3A_127, %get3A_132, %dot_general3A_133 {dimension_numbers = #tpu.dot_dimension_numbers<[1], [0], [0], [1], [0, 0, 1, 1], [], []>, transpose_lhs_hint = false} : vector<32x8xf32>, vector<8x512xf32>, vector<32x512xf32> -> vector<32x512xf32>
    %add3A_135 = arith.addf %add3A_113, %dot_general3A_134 : vector<32x512xf32>
    %eq3A_136 = arith.constant 6 : i32
    %eq3A_137 = vector.broadcast %eq3A_136 : i32 to vector<32x1xi32>
    %eq3A_138 = arith.cmpi eq, %get3A_6, %eq3A_137 : vector<32x1xi32>
    %convert_element_type3A_139 = arith.extui %eq3A_138 : vector<32x1xi1> to vector<32x1xi32>
    %convert_element_type3A_140 = arith.sitofp %convert_element_type3A_139 : vector<32x1xi32> to vector<32x1xf32>
    %get3A_141 = arith.constant 6 : index
    %get3A_142 = arith.constant 0 : index
    %get3A_143 = arith.constant 0 : index
    %get3A_144 = vector.load %arg3[%get3A_141, %get3A_142, %get3A_143] : memref<8x512x8xf32, #tpu.memory_space<vmem>>, vector<1x512x8xf32>
    %get3A_145 = vector.shape_cast %get3A_144 : vector<1x512x8xf32> to vector<512x8xf32>
    %dot_general3A_146 = arith.constant dense<0.000000e+00> : vector<32x8xf32>
    %dot_general3A_147 = tpu.matmul %mul3A_3, %get3A_145, %dot_general3A_146 {dimension_numbers = #tpu.dot_dimension_numbers<[1], [0], [0], [1], [0, 0, 1, 1], [], []>, transpose_lhs_hint = false} : vector<32x512xf32>, vector<512x8xf32>, vector<32x8xf32> -> vector<32x8xf32>
    %mul3A_148 = vector.broadcast %convert_element_type3A_140 : vector<32x1xf32> to vector<32x8xf32>
    %mul3A_149 = arith.mulf %dot_general3A_147, %mul3A_148 : vector<32x8xf32>
    %get3A_150 = arith.constant 6 : index
    %get3A_151 = arith.constant 0 : index
    %get3A_152 = arith.constant 0 : index
    %get3A_153 = vector.load %arg4[%get3A_150, %get3A_151, %get3A_152] : memref<8x8x512xf32, #tpu.memory_space<vmem>>, vector<1x8x512xf32>
    %get3A_154 = vector.shape_cast %get3A_153 : vector<1x8x512xf32> to vector<8x512xf32>
    %dot_general3A_155 = arith.constant dense<0.000000e+00> : vector<32x512xf32>
    %dot_general3A_156 = tpu.matmul %mul3A_149, %get3A_154, %dot_general3A_155 {dimension_numbers = #tpu.dot_dimension_numbers<[1], [0], [0], [1], [0, 0, 1, 1], [], []>, transpose_lhs_hint = false} : vector<32x8xf32>, vector<8x512xf32>, vector<32x512xf32> -> vector<32x512xf32>
    %add3A_157 = arith.addf %add3A_135, %dot_general3A_156 : vector<32x512xf32>
    %eq3A_158 = arith.constant 7 : i32
    %eq3A_159 = vector.broadcast %eq3A_158 : i32 to vector<32x1xi32>
    %eq3A_160 = arith.cmpi eq, %get3A_6, %eq3A_159 : vector<32x1xi32>
    %convert_element_type3A_161 = arith.extui %eq3A_160 : vector<32x1xi1> to vector<32x1xi32>
    %convert_element_type3A_162 = arith.sitofp %convert_element_type3A_161 : vector<32x1xi32> to vector<32x1xf32>
    %get3A_163 = arith.constant 7 : index
    %get3A_164 = arith.constant 0 : index
    %get3A_165 = arith.constant 0 : index
    %get3A_166 = vector.load %arg3[%get3A_163, %get3A_164, %get3A_165] : memref<8x512x8xf32, #tpu.memory_space<vmem>>, vector<1x512x8xf32>
    %get3A_167 = vector.shape_cast %get3A_166 : vector<1x512x8xf32> to vector<512x8xf32>
    %dot_general3A_168 = arith.constant dense<0.000000e+00> : vector<32x8xf32>
    %dot_general3A_169 = tpu.matmul %mul3A_3, %get3A_167, %dot_general3A_168 {dimension_numbers = #tpu.dot_dimension_numbers<[1], [0], [0], [1], [0, 0, 1, 1], [], []>, transpose_lhs_hint = false} : vector<32x512xf32>, vector<512x8xf32>, vector<32x8xf32> -> vector<32x8xf32>
    %mul3A_170 = vector.broadcast %convert_element_type3A_162 : vector<32x1xf32> to vector<32x8xf32>
    %mul3A_171 = arith.mulf %dot_general3A_169, %mul3A_170 : vector<32x8xf32>
    %get3A_172 = arith.constant 7 : index
    %get3A_173 = arith.constant 0 : index
    %get3A_174 = arith.constant 0 : index
    %get3A_175 = vector.load %arg4[%get3A_172, %get3A_173, %get3A_174] : memref<8x8x512xf32, #tpu.memory_space<vmem>>, vector<1x8x512xf32>
    %get3A_176 = vector.shape_cast %get3A_175 : vector<1x8x512xf32> to vector<8x512xf32>
    %dot_general3A_177 = arith.constant dense<0.000000e+00> : vector<32x512xf32>
    %dot_general3A_178 = tpu.matmul %mul3A_171, %get3A_176, %dot_general3A_177 {dimension_numbers = #tpu.dot_dimension_numbers<[1], [0], [0], [1], [0, 0, 1, 1], [], []>, transpose_lhs_hint = false} : vector<32x8xf32>, vector<8x512xf32>, vector<32x512xf32> -> vector<32x512xf32>
    %add3A_179 = arith.addf %add3A_157, %dot_general3A_178 : vector<32x512xf32>
    %add3A_180 = arith.addf %mul3A_3, %add3A_179 : vector<32x512xf32>
    %get3A_181 = arith.constant 0 : index
    %get3A_182 = arith.constant 0 : index
    %get3A_183 = vector.load %arg2[%get3A_181, %get3A_182] : memref<32x1xf32, #tpu.memory_space<vmem>>, vector<32x1xf32>
    %mul3A_184 = vector.broadcast %get3A_183 : vector<32x1xf32> to vector<32x512xf32>
    %mul3A_185 = arith.mulf %add3A_180, %mul3A_184 : vector<32x512xf32>
    %slice3A = vector.extract_strided_slice %mul3A_185 {offsets = [0, 0], sizes = [16, 512], strides = [1, 1]} : vector<32x512xf32> to vector<16x512xf32>
    %slice3A_186 = vector.extract_strided_slice %mul3A_185 {offsets = [16, 0], sizes = [16, 512], strides = [1, 1]} : vector<32x512xf32> to vector<16x512xf32>
    %add3A_187 = arith.addf %slice3A, %slice3A_186 : vector<16x512xf32>
    %swap3A = arith.constant 0 : index
    %swap3A_188 = arith.constant 0 : index
    %swap3A_189 = vector.load %arg5[%swap3A, %swap3A_188] : memref<16x512xf32, #tpu.memory_space<vmem>>, vector<16x512xf32>
    tpu.vector_store %arg5[%swap3A, %swap3A_188], %add3A_187 {strides = array<i32>} : memref<16x512xf32, #tpu.memory_space<vmem>>, vector<16x512xf32>,
    return
  }
}

</mosaic_0001>

<sc_bundles>
// kernel: kernel.5.cloned.1.call-start
scs
__scs_entry_jumppad:
0x0: {  	(pc) =	sbr.rel $0x88, $3  }
0x1: {  	(tag) =	ssettag $0x0;
	lr =	simm.s32 $0x1  }
0x2: {  	[smem:$0x3F9B] =	sst lr;
	_ =	strace $0xD0000000  }
0x3: {  	_ = 	snop  }
0x4: {  	_ = 	snop  }
0x5: {  	_ = 	snop  }
0x6: {  	_ = 	snop  }
0x7: {  	_ = 	snop  }
__scs_overlays_trampoline_lowered:
0x8: {  	[smem:$0x3FAA] =	sst s0  }
0x9: {  	[smem:$0x3FAB] =	sst s1  }
0xa: {  	[smem:$0x3FAC] =	sst s2  }
0xb: {  	[smem:$0x3FAD] =	sst s3  }
0xc: {  	[smem:$0x3FAE] =	sst s4  }
0xd: {  	[smem:$0x3FAF] =	sst s5  }
0xe: {  	[smem:$0x3FB0] =	sst s6  }
0xf: {  	[smem:$0x3FB1] =	sst s7  }
0x10: {  	[smem:$0x3FB2] =	sst s8  }
0x11: {  	[smem:$0x3FB3] =	sst s9;
	s0 =	simm.s32 @!p0 $0x0  }
0x12: {  	s1 =	sld [smem:$0x3F99];
	s0 =	simm.s32 @p0 $0x1  }
0x13: {  	[smem:$0x3FB4] =	sst s0;
	s0 =	simm.s32 @!p1 $0x0  }
0x14: {  	s2 =	sld [smem:$0x3F98];
	s0 =	simm.s32 @p1 $0x1  }
0x15: {  	[smem:$0x3FB5] =	sst s0;
	s0 =	simm.s32 @!p2 $0x0  }
0x16: {  	s3 =	sld [smem:$0x3FDB];
	s0 =	simm.s32 @p2 $0x1  }
0x17: {  	s4 =	simm.s32 $0x1BF5;
	[smem:$0x3FB7] =	sst s0  }
0x18: {  	s0 =	sld [smem:$0x3F9A];
	_ =	swait.ge [sflag:s4], $0x0  }
0x19: {  	s7 =	sld [smem:$0x3F9B]  }
0x1a: {  	s8 =	sadd.s32 $0xFFFFE003, lr  }
0x1b: {  	s9 =	sadd.s32 $0xFFFFFEF7, lr;
	s5 =	simm.s32 $0xFFFFFFFF;
	p2 =	slt.u32 s8, $0xFFFFF086  }
0x1c: {  	p1 =	slt.u32 s9, $0xF7A;
	s5 =	simm.s32 @!p2 $0x0  }
0x1d: {  	s5 =	simm.s32 @p1 $0x1;
	p0 =	seq.s32 s7, s2  }
0x1e: {  	s7 =	smul.u32 @!p0 $0xF7A, s2;
	p2 =	seq.s32 @!p0 s5, $0x0  }
0x1f: {  	s9 =	smul.u32 $0xF7A, s1;
	s8 =	simm.s32 @!p0 $0x1BF5;
	p2 =	por !p2, p0  }
0x20: {  	[sflag:s8] =	ssyncset.s32 @!p0 $0xFFFFF086;
	s6 =	sadd.s32 @!p0 s3, s7;
	s7 =	simm.s32 @!p0 $0x108  }
0x21: {  	s3 =	sadd.s32 s3, s9;
	s6 =	sadd.s32 @!p0 $0x88, s6;
	s7 =	simm.s32 @p2 $0x1082  }
0x22: {  	[simem:s7], [sflag:s8] =	dma.local @!p0 [hbm:s6], $0xF7A  }
0x23: {  	s9 =	sor.u32 $0xD0000000, s2;
	s6 =	simm.s32 $0x108;
	_ =	swait.ge @!p0 [sflag:s8], $0x0  }
0x24: {  	s3 =	sadd.s32 $0x88, s3;
	s6 =	simm.s32 @!p1 $0x1082;
	[sflag:s4] =	ssyncset.s32 $0xFFFFF086  }
0x25: {  	[simem:s6], [sflag:s4] =	dma.local [hbm:s3], $0xF7A  }
0x26: {  	[smem:$0x3F9B] =	sst s1;
	(tag) =	ssettag s2;
	_ =	strace s9  }
0x27: {  	s1 =	sld [smem:$0x3FAB]  }
0x28: {  	s2 =	sld [smem:$0x3FAC]  }
0x29: {  	s4 =	sld [smem:$0x3FAE]  }
0x2a: {  	p0 =	seq.s32 s5, $0x0;
	s5 =	sld [smem:$0x3FAF]  }
0x2b: {  	s6 =	sld [smem:$0x3FB0]  }
0x2c: {  	s7 =	sld [smem:$0x3FB1]  }
0x2d: {  	s3 =	simm.s32 $0x108;
	s8 =	sld [smem:$0x3FB2]  }
0x2e: {  	s3 =	simm.s32 @!p0 $0x1082;
	s9 =	sld [smem:$0x3FB3]  }
0x2f: {  	lr =	sadd.s32 s0, s3;
	s0 =	sld [smem:$0x3FAA]  }
0x30: {  	s3 =	sld [smem:$0x3FAD]  }
0x31: {  	[smem:$0x3FB6] =	sst s10  }
0x32: {  	s10 =	sld [smem:$0x3FB4];
	_ =	sdelay $0x3  }
0x33: {  	p0 =	seq.s32 s10, $0x1;
	s10 =	sld [smem:$0x3FB6];
	_ =	sdelay $0x3  }
0x34: {  	[smem:$0x3FB6] =	sst s10  }
0x35: {  	s10 =	sld [smem:$0x3FB5];
	_ =	sdelay $0x3  }
0x36: {  	p1 =	seq.s32 s10, $0x1;
	s10 =	sld [smem:$0x3FB6];
	_ =	sdelay $0x3  }
0x37: {  	[smem:$0x3FB6] =	sst s10  }
0x38: {  	s10 =	sld [smem:$0x3FB7]  }
0x39: {  	_ = 	snop;
	(pc) =	sbr.ind lr, $3  }
0x3a: {  	_ = 	snop  }
0x3b: {  	_ = 	snop  }
0x3c: {  	p2 =	seq.s32 s10, $0x1;
	s10 =	sld [smem:$0x3FB6]  }
0x3d: {  	_ =	shalt  }
0x3e: {  	_ =	shalt  }
0x3f: {  	_ =	shalt  }
0x40: {  	_ =	shalt  }
0x41: {  	_ =	shalt  }
0x42: {  	_ =	shalt  }
0x43: {  	_ =	shalt  }
0x44: {  	_ =	shalt  }
0x45: {  	_ =	shalt  }
0x46: {  	_ =	shalt  }
0x47: {  	_ =	shalt  }
0x48: {  	_ =	shalt  }
0x49: {  	_ =	shalt  }
0x4a: {  	_ =	shalt  }
0x4b: {  	_ =	shalt  }
0x4c: {  	_ =	shalt  }
0x4d: {  	_ =	shalt  }
0x4e: {  	_ =	shalt  }
0x4f: {  	_ =	shalt  }
0x50: {  	_ =	shalt  }
0x51: {  	_ =	shalt  }
0x52: {  	_ =	shalt  }
0x53: {  	_ =	shalt  }
0x54: {  	_ =	shalt  }
0x55: {  	_ =	shalt  }
0x56: {  	_ =	shalt  }
0x57: {  	_ =	shalt  }
0x58: {  	_ =	shalt  }
0x59: {  	_ =	shalt  }
0x5a: {  	_ =	shalt  }
0x5b: {  	_ =	shalt  }
0x5c: {  	_ =	shalt  }
0x5d: {  	_ =	shalt  }
0x5e: {  	_ =	shalt  }
0x5f: {  	_ =	shalt  }
0x60: {  	_ =	shalt  }
0x61: {  	_ =	shalt  }
0x62: {  	_ =	shalt  }
0x63: {  	_ =	shalt  }
0x64: {  	_ =	shalt  }
0x65: {  	_ =	shalt  }
0x66: {  	_ =	shalt  }
0x67: {  	_ =	shalt  }
0x68: {  	_ =	shalt  }
0x69: {  	_ =	shalt  }
0x6a: {  	_ =	shalt  }
0x6b: {  	_ =	shalt  }
0x6c: {  	_ =	shalt  }
0x6d: {  	_ =	shalt  }
0x6e: {  	_ =	shalt  }
0x6f: {  	_ =	shalt  }
0x70: {  	_ =	shalt  }
0x71: {  	_ =	shalt  }
0x72: {  	_ =	shalt  }
0x73: {  	_ =	shalt  }
0x74: {  	_ =	shalt  }
0x75: {  	_ =	shalt  }
0x76: {  	_ =	shalt  }
0x77: {  	_ =	shalt  }
0x78: {  	_ =	shalt  }
0x79: {  	_ =	shalt  }
0x7a: {  	_ =	shalt  }
0x7b: {  	_ =	shalt  }
0x7c: {  	_ =	shalt  }
0x7d: {  	_ =	shalt  }
0x7e: {  	_ =	shalt  }
0x7f: {  	_ =	shalt  }
0x80: {  	_ =	shalt  }
0x81: {  	_ =	shalt  }
0x82: {  	_ =	shalt  }
0x83: {  	_ =	shalt  }
0x84: {  	_ =	shalt  }
0x85: {  	_ =	shalt  }
0x86: {  	_ =	shalt  }
0x87: {  	_ =	shalt  }
.Lfunc_end0:
.L_simem_size_0:
called_computation_lowered:
.L_overlay_start_0:
0x88: {  	s2 =	sld [smem:$0x3FD9]  }
0x89: {  	s3 =	sld [smem:$0x3FFE];
	_ =	sdelay $0x1  }
0x8a: {  	s1 =	srdreg.scid  }
0x8b: {  	s0 =	sand.u32 $0x1, s1  }
0x8c: {  	s17 =	sshll.u32 s0, $0xA;
	s2 =	sadd.s32 s3, s2  }
0x8d: {  	s2 =	sadd.s32 s2, s17  }
0x8e: {  	[smem:$0x3FC2] =	sst s2  }
0x8f: {  	_ = 	snop  }
0x90: {  	s2 =	sld [smem:$0x3FC6];
	(tm) =	ssettm $0x1  }
0x91: {  	s18 =	sld [smem:$0x3FFB];
	_ =	sdelay $0x3  }
0x92: {  	_ =	strace s18  }
0x93: {  	s3 =	sld [smem:$0x3FFC];
	_ =	sdelay $0x3  }
0x94: {  	_ =	strace s3  }
0x95: {  	s3 =	sld [smem:$0x3FFD];
	_ =	sdelay $0x3  }
0x96: {  	_ =	strace s3  }
0x97: {  	_ =	strace $0x8FFFFFFF  }
0x98: {  	s19 =	sld [smem:$0x3FDB];
	_ =	sdelay $0x1  }
0x99: {  	s4 =	simm.s32 $_scs_section_size  }
0x9a: {  	s5 =	simm.s32 $_size__tile_overlayer_lowered;
	s6 =	simm.s32 $_tile_overlayer_lowered  }
0x9b: {  	s22 =	simm.s32 $0x1BFF;
	s21 =	sshll.u32 s6, $0x1;
	s3 =	sadd.s32 s4, s19  }
0x9c: {  	s7 =	simm.s32 $0x0;
	s20 =	sshll.u32 s5, $0x1;
	s5 =	sadd.s32 s21, s3  }
0x9d: {  	[timem:s7], [sflag:s22] =	dma.local [hbm:s5], s20  }
0x9e: {  	_ =	swait.ge [sflag:s22], s20  }
0x9f: {  	s4 =	ssub.s32 $0x0, s20;
	[sflag:s22] =	ssyncset.done $0x0  }
0xa0: {  	[sflag:s22] =	ssyncadd.s32 s4;
	_ =	sdelay $0x1  }
0xa1: {  	s23 =	simm.s32 $0x1B8B  }
0xa2: {  	_ =	swait.ge [sflag:s23], $0x1  }
0xa3: {  	[sflag:s23] =	ssyncset.done $0x0  }
0xa4: {  	s25 =	simm.s32 $0x1B8E;
	s24 =	sld [smem:$0x3FFE];
	[sflag:s23] =	ssyncadd.s32 $0xFFFFFFFF  }
0xa5: {  	s26 =	simm.s32 $execute0_lowered;
	[smem:$0x3FD2] =	sst s25  }
0xa6: {  	s5 =	sshll.u32 s26, $0x1;
	_ =	strace $0x80000046;
	[dreg:$0x1] =	wrdreg $0xFFFFFFFF  }
0xa7: {  	s28 =	simm.s32 $_size_execute0_lowered;
	s3 =	sadd.s32 s3, s5;
	[dreg:$0x0] =	wrdreg $0x0  }
0xa8: {  	s5 =	sshll.u32 s28, $0x1;
	[dreg:$0x2] =	wrdreg s3  }
0xa9: {  	[dreg:$0x3] =	wrdreg s5  }
0xaa: {  	[dreg:$0x4] =	wrdreg $0xC0  }
0xab: {  	_ =	task [dreg:s7], $0x5FFFF  }
0xac: {  	[dreg:$0x1] =	wrdreg $0xFFFFFFFF  }
0xad: {  	[dreg:$0x0] =	wrdreg $0x60  }
0xae: {  	[dreg:$0x2] =	wrdreg s24  }
0xaf: {  	[dreg:$0x3] =	wrdreg s2  }
0xb0: {  	[dreg:$0x4] =	wrdreg $0x9  }
0xb1: {  	_ =	task.clear_ibuf [dreg:s7], $0x5FFFF;
	_ =	strace $0x90000046  }
0xb2: {  	s29 =	simm.s32 $0x9;
	_ =	strace $0x80000048  }
0xb3: {  	_ =	swait.ge [sflag:s29], $0x1  }
0xb4: {  	[sflag:s29] =	ssyncadd.s32 $0xFFFFFFFF  }
0xb5: {  	_ =	strace $0x90000048  }
0xb6: {  	_ =	sfence  }
0xb7: {  	s30 =	sld [smem:$0x0];
	_ =	sdelay $0x2  }
0xb8: {  	s31 =	sshll.u32 s1, $0xD;
	s1 =	sshrl.u32 s1, $0x2  }
0xb9: {  	s3 =	sand.u32 $0x4000, s31;
	s1 =	sadd.s32 s1, s30  }
0xba: {  	s0 =	sor.u32 s3, s0;
	s1 =	sshll.u32 s1, $0x11  }
0xbb: {  	s0 =	sor.u32 s1, s0  }
0xbc: {  	s0 =	sadd.s32 $0x8F2B, s0  }
0xbd: {  	[sflag:s0] =	ssyncadd.remote.s32 $0x1  }
0xbe: {  	_ =	sfence.sel $0xFFFF  }
0xbf: {  	[dreg:$0x0] =	wrdreg $0xFFFFFFFF;
	(pc) =	sbr.abs _section_cstart, $3  }
0xc0: {  	[dreg:$0x1] =	wrdreg $0xFFFFFFFF  }
0xc1: {  	_ =	task.clear_ibuf [dreg:s7], $0x2FFFF;
	_ =	strace $0x9FFFFFFF  }
0xc2: {  	(tm) =	ssettm $0x7FFFFFFF  }
0xc3: {  	_ =	shalt  }
tec
execute0_lowered:
.L_overlay_start_1:
0x0: {  	(tag) =	ssettag $0x1  }
0x1: {  	s0 =	rddreg [dreg:$0x0]  }
0x2: {  	s1 =	srdreg.scid;
	s2 =	stileid.u32  }
0x3: {  	s5 =	rddreg [dreg:$0x1];
	s4 =	simm.s32 $0x0;
	s1 =	sand.u32 $0x1, s1  }
0x4: {  	s2 =	sshll.u32 s2, $0x1;
	[smem:$0x7FF] =	sst s4;
	s30 =	sadd.s32 $0x100, s5  }
0x5: {  	s2 =	sor.u32 s1, s2;
	_ =	strace $0x80000047;
	s1 =	ssub.s32 $0x2, s1  }
0x6: {  	[smem:$0x7FB] =	sst s30;
	s3 =	sshll.u32 s2, $0x9;
	s2 =	sshll.u32 s2, $0x7  }
0x7: {  	s28 =	sshrl.u32 s1, $0x1;
	s26 =	sand.u32 $0x3000, s3;
	s2 =	sand.u32 $0x380, s2  }
.Ltmp0:
0x8: {  	v0 =	vlaneseq.u32;
	s3 =	sadd.s32 s3, s0;
	s2 =	sor.u32 s2, s26;
	(pc) =	sbr.rel .LBB2_1-.Ltmp0, $4  }
0x9: {  	v1 =	vand.u32 $0x7, v0;
	v63 =	vshrl.u32 v0, $0x3;
	s1 =	ssub.s32 s1, s28;
	s29 =	sadd.s32 $0x1A00, s3;
	s2 =	sshrl.u32 s2, $0x3  }
0xa: {  	v0 =	vor.u32 $0x8, v0;
	[tilespmem:$0x1FFD0] =	vst v1;
	v1 =	vmul.u32 $0x8, v63;
	s31 =	smax.u32 s1, $0x1;
	[smem:$0x7FA] =	sst s29;
	s0 =	sadd.s32 s2, s0  }
0xb: {  	[tilespmem:$0x1FFF0] =	vst v0;
	[smem:$0x7FD] =	sst s31;
	s0 =	sadd.s32 $0x5A00, s0  }
0xc: {  	vm0 =	vmmov $0xffff;
	[tilespmem:$0x1FFE0] =	vst v1;
	s1 =	simm.s32 $0x0;
	s2 =	simm.s32 $0x3;
	[smem:$0x7FC] =	sst s0  }
.LBB2_10:
0xd: {  	s0 =	sld [smem:$0x7FC];
	_ =	sdelay $0x1  }
0xe: {  	s1 =	simm.s32 $0x80;
	s2 =	simm.s32 $0x400;
	s3 =	simm.s32 $0x11000  }
0xf: {  	[hbm4b:s0+s1] =	stream.strided.scatter [tilespmem:s3], [sflag:$0x3], $0x200, s2, s1, $0x38;
	[tilespmem:$0x11200] =	vst v63  }
0x10: {  	s2 =	simm.s32 $0x3  }
0x11: {  	_ =	swait.ge [sflag:s2], $0x200  }
0x12: {  	s30 =	sld [smem:$0x7F8]  }
0x13: {  	s31 =	sld [smem:$0x7FD];
	_ =	sdelay $0x1  }
0x14: {  	s1 =	sadd.s32 $0x1, s30  }
0x15: {  	p0 =	sne.s32 s1, s31  }
.Ltmp1:
0x16: {  	_ = 	snop;
	(pc) =	sbr.rel @!p0 .LBB2_11-.Ltmp1, $3  }
0x17: {  	_ =	sdelay $0x1  }
0x18: {  	[sflag:s2] =	ssyncset.done $0x0  }
0x19: {  	[sflag:s2] =	ssyncadd.s32 $0xFFFFFE00  }
.LBB2_1:
0x1a: {  	s0 =	sld [smem:$0x7FA];
	_ =	sdelay $0x1  }
0x1b: {  	[smem:$0x7F8] =	sst s1;
	s1 =	simm.s32 $0x0  }
0x1c: {  	[tilespmem:s1], [sflag:$0x3] =	stream.linear.gather [hbm4b:s0+s1], $0x1000, $0x38;
	[tilespmem:$0x11200] =	vst v63  }
0x1d: {  	_ =	swait.ge [sflag:s2], $0x1000  }
0x1e: {  	[sflag:s2] =	ssyncset.done $0x0  }
0x1f: {  	v2 =	vimm.f32 $0.0e+00;
	[sflag:s2] =	ssyncadd.s32 $0xFFFFF000  }
0x20: {  	[tilespmem:$0x11000] =	vst v2  }
0x21: {  	[tilespmem:$0x11010] =	vst v2  }
0x22: {  	[tilespmem:$0x11020] =	vst v2  }
0x23: {  	[tilespmem:$0x11030] =	vst v2  }
0x24: {  	[tilespmem:$0x11040] =	vst v2  }
0x25: {  	[tilespmem:$0x11050] =	vst v2  }
0x26: {  	[tilespmem:$0x11060] =	vst v2  }
0x27: {  	[tilespmem:$0x11070] =	vst v2  }
0x28: {  	[tilespmem:$0x11080] =	vst v2  }
0x29: {  	[tilespmem:$0x11090] =	vst v2  }
0x2a: {  	[tilespmem:$0x110A0] =	vst v2  }
0x2b: {  	[tilespmem:$0x110B0] =	vst v2  }
0x2c: {  	[tilespmem:$0x110C0] =	vst v2  }
0x2d: {  	[tilespmem:$0x110D0] =	vst v2  }
0x2e: {  	[tilespmem:$0x110E0] =	vst v2  }
0x2f: {  	[tilespmem:$0x110F0] =	vst v2  }
0x30: {  	[tilespmem:$0x11100] =	vst v2  }
0x31: {  	[tilespmem:$0x11110] =	vst v2;
	v0 =	vld [tilespmem:$0x0]  }
0x32: {  	[tilespmem:$0x11120] =	vst v2  }
0x33: {  	[tilespmem:$0x11130] =	vst v2  }
0x34: {  	v3 =	vld [tilespmem:$0x1FFD0];
	[tilespmem:$0x11140] =	vst v2  }
0x35: {  	[tilespmem:$0x11150] =	vst v2  }
0x36: {  	v4 =	vld [tilespmem:$0x1FFE0];
	[tilespmem:$0x11160] =	vst v2;
	v1 =	vshll.u32 v0, $0x2  }
0x37: {  	[tilespmem:$0x11170] =	vst v2;
	v0 =	vand.u32 $0x7, v0;
	v1 =	vand.u32 $0xFFFFFFE0, v1  }
0x38: {  	v5 =	vld [tilespmem:$0x1FFF0];
	[tilespmem:$0x11180] =	vst v2;
	v0 =	vor.u32 v0, v1  }
0x39: {  	[tilespmem:$0x11190] =	vst v2;
	v1 =	vperm.xlane v0, v3  }
0x3a: {  	[tilespmem:$0x111A0] =	vst v2  }
0x3b: {  	[tilespmem:$0x111B0] =	vst v2;
	v1 =	vadd.s32 v4, v1  }
0x3c: {  	[tilespmem:$0x111C0] =	vst v2  }
0x3d: {  	[tilespmem:$0x111D0] =	vst v2;
	v0 =	vperm.xlane v0, v5  }
0x3e: {  	s2 =	sld [smem:$0x7FB];
	[tilespmem:$0x111E0] =	vst v2  }
0x3f: {  	s26 =	simm.s32 $0x1000;
	[tilespmem:$0x111F0] =	vst v2;
	s0 =	rddreg [dreg:$0x1];
	v0 =	vadd.s32 v4, v0  }
0x40: {  	[tilespmem:s26], [sflag:$0x1] =	stream.indirect_vreg.gather [hbm4b:s0+s1], $0x80, v1, vm0, $0xb8;
	[tilespmem:$0x11200] =	vst v63  }
0x41: {  	s3 =	simm.s32 $0x1800  }
0x42: {  	[tilespmem:s3], [sflag:$0x1] =	stream.indirect_vreg.gather [hbm4b:s2+s1], $0x80, v1, vm0, $0xb8;
	[tilespmem:$0x11200] =	vst v63  }
0x43: {  	s28 =	simm.s32 $0x2000  }
0x44: {  	[tilespmem:s28], [sflag:$0x1] =	stream.indirect_vreg.gather [hbm4b:s0+s1], $0x80, v0, vm0, $0xb8;
	[tilespmem:$0x11200] =	vst v63  }
0x45: {  	s29 =	simm.s32 $0x2800  }
0x46: {  	[tilespmem:s29], [sflag:$0x1] =	stream.indirect_vreg.gather [hbm4b:s2+s1], $0x80, v0, vm0, $0xb8;
	[tilespmem:$0x11200] =	vst v63  }
0x47: {  	v0 =	vld [tilespmem:$0x10];
	_ =	sdelay $0x4  }
0x48: {  	v57 =	vshll.u32 v0, $0x2  }
0x49: {  	v0 =	vand.u32 $0x7, v0;
	v1 =	vand.u32 $0xFFFFFFE0, v57  }
0x4a: {  	v0 =	vor.u32 v0, v1  }
0x4b: {  	v1 =	vperm.xlane v0, v3;
	_ =	sdelay $0x1  }
0x4c: {  	v1 =	vadd.s32 v4, v1;
	_ =	sdelay $0x1  }
0x4d: {  	v0 =	vperm.xlane v0, v5;
	_ =	sdelay $0x1  }
0x4e: {  	s30 =	simm.s32 $0x3000;
	v0 =	vadd.s32 v4, v0  }
0x4f: {  	[tilespmem:s30], [sflag:$0x1] =	stream.indirect_vreg.gather [hbm4b:s0+s1], $0x80, v1, vm0, $0xb8;
	[tilespmem:$0x11200] =	vst v63  }
0x50: {  	s31 =	simm.s32 $0x3800  }
0x51: {  	[tilespmem:s31], [sflag:$0x1] =	stream.indirect_vreg.gather [hbm4b:s2+s1], $0x80, v1, vm0, $0xb8;
	[tilespmem:$0x11200] =	vst v63  }
0x52: {  	s4 =	simm.s32 $0x4000  }
0x53: {  	[tilespmem:s4], [sflag:$0x1] =	stream.indirect_vreg.gather [hbm4b:s0+s1], $0x80, v0, vm0, $0xb8;
	[tilespmem:$0x11200] =	vst v63  }
0x54: {  	s5 =	simm.s32 $0x4800  }
0x55: {  	[tilespmem:s5], [sflag:$0x1] =	stream.indirect_vreg.gather [hbm4b:s2+s1], $0x80, v0, vm0, $0xb8;
	[tilespmem:$0x11200] =	vst v63  }
0x56: {  	v0 =	vld [tilespmem:$0x20];
	_ =	sdelay $0x4  }
0x57: {  	v58 =	vshll.u32 v0, $0x2  }
0x58: {  	v0 =	vand.u32 $0x7, v0;
	v1 =	vand.u32 $0xFFFFFFE0, v58  }
0x59: {  	v0 =	vor.u32 v0, v1  }
0x5a: {  	v1 =	vperm.xlane v0, v3;
	_ =	sdelay $0x1  }
0x5b: {  	v1 =	vadd.s32 v4, v1;
	_ =	sdelay $0x1  }
0x5c: {  	v0 =	vperm.xlane v0, v5;
	_ =	sdelay $0x1  }
0x5d: {  	s6 =	simm.s32 $0x5000;
	v0 =	vadd.s32 v4, v0  }
0x5e: {  	[tilespmem:s6], [sflag:$0x1] =	stream.indirect_vreg.gather [hbm4b:s0+s1], $0x80, v1, vm0, $0xb8;
	[tilespmem:$0x11200] =	vst v63  }
0x5f: {  	s7 =	simm.s32 $0x5800  }
0x60: {  	[tilespmem:s7], [sflag:$0x1] =	stream.indirect_vreg.gather [hbm4b:s2+s1], $0x80, v1, vm0, $0xb8;
	[tilespmem:$0x11200] =	vst v63  }
0x61: {  	s8 =	simm.s32 $0x6000  }
0x62: {  	[tilespmem:s8], [sflag:$0x1] =	stream.indirect_vreg.gather [hbm4b:s0+s1], $0x80, v0, vm0, $0xb8;
	[tilespmem:$0x11200] =	vst v63  }
0x63: {  	s9 =	simm.s32 $0x6800  }
0x64: {  	[tilespmem:s9], [sflag:$0x1] =	stream.indirect_vreg.gather [hbm4b:s2+s1], $0x80, v0, vm0, $0xb8;
	[tilespmem:$0x11200] =	vst v63  }
0x65: {  	v0 =	vld [tilespmem:$0x30];
	_ =	sdelay $0x4  }
0x66: {  	v59 =	vshll.u32 v0, $0x2  }
0x67: {  	v0 =	vand.u32 $0x7, v0;
	v1 =	vand.u32 $0xFFFFFFE0, v59  }
0x68: {  	v0 =	vor.u32 v0, v1  }
0x69: {  	v1 =	vperm.xlane v0, v3;
	_ =	sdelay $0x1  }
0x6a: {  	v1 =	vadd.s32 v4, v1;
	_ =	sdelay $0x1  }
0x6b: {  	v0 =	vperm.xlane v0, v5;
	_ =	sdelay $0x1  }
0x6c: {  	s10 =	simm.s32 $0x7000;
	v0 =	vadd.s32 v4, v0  }
0x6d: {  	[tilespmem:s10], [sflag:$0x1] =	stream.indirect_vreg.gather [hbm4b:s0+s1], $0x80, v1, vm0, $0xb8;
	[tilespmem:$0x11200] =	vst v63  }
0x6e: {  	s11 =	simm.s32 $0x7800  }
0x6f: {  	[tilespmem:s11], [sflag:$0x1] =	stream.indirect_vreg.gather [hbm4b:s2+s1], $0x80, v1, vm0, $0xb8;
	[tilespmem:$0x11200] =	vst v63  }
0x70: {  	s12 =	simm.s32 $0x8000  }
0x71: {  	[tilespmem:s12], [sflag:$0x1] =	stream.indirect_vreg.gather [hbm4b:s0+s1], $0x80, v0, vm0, $0xb8;
	[tilespmem:$0x11200] =	vst v63  }
0x72: {  	s13 =	simm.s32 $0x8800  }
0x73: {  	[tilespmem:s13], [sflag:$0x1] =	stream.indirect_vreg.gather [hbm4b:s2+s1], $0x80, v0, vm0, $0xb8;
	[tilespmem:$0x11200] =	vst v63  }
0x74: {  	v0 =	vld [tilespmem:$0x80];
	_ =	sdelay $0x4  }
0x75: {  	v60 =	vshll.u32 v0, $0x2  }
0x76: {  	v0 =	vand.u32 $0x7, v0;
	v1 =	vand.u32 $0xFFFFFFE0, v60  }
0x77: {  	v0 =	vor.u32 v0, v1  }
0x78: {  	v1 =	vperm.xlane v0, v3;
	_ =	sdelay $0x1  }
0x79: {  	v1 =	vadd.s32 v4, v1;
	_ =	sdelay $0x1  }
0x7a: {  	v0 =	vperm.xlane v0, v5;
	_ =	sdelay $0x1  }
0x7b: {  	s14 =	simm.s32 $0x9000;
	v0 =	vadd.s32 v4, v0  }
0x7c: {  	[tilespmem:s14], [sflag:$0x2] =	stream.indirect_vreg.gather [hbm4b:s0+s1], $0x80, v1, vm0, $0xb8;
	[tilespmem:$0x11200] =	vst v63  }
0x7d: {  	s15 =	simm.s32 $0x9800  }
0x7e: {  	[tilespmem:s15], [sflag:$0x2] =	stream.indirect_vreg.gather [hbm4b:s2+s1], $0x80, v1, vm0, $0xb8;
	[tilespmem:$0x11200] =	vst v63  }
0x7f: {  	s16 =	simm.s32 $0xA000  }
0x80: {  	[tilespmem:s16], [sflag:$0x2] =	stream.indirect_vreg.gather [hbm4b:s0+s1], $0x80, v0, vm0, $0xb8;
	[tilespmem:$0x11200] =	vst v63  }
0x81: {  	s17 =	simm.s32 $0xA800  }
0x82: {  	[tilespmem:s17], [sflag:$0x2] =	stream.indirect_vreg.gather [hbm4b:s2+s1], $0x80, v0, vm0, $0xb8;
	[tilespmem:$0x11200] =	vst v63  }
0x83: {  	v0 =	vld [tilespmem:$0x90];
	_ =	sdelay $0x4  }
0x84: {  	v61 =	vshll.u32 v0, $0x2  }
0x85: {  	v0 =	vand.u32 $0x7, v0;
	v1 =	vand.u32 $0xFFFFFFE0, v61  }
0x86: {  	v0 =	vor.u32 v0, v1  }
0x87: {  	v1 =	vperm.xlane v0, v3;
	_ =	sdelay $0x1  }
0x88: {  	v1 =	vadd.s32 v4, v1;
	_ =	sdelay $0x1  }
0x89: {  	v0 =	vperm.xlane v0, v5;
	_ =	sdelay $0x1  }
0x8a: {  	s18 =	simm.s32 $0xB000;
	v0 =	vadd.s32 v4, v0  }
0x8b: {  	[tilespmem:s18], [sflag:$0x2] =	stream.indirect_vreg.gather [hbm4b:s0+s1], $0x80, v1, vm0, $0xb8;
	[tilespmem:$0x11200] =	vst v63  }
0x8c: {  	s19 =	simm.s32 $0xB800  }
0x8d: {  	[tilespmem:s19], [sflag:$0x2] =	stream.indirect_vreg.gather [hbm4b:s2+s1], $0x80, v1, vm0, $0xb8;
	[tilespmem:$0x11200] =	vst v63  }
0x8e: {  	s20 =	simm.s32 $0xC000  }
0x8f: {  	[tilespmem:s20], [sflag:$0x2] =	stream.indirect_vreg.gather [hbm4b:s0+s1], $0x80, v0, vm0, $0xb8;
	[tilespmem:$0x11200] =	vst v63  }
0x90: {  	s21 =	simm.s32 $0xC800  }
0x91: {  	[tilespmem:s21], [sflag:$0x2] =	stream.indirect_vreg.gather [hbm4b:s2+s1], $0x80, v0, vm0, $0xb8;
	[tilespmem:$0x11200] =	vst v63  }
0x92: {  	v0 =	vld [tilespmem:$0xA0];
	_ =	sdelay $0x4  }
0x93: {  	v62 =	vshll.u32 v0, $0x2  }
0x94: {  	v0 =	vand.u32 $0x7, v0;
	v1 =	vand.u32 $0xFFFFFFE0, v62  }
0x95: {  	v0 =	vor.u32 v0, v1  }
0x96: {  	v1 =	vperm.xlane v0, v3;
	_ =	sdelay $0x1  }
0x97: {  	v1 =	vadd.s32 v4, v1;
	_ =	sdelay $0x1  }
0x98: {  	v0 =	vperm.xlane v0, v5;
	_ =	sdelay $0x1  }
0x99: {  	s22 =	simm.s32 $0xD000;
	v0 =	vadd.s32 v4, v0  }
0x9a: {  	[tilespmem:s22], [sflag:$0x2] =	stream.indirect_vreg.gather [hbm4b:s0+s1], $0x80, v1, vm0, $0xb8;
	[tilespmem:$0x11200] =	vst v63  }
0x9b: {  	s23 =	simm.s32 $0xD800  }
0x9c: {  	[tilespmem:s23], [sflag:$0x2] =	stream.indirect_vreg.gather [hbm4b:s2+s1], $0x80, v1, vm0, $0xb8;
	[tilespmem:$0x11200] =	vst v63  }
0x9d: {  	s24 =	simm.s32 $0xE000  }
0x9e: {  	[tilespmem:s24], [sflag:$0x2] =	stream.indirect_vreg.gather [hbm4b:s0+s1], $0x80, v0, vm0, $0xb8;
	[tilespmem:$0x11200] =	vst v63  }
0x9f: {  	s25 =	simm.s32 $0xE800  }
0xa0: {  	[tilespmem:s25], [sflag:$0x2] =	stream.indirect_vreg.gather [hbm4b:s2+s1], $0x80, v0, vm0, $0xb8;
	[tilespmem:$0x11200] =	vst v63  }
0xa1: {  	v0 =	vld [tilespmem:$0xB0];
	_ =	sdelay $0x4  }
0xa2: {  	v63 =	vshll.u32 v0, $0x2  }
0xa3: {  	v0 =	vand.u32 $0x7, v0;
	v1 =	vand.u32 $0xFFFFFFE0, v63  }
0xa4: {  	v0 =	vor.u32 v0, v1  }
0xa5: {  	v1 =	vperm.xlane v0, v3;
	_ =	sdelay $0x1  }
0xa6: {  	v1 =	vadd.s32 v4, v1;
	_ =	sdelay $0x1  }
0xa7: {  	v0 =	vperm.xlane v0, v5;
	_ =	sdelay $0x1  }
0xa8: {  	s26 =	simm.s32 $0xF000;
	v0 =	vadd.s32 v4, v0  }
0xa9: {  	[tilespmem:s26], [sflag:$0x2] =	stream.indirect_vreg.gather [hbm4b:s0+s1], $0x80, v1, vm0, $0xb8;
	[tilespmem:$0x11200] =	vst v63  }
0xaa: {  	s28 =	simm.s32 $0xF800  }
0xab: {  	[tilespmem:s28], [sflag:$0x2] =	stream.indirect_vreg.gather [hbm4b:s2+s1], $0x80, v1, vm0, $0xb8;
	[tilespmem:$0x11200] =	vst v63  }
0xac: {  	s29 =	simm.s32 $0x10000;
	s31 =	simm.s32 $0x0  }
0xad: {  	[tilespmem:s29], [sflag:$0x2] =	stream.indirect_vreg.gather [hbm4b:s0+s1], $0x80, v0, vm0, $0xb8;
	[tilespmem:$0x11200] =	vst v63  }
0xae: {  	s30 =	simm.s32 $0x10800;
	[smem:$0x7F9] =	sst s31  }
0xaf: {  	[tilespmem:s30], [sflag:$0x2] =	stream.indirect_vreg.gather [hbm4b:s2+s1], $0x80, v0, vm0, $0xb8;
	[tilespmem:$0x11200] =	vst v63  }
.LBB2_2:
0xb0: {  	s2 =	simm.s32 $0x0;
	s1 =	simm.s32 $0x1  }
0xb1: {  	_ =	swait.ge [sflag:s1], $0x8000;
	s23 =	sand.u32 $0xC00, s2  }
0xb2: {  	s0 =	sand.u32 $0x60, s2;
	[sflag:s1] =	ssyncset.done $0x0;
	s2 =	sor.u32 $0x8200, s23  }
0xb3: {  	s18 =	sor.u32 $0x10, s0;
	s3 =	sor.u32 $0x8280, s23;
	[smem:$0x7B7] =	sst s2  }
0xb4: {  	s6 =	sor.u32 $0x8000, s23;
	s8 =	sor.u32 $0x8080, s23;
	[smem:$0x7B8] =	sst s3  }
0xb5: {  	[sflag:s1] =	ssyncadd.s32 $0xFFFF8000;
	s5 =	sor.u32 s18, s2;
	[smem:$0x7B5] =	sst s6  }
0xb6: {  	s4 =	sor.u32 $0x7200, s23;
	s7 =	sor.u32 s18, s3;
	v0 =	vld [tilespmem:s5+$0x0];
	[smem:$0x7B6] =	sst s8  }
0xb7: {  	s10 =	sor.u32 $0x7280, s23;
	s2 =	sor.u32 s18, s6;
	v1 =	vld [tilespmem:s7+$0x0];
	[smem:$0x7B3] =	sst s4  }
0xb8: {  	s12 =	sor.u32 $0x7000, s23;
	s9 =	sor.u32 s18, s8;
	v2 =	vld [tilespmem:s2+$0x0];
	[smem:$0x7B4] =	sst s10  }
0xb9: {  	s14 =	sor.u32 $0x7080, s23;
	s11 =	sor.u32 s18, s4;
	v3 =	vld [tilespmem:s9+$0x0];
	[smem:$0x7B1] =	sst s12  }
0xba: {  	s16 =	sor.u32 $0x6200, s23;
	s13 =	sor.u32 s18, s10;
	v4 =	vld [tilespmem:s11+$0x0];
	[smem:$0x7B2] =	sst s14  }
0xbb: {  	s19 =	sor.u32 $0x6280, s23;
	s15 =	sor.u32 s18, s12;
	v5 =	vld [tilespmem:s13+$0x0];
	[smem:$0x7AF] =	sst s16  }
0xbc: {  	s21 =	sor.u32 $0x6000, s23;
	s17 =	sor.u32 s18, s14;
	v6 =	vld [tilespmem:s15+$0x0];
	[smem:$0x7B0] =	sst s19  }
0xbd: {  	s24 =	sor.u32 $0x6080, s23;
	s20 =	sor.u32 s18, s16;
	v7 =	vld [tilespmem:s17+$0x0];
	[smem:$0x7AD] =	sst s21  }
0xbe: {  	s26 =	sor.u32 $0x5200, s23;
	s22 =	sor.u32 s18, s19;
	v8 =	vld [tilespmem:s20+$0x0];
	[smem:$0x7AE] =	sst s24  }
0xbf: {  	s29 =	sor.u32 $0x5280, s23;
	s25 =	sor.u32 s18, s21;
	v9 =	vld [tilespmem:s22+$0x0];
	[smem:$0x7AB] =	sst s26  }
0xc0: {  	s28 =	sor.u32 s18, s24;
	s1 =	sor.u32 $0x5000, s23;
	v10 =	vld [tilespmem:s25+$0x0];
	[smem:$0x7AC] =	sst s29  }
0xc1: {  	s31 =	sor.u32 s18, s26;
	s5 =	sor.u32 $0x5080, s23;
	v11 =	vld [tilespmem:s28+$0x0];
	[smem:$0x7A9] =	sst s1  }
0xc2: {  	s3 =	sor.u32 s18, s29;
	s7 =	sor.u32 $0x4200, s23;
	v12 =	vld [tilespmem:s31+$0x0];
	[smem:$0x7AA] =	sst s5  }
0xc3: {  	s6 =	sor.u32 s18, s1;
	s9 =	sor.u32 $0x4280, s23;
	v13 =	vld [tilespmem:s3+$0x0];
	[smem:$0x7A7] =	sst s7  }
0xc4: {  	s8 =	sor.u32 s18, s5;
	s11 =	sor.u32 $0x4000, s23;
	v14 =	vld [tilespmem:s6+$0x0];
	[smem:$0x7A8] =	sst s9  }
0xc5: {  	s10 =	sor.u32 s18, s7;
	s13 =	sor.u32 $0x4080, s23;
	v15 =	vld [tilespmem:s8+$0x0];
	[smem:$0x7A5] =	sst s11  }
0xc6: {  	s12 =	sor.u32 s18, s9;
	s15 =	sor.u32 $0x3200, s23;
	v16 =	vld [tilespmem:s10+$0x0];
	[smem:$0x7A6] =	sst s13  }
0xc7: {  	s14 =	sor.u32 s18, s11;
	v17 =	vld [tilespmem:s12+$0x0];
	[smem:$0x7A3] =	sst s15  }
0xc8: {  	s16 =	sor.u32 s18, s13;
	s17 =	sor.u32 $0x3280, s23;
	v18 =	vld [tilespmem:s14+$0x0]  }
0xc9: {  	s19 =	sor.u32 s18, s15;
	s20 =	sor.u32 $0x3000, s23;
	v19 =	vld [tilespmem:s16+$0x0];
	[smem:$0x7A4] =	sst s17  }
0xca: {  	s21 =	sor.u32 s18, s17;
	s22 =	sor.u32 $0x3080, s23;
	v20 =	vld [tilespmem:s19+$0x0];
	[smem:$0x7A0] =	sst s20  }
0xcb: {  	s24 =	sor.u32 s18, s20;
	s25 =	sor.u32 $0x2200, s23;
	v21 =	vld [tilespmem:s21+$0x0];
	[smem:$0x7A1] =	sst s22  }
0xcc: {  	s26 =	sor.u32 s18, s22;
	s28 =	sor.u32 $0x2280, s23;
	v22 =	vld [tilespmem:s24+$0x0];
	[smem:$0x79E] =	sst s25  }
0xcd: {  	s29 =	sor.u32 s18, s25;
	s31 =	sor.u32 $0x2000, s23;
	v23 =	vld [tilespmem:s26+$0x0];
	[smem:$0x79F] =	sst s28  }
0xce: {  	s4 =	sor.u32 $0x2080, s23;
	s2 =	sor.u32 s18, s28;
	v24 =	vld [tilespmem:s29+$0x0];
	[smem:$0x79C] =	sst s31  }
0xcf: {  	s5 =	sor.u32 s18, s31;
	v25 =	vld [tilespmem:s2+$0x0];
	[smem:$0x79D] =	sst s4  }
0xd0: {  	s1 =	sor.u32 $0x1000, s23;
	s2 =	sor.u32 s18, s4;
	v26 =	vld [tilespmem:s5+$0x0]  }
0xd1: {  	s6 =	sor.u32 s18, s1;
	v27 =	vld [tilespmem:s2+$0x0]  }
0xd2: {  	v28 =	vld [tilespmem:s6+$0x0]  }
0xd3: {  	v29 =	vld [tilespmem:s6+$0x80]  }
0xd4: {  	v32 =	vld [tilespmem:s6+$0x200]  }
0xd5: {  	v30 =	vld [tilespmem:s6+$0x100]  }
0xd6: {  	v31 =	vld [tilespmem:s6+$0x180]  }
0xd7: {  	v33 =	vld [tilespmem:s6+$0x280]  }
0xd8: {  	s24 =	sor.u32 $0x2100, s23;
	v34 =	vld [tilespmem:s6+$0x300]  }
0xd9: {  	s21 =	sor.u32 $0x2180, s23;
	s7 =	sor.u32 s18, s24;
	v35 =	vld [tilespmem:s6+$0x380];
	v28 =	vadd.f32 v32, v28  }
0xda: {  	s30 =	sor.u32 $0x2300, s23;
	s8 =	sor.u32 s18, s21;
	v36 =	vld [tilespmem:s7+$0x0]  }
0xdb: {  	s9 =	sor.u32 s18, s30;
	s10 =	sor.u32 $0x3100, s23;
	s28 =	sor.u32 $0x2380, s23;
	v37 =	vld [tilespmem:s8+$0x0];
	v26 =	vadd.f32 v26, v28  }
0xdc: {  	s11 =	sor.u32 s18, s28;
	v38 =	vld [tilespmem:s9+$0x0];
	[smem:$0x7A2] =	sst s10  }
0xdd: {  	s12 =	sor.u32 s18, s10;
	s26 =	sor.u32 $0x3180, s23;
	v39 =	vld [tilespmem:s11+$0x0];
	v24 =	vadd.f32 v24, v26  }
0xde: {  	s29 =	sor.u32 $0x3300, s23;
	s13 =	sor.u32 s18, s26;
	v63 =	vld [tilespmem:s12+$0x0];
	v29 =	vadd.f32 v33, v29  }
0xdf: {  	s22 =	sor.u32 $0x3380, s23;
	s14 =	sor.u32 s18, s29;
	v40 =	vld [tilespmem:s13+$0x0];
	v30 =	vadd.f32 v34, v30;
	v22 =	vadd.f32 v22, v24  }
0xe0: {  	s25 =	sor.u32 $0x4100, s23;
	s15 =	sor.u32 s18, s22;
	v41 =	vld [tilespmem:s14+$0x0];
	v27 =	vadd.f32 v27, v29  }
0xe1: {  	s19 =	sor.u32 $0x4180, s23;
	s16 =	sor.u32 s18, s25;
	v44 =	vld [tilespmem:s15+$0x0];
	v42 =	vadd.f32 v36, v30;
	v20 =	vadd.f32 v20, v22  }
0xe2: {  	s20 =	sor.u32 $0x4300, s23;
	s17 =	sor.u32 s18, s19;
	v45 =	vld [tilespmem:s16+$0x0];
	v25 =	vadd.f32 v25, v27  }
0xe3: {  	s31 =	sor.u32 s18, s20;
	v48 =	vld [tilespmem:s17+$0x0];
	s16 =	sor.u32 $0x4380, s23;
	v46 =	vadd.f32 v38, v42;
	v18 =	vadd.f32 v18, v20  }
0xe4: {  	v49 =	vld [tilespmem:s31+$0x0];
	s17 =	sor.u32 $0x5100, s23;
	s3 =	sor.u32 s18, s16;
	v23 =	vadd.f32 v23, v25  }
0xe5: {  	s14 =	sor.u32 $0x5180, s23;
	s4 =	sor.u32 s18, s17;
	v52 =	vld [tilespmem:s3+$0x0];
	v50 =	vadd.f32 v63, v46;
	v16 =	vadd.f32 v16, v18  }
0xe6: {  	s15 =	sor.u32 $0x5300, s23;
	s5 =	sor.u32 s18, s14;
	v53 =	vld [tilespmem:s4+$0x0];
	v21 =	vadd.f32 v21, v23  }
0xe7: {  	s13 =	sor.u32 $0x5380, s23;
	s6 =	sor.u32 s18, s15;
	v56 =	vld [tilespmem:s5+$0x0];
	v54 =	vadd.f32 v41, v50;
	v14 =	vadd.f32 v14, v16  }
0xe8: {  	s12 =	sor.u32 $0x6100, s23;
	s7 =	sor.u32 s18, s13;
	v57 =	vld [tilespmem:s6+$0x0];
	v19 =	vadd.f32 v19, v21  }
0xe9: {  	s8 =	sor.u32 s18, s12;
	v60 =	vld [tilespmem:s7+$0x0];
	s6 =	sor.u32 $0x7180, s23;
	v58 =	vadd.f32 v45, v54;
	v12 =	vadd.f32 v12, v14  }
0xea: {  	v61 =	vld [tilespmem:s8+$0x0];
	s8 =	sor.u32 $0x6380, s23;
	s5 =	sor.u32 s18, s6;
	v17 =	vadd.f32 v17, v19  }
0xeb: {  	s11 =	sor.u32 $0x6300, s23;
	s3 =	sor.u32 s18, s8;
	v34 =	vld [tilespmem:s5+$0x0];
	v62 =	vadd.f32 v49, v58;
	v10 =	vadd.f32 v10, v12  }
0xec: {  	s10 =	sor.u32 $0x6180, s23;
	s31 =	sor.u32 s18, s11;
	v30 =	vld [tilespmem:s3+$0x0];
	v15 =	vadd.f32 v15, v17  }
0xed: {  	s9 =	sor.u32 s18, s10;
	s7 =	sor.u32 $0x7300, s23;
	v26 =	vld [tilespmem:s31+$0x0];
	v28 =	vadd.f32 v53, v62;
	v8 =	vadd.f32 v8, v10  }
0xee: {  	v31 =	vadd.f32 v35, v31;
	s31 =	sor.u32 s18, s7;
	v24 =	vld [tilespmem:s9+$0x0];
	s9 =	sor.u32 $0x7100, s23;
	v13 =	vadd.f32 v13, v15  }
0xef: {  	v35 =	vld [tilespmem:s31+$0x0];
	s4 =	sor.u32 s18, s9;
	v32 =	vadd.f32 v57, v28;
	v6 =	vadd.f32 v6, v8  }
0xf0: {  	s1 =	sor.u32 s0, s1;
	v43 =	vadd.f32 v37, v31;
	s3 =	sor.u32 $0x7380, s23;
	v31 =	vld [tilespmem:s4+$0x0];
	v11 =	vadd.f32 v11, v13  }
0xf1: {  	s5 =	sor.u32 $0x8100, s23;
	s4 =	sor.u32 s18, s3;
	v36 =	vadd.f32 v61, v32;
	v4 =	vadd.f32 v4, v6;
	v6 =	vld [tilespmem:s1+$0x0]  }
0xf2: {  	s2 =	sor.u32 $0x8180, s23;
	v47 =	vadd.f32 v39, v43;
	s31 =	sor.u32 s18, s5;
	v38 =	vld [tilespmem:s4+$0x0]  }
0xf3: {  	s4 =	sor.u32 $0x8300, s23;
	v9 =	vadd.f32 v9, v11;
	v10 =	vld [tilespmem:s31+$0x0];
	v11 =	vadd.f32 v26, v36;
	s31 =	sor.u32 s18, s2  }
0xf4: {  	v51 =	vadd.f32 v40, v47;
	s23 =	sor.u32 $0x8380, s23;
	v40 =	vld [tilespmem:s31+$0x0];
	s31 =	sor.u32 s18, s4  }
0xf5: {  	v7 =	vadd.f32 v7, v9;
	v8 =	vld [tilespmem:s31+$0x0];
	v9 =	vadd.f32 v31, v11;
	s31 =	sor.u32 s18, s23  }
0xf6: {  	v41 =	vld [tilespmem:s31+$0x0];
	[tilespmem:$0x1F9F0] =	vst v6  }
0xf7: {  	v6 =	vadd.f32 v35, v9;
	v9 =	vld [tilespmem:s1+$0x80];
	_ =	sdelay $0x4  }
0xf8: {  	[tilespmem:$0x1FA10] =	vst v9  }
0xf9: {  	v2 =	vadd.f32 v2, v4;
	v4 =	vld [tilespmem:s1+$0x100];
	_ =	sdelay $0x4  }
0xfa: {  	[tilespmem:$0x1FA30] =	vst v4  }
0xfb: {  	v4 =	vadd.f32 v10, v6;
	v6 =	vld [tilespmem:s1+$0x180];
	_ =	sdelay $0x1  }
0xfc: {  	v55 =	vadd.f32 v44, v51;
	_ =	sdelay $0x1  }
0xfd: {  	v59 =	vadd.f32 v48, v55  }
0xfe: {  	[tilespmem:$0x1FA50] =	vst v6  }
0xff: {  	v63 =	vadd.f32 v52, v59;
	v0 =	vadd.f32 v0, v2;
	v2 =	vld [tilespmem:s1+$0x200];
	_ =	sdelay $0x1  }
0x100: {  	v29 =	vadd.f32 v56, v63;
	_ =	sdelay $0x1  }
0x101: {  	v33 =	vadd.f32 v60, v29  }
0x102: {  	[tilespmem:$0x1FA00] =	vst v2  }
0x103: {  	v37 =	vadd.f32 v24, v33;
	v2 =	vadd.f32 v8, v4;
	v4 =	vld [tilespmem:s1+$0x280];
	_ =	sdelay $0x1  }
0x104: {  	v39 =	vadd.f32 v30, v37;
	_ =	sdelay $0x1  }
0x105: {  	v11 =	vadd.f32 v34, v39  }
0x106: {  	[tilespmem:$0x1FA20] =	vst v4  }
0x107: {  	v5 =	vadd.f32 v5, v7;
	v7 =	vadd.f32 v38, v11;
	v4 =	vld [tilespmem:s1+$0x300];
	_ =	sdelay $0x1  }
0x108: {  	v3 =	vadd.f32 v3, v5;
	v5 =	vadd.f32 v40, v7;
	_ =	sdelay $0x1  }
0x109: {  	v1 =	vadd.f32 v1, v3;
	v3 =	vadd.f32 v41, v5  }
0x10a: {  	[tilespmem:$0x1FA40] =	vst v4  }
0x10b: {  	v0 =	vadd.f32 v1, v0;
	v1 =	vadd.f32 v3, v2;
	v2 =	vld [tilespmem:s1+$0x380];
	_ =	sdelay $0x1  }
0x10c: {  	s31 =	sld [smem:$0x79C];
	_ =	sdelay $0x2  }
0x10d: {  	s1 =	sor.u32 s0, s31;
	[tilespmem:$0x1FA60] =	vst v2  }
0x10e: {  	s31 =	simm.s32 $0x0;
	v2 =	vld [tilespmem:s1+$0x0]  }
0x10f: {  	s31 =	sand.u32 $0x180, s31  }
0x110: {  	s1 =	sor.u32 s18, s31;
	s31 =	sld [smem:$0x79D];
	_ =	sdelay $0x2  }
0x111: {  	s18 =	sor.u32 s0, s31;
	[tilespmem:$0x1FA70] =	vst v2  }
0x112: {  	v0 =	vadd.f32 v1, v0;
	v1 =	vld [tilespmem:s18+$0x0];
	_ =	sdelay $0x4  }
0x113: {  	s1 =	sor.u32 $0x11000, s1;
	[tilespmem:$0x1FA80] =	vst v1  }
0x114: {  	s24 =	sor.u32 s0, s24;
	[tilespmem:s1+$0x0] =	vst.add.f32.msk $0xffff, v0  }
0x115: {  	v0 =	vld [tilespmem:s24+$0x0];
	_ =	sdelay $0x4  }
0x116: {  	s31 =	sor.u32 s0, s21;
	[tilespmem:$0x1FA90] =	vst v0  }
0x117: {  	v0 =	vld [tilespmem:s31+$0x0];
	_ =	sdelay $0x1  }
0x118: {  	s18 =	sld [smem:$0x79E];
	_ =	sdelay $0x2  }
0x119: {  	s1 =	sor.u32 s0, s18;
	[tilespmem:$0x1FAA0] =	vst v0  }
0x11a: {  	v0 =	vld [tilespmem:s1+$0x0];
	_ =	sdelay $0x1  }
0x11b: {  	s21 =	sld [smem:$0x79F];
	_ =	sdelay $0x2  }
0x11c: {  	s1 =	sor.u32 s0, s21;
	[tilespmem:$0x1FAB0] =	vst v0  }
0x11d: {  	v0 =	vld [tilespmem:s1+$0x0];
	_ =	sdelay $0x4  }
0x11e: {  	s24 =	sor.u32 s0, s30;
	[tilespmem:$0x1FAC0] =	vst v0  }
0x11f: {  	v0 =	vld [tilespmem:s24+$0x0];
	_ =	sdelay $0x4  }
0x120: {  	s31 =	sor.u32 s0, s28;
	[tilespmem:$0x1FAD0] =	vst v0  }
0x121: {  	v0 =	vld [tilespmem:s31+$0x0];
	_ =	sdelay $0x1  }
0x122: {  	s18 =	sld [smem:$0x7A0];
	_ =	sdelay $0x2  }
0x123: {  	s1 =	sor.u32 s0, s18;
	[tilespmem:$0x1FAE0] =	vst v0  }
0x124: {  	v0 =	vld [tilespmem:s1+$0x0];
	_ =	sdelay $0x1  }
0x125: {  	s21 =	sld [smem:$0x7A1];
	_ =	sdelay $0x2  }
0x126: {  	s1 =	sor.u32 s0, s21;
	[tilespmem:$0x1FAF0] =	vst v0  }
0x127: {  	v0 =	vld [tilespmem:s1+$0x0];
	_ =	sdelay $0x1  }
0x128: {  	s24 =	sld [smem:$0x7A2];
	_ =	sdelay $0x2  }
0x129: {  	s1 =	sor.u32 s0, s24;
	[tilespmem:$0x1FB00] =	vst v0  }
0x12a: {  	v0 =	vld [tilespmem:s1+$0x0];
	_ =	sdelay $0x4  }
0x12b: {  	s26 =	sor.u32 s0, s26;
	[tilespmem:$0x1FB10] =	vst v0  }
0x12c: {  	v0 =	vld [tilespmem:s26+$0x0];
	_ =	sdelay $0x1  }
0x12d: {  	s28 =	sld [smem:$0x7A3];
	_ =	sdelay $0x2  }
0x12e: {  	s1 =	sor.u32 s0, s28;
	[tilespmem:$0x1FB20] =	vst v0  }
0x12f: {  	v0 =	vld [tilespmem:s1+$0x0];
	_ =	sdelay $0x1  }
0x130: {  	s31 =	sld [smem:$0x7A4];
	_ =	sdelay $0x2  }
0x131: {  	s1 =	sor.u32 s0, s31;
	[tilespmem:$0x1FB30] =	vst v0  }
0x132: {  	v0 =	vld [tilespmem:s1+$0x0];
	_ =	sdelay $0x4  }
0x133: {  	s18 =	sor.u32 s0, s29;
	[tilespmem:$0x1FB40] =	vst v0  }
0x134: {  	v0 =	vld [tilespmem:s18+$0x0];
	_ =	sdelay $0x4  }
0x135: {  	s21 =	sor.u32 s0, s22;
	[tilespmem:$0x1FB50] =	vst v0  }
0x136: {  	v0 =	vld [tilespmem:s21+$0x0];
	_ =	sdelay $0x1  }
0x137: {  	s22 =	sld [smem:$0x7A5];
	_ =	sdelay $0x2  }
0x138: {  	s1 =	sor.u32 s0, s22;
	[tilespmem:$0x1FB60] =	vst v0  }
0x139: {  	v0 =	vld [tilespmem:s1+$0x0];
	_ =	sdelay $0x1  }
0x13a: {  	s24 =	sld [smem:$0x7A6];
	_ =	sdelay $0x2  }
0x13b: {  	s1 =	sor.u32 s0, s24;
	[tilespmem:$0x1FB70] =	vst v0  }
0x13c: {  	v0 =	vld [tilespmem:s1+$0x0];
	_ =	sdelay $0x4  }
0x13d: {  	s26 =	sor.u32 s0, s25;
	[tilespmem:$0x1FB80] =	vst v0  }
0x13e: {  	v0 =	vld [tilespmem:s26+$0x0];
	_ =	sdelay $0x4  }
0x13f: {  	s28 =	sor.u32 s0, s19;
	[tilespmem:$0x1FB90] =	vst v0  }
0x140: {  	v0 =	vld [tilespmem:s28+$0x0];
	_ =	sdelay $0x1  }
0x141: {  	s29 =	sld [smem:$0x7A7];
	_ =	sdelay $0x2  }
0x142: {  	s1 =	sor.u32 s0, s29;
	[tilespmem:$0x1FBA0] =	vst v0  }
0x143: {  	v0 =	vld [tilespmem:s1+$0x0];
	_ =	sdelay $0x1  }
0x144: {  	s31 =	sld [smem:$0x7A8];
	_ =	sdelay $0x2  }
0x145: {  	s1 =	sor.u32 s0, s31;
	[tilespmem:$0x1FBB0] =	vst v0  }
0x146: {  	v0 =	vld [tilespmem:s1+$0x0];
	_ =	sdelay $0x4  }
0x147: {  	s18 =	sor.u32 s0, s20;
	[tilespmem:$0x1FBC0] =	vst v0  }
0x148: {  	v0 =	vld [tilespmem:s18+$0x0];
	_ =	sdelay $0x4  }
0x149: {  	s19 =	sor.u32 s0, s16;
	[tilespmem:$0x1FBD0] =	vst v0  }
0x14a: {  	v0 =	vld [tilespmem:s19+$0x0];
	_ =	sdelay $0x1  }
0x14b: {  	s20 =	sld [smem:$0x7A9];
	_ =	sdelay $0x2  }
0x14c: {  	s1 =	sor.u32 s0, s20;
	[tilespmem:$0x1FBE0] =	vst v0  }
0x14d: {  	v0 =	vld [tilespmem:s1+$0x0];
	_ =	sdelay $0x1  }
0x14e: {  	s21 =	sld [smem:$0x7AA];
	_ =	sdelay $0x2  }
0x14f: {  	s1 =	sor.u32 s0, s21;
	[tilespmem:$0x1FBF0] =	vst v0  }
0x150: {  	v0 =	vld [tilespmem:s1+$0x0];
	_ =	sdelay $0x4  }
0x151: {  	s22 =	sor.u32 s0, s17;
	[tilespmem:$0x1FC00] =	vst v0  }
0x152: {  	v0 =	vld [tilespmem:s22+$0x0];
	_ =	sdelay $0x4  }
0x153: {  	s24 =	sor.u32 s0, s14;
	[tilespmem:$0x1FC10] =	vst v0  }
0x154: {  	v0 =	vld [tilespmem:s24+$0x0];
	_ =	sdelay $0x1  }
0x155: {  	s25 =	sld [smem:$0x7AB];
	_ =	sdelay $0x2  }
0x156: {  	s1 =	sor.u32 s0, s25;
	[tilespmem:$0x1FC20] =	vst v0  }
0x157: {  	v0 =	vld [tilespmem:s1+$0x0];
	_ =	sdelay $0x1  }
0x158: {  	s26 =	sld [smem:$0x7AC];
	_ =	sdelay $0x2  }
0x159: {  	s1 =	sor.u32 s0, s26;
	[tilespmem:$0x1FC30] =	vst v0  }
0x15a: {  	v0 =	vld [tilespmem:s1+$0x0];
	_ =	sdelay $0x4  }
0x15b: {  	s28 =	sor.u32 s0, s15;
	[tilespmem:$0x1FC40] =	vst v0  }
0x15c: {  	v0 =	vld [tilespmem:s28+$0x0];
	_ =	sdelay $0x4  }
0x15d: {  	s29 =	sor.u32 s0, s13;
	[tilespmem:$0x1FC50] =	vst v0  }
0x15e: {  	v0 =	vld [tilespmem:s29+$0x0];
	_ =	sdelay $0x1  }
0x15f: {  	s31 =	sld [smem:$0x7AD];
	_ =	sdelay $0x2  }
0x160: {  	s13 =	sor.u32 s0, s31;
	[tilespmem:$0x1FC60] =	vst v0  }
0x161: {  	v0 =	vld [tilespmem:s13+$0x0];
	_ =	sdelay $0x1  }
0x162: {  	s14 =	sld [smem:$0x7AE];
	_ =	sdelay $0x2  }
0x163: {  	s1 =	sor.u32 s0, s14;
	[tilespmem:$0x1FC70] =	vst v0  }
0x164: {  	v0 =	vld [tilespmem:s1+$0x0];
	_ =	sdelay $0x4  }
0x165: {  	s12 =	sor.u32 s0, s12;
	[tilespmem:$0x1FC80] =	vst v0  }
0x166: {  	v0 =	vld [tilespmem:s12+$0x0];
	_ =	sdelay $0x4  }
0x167: {  	s15 =	sor.u32 s0, s10;
	[tilespmem:$0x1FC90] =	vst v0  }
0x168: {  	v0 =	vld [tilespmem:s15+$0x0];
	_ =	sdelay $0x1  }
0x169: {  	s16 =	sld [smem:$0x7AF];
	_ =	sdelay $0x2  }
0x16a: {  	s10 =	sor.u32 s0, s16;
	[tilespmem:$0x1FCA0] =	vst v0  }
0x16b: {  	v0 =	vld [tilespmem:s10+$0x0];
	_ =	sdelay $0x1  }
0x16c: {  	s17 =	sld [smem:$0x7B0];
	_ =	sdelay $0x2  }
0x16d: {  	s1 =	sor.u32 s0, s17;
	[tilespmem:$0x1FCB0] =	vst v0  }
0x16e: {  	v0 =	vld [tilespmem:s1+$0x0];
	_ =	sdelay $0x4  }
0x16f: {  	s18 =	sor.u32 s0, s11;
	[tilespmem:$0x1FCC0] =	vst v0  }
0x170: {  	v0 =	vld [tilespmem:s18+$0x0];
	_ =	sdelay $0x4  }
0x171: {  	s19 =	sor.u32 s0, s8;
	[tilespmem:$0x1FCD0] =	vst v0  }
0x172: {  	v0 =	vld [tilespmem:s19+$0x0];
	_ =	sdelay $0x1  }
0x173: {  	s20 =	sld [smem:$0x7B1];
	_ =	sdelay $0x2  }
0x174: {  	s8 =	sor.u32 s0, s20;
	[tilespmem:$0x1FCE0] =	vst v0  }
0x175: {  	v0 =	vld [tilespmem:s8+$0x0];
	_ =	sdelay $0x1  }
0x176: {  	s21 =	sld [smem:$0x7B2];
	_ =	sdelay $0x2  }
0x177: {  	s1 =	sor.u32 s0, s21;
	[tilespmem:$0x1FCF0] =	vst v0  }
0x178: {  	v0 =	vld [tilespmem:s1+$0x0];
	_ =	sdelay $0x4  }
0x179: {  	s22 =	sor.u32 s0, s9;
	[tilespmem:$0x1FD00] =	vst v0  }
0x17a: {  	v0 =	vld [tilespmem:s22+$0x0];
	_ =	sdelay $0x4  }
0x17b: {  	s24 =	sor.u32 s0, s6;
	[tilespmem:$0x1FD10] =	vst v0  }
0x17c: {  	v0 =	vld [tilespmem:s24+$0x0];
	_ =	sdelay $0x1  }
0x17d: {  	s25 =	sld [smem:$0x7B3];
	_ =	sdelay $0x2  }
0x17e: {  	s6 =	sor.u32 s0, s25;
	[tilespmem:$0x1FD20] =	vst v0  }
0x17f: {  	v0 =	vld [tilespmem:s6+$0x0];
	_ =	sdelay $0x1  }
0x180: {  	s26 =	sld [smem:$0x7B4];
	_ =	sdelay $0x2  }
0x181: {  	s1 =	sor.u32 s0, s26;
	[tilespmem:$0x1FD30] =	vst v0  }
0x182: {  	v0 =	vld [tilespmem:s1+$0x0];
	_ =	sdelay $0x4  }
0x183: {  	s28 =	sor.u32 s0, s7;
	[tilespmem:$0x1FD40] =	vst v0  }
0x184: {  	v0 =	vld [tilespmem:s28+$0x0];
	_ =	sdelay $0x4  }
0x185: {  	s29 =	sor.u32 s0, s3;
	[tilespmem:$0x1FD50] =	vst v0  }
0x186: {  	v0 =	vld [tilespmem:s29+$0x0];
	_ =	sdelay $0x1  }
0x187: {  	s31 =	sld [smem:$0x7B5];
	_ =	sdelay $0x2  }
0x188: {  	s3 =	sor.u32 s0, s31;
	[tilespmem:$0x1FD60] =	vst v0  }
0x189: {  	v0 =	vld [tilespmem:s3+$0x0];
	_ =	sdelay $0x1  }
0x18a: {  	s6 =	sld [smem:$0x7B6];
	_ =	sdelay $0x2  }
0x18b: {  	s1 =	sor.u32 s0, s6;
	[tilespmem:$0x1FD70] =	vst v0  }
0x18c: {  	v0 =	vld [tilespmem:s1+$0x0];
	_ =	sdelay $0x4  }
0x18d: {  	s7 =	sor.u32 s0, s5;
	[tilespmem:$0x1FD80] =	vst v0  }
0x18e: {  	v0 =	vld [tilespmem:s7+$0x0];
	_ =	sdelay $0x4  }
0x18f: {  	s8 =	sor.u32 s0, s2;
	[tilespmem:$0x1FD90] =	vst v0  }
0x190: {  	v0 =	vld [tilespmem:s8+$0x0];
	_ =	sdelay $0x1  }
0x191: {  	s9 =	sld [smem:$0x7B7];
	_ =	sdelay $0x2  }
0x192: {  	s2 =	sor.u32 s0, s9;
	[tilespmem:$0x1FDA0] =	vst v0  }
0x193: {  	v0 =	vld [tilespmem:s2+$0x0];
	_ =	sdelay $0x1  }
0x194: {  	s10 =	sld [smem:$0x7B8];
	_ =	sdelay $0x2  }
0x195: {  	s1 =	sor.u32 s0, s10;
	[tilespmem:$0x1FDB0] =	vst v0  }
0x196: {  	v0 =	vld [tilespmem:s1+$0x0];
	_ =	sdelay $0x4  }
0x197: {  	s13 =	sor.u32 s0, s4;
	[tilespmem:$0x1FDC0] =	vst v0  }
0x198: {  	v0 =	vld [tilespmem:s13+$0x0];
	_ =	sdelay $0x1  }
0x199: {  	s11 =	simm.s32 $0x100  }
0x19a: {  	s15 =	sand.u32 $0xC00, s11  }
0x19b: {  	s14 =	sor.u32 $0x8200, s15  }
0x19c: {  	s0 =	sor.u32 s0, s23;
	[smem:$0x7D5] =	sst s14;
	[tilespmem:$0x1FDD0] =	vst v0  }
0x19d: {  	v0 =	vld [tilespmem:s0+$0x0];
	_ =	sdelay $0x1  }
0x19e: {  	s12 =	simm.s32 $0x20  }
0x19f: {  	s16 =	sand.u32 $0x60, s12;
	s2 =	sor.u32 $0x8280, s15  }
0x1a0: {  	s18 =	sor.u32 $0x8000, s15;
	s10 =	sor.u32 $0x10, s16;
	[smem:$0x7D6] =	sst s2  }
0x1a1: {  	s20 =	sor.u32 $0x8080, s15;
	s17 =	sor.u32 s10, s14;
	[smem:$0x7D1] =	sst s18;
	[tilespmem:$0x1FDE0] =	vst v0  }
0x1a2: {  	s22 =	sor.u32 $0x7200, s15;
	s19 =	sor.u32 s10, s2;
	v0 =	vld [tilespmem:s17+$0x0];
	[smem:$0x7D2] =	sst s20  }
0x1a3: {  	s24 =	sor.u32 $0x7280, s15;
	s21 =	sor.u32 s10, s18;
	v1 =	vld [tilespmem:s19+$0x0];
	[smem:$0x7CD] =	sst s22  }
0x1a4: {  	s26 =	sor.u32 $0x7000, s15;
	s23 =	sor.u32 s10, s20;
	v2 =	vld [tilespmem:s21+$0x0];
	[smem:$0x7CE] =	sst s24  }
0x1a5: {  	s29 =	sor.u32 $0x7080, s15;
	s25 =	sor.u32 s10, s22;
	v3 =	vld [tilespmem:s23+$0x0];
	[smem:$0x7C9] =	sst s26  }
0x1a6: {  	s28 =	sor.u32 s10, s24;
	s1 =	sor.u32 $0x6200, s15;
	v4 =	vld [tilespmem:s25+$0x0];
	[smem:$0x7CA] =	sst s29  }
0x1a7: {  	s4 =	sor.u32 $0x6280, s15;
	s31 =	sor.u32 s10, s26;
	v5 =	vld [tilespmem:s28+$0x0];
	[smem:$0x7C7] =	sst s1  }
0x1a8: {  	s6 =	sor.u32 $0x6000, s15;
	s2 =	sor.u32 s10, s29;
	v6 =	vld [tilespmem:s31+$0x0];
	[smem:$0x7C8] =	sst s4  }
0x1a9: {  	s8 =	sor.u32 $0x6080, s15;
	s5 =	sor.u32 s10, s1;
	v7 =	vld [tilespmem:s2+$0x0];
	[smem:$0x7C5] =	sst s6  }
0x1aa: {  	s11 =	sor.u32 $0x5200, s15;
	s7 =	sor.u32 s10, s4;
	v8 =	vld [tilespmem:s5+$0x0];
	[smem:$0x7C6] =	sst s8  }
0x1ab: {  	s9 =	sor.u32 s10, s6;
	s13 =	sor.u32 $0x5280, s15;
	v9 =	vld [tilespmem:s7+$0x0];
	[smem:$0x7C3] =	sst s11  }
0x1ac: {  	s12 =	sor.u32 s10, s8;
	s17 =	sor.u32 $0x5000, s15;
	v10 =	vld [tilespmem:s9+$0x0];
	[smem:$0x7C4] =	sst s13  }
0x1ad: {  	s14 =	sor.u32 s10, s11;
	s19 =	sor.u32 $0x5080, s15;
	v11 =	vld [tilespmem:s12+$0x0];
	[smem:$0x7C1] =	sst s17  }
0x1ae: {  	s18 =	sor.u32 s10, s13;
	s21 =	sor.u32 $0x4200, s15;
	v12 =	vld [tilespmem:s14+$0x0];
	[smem:$0x7C2] =	sst s19  }
0x1af: {  	s20 =	sor.u32 s10, s17;
	s23 =	sor.u32 $0x4280, s15;
	v13 =	vld [tilespmem:s18+$0x0];
	[smem:$0x7BF] =	sst s21  }
0x1b0: {  	s22 =	sor.u32 s10, s19;
	s25 =	sor.u32 $0x4000, s15;
	v14 =	vld [tilespmem:s20+$0x0];
	[smem:$0x7C0] =	sst s23  }
0x1b1: {  	s24 =	sor.u32 s10, s21;
	s28 =	sor.u32 $0x4080, s15;
	v15 =	vld [tilespmem:s22+$0x0];
	[smem:$0x7BD] =	sst s25  }
0x1b2: {  	s26 =	sor.u32 s10, s23;
	s31 =	sor.u32 $0x3200, s15;
	v16 =	vld [tilespmem:s24+$0x0];
	[smem:$0x7BE] =	sst s28  }
0x1b3: {  	s29 =	sor.u32 s10, s25;
	v17 =	vld [tilespmem:s26+$0x0];
	[smem:$0x7BB] =	sst s31  }
0x1b4: {  	s3 =	sor.u32 $0x3280, s15;
	s2 =	sor.u32 s10, s28;
	v18 =	vld [tilespmem:s29+$0x0]  }
0x1b5: {  	s4 =	sor.u32 s10, s31;
	s5 =	sor.u32 $0x3000, s15;
	v19 =	vld [tilespmem:s2+$0x0];
	[smem:$0x7BC] =	sst s3  }
0x1b6: {  	s6 =	sor.u32 s10, s3;
	s7 =	sor.u32 $0x3080, s15;
	v20 =	vld [tilespmem:s4+$0x0];
	[smem:$0x7B9] =	sst s5  }
0x1b7: {  	s8 =	sor.u32 s10, s5;
	v21 =	vld [tilespmem:s6+$0x0];
	[smem:$0x7BA] =	sst s7  }
0x1b8: {  	s9 =	sor.u32 s10, s7;
	s21 =	sor.u32 $0x2200, s15;
	v42 =	vld [tilespmem:s8+$0x0]  }
0x1b9: {  	s11 =	sor.u32 s10, s21;
	s22 =	sor.u32 $0x2280, s15;
	v43 =	vld [tilespmem:s9+$0x0]  }
0x1ba: {  	s24 =	sor.u32 $0x2000, s15;
	s12 =	sor.u32 s10, s22;
	v44 =	vld [tilespmem:s11+$0x0]  }
0x1bb: {  	s23 =	sor.u32 $0x2080, s15;
	s13 =	sor.u32 s10, s24;
	v45 =	vld [tilespmem:s12+$0x0]  }
0x1bc: {  	s14 =	sor.u32 s10, s23;
	s2 =	sor.u32 $0x1000, s15;
	v46 =	vld [tilespmem:s13+$0x0]  }
0x1bd: {  	s17 =	sor.u32 s10, s2;
	v47 =	vld [tilespmem:s14+$0x0]  }
0x1be: {  	v48 =	vld [tilespmem:s17+$0x0]  }
0x1bf: {  	v49 =	vld [tilespmem:s17+$0x80]  }
0x1c0: {  	v50 =	vld [tilespmem:s17+$0x100]  }
0x1c1: {  	v51 =	vld [tilespmem:s17+$0x180]  }
0x1c2: {  	v52 =	vld [tilespmem:s17+$0x200]  }
0x1c3: {  	v53 =	vld [tilespmem:s17+$0x280]  }
0x1c4: {  	s19 =	sor.u32 $0x2100, s15;
	v54 =	vld [tilespmem:s17+$0x300]  }
0x1c5: {  	s18 =	sor.u32 s10, s19;
	s20 =	sor.u32 $0x2180, s15;
	v55 =	vld [tilespmem:s17+$0x380]  }
0x1c6: {  	s25 =	sor.u32 s10, s20;
	s26 =	sor.u32 $0x2300, s15;
	v56 =	vld [tilespmem:s18+$0x0]  }
0x1c7: {  	s29 =	sor.u32 $0x2380, s15;
	s28 =	sor.u32 s10, s26;
	v57 =	vld [tilespmem:s25+$0x0]  }
0x1c8: {  	s30 =	sor.u32 $0x3180, s15;
	s31 =	sor.u32 s10, s29;
	v58 =	vld [tilespmem:s28+$0x0]  }
0x1c9: {  	s3 =	sor.u32 s10, s30;
	s25 =	sor.u32 $0x3100, s15;
	v59 =	vld [tilespmem:s31+$0x0]  }
0x1ca: {  	s28 =	sor.u32 $0x3300, s15;
	v61 =	vld [tilespmem:s3+$0x0];
	s0 =	sor.u32 s10, s25  }
0x1cb: {  	s17 =	sor.u32 $0x3380, s15;
	s4 =	sor.u32 s10, s28;
	v60 =	vld [tilespmem:s0+$0x0]  }
0x1cc: {  	s31 =	sor.u32 $0x4100, s15;
	s5 =	sor.u32 s10, s17;
	v62 =	vld [tilespmem:s4+$0x0]  }
0x1cd: {  	s13 =	sor.u32 $0x4180, s15;
	s6 =	sor.u32 s10, s31;
	v35 =	vld [tilespmem:s5+$0x0];
	v28 =	vadd.f32 v52, v48  }
0x1ce: {  	s14 =	sor.u32 $0x4300, s15;
	s7 =	sor.u32 s10, s13;
	v36 =	vld [tilespmem:s6+$0x0];
	v29 =	vadd.f32 v53, v49;
	v30 =	vadd.f32 v54, v50  }
0x1cf: {  	s8 =	sor.u32 s10, s14;
	v39 =	vld [tilespmem:s7+$0x0];
	s4 =	sor.u32 $0x5380, s15;
	v26 =	vadd.f32 v46, v28  }
0x1d0: {  	v40 =	vld [tilespmem:s8+$0x0];
	s7 =	sor.u32 $0x6100, s15;
	s5 =	sor.u32 s10, s4;
	v27 =	vadd.f32 v47, v29;
	v63 =	vadd.f32 v56, v30  }
0x1d1: {  	s8 =	sor.u32 $0x5180, s15;
	s6 =	sor.u32 s10, s7;
	v31 =	vadd.f32 v55, v51;
	v51 =	vld [tilespmem:s5+$0x0];
	v24 =	vadd.f32 v44, v26  }
0x1d2: {  	s11 =	sor.u32 $0x4380, s15;
	s0 =	sor.u32 s10, s8;
	v52 =	vld [tilespmem:s6+$0x0];
	v25 =	vadd.f32 v45, v27;
	v37 =	vadd.f32 v58, v63  }
0x1d3: {  	s9 =	sor.u32 s10, s11;
	s6 =	sor.u32 $0x6300, s15;
	v47 =	vld [tilespmem:s0+$0x0];
	v22 =	vadd.f32 v42, v24  }
0x1d4: {  	s0 =	sor.u32 s10, s6;
	v23 =	vadd.f32 v43, v25;
	v41 =	vadd.f32 v60, v37;
	v43 =	vld [tilespmem:s9+$0x0];
	s9 =	sor.u32 $0x5300, s15  }
0x1d5: {  	s12 =	sor.u32 $0x5100, s15;
	v56 =	vld [tilespmem:s0+$0x0];
	s3 =	sor.u32 s10, s9;
	v20 =	vadd.f32 v20, v22  }
0x1d6: {  	s18 =	sor.u32 s10, s12;
	v21 =	vadd.f32 v21, v23;
	v45 =	vadd.f32 v62, v41;
	v48 =	vld [tilespmem:s3+$0x0];
	s3 =	sor.u32 $0x6180, s15  }
0x1d7: {  	s5 =	sor.u32 $0x6380, s15;
	v34 =	vadd.f32 v57, v31;
	s0 =	sor.u32 $0x7100, s15;
	v44 =	vld [tilespmem:s18+$0x0];
	s18 =	sor.u32 s10, s3;
	v18 =	vadd.f32 v18, v20  }
0x1d8: {  	s1 =	sor.u32 s10, s5;
	v19 =	vadd.f32 v19, v21;
	v49 =	vadd.f32 v36, v45;
	v55 =	vld [tilespmem:s18+$0x0];
	[smem:$0x7CB] =	sst s0  }
0x1d9: {  	v38 =	vadd.f32 v59, v34;
	v59 =	vld [tilespmem:s1+$0x0];
	s1 =	sor.u32 $0x7180, s15;
	v16 =	vadd.f32 v16, v18  }
0x1da: {  	s0 =	sor.u32 s10, s0;
	v17 =	vadd.f32 v17, v19;
	v53 =	vadd.f32 v40, v49;
	[smem:$0x7CC] =	sst s1  }
0x1db: {  	v60 =	vld [tilespmem:s0+$0x0];
	s0 =	sor.u32 $0x7300, s15;
	v14 =	vadd.f32 v14, v16  }
0x1dc: {  	s1 =	sor.u32 s10, s1;
	v15 =	vadd.f32 v15, v17;
	v57 =	vadd.f32 v44, v53;
	[smem:$0x7CF] =	sst s0  }
0x1dd: {  	v42 =	vadd.f32 v61, v38;
	v63 =	vld [tilespmem:s1+$0x0];
	s1 =	sor.u32 $0x7380, s15;
	v12 =	vadd.f32 v12, v14  }
0x1de: {  	s0 =	sor.u32 s10, s0;
	v13 =	vadd.f32 v13, v15;
	v61 =	vadd.f32 v48, v57;
	[smem:$0x7D0] =	sst s1  }
0x1df: {  	v20 =	vld [tilespmem:s0+$0x0];
	s0 =	sor.u32 $0x8100, s15;
	v10 =	vadd.f32 v10, v12  }
0x1e0: {  	s1 =	sor.u32 s10, s1;
	v11 =	vadd.f32 v11, v13;
	v22 =	vadd.f32 v52, v61;
	[smem:$0x7D3] =	sst s0  }
0x1e1: {  	v24 =	vld [tilespmem:s1+$0x0];
	s1 =	sor.u32 $0x8180, s15;
	v8 =	vadd.f32 v8, v10  }
0x1e2: {  	s0 =	sor.u32 s10, s0;
	v9 =	vadd.f32 v9, v11;
	[smem:$0x7D4] =	sst s1;
	v11 =	vadd.f32 v56, v22  }
0x1e3: {  	v10 =	vld [tilespmem:s0+$0x0];
	s0 =	sor.u32 $0x8300, s15;
	v6 =	vadd.f32 v6, v8  }
0x1e4: {  	s18 =	sor.u32 $0x8380, s15;
	s1 =	sor.u32 s10, s1;
	[smem:$0x7D7] =	sst s0;
	v7 =	vadd.f32 v7, v9;
	v9 =	vadd.f32 v60, v11  }
0x1e5: {  	s15 =	sor.u32 s16, s2;
	v26 =	vld [tilespmem:s1+$0x0];
	[smem:$0x7D8] =	sst s18  }
0x1e6: {  	v4 =	vadd.f32 v4, v6;
	v6 =	vadd.f32 v20, v9;
	v9 =	vld [tilespmem:s15+$0x0];
	_ =	sdelay $0x2  }
0x1e7: {  	s0 =	sor.u32 s10, s0  }
0x1e8: {  	s1 =	sor.u32 s10, s18;
	v8 =	vld [tilespmem:s0+$0x0]  }
0x1e9: {  	v27 =	vld [tilespmem:s1+$0x0];
	[tilespmem:$0x1FDF0] =	vst v9  }
0x1ea: {  	v2 =	vadd.f32 v2, v4;
	v4 =	vld [tilespmem:s15+$0x80];
	_ =	sdelay $0x4  }
0x1eb: {  	[tilespmem:$0x1FE10] =	vst v4  }
0x1ec: {  	v4 =	vadd.f32 v10, v6;
	v6 =	vld [tilespmem:s15+$0x100];
	_ =	sdelay $0x1  }
0x1ed: {  	v46 =	vadd.f32 v35, v42;
	_ =	sdelay $0x1  }
0x1ee: {  	v50 =	vadd.f32 v39, v46  }
0x1ef: {  	[tilespmem:$0x1FE30] =	vst v6  }
0x1f0: {  	v54 =	vadd.f32 v43, v50;
	v0 =	vadd.f32 v0, v2;
	v2 =	vld [tilespmem:s15+$0x180];
	_ =	sdelay $0x1  }
0x1f1: {  	v58 =	vadd.f32 v47, v54;
	_ =	sdelay $0x1  }
0x1f2: {  	v62 =	vadd.f32 v51, v58  }
0x1f3: {  	[tilespmem:$0x1FE50] =	vst v2  }
0x1f4: {  	v23 =	vadd.f32 v55, v62;
	v2 =	vadd.f32 v8, v4;
	v4 =	vld [tilespmem:s15+$0x200];
	_ =	sdelay $0x1  }
0x1f5: {  	v25 =	vadd.f32 v59, v23;
	_ =	sdelay $0x1  }
0x1f6: {  	v11 =	vadd.f32 v63, v25  }
0x1f7: {  	[tilespmem:$0x1FE00] =	vst v4  }
0x1f8: {  	v5 =	vadd.f32 v5, v7;
	v7 =	vadd.f32 v24, v11;
	v4 =	vld [tilespmem:s15+$0x280];
	_ =	sdelay $0x1  }
0x1f9: {  	v3 =	vadd.f32 v3, v5;
	v5 =	vadd.f32 v26, v7;
	_ =	sdelay $0x1  }
0x1fa: {  	v1 =	vadd.f32 v1, v3;
	v3 =	vadd.f32 v27, v5  }
0x1fb: {  	[tilespmem:$0x1FE20] =	vst v4  }
0x1fc: {  	v0 =	vadd.f32 v1, v0;
	v1 =	vadd.f32 v3, v2;
	v2 =	vld [tilespmem:s15+$0x300];
	_ =	sdelay $0x4  }
0x1fd: {  	[tilespmem:$0x1FE40] =	vst v2  }
0x1fe: {  	v2 =	vld [tilespmem:s15+$0x380];
	_ =	sdelay $0x4  }
0x1ff: {  	s18 =	sor.u32 s16, s24;
	[tilespmem:$0x1FE60] =	vst v2  }
0x200: {  	v2 =	vld [tilespmem:s18+$0x0];
	_ =	sdelay $0x4  }
0x201: {  	s18 =	sor.u32 s16, s23;
	[tilespmem:$0x1FE70] =	vst v2  }
0x202: {  	v0 =	vadd.f32 v1, v0;
	v1 =	vld [tilespmem:s18+$0x0];
	_ =	sdelay $0x1  }
0x203: {  	s24 =	simm.s32 $0x20  }
0x204: {  	s2 =	sand.u32 $0x180, s24  }
0x205: {  	s15 =	sor.u32 s10, s2  }
0x206: {  	s0 =	sor.u32 $0x11000, s15;
	[tilespmem:$0x1FE80] =	vst v1  }
0x207: {  	s19 =	sor.u32 s16, s19;
	[tilespmem:s0+$0x0] =	vst.add.f32.msk $0xffff, v0  }
0x208: {  	v0 =	vld [tilespmem:s19+$0x0];
	_ =	sdelay $0x4  }
0x209: {  	s20 =	sor.u32 s16, s20;
	[tilespmem:$0x1FE90] =	vst v0  }
0x20a: {  	v0 =	vld [tilespmem:s20+$0x0];
	_ =	sdelay $0x4  }
0x20b: {  	s23 =	sor.u32 s16, s21;
	[tilespmem:$0x1FEA0] =	vst v0  }
0x20c: {  	v0 =	vld [tilespmem:s23+$0x0];
	_ =	sdelay $0x4  }
0x20d: {  	s1 =	sor.u32 s16, s26;
	[tilespmem:$0x1FEB0] =	vst v0  }
0x20e: {  	v0 =	vld [tilespmem:s1+$0x0];
	_ =	sdelay $0x1  }
0x20f: {  	s10 =	sld [smem:$0x7B9];
	_ =	sdelay $0x1  }
0x210: {  	s24 =	sor.u32 s16, s22  }
0x211: {  	s0 =	sor.u32 s16, s10;
	v52 =	vld [tilespmem:s24+$0x0];
	[tilespmem:$0x1FEC0] =	vst v0  }
0x212: {  	v0 =	vld [tilespmem:s0+$0x0];
	_ =	sdelay $0x3  }
0x213: {  	s2 =	sor.u32 s16, s29  }
0x214: {  	s18 =	sor.u32 s16, s25;
	v53 =	vld [tilespmem:s2+$0x0];
	[tilespmem:$0x1FED0] =	vst v0  }
0x215: {  	v0 =	vld [tilespmem:s18+$0x0]  }
0x216: {  	s15 =	sld [smem:$0x7BA]  }
0x217: {  	s20 =	sld [smem:$0x7BB];
	_ =	sdelay $0x1  }
0x218: {  	s0 =	sor.u32 s16, s15  }
0x219: {  	v54 =	vld [tilespmem:s0+$0x0];
	s0 =	sor.u32 s16, s20;
	[tilespmem:$0x1FEE0] =	vst v0  }
0x21a: {  	v0 =	vld [tilespmem:s0+$0x0];
	_ =	sdelay $0x3  }
0x21b: {  	s19 =	sor.u32 s16, s30  }
0x21c: {  	s22 =	sor.u32 s16, s28;
	v55 =	vld [tilespmem:s19+$0x0];
	[tilespmem:$0x1FEF0] =	vst v0  }
0x21d: {  	v0 =	vld [tilespmem:s22+$0x0]  }
0x21e: {  	s21 =	sld [smem:$0x7BC]  }
0x21f: {  	s24 =	sld [smem:$0x7BD];
	_ =	sdelay $0x1  }
0x220: {  	s0 =	sor.u32 s16, s21  }
0x221: {  	v56 =	vld [tilespmem:s0+$0x0];
	s0 =	sor.u32 s16, s24;
	[tilespmem:$0x1FF00] =	vst v0  }
0x222: {  	v0 =	vld [tilespmem:s0+$0x0];
	_ =	sdelay $0x3  }
0x223: {  	s23 =	sor.u32 s16, s17  }
0x224: {  	s26 =	sor.u32 s16, s31;
	v57 =	vld [tilespmem:s23+$0x0];
	[tilespmem:$0x1FF10] =	vst v0  }
0x225: {  	v0 =	vld [tilespmem:s26+$0x0]  }
0x226: {  	s25 =	sld [smem:$0x7BE]  }
0x227: {  	s29 =	sld [smem:$0x7BF];
	_ =	sdelay $0x1  }
0x228: {  	s0 =	sor.u32 s16, s25  }
0x229: {  	v58 =	vld [tilespmem:s0+$0x0];
	s0 =	sor.u32 s16, s29;
	[tilespmem:$0x1FF20] =	vst v0  }
0x22a: {  	v0 =	vld [tilespmem:s0+$0x0];
	_ =	sdelay $0x3  }
0x22b: {  	s28 =	sor.u32 s16, s13  }
0x22c: {  	s1 =	sor.u32 s16, s14;
	v59 =	vld [tilespmem:s28+$0x0];
	[tilespmem:$0x1FF30] =	vst v0  }
0x22d: {  	v0 =	vld [tilespmem:s1+$0x0]  }
0x22e: {  	s31 =	sld [smem:$0x7C0]  }
0x22f: {  	s10 =	sld [smem:$0x7C1];
	_ =	sdelay $0x1  }
0x230: {  	s0 =	sor.u32 s16, s31  }
0x231: {  	v60 =	vld [tilespmem:s0+$0x0];
	s0 =	sor.u32 s16, s10;
	[tilespmem:$0x1FF40] =	vst v0  }
0x232: {  	v0 =	vld [tilespmem:s0+$0x0];
	_ =	sdelay $0x3  }
0x233: {  	s2 =	sor.u32 s16, s11  }
0x234: {  	s12 =	sor.u32 s16, s12;
	v61 =	vld [tilespmem:s2+$0x0];
	[tilespmem:$0x1FF50] =	vst v0  }
0x235: {  	v0 =	vld [tilespmem:s12+$0x0]  }
0x236: {  	s11 =	sld [smem:$0x7C2]  }
0x237: {  	s14 =	sld [smem:$0x7C3];
	_ =	sdelay $0x1  }
0x238: {  	s0 =	sor.u32 s16, s11  }
0x239: {  	v62 =	vld [tilespmem:s0+$0x0];
	s0 =	sor.u32 s16, s14;
	[tilespmem:$0x1FF60] =	vst v0  }
0x23a: {  	v0 =	vld [tilespmem:s0+$0x0];
	_ =	sdelay $0x1  }
0x23b: {  	s15 =	sld [smem:$0x7C4];
	_ =	sdelay $0x1  }
0x23c: {  	s13 =	sor.u32 s16, s8  }
0x23d: {  	v63 =	vld [tilespmem:s13+$0x0];
	s0 =	sor.u32 s16, s15;
	[tilespmem:$0x1FF70] =	vst v0  }
0x23e: {  	v0 =	vld [tilespmem:s0+$0x0];
	_ =	sdelay $0x4  }
0x23f: {  	s17 =	sor.u32 s16, s9;
	[tilespmem:$0x1FF80] =	vst v0  }
0x240: {  	v0 =	vld [tilespmem:s17+$0x0];
	_ =	sdelay $0x1  }
0x241: {  	s19 =	sld [smem:$0x7C5];
	_ =	sdelay $0x2  }
0x242: {  	s20 =	sor.u32 s16, s19;
	[tilespmem:$0x1FF90] =	vst v0  }
0x243: {  	v0 =	vld [tilespmem:s20+$0x0];
	_ =	sdelay $0x3  }
0x244: {  	s18 =	sor.u32 s16, s4  }
0x245: {  	s22 =	sor.u32 s16, s7;
	v51 =	vld [tilespmem:s18+$0x0];
	[tilespmem:$0x1FFA0] =	vst v0  }
0x246: {  	v0 =	vld [tilespmem:s22+$0x0]  }
0x247: {  	s21 =	sld [smem:$0x7C6]  }
0x248: {  	s24 =	sld [smem:$0x7C7];
	_ =	sdelay $0x1  }
0x249: {  	s0 =	sor.u32 s16, s21  }
0x24a: {  	s25 =	sor.u32 s16, s24;
	v49 =	vld [tilespmem:s0+$0x0];
	[tilespmem:$0x1FFB0] =	vst v0  }
0x24b: {  	v0 =	vld [tilespmem:s25+$0x0];
	_ =	sdelay $0x2  }
0x24c: {  	v1 =	vld [tilespmem:$0x1FA00];
	s23 =	sor.u32 s16, s3  }
0x24d: {  	v50 =	vld [tilespmem:s23+$0x0]  }
0x24e: {  	[tilespmem:$0x1FFC0] =	vst v0;
	v0 =	vld [tilespmem:$0x1F9F0];
	_ =	sdelay $0x4  }
0x24f: {  	v6 =	vadd.f32 v1, v0;
	v0 =	vld [tilespmem:$0x1FA10]  }
0x250: {  	v1 =	vld [tilespmem:$0x1FA20];
	_ =	sdelay $0x4  }
0x251: {  	v10 =	vadd.f32 v1, v0;
	v0 =	vld [tilespmem:$0x1FA30]  }
0x252: {  	v1 =	vld [tilespmem:$0x1FA40];
	_ =	sdelay $0x4  }
0x253: {  	v11 =	vadd.f32 v1, v0;
	v0 =	vld [tilespmem:$0x1FA50]  }
0x254: {  	v1 =	vld [tilespmem:$0x1FA60];
	_ =	sdelay $0x4  }
0x255: {  	v28 =	vadd.f32 v1, v0;
	v0 =	vld [tilespmem:$0x1FA70];
	_ =	sdelay $0x4  }
0x256: {  	v6 =	vadd.f32 v0, v6;
	v0 =	vld [tilespmem:$0x1FA80];
	_ =	sdelay $0x4  }
0x257: {  	v10 =	vadd.f32 v0, v10;
	v0 =	vld [tilespmem:$0x1FA90];
	_ =	sdelay $0x4  }
0x258: {  	v11 =	vadd.f32 v0, v11;
	v0 =	vld [tilespmem:$0x1FAA0];
	_ =	sdelay $0x4  }
0x259: {  	v12 =	vadd.f32 v0, v28;
	v0 =	vld [tilespmem:$0x1FAB0];
	_ =	sdelay $0x4  }
0x25a: {  	v6 =	vadd.f32 v0, v6;
	v0 =	vld [tilespmem:$0x1FAC0];
	_ =	sdelay $0x4  }
0x25b: {  	v10 =	vadd.f32 v0, v10;
	v0 =	vld [tilespmem:$0x1FAD0];
	_ =	sdelay $0x4  }
0x25c: {  	v11 =	vadd.f32 v0, v11;
	v0 =	vld [tilespmem:$0x1FAE0];
	_ =	sdelay $0x4  }
0x25d: {  	v12 =	vadd.f32 v0, v12;
	v0 =	vld [tilespmem:$0x1FAF0];
	_ =	sdelay $0x4  }
0x25e: {  	v6 =	vadd.f32 v0, v6;
	v0 =	vld [tilespmem:$0x1FB00];
	_ =	sdelay $0x4  }
0x25f: {  	v10 =	vadd.f32 v0, v10;
	v0 =	vld [tilespmem:$0x1FB10];
	_ =	sdelay $0x4  }
0x260: {  	v11 =	vadd.f32 v0, v11;
	v0 =	vld [tilespmem:$0x1FB20];
	_ =	sdelay $0x4  }
0x261: {  	v12 =	vadd.f32 v0, v12;
	v0 =	vld [tilespmem:$0x1FB30];
	_ =	sdelay $0x2  }
0x262: {  	s26 =	sld [smem:$0x7C8];
	_ =	sdelay $0x1  }
0x263: {  	s29 =	simm.s32 $0x200;
	s28 =	sor.u32 s16, s6;
	v6 =	vadd.f32 v0, v6;
	v0 =	vld [tilespmem:$0x1FB40]  }
0x264: {  	v2 =	vld [tilespmem:$0x1FC10];
	s6 =	sld [smem:$0x7C9];
	s0 =	sor.u32 s16, s26;
	s26 =	sand.u32 $0xC00, s29  }
0x265: {  	s8 =	sor.u32 $0x8200, s26;
	v48 =	vld [tilespmem:s0+$0x0]  }
0x266: {  	s5 =	sor.u32 s16, s5;
	s1 =	simm.s32 $0x40;
	v47 =	vld [tilespmem:s28+$0x0];
	[smem:$0x7F5] =	sst s8  }
0x267: {  	s7 =	sor.u32 s16, s6;
	s31 =	sand.u32 $0x60, s1;
	s3 =	sor.u32 $0x8280, s26;
	v46 =	vld [tilespmem:s5+$0x0]  }
0x268: {  	s10 =	sor.u32 $0x8000, s26;
	s0 =	sor.u32 $0x10, s31;
	[smem:$0x7F6] =	sst s3;
	v10 =	vadd.f32 v0, v10;
	v0 =	vld [tilespmem:$0x1FB50]  }
0x269: {  	s12 =	sor.u32 $0x8080, s26;
	s9 =	sor.u32 s0, s8;
	v45 =	vld [tilespmem:s7+$0x0];
	[smem:$0x7F2] =	sst s10  }
0x26a: {  	s14 =	sor.u32 $0x7200, s26;
	s11 =	sor.u32 s0, s3;
	v44 =	vld [tilespmem:s9+$0x0];
	[smem:$0x7F3] =	sst s12  }
0x26b: {  	s13 =	sor.u32 s0, s10;
	v43 =	vld [tilespmem:s11+$0x0];
	[smem:$0x7EE] =	sst s14  }
0x26c: {  	v42 =	vld [tilespmem:s13+$0x0]  }
0x26d: {  	s17 =	sor.u32 $0x7280, s26;
	s15 =	sor.u32 s0, s12;
	v11 =	vadd.f32 v0, v11;
	v0 =	vld [tilespmem:$0x1FB60]  }
0x26e: {  	s19 =	sor.u32 $0x7000, s26;
	s18 =	sor.u32 s0, s14;
	v41 =	vld [tilespmem:s15+$0x0];
	[smem:$0x7EF] =	sst s17  }
0x26f: {  	s21 =	sor.u32 $0x7080, s26;
	s20 =	sor.u32 s0, s17;
	v40 =	vld [tilespmem:s18+$0x0];
	[smem:$0x7EB] =	sst s19  }
0x270: {  	s22 =	sor.u32 s0, s19;
	v39 =	vld [tilespmem:s20+$0x0];
	[smem:$0x7EC] =	sst s21  }
0x271: {  	s23 =	sor.u32 $0x6200, s26;
	v38 =	vld [tilespmem:s22+$0x0]  }
0x272: {  	s25 =	sor.u32 $0x6280, s26;
	s24 =	sor.u32 s0, s21;
	[smem:$0x7E9] =	sst s23;
	v12 =	vadd.f32 v0, v12;
	v0 =	vld [tilespmem:$0x1FB70]  }
0x273: {  	s29 =	sor.u32 $0x6000, s26;
	s28 =	sor.u32 s0, s23;
	v37 =	vld [tilespmem:s24+$0x0];
	[smem:$0x7EA] =	sst s25  }
0x274: {  	s4 =	sor.u32 $0x6080, s26;
	s2 =	sor.u32 s0, s25;
	v36 =	vld [tilespmem:s28+$0x0];
	[smem:$0x7E7] =	sst s29  }
0x275: {  	s5 =	sor.u32 s0, s29;
	v35 =	vld [tilespmem:s2+$0x0];
	[smem:$0x7E8] =	sst s4  }
0x276: {  	s6 =	sor.u32 $0x5200, s26;
	v34 =	vld [tilespmem:s5+$0x0]  }
0x277: {  	s8 =	sor.u32 $0x5280, s26;
	s7 =	sor.u32 s0, s4;
	[smem:$0x7E5] =	sst s6;
	v6 =	vadd.f32 v0, v6;
	v0 =	vld [tilespmem:$0x1FB80]  }
0x278: {  	s10 =	sor.u32 $0x5000, s26;
	s9 =	sor.u32 s0, s6;
	v33 =	vld [tilespmem:s7+$0x0];
	[smem:$0x7E6] =	sst s8  }
0x279: {  	s12 =	sor.u32 $0x5080, s26;
	s11 =	sor.u32 s0, s8;
	v32 =	vld [tilespmem:s9+$0x0];
	[smem:$0x7E3] =	sst s10  }
0x27a: {  	s13 =	sor.u32 s0, s10;
	v31 =	vld [tilespmem:s11+$0x0];
	[smem:$0x7E4] =	sst s12  }
0x27b: {  	s14 =	sor.u32 $0x4200, s26;
	v30 =	vld [tilespmem:s13+$0x0]  }
0x27c: {  	s15 =	sor.u32 s0, s12;
	s17 =	sor.u32 $0x4280, s26;
	[smem:$0x7E1] =	sst s14;
	v10 =	vadd.f32 v0, v10;
	v0 =	vld [tilespmem:$0x1FB90]  }
0x27d: {  	s18 =	sor.u32 s0, s14;
	s19 =	sor.u32 $0x4000, s26;
	v29 =	vld [tilespmem:s15+$0x0];
	[smem:$0x7E2] =	sst s17  }
0x27e: {  	s20 =	sor.u32 s0, s17;
	v27 =	vld [tilespmem:s18+$0x0];
	[smem:$0x7DF] =	sst s19  }
0x27f: {  	v26 =	vld [tilespmem:s20+$0x0]  }
0x280: {  	s21 =	sor.u32 $0x4080, s26;
	v1 =	vld [tilespmem:$0x1FC00]  }
0x281: {  	s22 =	sor.u32 s0, s19;
	s23 =	sor.u32 $0x3200, s26;
	[smem:$0x7E0] =	sst s21;
	v11 =	vadd.f32 v0, v11;
	v0 =	vld [tilespmem:$0x1FBA0]  }
0x282: {  	s24 =	sor.u32 s0, s21;
	s25 =	sor.u32 $0x3280, s26;
	v25 =	vld [tilespmem:s22+$0x0];
	[smem:$0x7DD] =	sst s23  }
0x283: {  	s28 =	sor.u32 s0, s23;
	s29 =	sor.u32 $0x3000, s26;
	v24 =	vld [tilespmem:s24+$0x0];
	[smem:$0x7DE] =	sst s25  }
0x284: {  	s2 =	sor.u32 s0, s25;
	v23 =	vld [tilespmem:s28+$0x0];
	[smem:$0x7DB] =	sst s29  }
0x285: {  	s4 =	sor.u32 $0x3080, s26;
	v22 =	vld [tilespmem:s2+$0x0]  }
0x286: {  	s5 =	sor.u32 s0, s29;
	s6 =	sor.u32 $0x2200, s26;
	[smem:$0x7DC] =	sst s4;
	v12 =	vadd.f32 v0, v12;
	v0 =	vld [tilespmem:$0x1FBB0]  }
0x287: {  	s7 =	sor.u32 s0, s4;
	s8 =	sor.u32 $0x2280, s26;
	v21 =	vld [tilespmem:s5+$0x0];
	[smem:$0x7D9] =	sst s6  }
0x288: {  	s9 =	sor.u32 s0, s6;
	v20 =	vld [tilespmem:s7+$0x0];
	[smem:$0x7DA] =	sst s8  }
0x289: {  	s10 =	sor.u32 s0, s8;
	v19 =	vld [tilespmem:s9+$0x0]  }
0x28a: {  	s18 =	sor.u32 $0x2000, s26;
	v18 =	vld [tilespmem:s10+$0x0]  }
0x28b: {  	s15 =	sor.u32 $0x2080, s26;
	s11 =	sor.u32 s0, s18;
	v6 =	vadd.f32 v0, v6;
	v0 =	vld [tilespmem:$0x1FBC0]  }
0x28c: {  	s3 =	sor.u32 $0x1000, s26;
	s12 =	sor.u32 s0, s15;
	v17 =	vld [tilespmem:s11+$0x0]  }
0x28d: {  	s13 =	sor.u32 s0, s3;
	v16 =	vld [tilespmem:s12+$0x0]  }
0x28e: {  	v15 =	vld [tilespmem:s13+$0x0]  }
0x28f: {  	v13 =	vld [tilespmem:s13+$0x80]  }
0x290: {  	v10 =	vadd.f32 v0, v10;
	v0 =	vld [tilespmem:$0x1FBD0]  }
0x291: {  	v14 =	vld [tilespmem:s13+$0x100]  }
0x292: {  	v9 =	vld [tilespmem:s13+$0x180]  }
0x293: {  	v8 =	vld [tilespmem:s13+$0x200]  }
0x294: {  	v28 =	vld [tilespmem:$0x1FC40]  }
0x295: {  	v11 =	vadd.f32 v0, v11;
	v0 =	vld [tilespmem:$0x1FBE0]  }
0x296: {  	v4 =	vld [tilespmem:s13+$0x280]  }
0x297: {  	v1 =	vadd.f32 v1, v10;
	v10 =	vld [tilespmem:$0x1FC20]  }
0x298: {  	v7 =	vld [tilespmem:s13+$0x300]  }
0x299: {  	v28 =	vadd.f32 v28, v1;
	v1 =	vld [tilespmem:$0x1FC50]  }
0x29a: {  	v12 =	vadd.f32 v0, v12;
	v0 =	vld [tilespmem:$0x1FBF0]  }
0x29b: {  	s7 =	sor.u32 $0x2180, s26;
	v3 =	vld [tilespmem:s13+$0x380]  }
0x29c: {  	s4 =	sor.u32 $0x2380, s26;
	s17 =	sor.u32 s0, s7;
	v2 =	vadd.f32 v2, v11;
	v11 =	vadd.f32 v10, v12;
	v10 =	vld [tilespmem:$0x1FC30]  }
0x29d: {  	s5 =	sor.u32 $0x2100, s26;
	s20 =	sor.u32 s0, s4;
	v5 =	vld [tilespmem:s17+$0x0]  }
0x29e: {  	s6 =	sor.u32 $0x3180, s26;
	s14 =	sor.u32 s0, s5;
	v12 =	vadd.f32 v1, v2;
	v1 =	vld [tilespmem:s20+$0x0]  }
0x29f: {  	s22 =	sor.u32 s0, s6;
	s9 =	sor.u32 $0x2300, s26;
	v0 =	vadd.f32 v0, v6;
	v6 =	vld [tilespmem:s14+$0x0]  }
0x2a0: {  	s8 =	sor.u32 $0x3380, s26;
	s19 =	sor.u32 s0, s9;
	v3 =	vadd.f32 v3, v9;
	v9 =	vld [tilespmem:s22+$0x0]  }
0x2a1: {  	s11 =	sor.u32 $0x3100, s26;
	s24 =	sor.u32 s0, s8;
	v2 =	vadd.f32 v8, v15;
	v10 =	vadd.f32 v10, v0;
	v0 =	vld [tilespmem:s19+$0x0]  }
0x2a2: {  	s12 =	sor.u32 $0x3300, s26;
	s21 =	sor.u32 s0, s11;
	v7 =	vadd.f32 v7, v14;
	v3 =	vadd.f32 v5, v3;
	v5 =	vld [tilespmem:s24+$0x0]  }
0x2a3: {  	s10 =	sor.u32 $0x4180, s26;
	s23 =	sor.u32 s0, s12;
	v8 =	vld [tilespmem:s21+$0x0];
	v2 =	vadd.f32 v17, v2  }
0x2a4: {  	s28 =	sor.u32 s0, s10;
	s22 =	sor.u32 $0x5100, s26;
	v17 =	vld [tilespmem:s23+$0x0];
	v1 =	vadd.f32 v1, v3;
	v6 =	vadd.f32 v6, v7  }
0x2a5: {  	s13 =	sor.u32 $0x4100, s26;
	s2 =	sor.u32 s0, s22;
	v2 =	vadd.f32 v19, v2;
	v3 =	vld [tilespmem:s28+$0x0]  }
0x2a6: {  	s25 =	sor.u32 s0, s13;
	s20 =	sor.u32 $0x4300, s26;
	v1 =	vadd.f32 v9, v1;
	v9 =	vld [tilespmem:s2+$0x0];
	v0 =	vadd.f32 v0, v6  }
0x2a7: {  	v4 =	vadd.f32 v4, v13;
	s29 =	sor.u32 s0, s20;
	s14 =	sor.u32 $0x4380, s26;
	v2 =	vadd.f32 v21, v2;
	v7 =	vld [tilespmem:s25+$0x0]  }
0x2a8: {  	s17 =	sor.u32 $0x5180, s26;
	s1 =	sor.u32 s0, s14;
	v6 =	vld [tilespmem:s29+$0x0];
	v0 =	vadd.f32 v8, v0  }
0x2a9: {  	v4 =	vadd.f32 v16, v4;
	s21 =	sor.u32 s0, s17;
	v2 =	vadd.f32 v23, v2;
	s25 =	sor.u32 $0x5300, s26;
	v8 =	vld [tilespmem:s1+$0x0]  }
0x2aa: {  	s19 =	sor.u32 $0x5380, s26;
	v1 =	vadd.f32 v5, v1;
	v5 =	vld [tilespmem:s21+$0x0];
	s23 =	sor.u32 s0, s25;
	v0 =	vadd.f32 v17, v0  }
0x2ab: {  	v4 =	vadd.f32 v18, v4;
	s28 =	sor.u32 $0x6100, s26;
	s24 =	sor.u32 s0, s19;
	v2 =	vadd.f32 v25, v2;
	v25 =	vld [tilespmem:s23+$0x0]  }
0x2ac: {  	s21 =	sor.u32 $0x6180, s26;
	s29 =	sor.u32 s0, s28;
	v1 =	vadd.f32 v3, v1;
	v3 =	vld [tilespmem:s24+$0x0];
	v0 =	vadd.f32 v7, v0  }
0x2ad: {  	v4 =	vadd.f32 v20, v4;
	s1 =	sor.u32 s0, s21;
	v7 =	vld [tilespmem:s29+$0x0];
	s29 =	sor.u32 $0x6300, s26  }
0x2ae: {  	s23 =	sor.u32 $0x6380, s26;
	s24 =	sor.u32 $0x7100, s26;
	v1 =	vadd.f32 v8, v1;
	s2 =	sor.u32 s0, s29;
	v0 =	vadd.f32 v6, v0;
	v6 =	vld [tilespmem:s1+$0x0]  }
0x2af: {  	v4 =	vadd.f32 v22, v4;
	s30 =	sor.u32 s0, s23;
	v8 =	vld [tilespmem:s2+$0x0];
	[smem:$0x7ED] =	sst s24  }
0x2b0: {  	s1 =	sor.u32 s0, s24;
	v1 =	vadd.f32 v5, v1;
	v5 =	vld [tilespmem:s30+$0x0]  }
0x2b1: {  	v4 =	vadd.f32 v24, v4;
	s30 =	sor.u32 $0x7180, s26;
	v0 =	vadd.f32 v9, v0;
	v9 =	vld [tilespmem:s1+$0x0];
	s1 =	sor.u32 $0x7300, s26  }
0x2b2: {  	s2 =	sor.u32 s0, s30;
	[smem:$0x7F0] =	sst s1  }
0x2b3: {  	v4 =	vadd.f32 v26, v4;
	v1 =	vadd.f32 v3, v1;
	v3 =	vld [tilespmem:s2+$0x0];
	s2 =	sor.u32 $0x7380, s26  }
0x2b4: {  	s1 =	sor.u32 s0, s1;
	[smem:$0x7F1] =	sst s2  }
0x2b5: {  	v4 =	vadd.f32 v29, v4;
	v29 =	vld [tilespmem:s1+$0x0];
	s1 =	sor.u32 $0x8100, s26  }
0x2b6: {  	v0 =	vadd.f32 v25, v0;
	s2 =	sor.u32 s0, s2;
	[smem:$0x7F4] =	sst s1  }
0x2b7: {  	v1 =	vadd.f32 v6, v1;
	s1 =	sor.u32 s0, s1;
	v6 =	vld [tilespmem:s2+$0x0]  }
0x2b8: {  	v0 =	vadd.f32 v7, v0;
	s2 =	sor.u32 $0x8180, s26;
	v7 =	vld [tilespmem:s1+$0x0];
	s1 =	sor.u32 $0x8300, s26  }
0x2b9: {  	[smem:$0x7F7] =	sst s1;
	s24 =	sor.u32 s0, s2  }
0x2ba: {  	v2 =	vadd.f32 v27, v2;
	v1 =	vadd.f32 v5, v1;
	v5 =	vld [tilespmem:s24+$0x0];
	s24 =	sld [smem:$0x7CA]  }
0x2bb: {  	s26 =	sor.u32 $0x8380, s26;
	s1 =	sor.u32 s0, s1  }
0x2bc: {  	v2 =	vadd.f32 v30, v2;
	v30 =	vld [tilespmem:s1+$0x0];
	s1 =	sor.u32 s0, s26  }
0x2bd: {  	v1 =	vadd.f32 v3, v1;
	v3 =	vld [tilespmem:s1+$0x0];
	s1 =	sor.u32 s16, s24;
	s24 =	sld [smem:$0x7CB];
	_ =	sdelay $0x1  }
0x2be: {  	v1 =	vadd.f32 v6, v1  }
0x2bf: {  	v13 =	vld [tilespmem:s1+$0x0];
	s1 =	sor.u32 s16, s24;
	s24 =	sld [smem:$0x7CC]  }
0x2c0: {  	v0 =	vadd.f32 v8, v0;
	v1 =	vadd.f32 v5, v1  }
0x2c1: {  	v19 =	vld [tilespmem:s1+$0x0]  }
0x2c2: {  	v0 =	vadd.f32 v9, v0;
	v3 =	vadd.f32 v3, v1;
	v1 =	vld [tilespmem:$0x1FC60];
	s1 =	sor.u32 s16, s24;
	s24 =	sld [smem:$0x7CD]  }
0x2c3: {  	v4 =	vadd.f32 v31, v4  }
0x2c4: {  	v2 =	vadd.f32 v32, v2;
	v0 =	vadd.f32 v29, v0  }
0x2c5: {  	v4 =	vadd.f32 v33, v4;
	v18 =	vld [tilespmem:s1+$0x0];
	s1 =	sor.u32 s16, s24;
	s24 =	sld [smem:$0x7CE]  }
0x2c6: {  	v2 =	vadd.f32 v34, v2;
	v0 =	vadd.f32 v7, v0  }
0x2c7: {  	v4 =	vadd.f32 v35, v4;
	v5 =	vadd.f32 v1, v11;
	v11 =	vld [tilespmem:$0x1FCA0]  }
0x2c8: {  	v2 =	vadd.f32 v36, v2;
	v0 =	vadd.f32 v30, v0;
	v16 =	vld [tilespmem:s1+$0x0];
	s1 =	sor.u32 s16, s24;
	s24 =	sld [smem:$0x7CF]  }
0x2c9: {  	v4 =	vadd.f32 v37, v4  }
0x2ca: {  	v2 =	vadd.f32 v38, v2;
	v0 =	vadd.f32 v3, v0;
	v3 =	vld [tilespmem:$0x1FC80]  }
0x2cb: {  	v4 =	vadd.f32 v39, v4;
	v8 =	vld [tilespmem:s1+$0x0];
	s1 =	sor.u32 s16, s24;
	s24 =	sld [smem:$0x7D0]  }
0x2cc: {  	v2 =	vadd.f32 v40, v2;
	v1 =	vld [tilespmem:$0x1FC70]  }
0x2cd: {  	v4 =	vadd.f32 v41, v4;
	v5 =	vadd.f32 v11, v5;
	v11 =	vld [tilespmem:$0x1FCB0]  }
0x2ce: {  	v2 =	vadd.f32 v42, v2;
	v9 =	vld [tilespmem:s1+$0x0];
	s1 =	sor.u32 s16, s24;
	s24 =	sld [smem:$0x7D1]  }
0x2cf: {  	v4 =	vadd.f32 v43, v4  }
0x2d0: {  	v2 =	vadd.f32 v44, v2;
	v7 =	vadd.f32 v3, v28;
	v3 =	vld [tilespmem:$0x1FC90]  }
0x2d1: {  	v6 =	vadd.f32 v1, v10;
	v1 =	vld [tilespmem:s1+$0x0];
	s1 =	sor.u32 s16, s24;
	s24 =	sld [smem:$0x7D2]  }
0x2d2: {  	v4 =	vadd.f32 v4, v2;
	v2 =	vld [tilespmem:s1+$0x0];
	s1 =	simm.s32 $0x40  }
0x2d3: {  	v6 =	vadd.f32 v11, v6;
	v11 =	vld [tilespmem:$0x1FCC0];
	s1 =	sand.u32 $0x180, s1  }
0x2d4: {  	v0 =	vadd.f32 v0, v4;
	s24 =	sor.u32 s16, s24;
	s0 =	sor.u32 s0, s1  }
0x2d5: {  	v10 =	vadd.f32 v3, v12;
	v3 =	vld [tilespmem:s24+$0x0];
	s0 =	sor.u32 $0x11000, s0  }
0x2d6: {  	s24 =	sld [smem:$0x7D3];
	[tilespmem:s0+$0x0] =	vst.add.f32.msk $0xffff, v0  }
0x2d7: {  	v0 =	vld [tilespmem:$0x1FCD0]  }
0x2d8: {  	v7 =	vadd.f32 v11, v7;
	v11 =	vld [tilespmem:$0x1FD30]  }
0x2d9: {  	v31 =	vld [tilespmem:$0x1FDB0]  }
0x2da: {  	v32 =	vld [tilespmem:$0x1FDF0]  }
0x2db: {  	v33 =	vld [tilespmem:$0x1FE00]  }
0x2dc: {  	v34 =	vld [tilespmem:$0x1FE10]  }
0x2dd: {  	v35 =	vld [tilespmem:$0x1FE20]  }
0x2de: {  	v36 =	vld [tilespmem:$0x1FE30]  }
0x2df: {  	v37 =	vld [tilespmem:$0x1FE40]  }
0x2e0: {  	v38 =	vld [tilespmem:$0x1FE50]  }
0x2e1: {  	v39 =	vld [tilespmem:$0x1FE60]  }
0x2e2: {  	v40 =	vld [tilespmem:$0x1FE70]  }
0x2e3: {  	v41 =	vld [tilespmem:$0x1FE80]  }
0x2e4: {  	s0 =	sld [smem:$0x7D4];
	v42 =	vld [tilespmem:$0x1FE90]  }
0x2e5: {  	v43 =	vld [tilespmem:$0x1FEA0]  }
0x2e6: {  	v44 =	vld [tilespmem:$0x1FEB0];
	s1 =	sor.u32 s16, s24  }
0x2e7: {  	v4 =	vld [tilespmem:s1+$0x0];
	s1 =	sld [smem:$0x7D5];
	s0 =	sor.u32 s16, s0  }
0x2e8: {  	v12 =	vld [tilespmem:s0+$0x0];
	v24 =	vadd.f32 v35, v34  }
0x2e9: {  	s9 =	sor.u32 s31, s9;
	v0 =	vadd.f32 v0, v10;
	v10 =	vld [tilespmem:$0x1FCE0];
	v26 =	vadd.f32 v39, v38  }
0x2ea: {  	s0 =	sor.u32 s16, s1;
	v25 =	vadd.f32 v37, v36;
	v37 =	vld [tilespmem:s9+$0x0];
	v24 =	vadd.f32 v41, v24  }
0x2eb: {  	v15 =	vld [tilespmem:s0+$0x0];
	v26 =	vadd.f32 v43, v26  }
0x2ec: {  	v24 =	vadd.f32 v52, v24;
	v52 =	vld [tilespmem:$0x1FEC0]  }
0x2ed: {  	v26 =	vadd.f32 v53, v26;
	v53 =	vld [tilespmem:$0x1FED0]  }
0x2ee: {  	v23 =	vadd.f32 v33, v32;
	v5 =	vadd.f32 v10, v5;
	v10 =	vld [tilespmem:$0x1FCF0]  }
0x2ef: {  	v24 =	vadd.f32 v54, v24;
	v54 =	vld [tilespmem:$0x1FEE0]  }
0x2f0: {  	v23 =	vadd.f32 v40, v23;
	v26 =	vadd.f32 v55, v26;
	v55 =	vld [tilespmem:$0x1FEF0]  }
0x2f1: {  	v25 =	vadd.f32 v42, v25;
	v24 =	vadd.f32 v56, v24;
	v56 =	vld [tilespmem:$0x1FF00]  }
0x2f2: {  	v23 =	vadd.f32 v44, v23;
	v26 =	vadd.f32 v57, v26;
	v57 =	vld [tilespmem:$0x1FF10]  }
0x2f3: {  	v25 =	vadd.f32 v52, v25;
	v52 =	vld [tilespmem:$0x1FF70]  }
0x2f4: {  	v23 =	vadd.f32 v53, v23;
	v53 =	vld [tilespmem:$0x1FF80]  }
0x2f5: {  	v6 =	vadd.f32 v10, v6;
	v10 =	vld [tilespmem:$0x1FD00]  }
0x2f6: {  	v24 =	vadd.f32 v58, v24;
	v58 =	vld [tilespmem:$0x1FF20]  }
0x2f7: {  	v26 =	vadd.f32 v59, v26;
	v59 =	vld [tilespmem:$0x1FF30]  }
0x2f8: {  	v25 =	vadd.f32 v54, v25;
	v54 =	vld [tilespmem:$0x1FF90]  }
0x2f9: {  	v23 =	vadd.f32 v55, v23;
	v55 =	vld [tilespmem:$0x1FFA0]  }
0x2fa: {  	v6 =	vadd.f32 v11, v6;
	v11 =	vld [tilespmem:$0x1FD40]  }
0x2fb: {  	v24 =	vadd.f32 v60, v24;
	v60 =	vld [tilespmem:$0x1FF40]  }
0x2fc: {  	v7 =	vadd.f32 v10, v7;
	v10 =	vld [tilespmem:$0x1FD10]  }
0x2fd: {  	v26 =	vadd.f32 v61, v26;
	v61 =	vld [tilespmem:$0x1FF50]  }
0x2fe: {  	v25 =	vadd.f32 v56, v25;
	v56 =	vld [tilespmem:$0x1FFB0]  }
0x2ff: {  	v23 =	vadd.f32 v57, v23;
	v57 =	vld [tilespmem:$0x1FFC0]  }
0x300: {  	v7 =	vadd.f32 v11, v7;
	v11 =	vld [tilespmem:$0x1FD50]  }
0x301: {  	s24 =	sld [smem:$0x7D6];
	v0 =	vadd.f32 v10, v0;
	v10 =	vld [tilespmem:$0x1FD20]  }
0x302: {  	s9 =	sor.u32 s31, s13;
	v24 =	vadd.f32 v62, v24;
	v62 =	vld [tilespmem:$0x1FF60];
	v25 =	vadd.f32 v58, v25  }
0x303: {  	s10 =	sor.u32 s31, s10;
	s1 =	sld [smem:$0x7D7];
	v23 =	vadd.f32 v59, v23;
	v59 =	vld [tilespmem:s9+$0x0]  }
0x304: {  	s0 =	sor.u32 s16, s24;
	s24 =	sld [smem:$0x7D8];
	v25 =	vadd.f32 v60, v25;
	v60 =	vld [tilespmem:s10+$0x0]  }
0x305: {  	v0 =	vadd.f32 v11, v0;
	v11 =	vld [tilespmem:$0x1FD60]  }
0x306: {  	v10 =	vadd.f32 v10, v5;
	v5 =	vld [tilespmem:s0+$0x0];
	s0 =	sor.u32 s16, s1  }
0x307: {  	s1 =	sor.u32 s16, s24;
	v17 =	vld [tilespmem:s0+$0x0]  }
0x308: {  	s16 =	sor.u32 s31, s3;
	v20 =	vld [tilespmem:s1+$0x0]  }
0x309: {  	v24 =	vadd.f32 v53, v24;
	v14 =	vld [tilespmem:s16+$0x180]  }
0x30a: {  	v27 =	vld [tilespmem:s16+$0x200]  }
0x30b: {  	v24 =	vadd.f32 v49, v24;
	v28 =	vld [tilespmem:s16+$0x280]  }
0x30c: {  	v29 =	vld [tilespmem:s16+$0x300]  }
0x30d: {  	v24 =	vadd.f32 v48, v24;
	v10 =	vadd.f32 v11, v10;
	v11 =	vld [tilespmem:$0x1FD70]  }
0x30e: {  	s24 =	sor.u32 s31, s15;
	v30 =	vld [tilespmem:s16+$0x380]  }
0x30f: {  	v13 =	vadd.f32 v13, v24;
	s3 =	sor.u32 s31, s7;
	v32 =	vld [tilespmem:s24+$0x0]  }
0x310: {  	s15 =	sor.u32 s31, s4;
	v34 =	vld [tilespmem:s3+$0x0]  }
0x311: {  	v8 =	vadd.f32 v8, v13;
	v38 =	vld [tilespmem:s15+$0x0]  }
0x312: {  	s13 =	sor.u32 s31, s20;
	v11 =	vadd.f32 v11, v6;
	v6 =	vld [tilespmem:$0x1FD80]  }
0x313: {  	v26 =	vadd.f32 v63, v26;
	v3 =	vadd.f32 v3, v8;
	v8 =	vld [tilespmem:s13+$0x0]  }
0x314: {  	v25 =	vadd.f32 v62, v25;
	s1 =	sor.u32 s31, s5;
	v21 =	vadd.f32 v31, v11;
	v11 =	vld [tilespmem:$0x1FDC0]  }
0x315: {  	v23 =	vadd.f32 v61, v23;
	s24 =	sor.u32 s31, s11;
	v33 =	vld [tilespmem:s1+$0x0]  }
0x316: {  	v26 =	vadd.f32 v51, v26;
	v25 =	vadd.f32 v54, v25;
	v41 =	vld [tilespmem:s24+$0x0]  }
0x317: {  	v23 =	vadd.f32 v52, v23;
	s5 =	sld [smem:$0x7D9];
	s1 =	sor.u32 s31, s6;
	v7 =	vadd.f32 v6, v7;
	v6 =	vld [tilespmem:$0x1FD90]  }
0x318: {  	v26 =	vadd.f32 v50, v26;
	v25 =	vadd.f32 v56, v25;
	v42 =	vld [tilespmem:s1+$0x0]  }
0x319: {  	s20 =	sor.u32 s31, s22;
	v23 =	vadd.f32 v55, v23;
	s6 =	sor.u32 s31, s8;
	v22 =	vadd.f32 v11, v7;
	v7 =	vld [tilespmem:$0x1FDD0]  }
0x31a: {  	s22 =	sor.u32 s31, s17;
	s17 =	sld [smem:$0x7EE];
	v25 =	vadd.f32 v47, v25;
	v50 =	vld [tilespmem:s6+$0x0];
	s0 =	sor.u32 s31, s5  }
0x31b: {  	v26 =	vadd.f32 v46, v26;
	v23 =	vadd.f32 v57, v23;
	s7 =	sld [smem:$0x7DA];
	v35 =	vld [tilespmem:s0+$0x0]  }
0x31c: {  	s9 =	sld [smem:$0x7E9];
	v19 =	vadd.f32 v19, v25;
	s5 =	sor.u32 s31, s12;
	v0 =	vadd.f32 v6, v0;
	v6 =	vld [tilespmem:$0x1FDA0]  }
0x31d: {  	s10 =	sld [smem:$0x7EA];
	v18 =	vadd.f32 v18, v26;
	v23 =	vadd.f32 v45, v23;
	v49 =	vld [tilespmem:s5+$0x0]  }
0x31e: {  	s4 =	sld [smem:$0x7DE];
	v9 =	vadd.f32 v9, v19;
	s0 =	sor.u32 s31, s7;
	v0 =	vadd.f32 v7, v0;
	v7 =	vld [tilespmem:$0x1FDE0]  }
0x31f: {  	s3 =	sld [smem:$0x7DD];
	s15 =	sor.u32 s31, s14;
	v16 =	vadd.f32 v16, v23;
	v36 =	vld [tilespmem:s0+$0x0]  }
0x320: {  	v1 =	vadd.f32 v1, v18;
	s11 =	sld [smem:$0x7E1];
	v4 =	vadd.f32 v4, v9;
	v9 =	vld [tilespmem:s15+$0x0]  }
0x321: {  	s13 =	sld [smem:$0x7EB];
	v2 =	vadd.f32 v2, v16;
	v11 =	vld [tilespmem:s16+$0x80];
	v10 =	vadd.f32 v6, v10  }
0x322: {  	v1 =	vadd.f32 v12, v1;
	s14 =	sld [smem:$0x7EC];
	v3 =	vadd.f32 v5, v3;
	v6 =	vld [tilespmem:s16+$0x0]  }
0x323: {  	s18 =	sor.u32 s31, s18;
	v2 =	vadd.f32 v15, v2;
	v10 =	vadd.f32 v7, v10;
	v7 =	vld [tilespmem:s16+$0x100];
	s16 =	sld [smem:$0x7DB]  }
0x324: {  	v1 =	vadd.f32 v20, v1;
	v31 =	vld [tilespmem:s18+$0x0];
	s18 =	sld [smem:$0x7DC]  }
0x325: {  	s8 =	sld [smem:$0x7E0];
	v4 =	vadd.f32 v17, v4;
	v2 =	vadd.f32 v3, v2;
	v3 =	vld [tilespmem:s22+$0x0]  }
0x326: {  	s24 =	sld [smem:$0x7E5];
	v0 =	vadd.f32 v10, v0;
	v10 =	vld [tilespmem:s20+$0x0];
	s0 =	sor.u32 s31, s16  }
0x327: {  	s1 =	sld [smem:$0x7E6];
	v1 =	vadd.f32 v1, v4;
	v39 =	vld [tilespmem:s0+$0x0];
	s0 =	sor.u32 s31, s18  }
0x328: {  	s6 =	sld [smem:$0x7E8];
	v40 =	vld [tilespmem:s0+$0x0];
	s0 =	sor.u32 s31, s3  }
0x329: {  	s7 =	sld [smem:$0x7DF];
	v4 =	vadd.f32 v1, v2;
	s3 =	sor.u32 s31, s25;
	v43 =	vld [tilespmem:s0+$0x0]  }
0x32a: {  	s12 =	sld [smem:$0x7E2];
	v1 =	vadd.f32 v27, v6;
	v6 =	vadd.f32 v28, v11;
	s0 =	sor.u32 s31, s4;
	v11 =	vld [tilespmem:s3+$0x0]  }
0x32b: {  	s5 =	sld [smem:$0x7E7];
	s4 =	sor.u32 s31, s19;
	v44 =	vld [tilespmem:s0+$0x0]  }
0x32c: {  	s15 =	sld [smem:$0x7ED];
	s0 =	sor.u32 s31, s7;
	v47 =	vld [tilespmem:s4+$0x0]  }
0x32d: {  	s22 =	sld [smem:$0x7F3];
	s7 =	sor.u32 s31, s28;
	v58 =	vld [tilespmem:s0+$0x0]  }
0x32e: {  	s20 =	sld [smem:$0x7F1];
	s0 =	sor.u32 s31, s8;
	v53 =	vld [tilespmem:s7+$0x0]  }
0x32f: {  	s16 =	sld [smem:$0x7E3];
	v1 =	vadd.f32 v31, v1;
	s8 =	sor.u32 s31, s21;
	v46 =	vld [tilespmem:s0+$0x0]  }
0x330: {  	v45 =	vadd.f32 v22, v21;
	s18 =	sld [smem:$0x7E4];
	s0 =	sor.u32 s31, s11;
	v54 =	vld [tilespmem:s8+$0x0]  }
0x331: {  	v14 =	vadd.f32 v30, v14;
	s25 =	sld [smem:$0x7F5];
	v1 =	vadd.f32 v35, v1;
	s11 =	sor.u32 s31, s29;
	v61 =	vld [tilespmem:s0+$0x0]  }
0x332: {  	v15 =	vadd.f32 v0, v45;
	v7 =	vadd.f32 v29, v7;
	s19 =	sld [smem:$0x7F0];
	s0 =	sor.u32 s31, s12;
	v57 =	vld [tilespmem:s11+$0x0]  }
0x333: {  	v6 =	vadd.f32 v32, v6;
	s21 =	sld [smem:$0x7F2];
	v1 =	vadd.f32 v39, v1;
	s12 =	sor.u32 s31, s23;
	v62 =	vld [tilespmem:s0+$0x0];
	s0 =	sor.u32 s31, s16  }
0x334: {  	v14 =	vadd.f32 v34, v14;
	v7 =	vadd.f32 v33, v7;
	s23 =	sld [smem:$0x7F4];
	s16 =	sor.u32 s31, s30;
	s30 =	simm.s32 $0x11000;
	v5 =	vld [tilespmem:s0+$0x0]  }
0x335: {  	v6 =	vadd.f32 v36, v6;
	v1 =	vadd.f32 v43, v1;
	s0 =	sor.u32 s31, s18;
	s18 =	sld [smem:$0x7EF];
	[tilespmem:s30+$0x0] =	vst.add.f32.msk $0xffff, v15  }
0x336: {  	v14 =	vadd.f32 v38, v14;
	v7 =	vadd.f32 v37, v7;
	v63 =	vld [tilespmem:s0+$0x0]  }
0x337: {  	v6 =	vadd.f32 v40, v6;
	s0 =	sor.u32 s31, s24;
	v1 =	vadd.f32 v58, v1;
	v58 =	vld [tilespmem:s12+$0x0]  }
0x338: {  	v7 =	vadd.f32 v41, v7;
	v0 =	vld [tilespmem:s0+$0x0];
	s0 =	sor.u32 s31, s1  }
0x339: {  	v14 =	vadd.f32 v42, v14;
	v6 =	vadd.f32 v44, v6;
	v2 =	vld [tilespmem:s0+$0x0];
	s0 =	sor.u32 s31, s5  }
0x33a: {  	v7 =	vadd.f32 v49, v7;
	v1 =	vadd.f32 v61, v1;
	v51 =	vld [tilespmem:s0+$0x0];
	s0 =	sor.u32 s31, s6  }
0x33b: {  	v14 =	vadd.f32 v50, v14;
	v6 =	vadd.f32 v46, v6;
	v52 =	vld [tilespmem:s0+$0x0]  }
0x33c: {  	v7 =	vadd.f32 v59, v7;
	s0 =	sor.u32 s31, s9;
	v1 =	vadd.f32 v5, v1;
	v5 =	vld [tilespmem:s16+$0x0]  }
0x33d: {  	v14 =	vadd.f32 v60, v14;
	v55 =	vld [tilespmem:s0+$0x0];
	s0 =	sor.u32 s31, s10  }
0x33e: {  	v6 =	vadd.f32 v62, v6;
	v7 =	vadd.f32 v8, v7;
	v56 =	vld [tilespmem:s0+$0x0];
	s0 =	sor.u32 s31, s13  }
0x33f: {  	v9 =	vadd.f32 v9, v14;
	v59 =	vld [tilespmem:s0+$0x0];
	s0 =	sor.u32 s31, s14  }
0x340: {  	v6 =	vadd.f32 v63, v6;
	v7 =	vadd.f32 v10, v7;
	v60 =	vld [tilespmem:s0+$0x0];
	s0 =	sor.u32 s31, s15  }
0x341: {  	v3 =	vadd.f32 v3, v9;
	v0 =	vadd.f32 v0, v1;
	v8 =	vld [tilespmem:s0+$0x0];
	s0 =	sor.u32 s31, s17  }
0x342: {  	v1 =	vadd.f32 v2, v6;
	v2 =	vadd.f32 v11, v7;
	v10 =	vld [tilespmem:s0+$0x0];
	s0 =	sor.u32 s31, s18  }
0x343: {  	v3 =	vadd.f32 v47, v3;
	v0 =	vadd.f32 v51, v0;
	v9 =	vld [tilespmem:s0+$0x0];
	s0 =	sor.u32 s31, s19  }
0x344: {  	v1 =	vadd.f32 v52, v1;
	v2 =	vadd.f32 v53, v2;
	v6 =	vld [tilespmem:s0+$0x0];
	s0 =	sor.u32 s31, s20  }
0x345: {  	v3 =	vadd.f32 v54, v3;
	v61 =	vadd.f32 v55, v0;
	v7 =	vld [tilespmem:s0+$0x0];
	s0 =	sor.u32 s31, s21  }
0x346: {  	s24 =	sor.u32 s31, s2;
	v62 =	vadd.f32 v56, v1;
	v63 =	vadd.f32 v57, v2;
	v11 =	vld [tilespmem:s0+$0x0]  }
0x347: {  	s28 =	sld [smem:$0x7F6];
	v3 =	vadd.f32 v58, v3;
	v1 =	vld [tilespmem:s24+$0x0];
	v12 =	vadd.f32 v59, v61;
	s0 =	sor.u32 s31, s22  }
0x348: {  	s29 =	sld [smem:$0x7F7];
	v13 =	vadd.f32 v60, v62;
	v8 =	vadd.f32 v8, v63;
	v0 =	vld [tilespmem:s0+$0x0];
	s0 =	sor.u32 s31, s23  }
0x349: {  	v5 =	vadd.f32 v5, v3;
	v10 =	vadd.f32 v10, v12;
	v2 =	vld [tilespmem:s0+$0x0];
	s0 =	sor.u32 s31, s25  }
0x34a: {  	s1 =	sor.u32 s31, s28;
	s17 =	simm.s32 $0x4;
	s18 =	simm.s32 $0x300;
	v9 =	vadd.f32 v9, v13;
	v3 =	vld [tilespmem:s0+$0x0];
	v8 =	vadd.f32 v6, v8  }
0x34b: {  	s24 =	sor.u32 s31, s29;
	s19 =	simm.s32 $0x60;
	s25 =	sor.u32 s31, s26;
	v7 =	vadd.f32 v7, v5;
	v5 =	vld [tilespmem:s1+$0x0];
	v6 =	vadd.f32 v11, v10  }
.LBB2_3:
0x34c: {  	s14 =	sand.u32 $0x60, s19;
	s15 =	sand.u32 $0xC00, s18  }
0x34d: {  	s30 =	sadd.s32 $0x20, s30;
	s0 =	sor.u32 $0x8200, s15;
	s5 =	sor.u32 $0x10, s14  }
0x34e: {  	v11 =	vld [tilespmem:s25+$0x0];
	s25 =	sor.u32 $0x8280, s15;
	s2 =	sor.u32 $0x8000, s15;
	s29 =	sor.u32 $0x8080, s15  }
0x34f: {  	s31 =	sor.u32 $0x7200, s15;
	s7 =	sor.u32 $0x7280, s15;
	s1 =	sor.u32 s14, s0  }
0x350: {  	s8 =	sor.u32 $0x7000, s15;
	s3 =	sor.u32 s14, s25;
	[dreg:$0x3] =	wrdreg s1  }
0x351: {  	s12 =	sor.u32 $0x7080, s15;
	s28 =	sor.u32 s14, s2;
	[dreg:$0x5] =	wrdreg s3  }
0x352: {  	s13 =	sor.u32 $0x6200, s15;
	s4 =	sor.u32 s14, s29;
	[dreg:$0x7] =	wrdreg s28  }
0x353: {  	s22 =	sor.u32 $0x6280, s15;
	s6 =	sor.u32 s14, s31;
	[dreg:$0x9] =	wrdreg s4  }
0x354: {  	s23 =	sor.u32 $0x6000, s15;
	s9 =	sor.u32 s14, s7;
	[dreg:$0xb] =	wrdreg s6  }
0x355: {  	v10 =	vld [tilespmem:s24+$0x0];
	s0 =	sor.u32 s5, s0;
	s11 =	sor.u32 s14, s8;
	[dreg:$0xd] =	wrdreg s9  }
0x356: {  	[tilespmem:s30+$0x0] =	vst.add.f32.msk $0xffff, v4;
	s26 =	sor.u32 s5, s25;
	s16 =	sor.u32 s14, s12;
	[dreg:$0xf] =	wrdreg s11  }
0x357: {  	s2 =	sor.u32 s5, s2;
	s21 =	sor.u32 s14, s13;
	[dreg:$0x11] =	wrdreg s16;
	v9 =	vadd.f32 v0, v9;
	v0 =	vld [tilespmem:s0+$0x0]  }
0x358: {  	s10 =	sor.u32 s5, s7;
	s24 =	sor.u32 s14, s22;
	[dreg:$0x13] =	wrdreg s21;
	v7 =	vadd.f32 v1, v7;
	v1 =	vld [tilespmem:s26+$0x0]  }
0x359: {  	s25 =	sor.u32 s5, s22;
	s1 =	sor.u32 s5, s29;
	[dreg:$0x15] =	wrdreg s24;
	v8 =	vadd.f32 v2, v8;
	v2 =	vld [tilespmem:s2+$0x0]  }
0x35a: {  	s28 =	sor.u32 $0x6080, s15;
	s29 =	sor.u32 $0x5200, s15;
	s6 =	sor.u32 $0x5280, s15;
	v4 =	vadd.f32 v3, v6;
	v3 =	vld [tilespmem:s1+$0x0]  }
0x35b: {  	s11 =	sor.u32 $0x5080, s15;
	s21 =	sor.u32 $0x4280, s15;
	v6 =	vld [tilespmem:s10+$0x0];
	s3 =	sor.u32 s5, s28  }
0x35c: {  	s0 =	sor.u32 s5, s31;
	s1 =	sor.u32 s5, s8;
	s9 =	sor.u32 s5, s6;
	v12 =	vld [tilespmem:s3+$0x0]  }
0x35d: {  	s26 =	sor.u32 s14, s23;
	s31 =	sor.u32 s14, s28;
	s16 =	sor.u32 s5, s11;
	v14 =	vld [tilespmem:s9+$0x0]  }
0x35e: {  	s4 =	sor.u32 s14, s29;
	s24 =	sor.u32 s5, s21;
	[dreg:$0x17] =	wrdreg s26;
	v16 =	vld [tilespmem:s16+$0x0]  }
0x35f: {  	s8 =	sor.u32 s14, s6;
	[dreg:$0x19] =	wrdreg s31;
	s26 =	sor.u32 $0x4080, s15;
	v18 =	vld [tilespmem:s24+$0x0]  }
0x360: {  	[dreg:$0x1b] =	wrdreg s4;
	s4 =	sor.u32 $0x3280, s15;
	v8 =	vadd.f32 v10, v8;
	v10 =	vld [tilespmem:s25+$0x0];
	s31 =	sor.u32 s5, s26  }
0x361: {  	[dreg:$0x1d] =	wrdreg s8;
	v5 =	vadd.f32 v5, v9;
	s8 =	sor.u32 s5, s4;
	v20 =	vld [tilespmem:s31+$0x0]  }
0x362: {  	v7 =	vadd.f32 v11, v7;
	v22 =	vld [tilespmem:s8+$0x0]  }
0x363: {  	v4 =	vadd.f32 v5, v4;
	v5 =	vld [tilespmem:s0+$0x0]  }
0x364: {  	s20 =	sor.u32 s5, s12;
	s7 =	sor.u32 $0x5000, s15;
	v9 =	vadd.f32 v7, v8;
	v7 =	vld [tilespmem:s1+$0x0]  }
0x365: {  	s12 =	sor.u32 $0x4200, s15;
	s10 =	sor.u32 s14, s7;
	v8 =	vld [tilespmem:s20+$0x0];
	s1 =	sor.u32 s5, s23  }
0x366: {  	s22 =	sor.u32 $0x4000, s15;
	[dreg:$0x1f] =	wrdreg s10;
	s0 =	sor.u32 s5, s13;
	v11 =	vld [tilespmem:s1+$0x0]  }
0x367: {  	s10 =	sor.u32 $0x3080, s15;
	s13 =	sor.u32 s14, s11;
	s1 =	sor.u32 s5, s7;
	v4 =	vadd.f32 v9, v4;
	v9 =	vld [tilespmem:s0+$0x0]  }
0x368: {  	s28 =	sor.u32 $0x3200, s15;
	[smem:$0x79B] =	sst s13;
	s13 =	sor.u32 s5, s10;
	v15 =	vld [tilespmem:s1+$0x0]  }
0x369: {  	s20 =	sor.u32 s14, s12;
	s23 =	sor.u32 s14, s21;
	s0 =	sor.u32 s5, s29;
	v24 =	vld [tilespmem:s13+$0x0]  }
0x36a: {  	[smem:$0x799] =	sst s20;
	s20 =	sor.u32 $0x2280, s15;
	s1 =	sor.u32 s5, s22;
	v13 =	vld [tilespmem:s0+$0x0]  }
0x36b: {  	s25 =	sor.u32 s14, s22;
	[smem:$0x79A] =	sst s23;
	s23 =	sor.u32 s5, s20;
	v19 =	vld [tilespmem:s1+$0x0]  }
0x36c: {  	s6 =	sor.u32 $0x3000, s15;
	[smem:$0x797] =	sst s25;
	s0 =	sor.u32 s5, s12;
	v26 =	vld [tilespmem:s23+$0x0]  }
0x36d: {  	s25 =	sor.u32 $0x2080, s15;
	s29 =	sor.u32 s14, s26;
	s1 =	sor.u32 s5, s6;
	v17 =	vld [tilespmem:s0+$0x0]  }
0x36e: {  	s26 =	sor.u32 $0x1000, s15;
	[smem:$0x798] =	sst s29;
	s29 =	sor.u32 s5, s25;
	v23 =	vld [tilespmem:s1+$0x0]  }
0x36f: {  	s3 =	sor.u32 s14, s28;
	s31 =	sor.u32 s5, s26;
	v28 =	vld [tilespmem:s29+$0x0]  }
0x370: {  	s9 =	sor.u32 s14, s6;
	[smem:$0x794] =	sst s3;
	v29 =	vld [tilespmem:s31+$0x0]  }
0x371: {  	[smem:$0x790] =	sst s9;
	v30 =	vld [tilespmem:s31+$0x80]  }
0x372: {  	s8 =	sor.u32 $0x2300, s15;
	s11 =	sor.u32 $0x2200, s15;
	s7 =	sor.u32 s14, s4;
	v31 =	vld [tilespmem:s31+$0x100]  }
0x373: {  	s21 =	sor.u32 $0x2000, s15;
	s16 =	sor.u32 s14, s11;
	[smem:$0x795] =	sst s7;
	v32 =	vld [tilespmem:s31+$0x180]  }
0x374: {  	s24 =	sor.u32 s14, s21;
	s4 =	sor.u32 $0x2100, s15;
	[smem:$0x78C] =	sst s16;
	v33 =	vld [tilespmem:s31+$0x200]  }
0x375: {  	s22 =	sor.u32 s14, s20;
	[smem:$0x789] =	sst s24;
	s7 =	sor.u32 $0x2180, s15;
	v34 =	vld [tilespmem:s31+$0x280]  }
0x376: {  	s16 =	sor.u32 $0x3100, s15;
	s12 =	sor.u32 s14, s10;
	[smem:$0x78D] =	sst s22;
	v35 =	vld [tilespmem:s31+$0x300]  }
0x377: {  	s6 =	sor.u32 s14, s4;
	s9 =	sor.u32 s5, s7;
	s10 =	sor.u32 s14, s8;
	v36 =	vld [tilespmem:s31+$0x380]  }
0x378: {  	s22 =	sor.u32 $0x3180, s15;
	s23 =	sor.u32 s5, s16;
	[smem:$0x791] =	sst s12;
	v38 =	vld [tilespmem:s9+$0x0]  }
0x379: {  	s0 =	sor.u32 s5, s28;
	s1 =	sor.u32 s5, s21;
	[smem:$0x78B] =	sst s6;
	v51 =	vld [tilespmem:s23+$0x0]  }
0x37a: {  	s28 =	sor.u32 s14, s25;
	s29 =	sor.u32 s14, s7;
	[smem:$0x78E] =	sst s10;
	v21 =	vld [tilespmem:s0+$0x0]  }
0x37b: {  	s12 =	sor.u32 s5, s8;
	s21 =	sor.u32 s14, s16;
	s24 =	sor.u32 s14, s22;
	v27 =	vld [tilespmem:s1+$0x0]  }
0x37c: {  	s25 =	sor.u32 $0x3300, s15;
	s31 =	sor.u32 $0x3380, s15;
	s1 =	sor.u32 s5, s4;
	v39 =	vld [tilespmem:s12+$0x0]  }
0x37d: {  	s0 =	sor.u32 s5, s11;
	[smem:$0x78A] =	sst s28;
	s11 =	sor.u32 $0x2380, s15;
	v37 =	vld [tilespmem:s1+$0x0]  }
0x37e: {  	s7 =	sor.u32 $0x4180, s15;
	[smem:$0x792] =	sst s21;
	v25 =	vld [tilespmem:s0+$0x0];
	s20 =	sor.u32 s5, s11  }
0x37f: {  	s9 =	sor.u32 $0x4300, s15;
	[smem:$0x793] =	sst s24;
	s2 =	sor.u32 s5, s25;
	v50 =	vld [tilespmem:s20+$0x0];
	v29 =	vadd.f32 v33, v29;
	v30 =	vadd.f32 v34, v30  }
0x380: {  	s28 =	sor.u32 s14, s25;
	s0 =	sor.u32 s14, s26;
	s26 =	sor.u32 s5, s22;
	v55 =	vld [tilespmem:s2+$0x0];
	v31 =	vadd.f32 v35, v31;
	v32 =	vadd.f32 v36, v32  }
0x381: {  	s4 =	sor.u32 $0x4100, s15;
	s6 =	sor.u32 s5, s31;
	s10 =	sor.u32 s5, s7;
	v52 =	vld [tilespmem:s26+$0x0];
	v27 =	vadd.f32 v27, v29;
	v28 =	vadd.f32 v28, v30  }
0x382: {  	s12 =	sor.u32 s5, s9;
	s21 =	sor.u32 $0x5180, s15;
	s25 =	sor.u32 $0x5300, s15;
	v56 =	vld [tilespmem:s6+$0x0];
	v53 =	vadd.f32 v37, v31;
	v54 =	vadd.f32 v38, v32  }
0x383: {  	s13 =	sor.u32 s14, s11;
	[smem:$0x796] =	sst s28;
	s8 =	sor.u32 s5, s4;
	v60 =	vld [tilespmem:s10+$0x0];
	v25 =	vadd.f32 v25, v27;
	v26 =	vadd.f32 v26, v28  }
0x384: {  	s22 =	sor.u32 s14, s7;
	s28 =	sor.u32 s14, s9;
	s11 =	sor.u32 $0x4380, s15;
	v63 =	vld [tilespmem:s12+$0x0];
	v57 =	vadd.f32 v39, v53;
	v58 =	vadd.f32 v50, v54  }
0x385: {  	s12 =	sor.u32 s14, s21;
	s3 =	sor.u32 s5, s21;
	s6 =	sor.u32 s5, s25;
	v59 =	vld [tilespmem:s8+$0x0];
	v23 =	vadd.f32 v23, v25;
	v24 =	vadd.f32 v24, v26  }
0x386: {  	[smem:$0x78F] =	sst s13;
	s13 =	sor.u32 $0x5100, s15;
	s16 =	sor.u32 s5, s11;
	v40 =	vld [tilespmem:s6+$0x0];
	v61 =	vadd.f32 v51, v57;
	v62 =	vadd.f32 v52, v58  }
0x387: {  	s21 =	sor.u32 s14, s25;
	s7 =	sor.u32 $0x6100, s15;
	s24 =	sor.u32 s5, s13;
	v33 =	vld [tilespmem:s16+$0x0];
	v21 =	vadd.f32 v21, v23;
	v22 =	vadd.f32 v22, v24  }
0x388: {  	s25 =	sor.u32 $0x6380, s15;
	s26 =	sor.u32 s14, s31;
	s31 =	sor.u32 s14, s4;
	v36 =	vld [tilespmem:s24+$0x0];
	v34 =	vadd.f32 v55, v61;
	v35 =	vadd.f32 v56, v62  }
0x389: {  	s20 =	sor.u32 s14, s11;
	s4 =	sor.u32 $0x5380, s15;
	s11 =	sor.u32 s5, s7;
	v37 =	vld [tilespmem:s3+$0x0];
	v19 =	vadd.f32 v19, v21;
	v20 =	vadd.f32 v20, v22  }
0x38a: {  	s9 =	sor.u32 $0x6180, s15;
	s6 =	sor.u32 s14, s25;
	s8 =	sor.u32 s5, s4;
	v44 =	vld [tilespmem:s11+$0x0];
	v38 =	vadd.f32 v59, v34;
	v39 =	vadd.f32 v60, v35  }
0x38b: {  	s23 =	sor.u32 s14, s13;
	v41 =	vld [tilespmem:s8+$0x0];
	s16 =	sor.u32 $0x6300, s15;
	s24 =	sor.u32 s5, s9;
	v17 =	vadd.f32 v17, v19;
	v18 =	vadd.f32 v18, v20  }
0x38c: {  	s10 =	sor.u32 s14, s4;
	s13 =	sor.u32 s14, s7;
	v45 =	vld [tilespmem:s24+$0x0];
	s4 =	sor.u32 s5, s16;
	v42 =	vadd.f32 v63, v38;
	v43 =	vadd.f32 v33, v39  }
0x38d: {  	s11 =	sor.u32 s14, s16;
	s16 =	sor.u32 s5, s25;
	v48 =	vld [tilespmem:s4+$0x0];
	s4 =	sor.u32 $0x7180, s15;
	v15 =	vadd.f32 v15, v17;
	v16 =	vadd.f32 v16, v18  }
0x38e: {  	s7 =	sor.u32 $0x7100, s15;
	v49 =	vld [tilespmem:s16+$0x0];
	s3 =	sor.u32 s14, s4;
	s4 =	sor.u32 s5, s4;
	v46 =	vadd.f32 v36, v42;
	v47 =	vadd.f32 v37, v43  }
0x38f: {  	s8 =	sor.u32 s14, s9;
	s24 =	sor.u32 s5, s7;
	s25 =	sor.u32 $0x7300, s15;
	v53 =	vld [tilespmem:s4+$0x0];
	v13 =	vadd.f32 v13, v15;
	v14 =	vadd.f32 v14, v16  }
0x390: {  	s9 =	sor.u32 s14, s7;
	s7 =	sor.u32 s14, s25;
	s25 =	sor.u32 s5, s25;
	v52 =	vld [tilespmem:s24+$0x0];
	v50 =	vadd.f32 v40, v46;
	v51 =	vadd.f32 v41, v47  }
0x391: {  	s16 =	sor.u32 $0x7380, s15;
	v56 =	vld [tilespmem:s25+$0x0];
	v11 =	vadd.f32 v11, v13;
	v12 =	vadd.f32 v12, v14  }
0x392: {  	s2 =	sor.u32 s14, s16;
	s16 =	sor.u32 s5, s16;
	s24 =	sor.u32 $0x8100, s15;
	v62 =	vld [tilespmem:s0+$0x80];
	v54 =	vadd.f32 v44, v50;
	v55 =	vadd.f32 v45, v51  }
0x393: {  	s4 =	sor.u32 s14, s24;
	s24 =	sor.u32 s5, s24;
	s25 =	sor.u32 $0x8180, s15;
	v9 =	vadd.f32 v9, v11;
	v10 =	vadd.f32 v10, v12;
	v11 =	vld [tilespmem:s16+$0x0]  }
0x394: {  	s1 =	sor.u32 s14, s25;
	s25 =	sor.u32 s5, s25;
	v59 =	vld [tilespmem:s24+$0x0];
	s16 =	sor.u32 $0x8300, s15;
	v57 =	vadd.f32 v48, v54;
	v58 =	vadd.f32 v49, v55  }
0x395: {  	s15 =	sor.u32 $0x8380, s15;
	s24 =	sor.u32 s14, s16;
	s16 =	sor.u32 s5, s16;
	v7 =	vadd.f32 v7, v9;
	v8 =	vadd.f32 v8, v10;
	v9 =	vld [tilespmem:s25+$0x0]  }
0x396: {  	s25 =	sor.u32 s14, s15;
	v10 =	vadd.f32 v52, v57;
	v60 =	vadd.f32 v53, v58;
	v61 =	vld [tilespmem:s16+$0x0];
	s15 =	sor.u32 s5, s15  }
0x397: {  	v5 =	vadd.f32 v5, v7;
	v6 =	vadd.f32 v6, v8;
	v7 =	vld [tilespmem:s15+$0x0]  }
0x398: {  	v8 =	vld [tilespmem:s0+$0x0];
	v10 =	vadd.f32 v56, v10;
	v11 =	vadd.f32 v11, v60  }
0x399: {  	v2 =	vadd.f32 v2, v5;
	v3 =	vadd.f32 v3, v6;
	v5 =	vld [tilespmem:s0+$0x100]  }
0x39a: {  	v6 =	vadd.f32 v59, v10;
	v10 =	vld [tilespmem:s0+$0x180];
	v9 =	vadd.f32 v9, v11  }
0x39b: {  	v0 =	vadd.f32 v0, v2;
	v1 =	vadd.f32 v1, v3;
	v2 =	vld [tilespmem:s0+$0x200]  }
0x39c: {  	s15 =	sld [smem:$0x789];
	v3 =	vadd.f32 v61, v6;
	v6 =	vadd.f32 v7, v9;
	v7 =	vld [tilespmem:s0+$0x280]  }
0x39d: {  	s16 =	sand.u32 $0x180, s19;
	v9 =	vld [tilespmem:s0+$0x300]  }
0x39e: {  	v0 =	vadd.f32 v1, v0;
	v1 =	vadd.f32 v6, v3;
	v3 =	vld [tilespmem:s0+$0x380];
	s0 =	sor.u32 s5, s16;
	s16 =	sld [smem:$0x78A]  }
0x39f: {  	v6 =	vld [tilespmem:s15+$0x0]  }
0x3a0: {  	v11 =	vld [tilespmem:s2+$0x0];
	s5 =	sld [smem:$0x78B];
	v0 =	vadd.f32 v1, v0  }
0x3a1: {  	s14 =	sld [smem:$0x78C];
	s0 =	sor.u32 $0x11000, s0;
	v1 =	vadd.f32 v2, v8;
	v2 =	vld [tilespmem:s16+$0x0]  }
0x3a2: {  	[tilespmem:s0+$0x0] =	vst.add.f32.msk $0xffff, v0  }
0x3a3: {  	s16 =	sld [smem:$0x78E];
	v0 =	vadd.f32 v9, v5;
	v5 =	vld [tilespmem:s5+$0x0]  }
0x3a4: {  	s15 =	sld [smem:$0x78D];
	v1 =	vadd.f32 v6, v1;
	v6 =	vld [tilespmem:s14+$0x0]  }
0x3a5: {  	v8 =	vld [tilespmem:s29+$0x0];
	s29 =	sld [smem:$0x78F];
	v7 =	vadd.f32 v7, v62  }
0x3a6: {  	s14 =	sld [smem:$0x791];
	v9 =	vld [tilespmem:s16+$0x0]  }
0x3a7: {  	s5 =	sld [smem:$0x790];
	v2 =	vadd.f32 v2, v7;
	v7 =	vld [tilespmem:s15+$0x0]  }
0x3a8: {  	v3 =	vadd.f32 v3, v10;
	s16 =	sld [smem:$0x793];
	v0 =	vadd.f32 v5, v0;
	v5 =	vld [tilespmem:s29+$0x0]  }
0x3a9: {  	s15 =	sld [smem:$0x792];
	v1 =	vadd.f32 v6, v1;
	v6 =	vld [tilespmem:s14+$0x0]  }
0x3aa: {  	v3 =	vadd.f32 v8, v3;
	v8 =	vld [tilespmem:s5+$0x0];
	s29 =	sld [smem:$0x794]  }
0x3ab: {  	s14 =	sld [smem:$0x796];
	v0 =	vadd.f32 v9, v0;
	v9 =	vld [tilespmem:s16+$0x0]  }
0x3ac: {  	s5 =	sld [smem:$0x795];
	v2 =	vadd.f32 v7, v2;
	v7 =	vld [tilespmem:s15+$0x0]  }
0x3ad: {  	s15 =	sld [smem:$0x797];
	v3 =	vadd.f32 v5, v3;
	v5 =	vld [tilespmem:s29+$0x0]  }
0x3ae: {  	v2 =	vadd.f32 v6, v2;
	v6 =	vld [tilespmem:s14+$0x0]  }
0x3af: {  	s16 =	sld [smem:$0x798];
	v1 =	vadd.f32 v8, v1;
	v8 =	vld [tilespmem:s5+$0x0]  }
0x3b0: {  	v3 =	vadd.f32 v9, v3;
	v9 =	vld [tilespmem:s15+$0x0]  }
0x3b1: {  	v0 =	vadd.f32 v7, v0;
	v7 =	vld [tilespmem:s26+$0x0]  }
0x3b2: {  	v1 =	vadd.f32 v5, v1;
	v5 =	vld [tilespmem:s16+$0x0]  }
0x3b3: {  	v0 =	vadd.f32 v6, v0;
	v6 =	vld [tilespmem:s22+$0x0];
	s22 =	sld [smem:$0x799]  }
0x3b4: {  	v10 =	vld [tilespmem:s7+$0x0];
	s26 =	sld [smem:$0x79A]  }
0x3b5: {  	v2 =	vadd.f32 v8, v2;
	v8 =	vld [tilespmem:s31+$0x0]  }
0x3b6: {  	v3 =	vadd.f32 v7, v3;
	v7 =	vld [tilespmem:s22+$0x0]  }
0x3b7: {  	s29 =	sld [smem:$0x79B];
	v1 =	vadd.f32 v9, v1;
	v9 =	vld [tilespmem:s26+$0x0]  }
0x3b8: {  	v2 =	vadd.f32 v5, v2;
	v5 =	vld [tilespmem:s28+$0x0];
	s28 =	rddreg [dreg:$0x1f]  }
0x3b9: {  	v3 =	vadd.f32 v6, v3;
	v6 =	vld [tilespmem:s28+$0x0]  }
0x3ba: {  	v0 =	vadd.f32 v8, v0;
	v8 =	vld [tilespmem:s20+$0x0]  }
0x3bb: {  	v1 =	vadd.f32 v7, v1;
	v7 =	vld [tilespmem:s29+$0x0]  }
0x3bc: {  	v2 =	vadd.f32 v9, v2;
	v9 =	vld [tilespmem:s23+$0x0]  }
0x3bd: {  	s5 =	rddreg [dreg:$0x1d];
	v0 =	vadd.f32 v5, v0;
	v5 =	vld [tilespmem:s12+$0x0]  }
0x3be: {  	s31 =	rddreg [dreg:$0x1b];
	v1 =	vadd.f32 v6, v1;
	v6 =	vld [tilespmem:s5+$0x0]  }
0x3bf: {  	v3 =	vadd.f32 v8, v3;
	v8 =	vld [tilespmem:s31+$0x0]  }
0x3c0: {  	v2 =	vadd.f32 v7, v2;
	v7 =	vld [tilespmem:s21+$0x0]  }
0x3c1: {  	s12 =	rddreg [dreg:$0x17];
	v0 =	vadd.f32 v9, v0;
	v9 =	vld [tilespmem:s10+$0x0]  }
0x3c2: {  	v3 =	vadd.f32 v5, v3;
	v5 =	vld [tilespmem:s12+$0x0]  }
0x3c3: {  	s14 =	rddreg [dreg:$0x19];
	v2 =	vadd.f32 v6, v2;
	v6 =	vld [tilespmem:s13+$0x0]  }
0x3c4: {  	v1 =	vadd.f32 v8, v1;
	v8 =	vld [tilespmem:s14+$0x0]  }
0x3c5: {  	s15 =	rddreg [dreg:$0x13];
	v0 =	vadd.f32 v7, v0;
	v7 =	vld [tilespmem:s8+$0x0]  }
0x3c6: {  	s16 =	rddreg [dreg:$0x15];
	v3 =	vadd.f32 v9, v3;
	v9 =	vld [tilespmem:s15+$0x0]  }
0x3c7: {  	v1 =	vadd.f32 v5, v1;
	v5 =	vld [tilespmem:s16+$0x0]  }
0x3c8: {  	v0 =	vadd.f32 v6, v0;
	v6 =	vld [tilespmem:s6+$0x0]  }
0x3c9: {  	s20 =	rddreg [dreg:$0xf];
	v2 =	vadd.f32 v8, v2;
	v8 =	vld [tilespmem:s11+$0x0]  }
0x3ca: {  	s21 =	rddreg [dreg:$0x11];
	v3 =	vadd.f32 v7, v3;
	v7 =	vld [tilespmem:s20+$0x0]  }
0x3cb: {  	v1 =	vadd.f32 v9, v1;
	v9 =	vld [tilespmem:s21+$0x0]  }
0x3cc: {  	s22 =	rddreg [dreg:$0xb];
	v2 =	vadd.f32 v5, v2;
	v5 =	vld [tilespmem:s9+$0x0]  }
0x3cd: {  	v3 =	vadd.f32 v6, v3;
	v6 =	vld [tilespmem:s22+$0x0]  }
0x3ce: {  	s23 =	rddreg [dreg:$0xd];
	v0 =	vadd.f32 v8, v0;
	v8 =	vld [tilespmem:s3+$0x0]  }
0x3cf: {  	s17 =	sadd.s32 $0x2, s17;
	s26 =	rddreg [dreg:$0x7];
	v1 =	vadd.f32 v7, v1;
	v7 =	vld [tilespmem:s23+$0x0]  }
0x3d0: {  	p0 =	slt.u32 s17, $0x1E;
	v63 =	vld [tilespmem:s26+$0x0];
	s28 =	rddreg [dreg:$0x9]  }
.Ltmp2:
0x3d1: {  	v5 =	vadd.f32 v5, v0;
	v0 =	vld [tilespmem:s28+$0x0];
	(pc) =	sbr.rel @p0 .LBB2_3-.Ltmp2, $4  }
0x3d2: {  	s31 =	rddreg [dreg:$0x5];
	v2 =	vadd.f32 v9, v2;
	v6 =	vadd.f32 v6, v1;
	v1 =	vld [tilespmem:s1+$0x0]  }
0x3d3: {  	v3 =	vadd.f32 v8, v3;
	v8 =	vadd.f32 v10, v5;
	v5 =	vld [tilespmem:s31+$0x0]  }
0x3d4: {  	s29 =	rddreg [dreg:$0x3];
	v9 =	vadd.f32 v7, v2;
	v2 =	vld [tilespmem:s4+$0x0]  }
0x3d5: {  	s18 =	sadd.s32 $0x100, s18;
	s19 =	sadd.s32 $0x20, s19;
	v6 =	vadd.f32 v63, v6;
	v7 =	vadd.f32 v11, v3;
	v3 =	vld [tilespmem:s29+$0x0]  }
0x3d6: {  	v10 =	vld [tilespmem:s24+$0x0]  }
0x3d7: {  	v11 =	vld [tilespmem:s25+$0x0]  }
0x3d8: {  	s0 =	sadd.s32 $0x20, s30  }
0x3d9: {  	v0 =	vadd.f32 v0, v9;
	[tilespmem:s0+$0x0] =	vst.add.f32.msk $0xffff, v4  }
0x3da: {  	v1 =	vadd.f32 v1, v7;
	s1 =	sld [smem:$0x7F9];
	v2 =	vadd.f32 v2, v8  }
0x3db: {  	v0 =	vadd.f32 v5, v0;
	v3 =	vadd.f32 v3, v6  }
0x3dc: {  	v2 =	vadd.f32 v10, v2;
	v1 =	vadd.f32 v11, v1  }
0x3dd: {  	p0 =	seq.s32 s1, $0xF  }
.Ltmp3:
0x3de: {  	v0 =	vadd.f32 v0, v3;
	v1 =	vadd.f32 v1, v2;
	(pc) =	sbr.rel @p0 .LBB2_6-.Ltmp3, $4  }
0x3df: {  	_ = 	snop  }
0x3e0: {  	v0 =	vadd.f32 v1, v0  }
0x3e1: {  	s0 =	sadd.s32 $0x20, s0  }
0x3e2: {  	s5 =	sshll.u32 s1, $0xA;
	[tilespmem:s0+$0x0] =	vst.add.f32.msk $0xffff, v0  }
0x3e3: {  	s0 =	sshrl.u32 s5, $0x2  }
0x3e4: {  	v0 =	vld [tilespmem:s0+$0x100];
	_ =	sdelay $0x2  }
0x3e5: {  	v2 =	vld [tilespmem:$0x1FFD0];
	_ =	sdelay $0x1  }
0x3e6: {  	v3 =	vld [tilespmem:$0x1FFE0];
	v1 =	vshll.u32 v0, $0x2  }
0x3e7: {  	v0 =	vand.u32 $0x7, v0;
	v1 =	vand.u32 $0xFFFFFFE0, v1  }
0x3e8: {  	v4 =	vld [tilespmem:$0x1FFF0];
	v0 =	vor.u32 v0, v1  }
0x3e9: {  	v1 =	vperm.xlane v0, v2;
	_ =	sdelay $0x1  }
0x3ea: {  	v1 =	vadd.s32 v3, v1;
	_ =	sdelay $0x1  }
0x3eb: {  	v0 =	vperm.xlane v0, v4  }
0x3ec: {  	s1 =	rddreg [dreg:$0x1]  }
0x3ed: {  	s2 =	simm.s32 $0x0;
	s3 =	simm.s32 $0x1000;
	s16 =	sld [smem:$0x7FB];
	v0 =	vadd.s32 v3, v0  }
0x3ee: {  	[tilespmem:s3], [sflag:$0x1] =	stream.indirect_vreg.gather [hbm4b:s1+s2], $0x80, v1, vm0, $0xb8;
	[tilespmem:$0x11200] =	vst v63  }
0x3ef: {  	s4 =	simm.s32 $0x1800  }
0x3f0: {  	[tilespmem:s4], [sflag:$0x1] =	stream.indirect_vreg.gather [hbm4b:s16+s2], $0x80, v1, vm0, $0xb8;
	[tilespmem:$0x11200] =	vst v63  }
0x3f1: {  	s17 =	simm.s32 $0x2000  }
0x3f2: {  	[tilespmem:s17], [sflag:$0x1] =	stream.indirect_vreg.gather [hbm4b:s1+s2], $0x80, v0, vm0, $0xb8;
	[tilespmem:$0x11200] =	vst v63  }
0x3f3: {  	s18 =	simm.s32 $0x2800  }
0x3f4: {  	[tilespmem:s18], [sflag:$0x1] =	stream.indirect_vreg.gather [hbm4b:s16+s2], $0x80, v0, vm0, $0xb8;
	[tilespmem:$0x11200] =	vst v63  }
0x3f5: {  	v0 =	vld [tilespmem:s0+$0x110];
	_ =	sdelay $0x4  }
0x3f6: {  	v61 =	vshll.u32 v0, $0x2  }
0x3f7: {  	v0 =	vand.u32 $0x7, v0;
	v1 =	vand.u32 $0xFFFFFFE0, v61  }
0x3f8: {  	v0 =	vor.u32 v0, v1  }
0x3f9: {  	v1 =	vperm.xlane v0, v2;
	_ =	sdelay $0x1  }
0x3fa: {  	v1 =	vadd.s32 v3, v1;
	_ =	sdelay $0x1  }
0x3fb: {  	v0 =	vperm.xlane v0, v4;
	_ =	sdelay $0x1  }
0x3fc: {  	s19 =	simm.s32 $0x3000;
	v0 =	vadd.s32 v3, v0  }
0x3fd: {  	[tilespmem:s19], [sflag:$0x1] =	stream.indirect_vreg.gather [hbm4b:s1+s2], $0x80, v1, vm0, $0xb8;
	[tilespmem:$0x11200] =	vst v63  }
0x3fe: {  	s20 =	simm.s32 $0x3800  }
0x3ff: {  	[tilespmem:s20], [sflag:$0x1] =	stream.indirect_vreg.gather [hbm4b:s16+s2], $0x80, v1, vm0, $0xb8;
	[tilespmem:$0x11200] =	vst v63  }
0x400: {  	s21 =	simm.s32 $0x4000  }
0x401: {  	[tilespmem:s21], [sflag:$0x1] =	stream.indirect_vreg.gather [hbm4b:s1+s2], $0x80, v0, vm0, $0xb8;
	[tilespmem:$0x11200] =	vst v63  }
0x402: {  	s22 =	simm.s32 $0x4800  }
0x403: {  	[tilespmem:s22], [sflag:$0x1] =	stream.indirect_vreg.gather [hbm4b:s16+s2], $0x80, v0, vm0, $0xb8;
	[tilespmem:$0x11200] =	vst v63  }
0x404: {  	v0 =	vld [tilespmem:s0+$0x120];
	_ =	sdelay $0x4  }
0x405: {  	v62 =	vshll.u32 v0, $0x2  }
0x406: {  	v0 =	vand.u32 $0x7, v0;
	v1 =	vand.u32 $0xFFFFFFE0, v62  }
0x407: {  	v0 =	vor.u32 v0, v1  }
0x408: {  	v1 =	vperm.xlane v0, v2;
	_ =	sdelay $0x1  }
0x409: {  	v1 =	vadd.s32 v3, v1;
	_ =	sdelay $0x1  }
0x40a: {  	v0 =	vperm.xlane v0, v4;
	_ =	sdelay $0x1  }
0x40b: {  	s23 =	simm.s32 $0x5000;
	v0 =	vadd.s32 v3, v0  }
0x40c: {  	[tilespmem:s23], [sflag:$0x1] =	stream.indirect_vreg.gather [hbm4b:s1+s2], $0x80, v1, vm0, $0xb8;
	[tilespmem:$0x11200] =	vst v63  }
0x40d: {  	s24 =	simm.s32 $0x5800  }
0x40e: {  	[tilespmem:s24], [sflag:$0x1] =	stream.indirect_vreg.gather [hbm4b:s16+s2], $0x80, v1, vm0, $0xb8;
	[tilespmem:$0x11200] =	vst v63  }
0x40f: {  	s25 =	simm.s32 $0x6000  }
0x410: {  	[tilespmem:s25], [sflag:$0x1] =	stream.indirect_vreg.gather [hbm4b:s1+s2], $0x80, v0, vm0, $0xb8;
	[tilespmem:$0x11200] =	vst v63  }
0x411: {  	s26 =	simm.s32 $0x6800  }
0x412: {  	[tilespmem:s26], [sflag:$0x1] =	stream.indirect_vreg.gather [hbm4b:s16+s2], $0x80, v0, vm0, $0xb8;
	[tilespmem:$0x11200] =	vst v63  }
0x413: {  	v0 =	vld [tilespmem:s0+$0x130];
	_ =	sdelay $0x4  }
0x414: {  	v63 =	vshll.u32 v0, $0x2  }
0x415: {  	v0 =	vand.u32 $0x7, v0;
	v1 =	vand.u32 $0xFFFFFFE0, v63  }
0x416: {  	v0 =	vor.u32 v0, v1  }
0x417: {  	v1 =	vperm.xlane v0, v2;
	_ =	sdelay $0x1  }
0x418: {  	v1 =	vadd.s32 v3, v1;
	_ =	sdelay $0x1  }
0x419: {  	v0 =	vperm.xlane v0, v4;
	_ =	sdelay $0x1  }
0x41a: {  	s28 =	simm.s32 $0x7000;
	v0 =	vadd.s32 v3, v0  }
0x41b: {  	[tilespmem:s28], [sflag:$0x1] =	stream.indirect_vreg.gather [hbm4b:s1+s2], $0x80, v1, vm0, $0xb8;
	[tilespmem:$0x11200] =	vst v63  }
0x41c: {  	s29 =	simm.s32 $0x7800  }
0x41d: {  	[tilespmem:s29], [sflag:$0x1] =	stream.indirect_vreg.gather [hbm4b:s16+s2], $0x80, v1, vm0, $0xb8;
	[tilespmem:$0x11200] =	vst v63  }
0x41e: {  	s30 =	simm.s32 $0x8000  }
0x41f: {  	[tilespmem:s30], [sflag:$0x1] =	stream.indirect_vreg.gather [hbm4b:s1+s2], $0x80, v0, vm0, $0xb8;
	[tilespmem:$0x11200] =	vst v63  }
0x420: {  	s31 =	simm.s32 $0x8800  }
0x421: {  	[tilespmem:s31], [sflag:$0x1] =	stream.indirect_vreg.gather [hbm4b:s16+s2], $0x80, v0, vm0, $0xb8;
	[tilespmem:$0x11200] =	vst v63  }
.LBB2_6:
0x422: {  	[smem:$0x72C] =	sst s5;
	s2 =	simm.s32 $0x0;
	s1 =	simm.s32 $0x2  }
0x423: {  	_ =	swait.ge [sflag:s1], $0x8000;
	s23 =	sand.u32 $0xC00, s2  }
0x424: {  	s0 =	sand.u32 $0x60, s2;
	[sflag:s1] =	ssyncset.done $0x0;
	s2 =	sor.u32 $0x10200, s23  }
0x425: {  	s18 =	sor.u32 $0x10, s0;
	s3 =	sor.u32 $0x10280, s23;
	[smem:$0x748] =	sst s2  }
0x426: {  	s6 =	sor.u32 $0x10000, s23;
	s8 =	sor.u32 $0x10080, s23;
	[smem:$0x749] =	sst s3  }
0x427: {  	[sflag:s1] =	ssyncadd.s32 $0xFFFF8000;
	s5 =	sor.u32 s18, s2;
	[smem:$0x746] =	sst s6  }
0x428: {  	s4 =	sor.u32 $0xF200, s23;
	s7 =	sor.u32 s18, s3;
	v0 =	vld [tilespmem:s5+$0x0];
	[smem:$0x747] =	sst s8  }
0x429: {  	s10 =	sor.u32 $0xF280, s23;
	s2 =	sor.u32 s18, s6;
	v1 =	vld [tilespmem:s7+$0x0];
	[smem:$0x744] =	sst s4  }
0x42a: {  	s12 =	sor.u32 $0xF000, s23;
	s9 =	sor.u32 s18, s8;
	v2 =	vld [tilespmem:s2+$0x0];
	[smem:$0x745] =	sst s10  }
0x42b: {  	s14 =	sor.u32 $0xF080, s23;
	s11 =	sor.u32 s18, s4;
	v3 =	vld [tilespmem:s9+$0x0];
	[smem:$0x742] =	sst s12  }
0x42c: {  	s16 =	sor.u32 $0xE200, s23;
	s13 =	sor.u32 s18, s10;
	v4 =	vld [tilespmem:s11+$0x0];
	[smem:$0x743] =	sst s14  }
0x42d: {  	s19 =	sor.u32 $0xE280, s23;
	s15 =	sor.u32 s18, s12;
	v5 =	vld [tilespmem:s13+$0x0];
	[smem:$0x740] =	sst s16  }
0x42e: {  	s21 =	sor.u32 $0xE000, s23;
	s17 =	sor.u32 s18, s14;
	v6 =	vld [tilespmem:s15+$0x0];
	[smem:$0x741] =	sst s19  }
0x42f: {  	s24 =	sor.u32 $0xE080, s23;
	s20 =	sor.u32 s18, s16;
	v7 =	vld [tilespmem:s17+$0x0];
	[smem:$0x73E] =	sst s21  }
0x430: {  	s26 =	sor.u32 $0xD200, s23;
	s22 =	sor.u32 s18, s19;
	v8 =	vld [tilespmem:s20+$0x0];
	[smem:$0x73F] =	sst s24  }
0x431: {  	s29 =	sor.u32 $0xD280, s23;
	s25 =	sor.u32 s18, s21;
	v9 =	vld [tilespmem:s22+$0x0];
	[smem:$0x73C] =	sst s26  }
0x432: {  	s28 =	sor.u32 s18, s24;
	s1 =	sor.u32 $0xD000, s23;
	v10 =	vld [tilespmem:s25+$0x0];
	[smem:$0x73D] =	sst s29  }
0x433: {  	s31 =	sor.u32 s18, s26;
	s5 =	sor.u32 $0xD080, s23;
	v11 =	vld [tilespmem:s28+$0x0];
	[smem:$0x73A] =	sst s1  }
0x434: {  	s3 =	sor.u32 s18, s29;
	s7 =	sor.u32 $0xC200, s23;
	v12 =	vld [tilespmem:s31+$0x0];
	[smem:$0x73B] =	sst s5  }
0x435: {  	s6 =	sor.u32 s18, s1;
	s9 =	sor.u32 $0xC280, s23;
	v13 =	vld [tilespmem:s3+$0x0];
	[smem:$0x738] =	sst s7  }
0x436: {  	s8 =	sor.u32 s18, s5;
	s11 =	sor.u32 $0xC000, s23;
	v14 =	vld [tilespmem:s6+$0x0];
	[smem:$0x739] =	sst s9  }
0x437: {  	s10 =	sor.u32 s18, s7;
	s13 =	sor.u32 $0xC080, s23;
	v15 =	vld [tilespmem:s8+$0x0];
	[smem:$0x736] =	sst s11  }
0x438: {  	s12 =	sor.u32 s18, s9;
	s15 =	sor.u32 $0xB200, s23;
	v16 =	vld [tilespmem:s10+$0x0];
	[smem:$0x737] =	sst s13  }
0x439: {  	s14 =	sor.u32 s18, s11;
	v17 =	vld [tilespmem:s12+$0x0];
	[smem:$0x734] =	sst s15  }
0x43a: {  	s16 =	sor.u32 s18, s13;
	s17 =	sor.u32 $0xB280, s23;
	v18 =	vld [tilespmem:s14+$0x0]  }
0x43b: {  	s19 =	sor.u32 s18, s15;
	s20 =	sor.u32 $0xB000, s23;
	v19 =	vld [tilespmem:s16+$0x0];
	[smem:$0x735] =	sst s17  }
0x43c: {  	s21 =	sor.u32 s18, s17;
	s22 =	sor.u32 $0xB080, s23;
	v20 =	vld [tilespmem:s19+$0x0];
	[smem:$0x731] =	sst s20  }
0x43d: {  	s24 =	sor.u32 s18, s20;
	s25 =	sor.u32 $0xA200, s23;
	v21 =	vld [tilespmem:s21+$0x0];
	[smem:$0x732] =	sst s22  }
0x43e: {  	s26 =	sor.u32 s18, s22;
	s28 =	sor.u32 $0xA280, s23;
	v22 =	vld [tilespmem:s24+$0x0];
	[smem:$0x72F] =	sst s25  }
0x43f: {  	s29 =	sor.u32 s18, s25;
	s31 =	sor.u32 $0xA000, s23;
	v23 =	vld [tilespmem:s26+$0x0];
	[smem:$0x730] =	sst s28  }
0x440: {  	s4 =	sor.u32 $0xA080, s23;
	s2 =	sor.u32 s18, s28;
	v24 =	vld [tilespmem:s29+$0x0];
	[smem:$0x72D] =	sst s31  }
0x441: {  	s5 =	sor.u32 s18, s31;
	v25 =	vld [tilespmem:s2+$0x0];
	[smem:$0x72E] =	sst s4  }
0x442: {  	s1 =	sor.u32 $0x9000, s23;
	s2 =	sor.u32 s18, s4;
	v26 =	vld [tilespmem:s5+$0x0]  }
0x443: {  	s6 =	sor.u32 s18, s1;
	v27 =	vld [tilespmem:s2+$0x0]  }
0x444: {  	v28 =	vld [tilespmem:s6+$0x0]  }
0x445: {  	v29 =	vld [tilespmem:s6+$0x80]  }
0x446: {  	v32 =	vld [tilespmem:s6+$0x200]  }
0x447: {  	v30 =	vld [tilespmem:s6+$0x100]  }
0x448: {  	v31 =	vld [tilespmem:s6+$0x180]  }
0x449: {  	v33 =	vld [tilespmem:s6+$0x280]  }
0x44a: {  	s24 =	sor.u32 $0xA100, s23;
	v34 =	vld [tilespmem:s6+$0x300]  }
0x44b: {  	s21 =	sor.u32 $0xA180, s23;
	s7 =	sor.u32 s18, s24;
	v35 =	vld [tilespmem:s6+$0x380];
	v28 =	vadd.f32 v32, v28  }
0x44c: {  	s30 =	sor.u32 $0xA300, s23;
	s8 =	sor.u32 s18, s21;
	v36 =	vld [tilespmem:s7+$0x0]  }
0x44d: {  	s9 =	sor.u32 s18, s30;
	s10 =	sor.u32 $0xB100, s23;
	s28 =	sor.u32 $0xA380, s23;
	v37 =	vld [tilespmem:s8+$0x0];
	v26 =	vadd.f32 v26, v28  }
0x44e: {  	s11 =	sor.u32 s18, s28;
	v38 =	vld [tilespmem:s9+$0x0];
	[smem:$0x733] =	sst s10  }
0x44f: {  	s12 =	sor.u32 s18, s10;
	s26 =	sor.u32 $0xB180, s23;
	v39 =	vld [tilespmem:s11+$0x0];
	v24 =	vadd.f32 v24, v26  }
0x450: {  	s29 =	sor.u32 $0xB300, s23;
	s13 =	sor.u32 s18, s26;
	v63 =	vld [tilespmem:s12+$0x0];
	v29 =	vadd.f32 v33, v29  }
0x451: {  	s22 =	sor.u32 $0xB380, s23;
	s14 =	sor.u32 s18, s29;
	v40 =	vld [tilespmem:s13+$0x0];
	v30 =	vadd.f32 v34, v30;
	v22 =	vadd.f32 v22, v24  }
0x452: {  	s25 =	sor.u32 $0xC100, s23;
	s15 =	sor.u32 s18, s22;
	v41 =	vld [tilespmem:s14+$0x0];
	v27 =	vadd.f32 v27, v29  }
0x453: {  	s19 =	sor.u32 $0xC180, s23;
	s16 =	sor.u32 s18, s25;
	v44 =	vld [tilespmem:s15+$0x0];
	v42 =	vadd.f32 v36, v30;
	v20 =	vadd.f32 v20, v22  }
0x454: {  	s20 =	sor.u32 $0xC300, s23;
	s17 =	sor.u32 s18, s19;
	v45 =	vld [tilespmem:s16+$0x0];
	v25 =	vadd.f32 v25, v27  }
0x455: {  	s31 =	sor.u32 s18, s20;
	v48 =	vld [tilespmem:s17+$0x0];
	s16 =	sor.u32 $0xC380, s23;
	v46 =	vadd.f32 v38, v42;
	v18 =	vadd.f32 v18, v20  }
0x456: {  	v49 =	vld [tilespmem:s31+$0x0];
	s17 =	sor.u32 $0xD100, s23;
	s3 =	sor.u32 s18, s16;
	v23 =	vadd.f32 v23, v25  }
0x457: {  	s14 =	sor.u32 $0xD180, s23;
	s4 =	sor.u32 s18, s17;
	v52 =	vld [tilespmem:s3+$0x0];
	v50 =	vadd.f32 v63, v46;
	v16 =	vadd.f32 v16, v18  }
0x458: {  	s15 =	sor.u32 $0xD300, s23;
	s5 =	sor.u32 s18, s14;
	v53 =	vld [tilespmem:s4+$0x0];
	v21 =	vadd.f32 v21, v23  }
0x459: {  	s13 =	sor.u32 $0xD380, s23;
	s6 =	sor.u32 s18, s15;
	v56 =	vld [tilespmem:s5+$0x0];
	v54 =	vadd.f32 v41, v50;
	v14 =	vadd.f32 v14, v16  }
0x45a: {  	s12 =	sor.u32 $0xE100, s23;
	s7 =	sor.u32 s18, s13;
	v57 =	vld [tilespmem:s6+$0x0];
	v19 =	vadd.f32 v19, v21  }
0x45b: {  	s8 =	sor.u32 s18, s12;
	v60 =	vld [tilespmem:s7+$0x0];
	s6 =	sor.u32 $0xF180, s23;
	v58 =	vadd.f32 v45, v54;
	v12 =	vadd.f32 v12, v14  }
0x45c: {  	v61 =	vld [tilespmem:s8+$0x0];
	s8 =	sor.u32 $0xE380, s23;
	s5 =	sor.u32 s18, s6;
	v17 =	vadd.f32 v17, v19  }
0x45d: {  	s11 =	sor.u32 $0xE300, s23;
	s3 =	sor.u32 s18, s8;
	v34 =	vld [tilespmem:s5+$0x0];
	v62 =	vadd.f32 v49, v58;
	v10 =	vadd.f32 v10, v12  }
0x45e: {  	s10 =	sor.u32 $0xE180, s23;
	s31 =	sor.u32 s18, s11;
	v30 =	vld [tilespmem:s3+$0x0];
	v15 =	vadd.f32 v15, v17  }
0x45f: {  	s9 =	sor.u32 s18, s10;
	s7 =	sor.u32 $0xF300, s23;
	v26 =	vld [tilespmem:s31+$0x0];
	v28 =	vadd.f32 v53, v62;
	v8 =	vadd.f32 v8, v10  }
0x460: {  	v31 =	vadd.f32 v35, v31;
	s31 =	sor.u32 s18, s7;
	v24 =	vld [tilespmem:s9+$0x0];
	s9 =	sor.u32 $0xF100, s23;
	v13 =	vadd.f32 v13, v15  }
0x461: {  	v35 =	vld [tilespmem:s31+$0x0];
	s4 =	sor.u32 s18, s9;
	v32 =	vadd.f32 v57, v28;
	v6 =	vadd.f32 v6, v8  }
0x462: {  	s1 =	sor.u32 s0, s1;
	v43 =	vadd.f32 v37, v31;
	s3 =	sor.u32 $0xF380, s23;
	v31 =	vld [tilespmem:s4+$0x0];
	v11 =	vadd.f32 v11, v13  }
0x463: {  	s5 =	sor.u32 $0x10100, s23;
	s4 =	sor.u32 s18, s3;
	v36 =	vadd.f32 v61, v32;
	v4 =	vadd.f32 v4, v6;
	v6 =	vld [tilespmem:s1+$0x0]  }
0x464: {  	s2 =	sor.u32 $0x10180, s23;
	v47 =	vadd.f32 v39, v43;
	s31 =	sor.u32 s18, s5;
	v38 =	vld [tilespmem:s4+$0x0]  }
0x465: {  	s4 =	sor.u32 $0x10300, s23;
	v9 =	vadd.f32 v9, v11;
	v10 =	vld [tilespmem:s31+$0x0];
	v11 =	vadd.f32 v26, v36;
	s31 =	sor.u32 s18, s2  }
0x466: {  	v51 =	vadd.f32 v40, v47;
	s23 =	sor.u32 $0x10380, s23;
	v40 =	vld [tilespmem:s31+$0x0];
	s31 =	sor.u32 s18, s4  }
0x467: {  	v7 =	vadd.f32 v7, v9;
	v8 =	vld [tilespmem:s31+$0x0];
	v9 =	vadd.f32 v31, v11;
	s31 =	sor.u32 s18, s23  }
0x468: {  	v41 =	vld [tilespmem:s31+$0x0];
	[tilespmem:$0x1F410] =	vst v6  }
0x469: {  	v6 =	vadd.f32 v35, v9;
	v9 =	vld [tilespmem:s1+$0x80];
	_ =	sdelay $0x4  }
0x46a: {  	[tilespmem:$0x1F430] =	vst v9  }
0x46b: {  	v2 =	vadd.f32 v2, v4;
	v4 =	vld [tilespmem:s1+$0x100];
	_ =	sdelay $0x4  }
0x46c: {  	[tilespmem:$0x1F450] =	vst v4  }
0x46d: {  	v4 =	vadd.f32 v10, v6;
	v6 =	vld [tilespmem:s1+$0x180];
	_ =	sdelay $0x1  }
0x46e: {  	v55 =	vadd.f32 v44, v51;
	_ =	sdelay $0x1  }
0x46f: {  	v59 =	vadd.f32 v48, v55  }
0x470: {  	[tilespmem:$0x1F470] =	vst v6  }
0x471: {  	v63 =	vadd.f32 v52, v59;
	v0 =	vadd.f32 v0, v2;
	v2 =	vld [tilespmem:s1+$0x200];
	_ =	sdelay $0x1  }
0x472: {  	v29 =	vadd.f32 v56, v63;
	_ =	sdelay $0x1  }
0x473: {  	v33 =	vadd.f32 v60, v29  }
0x474: {  	[tilespmem:$0x1F420] =	vst v2  }
0x475: {  	v37 =	vadd.f32 v24, v33;
	v2 =	vadd.f32 v8, v4;
	v4 =	vld [tilespmem:s1+$0x280];
	_ =	sdelay $0x1  }
0x476: {  	v39 =	vadd.f32 v30, v37;
	_ =	sdelay $0x1  }
0x477: {  	v11 =	vadd.f32 v34, v39  }
0x478: {  	[tilespmem:$0x1F440] =	vst v4  }
0x479: {  	v5 =	vadd.f32 v5, v7;
	v7 =	vadd.f32 v38, v11;
	v4 =	vld [tilespmem:s1+$0x300];
	_ =	sdelay $0x1  }
0x47a: {  	v3 =	vadd.f32 v3, v5;
	v5 =	vadd.f32 v40, v7;
	_ =	sdelay $0x1  }
0x47b: {  	v1 =	vadd.f32 v1, v3;
	v3 =	vadd.f32 v41, v5  }
0x47c: {  	[tilespmem:$0x1F460] =	vst v4  }
0x47d: {  	v0 =	vadd.f32 v1, v0;
	v1 =	vadd.f32 v3, v2;
	v2 =	vld [tilespmem:s1+$0x380];
	_ =	sdelay $0x1  }
0x47e: {  	s31 =	sld [smem:$0x72D];
	_ =	sdelay $0x2  }
0x47f: {  	s1 =	sor.u32 s0, s31;
	[tilespmem:$0x1F480] =	vst v2  }
0x480: {  	s31 =	simm.s32 $0x0;
	v2 =	vld [tilespmem:s1+$0x0]  }
0x481: {  	s31 =	sand.u32 $0x180, s31  }
0x482: {  	s1 =	sor.u32 s18, s31;
	s31 =	sld [smem:$0x72E];
	_ =	sdelay $0x2  }
0x483: {  	s18 =	sor.u32 s0, s31;
	[tilespmem:$0x1F490] =	vst v2  }
0x484: {  	v0 =	vadd.f32 v1, v0;
	v1 =	vld [tilespmem:s18+$0x0];
	_ =	sdelay $0x4  }
0x485: {  	s1 =	sor.u32 $0x11000, s1;
	[tilespmem:$0x1F4A0] =	vst v1  }
0x486: {  	s24 =	sor.u32 s0, s24;
	[tilespmem:s1+$0x0] =	vst.add.f32.msk $0xffff, v0  }
0x487: {  	v0 =	vld [tilespmem:s24+$0x0];
	_ =	sdelay $0x4  }
0x488: {  	s31 =	sor.u32 s0, s21;
	[tilespmem:$0x1F4B0] =	vst v0  }
0x489: {  	v0 =	vld [tilespmem:s31+$0x0];
	_ =	sdelay $0x1  }
0x48a: {  	s18 =	sld [smem:$0x72F];
	_ =	sdelay $0x2  }
0x48b: {  	s1 =	sor.u32 s0, s18;
	[tilespmem:$0x1F4C0] =	vst v0  }
0x48c: {  	v0 =	vld [tilespmem:s1+$0x0];
	_ =	sdelay $0x1  }
0x48d: {  	s21 =	sld [smem:$0x730];
	_ =	sdelay $0x2  }
0x48e: {  	s1 =	sor.u32 s0, s21;
	[tilespmem:$0x1F4D0] =	vst v0  }
0x48f: {  	v0 =	vld [tilespmem:s1+$0x0];
	_ =	sdelay $0x4  }
0x490: {  	s24 =	sor.u32 s0, s30;
	[tilespmem:$0x1F4E0] =	vst v0  }
0x491: {  	v0 =	vld [tilespmem:s24+$0x0];
	_ =	sdelay $0x4  }
0x492: {  	s31 =	sor.u32 s0, s28;
	[tilespmem:$0x1F4F0] =	vst v0  }
0x493: {  	v0 =	vld [tilespmem:s31+$0x0];
	_ =	sdelay $0x1  }
0x494: {  	s18 =	sld [smem:$0x731];
	_ =	sdelay $0x2  }
0x495: {  	s1 =	sor.u32 s0, s18;
	[tilespmem:$0x1F500] =	vst v0  }
0x496: {  	v0 =	vld [tilespmem:s1+$0x0];
	_ =	sdelay $0x1  }
0x497: {  	s21 =	sld [smem:$0x732];
	_ =	sdelay $0x2  }
0x498: {  	s1 =	sor.u32 s0, s21;
	[tilespmem:$0x1F510] =	vst v0  }
0x499: {  	v0 =	vld [tilespmem:s1+$0x0];
	_ =	sdelay $0x1  }
0x49a: {  	s24 =	sld [smem:$0x733];
	_ =	sdelay $0x2  }
0x49b: {  	s1 =	sor.u32 s0, s24;
	[tilespmem:$0x1F520] =	vst v0  }
0x49c: {  	v0 =	vld [tilespmem:s1+$0x0];
	_ =	sdelay $0x4  }
0x49d: {  	s26 =	sor.u32 s0, s26;
	[tilespmem:$0x1F530] =	vst v0  }
0x49e: {  	v0 =	vld [tilespmem:s26+$0x0];
	_ =	sdelay $0x1  }
0x49f: {  	s28 =	sld [smem:$0x734];
	_ =	sdelay $0x2  }
0x4a0: {  	s1 =	sor.u32 s0, s28;
	[tilespmem:$0x1F540] =	vst v0  }
0x4a1: {  	v0 =	vld [tilespmem:s1+$0x0];
	_ =	sdelay $0x1  }
0x4a2: {  	s31 =	sld [smem:$0x735];
	_ =	sdelay $0x2  }
0x4a3: {  	s1 =	sor.u32 s0, s31;
	[tilespmem:$0x1F550] =	vst v0  }
0x4a4: {  	v0 =	vld [tilespmem:s1+$0x0];
	_ =	sdelay $0x4  }
0x4a5: {  	s18 =	sor.u32 s0, s29;
	[tilespmem:$0x1F560] =	vst v0  }
0x4a6: {  	v0 =	vld [tilespmem:s18+$0x0];
	_ =	sdelay $0x4  }
0x4a7: {  	s21 =	sor.u32 s0, s22;
	[tilespmem:$0x1F570] =	vst v0  }
0x4a8: {  	v0 =	vld [tilespmem:s21+$0x0];
	_ =	sdelay $0x1  }
0x4a9: {  	s22 =	sld [smem:$0x736];
	_ =	sdelay $0x2  }
0x4aa: {  	s1 =	sor.u32 s0, s22;
	[tilespmem:$0x1F580] =	vst v0  }
0x4ab: {  	v0 =	vld [tilespmem:s1+$0x0];
	_ =	sdelay $0x1  }
0x4ac: {  	s24 =	sld [smem:$0x737];
	_ =	sdelay $0x2  }
0x4ad: {  	s1 =	sor.u32 s0, s24;
	[tilespmem:$0x1F590] =	vst v0  }
0x4ae: {  	v0 =	vld [tilespmem:s1+$0x0];
	_ =	sdelay $0x4  }
0x4af: {  	s26 =	sor.u32 s0, s25;
	[tilespmem:$0x1F5A0] =	vst v0  }
0x4b0: {  	v0 =	vld [tilespmem:s26+$0x0];
	_ =	sdelay $0x4  }
0x4b1: {  	s28 =	sor.u32 s0, s19;
	[tilespmem:$0x1F5B0] =	vst v0  }
0x4b2: {  	v0 =	vld [tilespmem:s28+$0x0];
	_ =	sdelay $0x1  }
0x4b3: {  	s29 =	sld [smem:$0x738];
	_ =	sdelay $0x2  }
0x4b4: {  	s1 =	sor.u32 s0, s29;
	[tilespmem:$0x1F5C0] =	vst v0  }
0x4b5: {  	v0 =	vld [tilespmem:s1+$0x0];
	_ =	sdelay $0x1  }
0x4b6: {  	s31 =	sld [smem:$0x739];
	_ =	sdelay $0x2  }
0x4b7: {  	s1 =	sor.u32 s0, s31;
	[tilespmem:$0x1F5D0] =	vst v0  }
0x4b8: {  	v0 =	vld [tilespmem:s1+$0x0];
	_ =	sdelay $0x4  }
0x4b9: {  	s18 =	sor.u32 s0, s20;
	[tilespmem:$0x1F5E0] =	vst v0  }
0x4ba: {  	v0 =	vld [tilespmem:s18+$0x0];
	_ =	sdelay $0x4  }
0x4bb: {  	s19 =	sor.u32 s0, s16;
	[tilespmem:$0x1F5F0] =	vst v0  }
0x4bc: {  	v0 =	vld [tilespmem:s19+$0x0];
	_ =	sdelay $0x1  }
0x4bd: {  	s20 =	sld [smem:$0x73A];
	_ =	sdelay $0x2  }
0x4be: {  	s1 =	sor.u32 s0, s20;
	[tilespmem:$0x1F600] =	vst v0  }
0x4bf: {  	v0 =	vld [tilespmem:s1+$0x0];
	_ =	sdelay $0x1  }
0x4c0: {  	s21 =	sld [smem:$0x73B];
	_ =	sdelay $0x2  }
0x4c1: {  	s1 =	sor.u32 s0, s21;
	[tilespmem:$0x1F610] =	vst v0  }
0x4c2: {  	v0 =	vld [tilespmem:s1+$0x0];
	_ =	sdelay $0x4  }
0x4c3: {  	s22 =	sor.u32 s0, s17;
	[tilespmem:$0x1F620] =	vst v0  }
0x4c4: {  	v0 =	vld [tilespmem:s22+$0x0];
	_ =	sdelay $0x4  }
0x4c5: {  	s24 =	sor.u32 s0, s14;
	[tilespmem:$0x1F630] =	vst v0  }
0x4c6: {  	v0 =	vld [tilespmem:s24+$0x0];
	_ =	sdelay $0x1  }
0x4c7: {  	s25 =	sld [smem:$0x73C];
	_ =	sdelay $0x2  }
0x4c8: {  	s1 =	sor.u32 s0, s25;
	[tilespmem:$0x1F640] =	vst v0  }
0x4c9: {  	v0 =	vld [tilespmem:s1+$0x0];
	_ =	sdelay $0x1  }
0x4ca: {  	s26 =	sld [smem:$0x73D];
	_ =	sdelay $0x2  }
0x4cb: {  	s1 =	sor.u32 s0, s26;
	[tilespmem:$0x1F650] =	vst v0  }
0x4cc: {  	v0 =	vld [tilespmem:s1+$0x0];
	_ =	sdelay $0x4  }
0x4cd: {  	s28 =	sor.u32 s0, s15;
	[tilespmem:$0x1F660] =	vst v0  }
0x4ce: {  	v0 =	vld [tilespmem:s28+$0x0];
	_ =	sdelay $0x4  }
0x4cf: {  	s29 =	sor.u32 s0, s13;
	[tilespmem:$0x1F670] =	vst v0  }
0x4d0: {  	v0 =	vld [tilespmem:s29+$0x0];
	_ =	sdelay $0x1  }
0x4d1: {  	s31 =	sld [smem:$0x73E];
	_ =	sdelay $0x2  }
0x4d2: {  	s13 =	sor.u32 s0, s31;
	[tilespmem:$0x1F680] =	vst v0  }
0x4d3: {  	v0 =	vld [tilespmem:s13+$0x0];
	_ =	sdelay $0x1  }
0x4d4: {  	s14 =	sld [smem:$0x73F];
	_ =	sdelay $0x2  }
0x4d5: {  	s1 =	sor.u32 s0, s14;
	[tilespmem:$0x1F690] =	vst v0  }
0x4d6: {  	v0 =	vld [tilespmem:s1+$0x0];
	_ =	sdelay $0x4  }
0x4d7: {  	s12 =	sor.u32 s0, s12;
	[tilespmem:$0x1F6A0] =	vst v0  }
0x4d8: {  	v0 =	vld [tilespmem:s12+$0x0];
	_ =	sdelay $0x4  }
0x4d9: {  	s15 =	sor.u32 s0, s10;
	[tilespmem:$0x1F6B0] =	vst v0  }
0x4da: {  	v0 =	vld [tilespmem:s15+$0x0];
	_ =	sdelay $0x1  }
0x4db: {  	s16 =	sld [smem:$0x740];
	_ =	sdelay $0x2  }
0x4dc: {  	s10 =	sor.u32 s0, s16;
	[tilespmem:$0x1F6C0] =	vst v0  }
0x4dd: {  	v0 =	vld [tilespmem:s10+$0x0];
	_ =	sdelay $0x1  }
0x4de: {  	s17 =	sld [smem:$0x741];
	_ =	sdelay $0x2  }
0x4df: {  	s1 =	sor.u32 s0, s17;
	[tilespmem:$0x1F6D0] =	vst v0  }
0x4e0: {  	v0 =	vld [tilespmem:s1+$0x0];
	_ =	sdelay $0x4  }
0x4e1: {  	s18 =	sor.u32 s0, s11;
	[tilespmem:$0x1F6E0] =	vst v0  }
0x4e2: {  	v0 =	vld [tilespmem:s18+$0x0];
	_ =	sdelay $0x4  }
0x4e3: {  	s19 =	sor.u32 s0, s8;
	[tilespmem:$0x1F6F0] =	vst v0  }
0x4e4: {  	v0 =	vld [tilespmem:s19+$0x0];
	_ =	sdelay $0x1  }
0x4e5: {  	s20 =	sld [smem:$0x742];
	_ =	sdelay $0x2  }
0x4e6: {  	s8 =	sor.u32 s0, s20;
	[tilespmem:$0x1F700] =	vst v0  }
0x4e7: {  	v0 =	vld [tilespmem:s8+$0x0];
	_ =	sdelay $0x1  }
0x4e8: {  	s21 =	sld [smem:$0x743];
	_ =	sdelay $0x2  }
0x4e9: {  	s1 =	sor.u32 s0, s21;
	[tilespmem:$0x1F710] =	vst v0  }
0x4ea: {  	v0 =	vld [tilespmem:s1+$0x0];
	_ =	sdelay $0x4  }
0x4eb: {  	s22 =	sor.u32 s0, s9;
	[tilespmem:$0x1F720] =	vst v0  }
0x4ec: {  	v0 =	vld [tilespmem:s22+$0x0];
	_ =	sdelay $0x4  }
0x4ed: {  	s24 =	sor.u32 s0, s6;
	[tilespmem:$0x1F730] =	vst v0  }
0x4ee: {  	v0 =	vld [tilespmem:s24+$0x0];
	_ =	sdelay $0x1  }
0x4ef: {  	s25 =	sld [smem:$0x744];
	_ =	sdelay $0x2  }
0x4f0: {  	s6 =	sor.u32 s0, s25;
	[tilespmem:$0x1F740] =	vst v0  }
0x4f1: {  	v0 =	vld [tilespmem:s6+$0x0];
	_ =	sdelay $0x1  }
0x4f2: {  	s26 =	sld [smem:$0x745];
	_ =	sdelay $0x2  }
0x4f3: {  	s1 =	sor.u32 s0, s26;
	[tilespmem:$0x1F750] =	vst v0  }
0x4f4: {  	v0 =	vld [tilespmem:s1+$0x0];
	_ =	sdelay $0x4  }
0x4f5: {  	s28 =	sor.u32 s0, s7;
	[tilespmem:$0x1F760] =	vst v0  }
0x4f6: {  	v0 =	vld [tilespmem:s28+$0x0];
	_ =	sdelay $0x4  }
0x4f7: {  	s29 =	sor.u32 s0, s3;
	[tilespmem:$0x1F770] =	vst v0  }
0x4f8: {  	v0 =	vld [tilespmem:s29+$0x0];
	_ =	sdelay $0x1  }
0x4f9: {  	s31 =	sld [smem:$0x746];
	_ =	sdelay $0x2  }
0x4fa: {  	s3 =	sor.u32 s0, s31;
	[tilespmem:$0x1F780] =	vst v0  }
0x4fb: {  	v0 =	vld [tilespmem:s3+$0x0];
	_ =	sdelay $0x1  }
0x4fc: {  	s6 =	sld [smem:$0x747];
	_ =	sdelay $0x2  }
0x4fd: {  	s1 =	sor.u32 s0, s6;
	[tilespmem:$0x1F790] =	vst v0  }
0x4fe: {  	v0 =	vld [tilespmem:s1+$0x0];
	_ =	sdelay $0x4  }
0x4ff: {  	s7 =	sor.u32 s0, s5;
	[tilespmem:$0x1F7A0] =	vst v0  }
0x500: {  	v0 =	vld [tilespmem:s7+$0x0];
	_ =	sdelay $0x4  }
0x501: {  	s8 =	sor.u32 s0, s2;
	[tilespmem:$0x1F7B0] =	vst v0  }
0x502: {  	v0 =	vld [tilespmem:s8+$0x0];
	_ =	sdelay $0x1  }
0x503: {  	s9 =	sld [smem:$0x748];
	_ =	sdelay $0x2  }
0x504: {  	s2 =	sor.u32 s0, s9;
	[tilespmem:$0x1F7C0] =	vst v0  }
0x505: {  	v0 =	vld [tilespmem:s2+$0x0];
	_ =	sdelay $0x1  }
0x506: {  	s10 =	sld [smem:$0x749];
	_ =	sdelay $0x2  }
0x507: {  	s1 =	sor.u32 s0, s10;
	[tilespmem:$0x1F7D0] =	vst v0  }
0x508: {  	v0 =	vld [tilespmem:s1+$0x0];
	_ =	sdelay $0x4  }
0x509: {  	s13 =	sor.u32 s0, s4;
	[tilespmem:$0x1F7E0] =	vst v0  }
0x50a: {  	v0 =	vld [tilespmem:s13+$0x0];
	_ =	sdelay $0x1  }
0x50b: {  	s11 =	simm.s32 $0x100  }
0x50c: {  	s15 =	sand.u32 $0xC00, s11  }
0x50d: {  	s14 =	sor.u32 $0x10200, s15  }
0x50e: {  	s0 =	sor.u32 s0, s23;
	[smem:$0x766] =	sst s14;
	[tilespmem:$0x1F7F0] =	vst v0  }
0x50f: {  	v0 =	vld [tilespmem:s0+$0x0];
	_ =	sdelay $0x1  }
0x510: {  	s12 =	simm.s32 $0x20  }
0x511: {  	s17 =	sand.u32 $0x60, s12;
	s2 =	sor.u32 $0x10280, s15  }
0x512: {  	s18 =	sor.u32 $0x10000, s15;
	s10 =	sor.u32 $0x10, s17;
	[smem:$0x767] =	sst s2  }
0x513: {  	s20 =	sor.u32 $0x10080, s15;
	s16 =	sor.u32 s10, s14;
	[smem:$0x762] =	sst s18;
	[tilespmem:$0x1F800] =	vst v0  }
0x514: {  	s22 =	sor.u32 $0xF200, s15;
	s19 =	sor.u32 s10, s2;
	v0 =	vld [tilespmem:s16+$0x0];
	[smem:$0x763] =	sst s20  }
0x515: {  	s24 =	sor.u32 $0xF280, s15;
	s21 =	sor.u32 s10, s18;
	v1 =	vld [tilespmem:s19+$0x0];
	[smem:$0x75E] =	sst s22  }
0x516: {  	s26 =	sor.u32 $0xF000, s15;
	s23 =	sor.u32 s10, s20;
	v2 =	vld [tilespmem:s21+$0x0];
	[smem:$0x75F] =	sst s24  }
0x517: {  	s29 =	sor.u32 $0xF080, s15;
	s25 =	sor.u32 s10, s22;
	v3 =	vld [tilespmem:s23+$0x0];
	[smem:$0x75A] =	sst s26  }
0x518: {  	s28 =	sor.u32 s10, s24;
	s1 =	sor.u32 $0xE200, s15;
	v4 =	vld [tilespmem:s25+$0x0];
	[smem:$0x75B] =	sst s29  }
0x519: {  	s4 =	sor.u32 $0xE280, s15;
	s31 =	sor.u32 s10, s26;
	v5 =	vld [tilespmem:s28+$0x0];
	[smem:$0x758] =	sst s1  }
0x51a: {  	s6 =	sor.u32 $0xE000, s15;
	s2 =	sor.u32 s10, s29;
	v6 =	vld [tilespmem:s31+$0x0];
	[smem:$0x759] =	sst s4  }
0x51b: {  	s8 =	sor.u32 $0xE080, s15;
	s5 =	sor.u32 s10, s1;
	v7 =	vld [tilespmem:s2+$0x0];
	[smem:$0x756] =	sst s6  }
0x51c: {  	s11 =	sor.u32 $0xD200, s15;
	s7 =	sor.u32 s10, s4;
	v8 =	vld [tilespmem:s5+$0x0];
	[smem:$0x757] =	sst s8  }
0x51d: {  	s9 =	sor.u32 s10, s6;
	s13 =	sor.u32 $0xD280, s15;
	v9 =	vld [tilespmem:s7+$0x0];
	[smem:$0x754] =	sst s11  }
0x51e: {  	s12 =	sor.u32 s10, s8;
	s16 =	sor.u32 $0xD000, s15;
	v10 =	vld [tilespmem:s9+$0x0];
	[smem:$0x755] =	sst s13  }
0x51f: {  	s14 =	sor.u32 s10, s11;
	s19 =	sor.u32 $0xD080, s15;
	v11 =	vld [tilespmem:s12+$0x0];
	[smem:$0x752] =	sst s16  }
0x520: {  	s18 =	sor.u32 s10, s13;
	s21 =	sor.u32 $0xC200, s15;
	v12 =	vld [tilespmem:s14+$0x0];
	[smem:$0x753] =	sst s19  }
0x521: {  	s20 =	sor.u32 s10, s16;
	s23 =	sor.u32 $0xC280, s15;
	v13 =	vld [tilespmem:s18+$0x0];
	[smem:$0x750] =	sst s21  }
0x522: {  	s22 =	sor.u32 s10, s19;
	s25 =	sor.u32 $0xC000, s15;
	v14 =	vld [tilespmem:s20+$0x0];
	[smem:$0x751] =	sst s23  }
0x523: {  	s24 =	sor.u32 s10, s21;
	s28 =	sor.u32 $0xC080, s15;
	v15 =	vld [tilespmem:s22+$0x0];
	[smem:$0x74E] =	sst s25  }
0x524: {  	s26 =	sor.u32 s10, s23;
	s31 =	sor.u32 $0xB200, s15;
	v16 =	vld [tilespmem:s24+$0x0];
	[smem:$0x74F] =	sst s28  }
0x525: {  	s29 =	sor.u32 s10, s25;
	v17 =	vld [tilespmem:s26+$0x0];
	[smem:$0x74C] =	sst s31  }
0x526: {  	s3 =	sor.u32 $0xB280, s15;
	s2 =	sor.u32 s10, s28;
	v18 =	vld [tilespmem:s29+$0x0]  }
0x527: {  	s4 =	sor.u32 s10, s31;
	s5 =	sor.u32 $0xB000, s15;
	v19 =	vld [tilespmem:s2+$0x0];
	[smem:$0x74D] =	sst s3  }
0x528: {  	s6 =	sor.u32 s10, s3;
	s7 =	sor.u32 $0xB080, s15;
	v20 =	vld [tilespmem:s4+$0x0];
	[smem:$0x74A] =	sst s5  }
0x529: {  	s8 =	sor.u32 s10, s5;
	v21 =	vld [tilespmem:s6+$0x0];
	[smem:$0x74B] =	sst s7  }
0x52a: {  	s9 =	sor.u32 s10, s7;
	s21 =	sor.u32 $0xA200, s15;
	v42 =	vld [tilespmem:s8+$0x0]  }
0x52b: {  	s11 =	sor.u32 s10, s21;
	s22 =	sor.u32 $0xA280, s15;
	v43 =	vld [tilespmem:s9+$0x0]  }
0x52c: {  	s24 =	sor.u32 $0xA000, s15;
	s12 =	sor.u32 s10, s22;
	v44 =	vld [tilespmem:s11+$0x0]  }
0x52d: {  	s23 =	sor.u32 $0xA080, s15;
	s13 =	sor.u32 s10, s24;
	v45 =	vld [tilespmem:s12+$0x0]  }
0x52e: {  	s14 =	sor.u32 s10, s23;
	s2 =	sor.u32 $0x9000, s15;
	v46 =	vld [tilespmem:s13+$0x0]  }
0x52f: {  	s16 =	sor.u32 s10, s2;
	v47 =	vld [tilespmem:s14+$0x0]  }
0x530: {  	v48 =	vld [tilespmem:s16+$0x0]  }
0x531: {  	v49 =	vld [tilespmem:s16+$0x80]  }
0x532: {  	v50 =	vld [tilespmem:s16+$0x100]  }
0x533: {  	v51 =	vld [tilespmem:s16+$0x180]  }
0x534: {  	v52 =	vld [tilespmem:s16+$0x200]  }
0x535: {  	v53 =	vld [tilespmem:s16+$0x280]  }
0x536: {  	s19 =	sor.u32 $0xA100, s15;
	v54 =	vld [tilespmem:s16+$0x300]  }
0x537: {  	s18 =	sor.u32 s10, s19;
	s20 =	sor.u32 $0xA180, s15;
	v55 =	vld [tilespmem:s16+$0x380]  }
0x538: {  	s25 =	sor.u32 s10, s20;
	s26 =	sor.u32 $0xA300, s15;
	v56 =	vld [tilespmem:s18+$0x0]  }
0x539: {  	s29 =	sor.u32 $0xA380, s15;
	s28 =	sor.u32 s10, s26;
	v57 =	vld [tilespmem:s25+$0x0]  }
0x53a: {  	s30 =	sor.u32 $0xB180, s15;
	s31 =	sor.u32 s10, s29;
	v58 =	vld [tilespmem:s28+$0x0]  }
0x53b: {  	s3 =	sor.u32 s10, s30;
	s25 =	sor.u32 $0xB100, s15;
	v59 =	vld [tilespmem:s31+$0x0]  }
0x53c: {  	s28 =	sor.u32 $0xB300, s15;
	v61 =	vld [tilespmem:s3+$0x0];
	s0 =	sor.u32 s10, s25  }
0x53d: {  	s16 =	sor.u32 $0xB380, s15;
	s4 =	sor.u32 s10, s28;
	v60 =	vld [tilespmem:s0+$0x0]  }
0x53e: {  	s31 =	sor.u32 $0xC100, s15;
	s5 =	sor.u32 s10, s16;
	v62 =	vld [tilespmem:s4+$0x0]  }
0x53f: {  	s13 =	sor.u32 $0xC180, s15;
	s6 =	sor.u32 s10, s31;
	v35 =	vld [tilespmem:s5+$0x0];
	v28 =	vadd.f32 v52, v48  }
0x540: {  	s14 =	sor.u32 $0xC300, s15;
	s7 =	sor.u32 s10, s13;
	v36 =	vld [tilespmem:s6+$0x0];
	v29 =	vadd.f32 v53, v49;
	v30 =	vadd.f32 v54, v50  }
0x541: {  	s8 =	sor.u32 s10, s14;
	v39 =	vld [tilespmem:s7+$0x0];
	s4 =	sor.u32 $0xD380, s15;
	v26 =	vadd.f32 v46, v28  }
0x542: {  	v40 =	vld [tilespmem:s8+$0x0];
	s7 =	sor.u32 $0xE100, s15;
	s5 =	sor.u32 s10, s4;
	v27 =	vadd.f32 v47, v29;
	v63 =	vadd.f32 v56, v30  }
0x543: {  	s8 =	sor.u32 $0xD180, s15;
	s6 =	sor.u32 s10, s7;
	v31 =	vadd.f32 v55, v51;
	v51 =	vld [tilespmem:s5+$0x0];
	v24 =	vadd.f32 v44, v26  }
0x544: {  	s11 =	sor.u32 $0xC380, s15;
	s0 =	sor.u32 s10, s8;
	v52 =	vld [tilespmem:s6+$0x0];
	v25 =	vadd.f32 v45, v27;
	v37 =	vadd.f32 v58, v63  }
0x545: {  	s9 =	sor.u32 s10, s11;
	s6 =	sor.u32 $0xE300, s15;
	v47 =	vld [tilespmem:s0+$0x0];
	v22 =	vadd.f32 v42, v24  }
0x546: {  	s0 =	sor.u32 s10, s6;
	v23 =	vadd.f32 v43, v25;
	v41 =	vadd.f32 v60, v37;
	v43 =	vld [tilespmem:s9+$0x0];
	s9 =	sor.u32 $0xD300, s15  }
0x547: {  	s12 =	sor.u32 $0xD100, s15;
	v56 =	vld [tilespmem:s0+$0x0];
	s3 =	sor.u32 s10, s9;
	v20 =	vadd.f32 v20, v22  }
0x548: {  	s18 =	sor.u32 s10, s12;
	v21 =	vadd.f32 v21, v23;
	v45 =	vadd.f32 v62, v41;
	v48 =	vld [tilespmem:s3+$0x0];
	s3 =	sor.u32 $0xE180, s15  }
0x549: {  	s5 =	sor.u32 $0xE380, s15;
	v34 =	vadd.f32 v57, v31;
	s0 =	sor.u32 $0xF100, s15;
	v44 =	vld [tilespmem:s18+$0x0];
	s18 =	sor.u32 s10, s3;
	v18 =	vadd.f32 v18, v20  }
0x54a: {  	s1 =	sor.u32 s10, s5;
	v19 =	vadd.f32 v19, v21;
	v49 =	vadd.f32 v36, v45;
	v55 =	vld [tilespmem:s18+$0x0];
	[smem:$0x75C] =	sst s0  }
0x54b: {  	v38 =	vadd.f32 v59, v34;
	v59 =	vld [tilespmem:s1+$0x0];
	s1 =	sor.u32 $0xF180, s15;
	v16 =	vadd.f32 v16, v18  }
0x54c: {  	s0 =	sor.u32 s10, s0;
	v17 =	vadd.f32 v17, v19;
	v53 =	vadd.f32 v40, v49;
	[smem:$0x75D] =	sst s1  }
0x54d: {  	v60 =	vld [tilespmem:s0+$0x0];
	s0 =	sor.u32 $0xF300, s15;
	v14 =	vadd.f32 v14, v16  }
0x54e: {  	s1 =	sor.u32 s10, s1;
	v15 =	vadd.f32 v15, v17;
	v57 =	vadd.f32 v44, v53;
	[smem:$0x760] =	sst s0  }
0x54f: {  	v42 =	vadd.f32 v61, v38;
	v63 =	vld [tilespmem:s1+$0x0];
	s1 =	sor.u32 $0xF380, s15;
	v12 =	vadd.f32 v12, v14  }
0x550: {  	s0 =	sor.u32 s10, s0;
	v13 =	vadd.f32 v13, v15;
	v61 =	vadd.f32 v48, v57;
	[smem:$0x761] =	sst s1  }
0x551: {  	v20 =	vld [tilespmem:s0+$0x0];
	s0 =	sor.u32 $0x10100, s15;
	v10 =	vadd.f32 v10, v12  }
0x552: {  	s1 =	sor.u32 s10, s1;
	v11 =	vadd.f32 v11, v13;
	v22 =	vadd.f32 v52, v61;
	[smem:$0x764] =	sst s0  }
0x553: {  	v24 =	vld [tilespmem:s1+$0x0];
	s1 =	sor.u32 $0x10180, s15;
	v8 =	vadd.f32 v8, v10  }
0x554: {  	s0 =	sor.u32 s10, s0;
	v9 =	vadd.f32 v9, v11;
	[smem:$0x765] =	sst s1;
	v11 =	vadd.f32 v56, v22  }
0x555: {  	v10 =	vld [tilespmem:s0+$0x0];
	s0 =	sor.u32 $0x10300, s15;
	v6 =	vadd.f32 v6, v8  }
0x556: {  	s18 =	sor.u32 $0x10380, s15;
	s1 =	sor.u32 s10, s1;
	[smem:$0x768] =	sst s0;
	v7 =	vadd.f32 v7, v9;
	v9 =	vadd.f32 v60, v11  }
0x557: {  	s15 =	sor.u32 s17, s2;
	v26 =	vld [tilespmem:s1+$0x0];
	[smem:$0x769] =	sst s18  }
0x558: {  	v4 =	vadd.f32 v4, v6;
	v6 =	vadd.f32 v20, v9;
	v9 =	vld [tilespmem:s15+$0x0];
	_ =	sdelay $0x2  }
0x559: {  	s0 =	sor.u32 s10, s0  }
0x55a: {  	s1 =	sor.u32 s10, s18;
	v8 =	vld [tilespmem:s0+$0x0]  }
0x55b: {  	v27 =	vld [tilespmem:s1+$0x0];
	[tilespmem:$0x1F810] =	vst v9  }
0x55c: {  	v2 =	vadd.f32 v2, v4;
	v4 =	vld [tilespmem:s15+$0x80];
	_ =	sdelay $0x4  }
0x55d: {  	[tilespmem:$0x1F830] =	vst v4  }
0x55e: {  	v4 =	vadd.f32 v10, v6;
	v6 =	vld [tilespmem:s15+$0x100];
	_ =	sdelay $0x1  }
0x55f: {  	v46 =	vadd.f32 v35, v42;
	_ =	sdelay $0x1  }
0x560: {  	v50 =	vadd.f32 v39, v46  }
0x561: {  	[tilespmem:$0x1F850] =	vst v6  }
0x562: {  	v54 =	vadd.f32 v43, v50;
	v0 =	vadd.f32 v0, v2;
	v2 =	vld [tilespmem:s15+$0x180];
	_ =	sdelay $0x1  }
0x563: {  	v58 =	vadd.f32 v47, v54;
	_ =	sdelay $0x1  }
0x564: {  	v62 =	vadd.f32 v51, v58  }
0x565: {  	[tilespmem:$0x1F870] =	vst v2  }
0x566: {  	v23 =	vadd.f32 v55, v62;
	v2 =	vadd.f32 v8, v4;
	v4 =	vld [tilespmem:s15+$0x200];
	_ =	sdelay $0x1  }
0x567: {  	v25 =	vadd.f32 v59, v23;
	_ =	sdelay $0x1  }
0x568: {  	v11 =	vadd.f32 v63, v25  }
0x569: {  	[tilespmem:$0x1F820] =	vst v4  }
0x56a: {  	v5 =	vadd.f32 v5, v7;
	v7 =	vadd.f32 v24, v11;
	v4 =	vld [tilespmem:s15+$0x280];
	_ =	sdelay $0x1  }
0x56b: {  	v3 =	vadd.f32 v3, v5;
	v5 =	vadd.f32 v26, v7;
	_ =	sdelay $0x1  }
0x56c: {  	v1 =	vadd.f32 v1, v3;
	v3 =	vadd.f32 v27, v5  }
0x56d: {  	[tilespmem:$0x1F840] =	vst v4  }
0x56e: {  	v0 =	vadd.f32 v1, v0;
	v1 =	vadd.f32 v3, v2;
	v2 =	vld [tilespmem:s15+$0x300];
	_ =	sdelay $0x4  }
0x56f: {  	[tilespmem:$0x1F860] =	vst v2  }
0x570: {  	v2 =	vld [tilespmem:s15+$0x380];
	_ =	sdelay $0x4  }
0x571: {  	s18 =	sor.u32 s17, s24;
	[tilespmem:$0x1F880] =	vst v2  }
0x572: {  	v2 =	vld [tilespmem:s18+$0x0];
	_ =	sdelay $0x4  }
0x573: {  	s18 =	sor.u32 s17, s23;
	[tilespmem:$0x1F890] =	vst v2  }
0x574: {  	v0 =	vadd.f32 v1, v0;
	v1 =	vld [tilespmem:s18+$0x0];
	_ =	sdelay $0x1  }
0x575: {  	s24 =	simm.s32 $0x20  }
0x576: {  	s2 =	sand.u32 $0x180, s24  }
0x577: {  	s15 =	sor.u32 s10, s2  }
0x578: {  	s0 =	sor.u32 $0x11000, s15;
	[tilespmem:$0x1F8A0] =	vst v1  }
0x579: {  	s19 =	sor.u32 s17, s19;
	[tilespmem:s0+$0x0] =	vst.add.f32.msk $0xffff, v0  }
0x57a: {  	v0 =	vld [tilespmem:s19+$0x0];
	_ =	sdelay $0x4  }
0x57b: {  	s20 =	sor.u32 s17, s20;
	[tilespmem:$0x1F8B0] =	vst v0  }
0x57c: {  	v0 =	vld [tilespmem:s20+$0x0];
	_ =	sdelay $0x4  }
0x57d: {  	s23 =	sor.u32 s17, s21;
	[tilespmem:$0x1F8C0] =	vst v0  }
0x57e: {  	v0 =	vld [tilespmem:s23+$0x0];
	_ =	sdelay $0x4  }
0x57f: {  	s1 =	sor.u32 s17, s26;
	[tilespmem:$0x1F8D0] =	vst v0  }
0x580: {  	v0 =	vld [tilespmem:s1+$0x0];
	_ =	sdelay $0x1  }
0x581: {  	s10 =	sld [smem:$0x74A];
	_ =	sdelay $0x1  }
0x582: {  	s24 =	sor.u32 s17, s22  }
0x583: {  	s0 =	sor.u32 s17, s10;
	v52 =	vld [tilespmem:s24+$0x0];
	[tilespmem:$0x1F8E0] =	vst v0  }
0x584: {  	v0 =	vld [tilespmem:s0+$0x0];
	_ =	sdelay $0x3  }
0x585: {  	s2 =	sor.u32 s17, s29  }
0x586: {  	s18 =	sor.u32 s17, s25;
	v53 =	vld [tilespmem:s2+$0x0];
	[tilespmem:$0x1F8F0] =	vst v0  }
0x587: {  	v0 =	vld [tilespmem:s18+$0x0]  }
0x588: {  	s15 =	sld [smem:$0x74B]  }
0x589: {  	s20 =	sld [smem:$0x74C];
	_ =	sdelay $0x1  }
0x58a: {  	s0 =	sor.u32 s17, s15  }
0x58b: {  	v54 =	vld [tilespmem:s0+$0x0];
	s0 =	sor.u32 s17, s20;
	[tilespmem:$0x1F900] =	vst v0  }
0x58c: {  	v0 =	vld [tilespmem:s0+$0x0];
	_ =	sdelay $0x3  }
0x58d: {  	s19 =	sor.u32 s17, s30  }
0x58e: {  	s22 =	sor.u32 s17, s28;
	v55 =	vld [tilespmem:s19+$0x0];
	[tilespmem:$0x1F910] =	vst v0  }
0x58f: {  	v0 =	vld [tilespmem:s22+$0x0]  }
0x590: {  	s21 =	sld [smem:$0x74D]  }
0x591: {  	s24 =	sld [smem:$0x74E];
	_ =	sdelay $0x1  }
0x592: {  	s0 =	sor.u32 s17, s21  }
0x593: {  	v56 =	vld [tilespmem:s0+$0x0];
	s0 =	sor.u32 s17, s24;
	[tilespmem:$0x1F920] =	vst v0  }
0x594: {  	v0 =	vld [tilespmem:s0+$0x0];
	_ =	sdelay $0x3  }
0x595: {  	s23 =	sor.u32 s17, s16  }
0x596: {  	s26 =	sor.u32 s17, s31;
	v57 =	vld [tilespmem:s23+$0x0];
	[tilespmem:$0x1F930] =	vst v0  }
0x597: {  	v0 =	vld [tilespmem:s26+$0x0]  }
0x598: {  	s25 =	sld [smem:$0x74F]  }
0x599: {  	s29 =	sld [smem:$0x750];
	_ =	sdelay $0x1  }
0x59a: {  	s0 =	sor.u32 s17, s25  }
0x59b: {  	v58 =	vld [tilespmem:s0+$0x0];
	s0 =	sor.u32 s17, s29;
	[tilespmem:$0x1F940] =	vst v0  }
0x59c: {  	v0 =	vld [tilespmem:s0+$0x0];
	_ =	sdelay $0x3  }
0x59d: {  	s28 =	sor.u32 s17, s13  }
0x59e: {  	s1 =	sor.u32 s17, s14;
	v59 =	vld [tilespmem:s28+$0x0];
	[tilespmem:$0x1F950] =	vst v0  }
0x59f: {  	v0 =	vld [tilespmem:s1+$0x0]  }
0x5a0: {  	s31 =	sld [smem:$0x751]  }
0x5a1: {  	s10 =	sld [smem:$0x752];
	_ =	sdelay $0x1  }
0x5a2: {  	s0 =	sor.u32 s17, s31  }
0x5a3: {  	v60 =	vld [tilespmem:s0+$0x0];
	s0 =	sor.u32 s17, s10;
	[tilespmem:$0x1F960] =	vst v0  }
0x5a4: {  	v0 =	vld [tilespmem:s0+$0x0];
	_ =	sdelay $0x3  }
0x5a5: {  	s2 =	sor.u32 s17, s11  }
0x5a6: {  	s12 =	sor.u32 s17, s12;
	v61 =	vld [tilespmem:s2+$0x0];
	[tilespmem:$0x1F970] =	vst v0  }
0x5a7: {  	v0 =	vld [tilespmem:s12+$0x0]  }
0x5a8: {  	s11 =	sld [smem:$0x753]  }
0x5a9: {  	s14 =	sld [smem:$0x754];
	_ =	sdelay $0x1  }
0x5aa: {  	s0 =	sor.u32 s17, s11  }
0x5ab: {  	v62 =	vld [tilespmem:s0+$0x0];
	s0 =	sor.u32 s17, s14;
	[tilespmem:$0x1F980] =	vst v0  }
0x5ac: {  	v0 =	vld [tilespmem:s0+$0x0];
	_ =	sdelay $0x1  }
0x5ad: {  	s15 =	sld [smem:$0x755];
	_ =	sdelay $0x1  }
0x5ae: {  	s13 =	sor.u32 s17, s8  }
0x5af: {  	v63 =	vld [tilespmem:s13+$0x0];
	s0 =	sor.u32 s17, s15;
	[tilespmem:$0x1F990] =	vst v0  }
0x5b0: {  	v0 =	vld [tilespmem:s0+$0x0];
	_ =	sdelay $0x4  }
0x5b1: {  	s16 =	sor.u32 s17, s9;
	[tilespmem:$0x1F9A0] =	vst v0  }
0x5b2: {  	v0 =	vld [tilespmem:s16+$0x0];
	_ =	sdelay $0x1  }
0x5b3: {  	s19 =	sld [smem:$0x756];
	_ =	sdelay $0x2  }
0x5b4: {  	s20 =	sor.u32 s17, s19;
	[tilespmem:$0x1F9B0] =	vst v0  }
0x5b5: {  	v0 =	vld [tilespmem:s20+$0x0];
	_ =	sdelay $0x3  }
0x5b6: {  	s18 =	sor.u32 s17, s4  }
0x5b7: {  	s22 =	sor.u32 s17, s7;
	v51 =	vld [tilespmem:s18+$0x0];
	[tilespmem:$0x1F9C0] =	vst v0  }
0x5b8: {  	v0 =	vld [tilespmem:s22+$0x0]  }
0x5b9: {  	s21 =	sld [smem:$0x757]  }
0x5ba: {  	s24 =	sld [smem:$0x758];
	_ =	sdelay $0x1  }
0x5bb: {  	s0 =	sor.u32 s17, s21  }
0x5bc: {  	s25 =	sor.u32 s17, s24;
	v49 =	vld [tilespmem:s0+$0x0];
	[tilespmem:$0x1F9D0] =	vst v0  }
0x5bd: {  	v0 =	vld [tilespmem:s25+$0x0];
	_ =	sdelay $0x2  }
0x5be: {  	v1 =	vld [tilespmem:$0x1F420];
	s23 =	sor.u32 s17, s3  }
0x5bf: {  	v50 =	vld [tilespmem:s23+$0x0]  }
0x5c0: {  	[tilespmem:$0x1F9E0] =	vst v0;
	v0 =	vld [tilespmem:$0x1F410];
	_ =	sdelay $0x4  }
0x5c1: {  	v6 =	vadd.f32 v1, v0;
	v0 =	vld [tilespmem:$0x1F430]  }
0x5c2: {  	v1 =	vld [tilespmem:$0x1F440];
	_ =	sdelay $0x4  }
0x5c3: {  	v10 =	vadd.f32 v1, v0;
	v0 =	vld [tilespmem:$0x1F450]  }
0x5c4: {  	v1 =	vld [tilespmem:$0x1F460];
	_ =	sdelay $0x4  }
0x5c5: {  	v11 =	vadd.f32 v1, v0;
	v0 =	vld [tilespmem:$0x1F470]  }
0x5c6: {  	v1 =	vld [tilespmem:$0x1F480];
	_ =	sdelay $0x4  }
0x5c7: {  	v28 =	vadd.f32 v1, v0;
	v0 =	vld [tilespmem:$0x1F490];
	_ =	sdelay $0x4  }
0x5c8: {  	v6 =	vadd.f32 v0, v6;
	v0 =	vld [tilespmem:$0x1F4A0];
	_ =	sdelay $0x4  }
0x5c9: {  	v10 =	vadd.f32 v0, v10;
	v0 =	vld [tilespmem:$0x1F4B0];
	_ =	sdelay $0x4  }
0x5ca: {  	v11 =	vadd.f32 v0, v11;
	v0 =	vld [tilespmem:$0x1F4C0];
	_ =	sdelay $0x4  }
0x5cb: {  	v12 =	vadd.f32 v0, v28;
	v0 =	vld [tilespmem:$0x1F4D0];
	_ =	sdelay $0x4  }
0x5cc: {  	v6 =	vadd.f32 v0, v6;
	v0 =	vld [tilespmem:$0x1F4E0];
	_ =	sdelay $0x4  }
0x5cd: {  	v10 =	vadd.f32 v0, v10;
	v0 =	vld [tilespmem:$0x1F4F0];
	_ =	sdelay $0x4  }
0x5ce: {  	v11 =	vadd.f32 v0, v11;
	v0 =	vld [tilespmem:$0x1F500];
	_ =	sdelay $0x4  }
0x5cf: {  	v12 =	vadd.f32 v0, v12;
	v0 =	vld [tilespmem:$0x1F510];
	_ =	sdelay $0x4  }
0x5d0: {  	v6 =	vadd.f32 v0, v6;
	v0 =	vld [tilespmem:$0x1F520];
	_ =	sdelay $0x4  }
0x5d1: {  	v10 =	vadd.f32 v0, v10;
	v0 =	vld [tilespmem:$0x1F530];
	_ =	sdelay $0x4  }
0x5d2: {  	v11 =	vadd.f32 v0, v11;
	v0 =	vld [tilespmem:$0x1F540];
	_ =	sdelay $0x4  }
0x5d3: {  	v12 =	vadd.f32 v0, v12;
	v0 =	vld [tilespmem:$0x1F550];
	_ =	sdelay $0x2  }
0x5d4: {  	s26 =	sld [smem:$0x759];
	_ =	sdelay $0x1  }
0x5d5: {  	s29 =	simm.s32 $0x200;
	s28 =	sor.u32 s17, s6;
	v6 =	vadd.f32 v0, v6;
	v0 =	vld [tilespmem:$0x1F560]  }
0x5d6: {  	v2 =	vld [tilespmem:$0x1F630];
	s6 =	sld [smem:$0x75A];
	s0 =	sor.u32 s17, s26;
	s26 =	sand.u32 $0xC00, s29  }
0x5d7: {  	s8 =	sor.u32 $0x10200, s26;
	v48 =	vld [tilespmem:s0+$0x0]  }
0x5d8: {  	s5 =	sor.u32 s17, s5;
	s1 =	simm.s32 $0x40;
	v47 =	vld [tilespmem:s28+$0x0];
	[smem:$0x786] =	sst s8  }
0x5d9: {  	s7 =	sor.u32 s17, s6;
	s31 =	sand.u32 $0x60, s1;
	s3 =	sor.u32 $0x10280, s26;
	v46 =	vld [tilespmem:s5+$0x0]  }
0x5da: {  	s10 =	sor.u32 $0x10000, s26;
	s0 =	sor.u32 $0x10, s31;
	[smem:$0x787] =	sst s3;
	v10 =	vadd.f32 v0, v10;
	v0 =	vld [tilespmem:$0x1F570]  }
0x5db: {  	s12 =	sor.u32 $0x10080, s26;
	s9 =	sor.u32 s0, s8;
	v45 =	vld [tilespmem:s7+$0x0];
	[smem:$0x783] =	sst s10  }
0x5dc: {  	s14 =	sor.u32 $0xF200, s26;
	s11 =	sor.u32 s0, s3;
	v44 =	vld [tilespmem:s9+$0x0];
	[smem:$0x784] =	sst s12  }
0x5dd: {  	s13 =	sor.u32 s0, s10;
	v43 =	vld [tilespmem:s11+$0x0];
	[smem:$0x77F] =	sst s14  }
0x5de: {  	v42 =	vld [tilespmem:s13+$0x0]  }
0x5df: {  	s16 =	sor.u32 $0xF280, s26;
	s15 =	sor.u32 s0, s12;
	v11 =	vadd.f32 v0, v11;
	v0 =	vld [tilespmem:$0x1F580]  }
0x5e0: {  	s19 =	sor.u32 $0xF000, s26;
	s18 =	sor.u32 s0, s14;
	v41 =	vld [tilespmem:s15+$0x0];
	[smem:$0x780] =	sst s16  }
0x5e1: {  	s21 =	sor.u32 $0xF080, s26;
	s20 =	sor.u32 s0, s16;
	v40 =	vld [tilespmem:s18+$0x0];
	[smem:$0x77C] =	sst s19  }
0x5e2: {  	s22 =	sor.u32 s0, s19;
	v39 =	vld [tilespmem:s20+$0x0];
	[smem:$0x77D] =	sst s21  }
0x5e3: {  	s23 =	sor.u32 $0xE200, s26;
	v38 =	vld [tilespmem:s22+$0x0]  }
0x5e4: {  	s25 =	sor.u32 $0xE280, s26;
	s24 =	sor.u32 s0, s21;
	[smem:$0x77A] =	sst s23;
	v12 =	vadd.f32 v0, v12;
	v0 =	vld [tilespmem:$0x1F590]  }
0x5e5: {  	s29 =	sor.u32 $0xE000, s26;
	s28 =	sor.u32 s0, s23;
	v37 =	vld [tilespmem:s24+$0x0];
	[smem:$0x77B] =	sst s25  }
0x5e6: {  	s4 =	sor.u32 $0xE080, s26;
	s2 =	sor.u32 s0, s25;
	v36 =	vld [tilespmem:s28+$0x0];
	[smem:$0x778] =	sst s29  }
0x5e7: {  	s5 =	sor.u32 s0, s29;
	v35 =	vld [tilespmem:s2+$0x0];
	[smem:$0x779] =	sst s4  }
0x5e8: {  	s6 =	sor.u32 $0xD200, s26;
	v34 =	vld [tilespmem:s5+$0x0]  }
0x5e9: {  	s8 =	sor.u32 $0xD280, s26;
	s7 =	sor.u32 s0, s4;
	[smem:$0x776] =	sst s6;
	v6 =	vadd.f32 v0, v6;
	v0 =	vld [tilespmem:$0x1F5A0]  }
0x5ea: {  	s10 =	sor.u32 $0xD000, s26;
	s9 =	sor.u32 s0, s6;
	v33 =	vld [tilespmem:s7+$0x0];
	[smem:$0x777] =	sst s8  }
0x5eb: {  	s12 =	sor.u32 $0xD080, s26;
	s11 =	sor.u32 s0, s8;
	v32 =	vld [tilespmem:s9+$0x0];
	[smem:$0x774] =	sst s10  }
0x5ec: {  	s13 =	sor.u32 s0, s10;
	v31 =	vld [tilespmem:s11+$0x0];
	[smem:$0x775] =	sst s12  }
0x5ed: {  	s14 =	sor.u32 $0xC200, s26;
	v30 =	vld [tilespmem:s13+$0x0]  }
0x5ee: {  	s15 =	sor.u32 s0, s12;
	s16 =	sor.u32 $0xC280, s26;
	[smem:$0x772] =	sst s14;
	v10 =	vadd.f32 v0, v10;
	v0 =	vld [tilespmem:$0x1F5B0]  }
0x5ef: {  	s18 =	sor.u32 s0, s14;
	s19 =	sor.u32 $0xC000, s26;
	v29 =	vld [tilespmem:s15+$0x0];
	[smem:$0x773] =	sst s16  }
0x5f0: {  	s20 =	sor.u32 s0, s16;
	v27 =	vld [tilespmem:s18+$0x0];
	[smem:$0x770] =	sst s19  }
0x5f1: {  	v26 =	vld [tilespmem:s20+$0x0]  }
0x5f2: {  	s21 =	sor.u32 $0xC080, s26;
	v1 =	vld [tilespmem:$0x1F620]  }
0x5f3: {  	s22 =	sor.u32 s0, s19;
	s23 =	sor.u32 $0xB200, s26;
	[smem:$0x771] =	sst s21;
	v11 =	vadd.f32 v0, v11;
	v0 =	vld [tilespmem:$0x1F5C0]  }
0x5f4: {  	s24 =	sor.u32 s0, s21;
	s25 =	sor.u32 $0xB280, s26;
	v25 =	vld [tilespmem:s22+$0x0];
	[smem:$0x76E] =	sst s23  }
0x5f5: {  	s28 =	sor.u32 s0, s23;
	s29 =	sor.u32 $0xB000, s26;
	v24 =	vld [tilespmem:s24+$0x0];
	[smem:$0x76F] =	sst s25  }
0x5f6: {  	s2 =	sor.u32 s0, s25;
	v23 =	vld [tilespmem:s28+$0x0];
	[smem:$0x76C] =	sst s29  }
0x5f7: {  	s4 =	sor.u32 $0xB080, s26;
	v22 =	vld [tilespmem:s2+$0x0]  }
0x5f8: {  	s5 =	sor.u32 s0, s29;
	s6 =	sor.u32 $0xA200, s26;
	[smem:$0x76D] =	sst s4;
	v12 =	vadd.f32 v0, v12;
	v0 =	vld [tilespmem:$0x1F5D0]  }
0x5f9: {  	s7 =	sor.u32 s0, s4;
	s8 =	sor.u32 $0xA280, s26;
	v21 =	vld [tilespmem:s5+$0x0];
	[smem:$0x76A] =	sst s6  }
0x5fa: {  	s9 =	sor.u32 s0, s6;
	v20 =	vld [tilespmem:s7+$0x0];
	[smem:$0x76B] =	sst s8  }
0x5fb: {  	s10 =	sor.u32 s0, s8;
	v19 =	vld [tilespmem:s9+$0x0]  }
0x5fc: {  	s18 =	sor.u32 $0xA000, s26;
	v18 =	vld [tilespmem:s10+$0x0]  }
0x5fd: {  	s15 =	sor.u32 $0xA080, s26;
	s11 =	sor.u32 s0, s18;
	v6 =	vadd.f32 v0, v6;
	v0 =	vld [tilespmem:$0x1F5E0]  }
0x5fe: {  	s3 =	sor.u32 $0x9000, s26;
	s12 =	sor.u32 s0, s15;
	v17 =	vld [tilespmem:s11+$0x0]  }
0x5ff: {  	s13 =	sor.u32 s0, s3;
	v16 =	vld [tilespmem:s12+$0x0]  }
0x600: {  	v15 =	vld [tilespmem:s13+$0x0]  }
0x601: {  	v13 =	vld [tilespmem:s13+$0x80]  }
0x602: {  	v10 =	vadd.f32 v0, v10;
	v0 =	vld [tilespmem:$0x1F5F0]  }
0x603: {  	v14 =	vld [tilespmem:s13+$0x100]  }
0x604: {  	v9 =	vld [tilespmem:s13+$0x180]  }
0x605: {  	v8 =	vld [tilespmem:s13+$0x200]  }
0x606: {  	v28 =	vld [tilespmem:$0x1F660]  }
0x607: {  	v11 =	vadd.f32 v0, v11;
	v0 =	vld [tilespmem:$0x1F600]  }
0x608: {  	v4 =	vld [tilespmem:s13+$0x280]  }
0x609: {  	v1 =	vadd.f32 v1, v10;
	v10 =	vld [tilespmem:$0x1F640]  }
0x60a: {  	v7 =	vld [tilespmem:s13+$0x300]  }
0x60b: {  	v28 =	vadd.f32 v28, v1;
	v1 =	vld [tilespmem:$0x1F670]  }
0x60c: {  	v12 =	vadd.f32 v0, v12;
	v0 =	vld [tilespmem:$0x1F610]  }
0x60d: {  	s7 =	sor.u32 $0xA180, s26;
	v3 =	vld [tilespmem:s13+$0x380]  }
0x60e: {  	s4 =	sor.u32 $0xA380, s26;
	s16 =	sor.u32 s0, s7;
	v2 =	vadd.f32 v2, v11;
	v11 =	vadd.f32 v10, v12;
	v10 =	vld [tilespmem:$0x1F650]  }
0x60f: {  	s5 =	sor.u32 $0xA100, s26;
	s20 =	sor.u32 s0, s4;
	v5 =	vld [tilespmem:s16+$0x0]  }
0x610: {  	s6 =	sor.u32 $0xB180, s26;
	s14 =	sor.u32 s0, s5;
	v12 =	vadd.f32 v1, v2;
	v1 =	vld [tilespmem:s20+$0x0]  }
0x611: {  	s22 =	sor.u32 s0, s6;
	s9 =	sor.u32 $0xA300, s26;
	v0 =	vadd.f32 v0, v6;
	v6 =	vld [tilespmem:s14+$0x0]  }
0x612: {  	s8 =	sor.u32 $0xB380, s26;
	s19 =	sor.u32 s0, s9;
	v3 =	vadd.f32 v3, v9;
	v9 =	vld [tilespmem:s22+$0x0]  }
0x613: {  	s11 =	sor.u32 $0xB100, s26;
	s24 =	sor.u32 s0, s8;
	v2 =	vadd.f32 v8, v15;
	v10 =	vadd.f32 v10, v0;
	v0 =	vld [tilespmem:s19+$0x0]  }
0x614: {  	s12 =	sor.u32 $0xB300, s26;
	s21 =	sor.u32 s0, s11;
	v7 =	vadd.f32 v7, v14;
	v3 =	vadd.f32 v5, v3;
	v5 =	vld [tilespmem:s24+$0x0]  }
0x615: {  	s10 =	sor.u32 $0xC180, s26;
	s23 =	sor.u32 s0, s12;
	v8 =	vld [tilespmem:s21+$0x0];
	v2 =	vadd.f32 v17, v2  }
0x616: {  	s28 =	sor.u32 s0, s10;
	s22 =	sor.u32 $0xD100, s26;
	v17 =	vld [tilespmem:s23+$0x0];
	v1 =	vadd.f32 v1, v3;
	v6 =	vadd.f32 v6, v7  }
0x617: {  	s13 =	sor.u32 $0xC100, s26;
	s2 =	sor.u32 s0, s22;
	v2 =	vadd.f32 v19, v2;
	v3 =	vld [tilespmem:s28+$0x0]  }
0x618: {  	s25 =	sor.u32 s0, s13;
	s20 =	sor.u32 $0xC300, s26;
	v1 =	vadd.f32 v9, v1;
	v9 =	vld [tilespmem:s2+$0x0];
	v0 =	vadd.f32 v0, v6  }
0x619: {  	v4 =	vadd.f32 v4, v13;
	s29 =	sor.u32 s0, s20;
	s14 =	sor.u32 $0xC380, s26;
	v2 =	vadd.f32 v21, v2;
	v7 =	vld [tilespmem:s25+$0x0]  }
0x61a: {  	s16 =	sor.u32 $0xD180, s26;
	s1 =	sor.u32 s0, s14;
	v6 =	vld [tilespmem:s29+$0x0];
	v0 =	vadd.f32 v8, v0  }
0x61b: {  	v4 =	vadd.f32 v16, v4;
	s24 =	sor.u32 $0xD300, s26;
	s21 =	sor.u32 s0, s16;
	v2 =	vadd.f32 v23, v2;
	v8 =	vld [tilespmem:s1+$0x0]  }
0x61c: {  	s23 =	sor.u32 s0, s24;
	s19 =	sor.u32 $0xD380, s26;
	v1 =	vadd.f32 v5, v1;
	v5 =	vld [tilespmem:s21+$0x0];
	v0 =	vadd.f32 v17, v0  }
0x61d: {  	v4 =	vadd.f32 v18, v4;
	s28 =	sor.u32 $0xE100, s26;
	s25 =	sor.u32 s0, s19;
	v2 =	vadd.f32 v25, v2;
	v25 =	vld [tilespmem:s23+$0x0]  }
0x61e: {  	s21 =	sor.u32 $0xE180, s26;
	s29 =	sor.u32 s0, s28;
	v1 =	vadd.f32 v3, v1;
	v3 =	vld [tilespmem:s25+$0x0];
	v0 =	vadd.f32 v7, v0  }
0x61f: {  	v4 =	vadd.f32 v20, v4;
	s1 =	sor.u32 s0, s21;
	v7 =	vld [tilespmem:s29+$0x0];
	s29 =	sor.u32 $0xE300, s26  }
0x620: {  	s23 =	sor.u32 $0xE380, s26;
	s25 =	sor.u32 $0xF100, s26;
	v1 =	vadd.f32 v8, v1;
	s2 =	sor.u32 s0, s29;
	v0 =	vadd.f32 v6, v0;
	v6 =	vld [tilespmem:s1+$0x0]  }
0x621: {  	v4 =	vadd.f32 v22, v4;
	s30 =	sor.u32 s0, s23;
	v8 =	vld [tilespmem:s2+$0x0];
	[smem:$0x77E] =	sst s25  }
0x622: {  	s1 =	sor.u32 s0, s25;
	v1 =	vadd.f32 v5, v1;
	v5 =	vld [tilespmem:s30+$0x0]  }
0x623: {  	v4 =	vadd.f32 v24, v4;
	s30 =	sor.u32 $0xF180, s26;
	v0 =	vadd.f32 v9, v0;
	v9 =	vld [tilespmem:s1+$0x0];
	s1 =	sor.u32 $0xF300, s26  }
0x624: {  	s2 =	sor.u32 s0, s30;
	[smem:$0x781] =	sst s1  }
0x625: {  	v4 =	vadd.f32 v26, v4;
	v1 =	vadd.f32 v3, v1;
	v3 =	vld [tilespmem:s2+$0x0];
	s2 =	sor.u32 $0xF380, s26  }
0x626: {  	s1 =	sor.u32 s0, s1;
	[smem:$0x782] =	sst s2  }
0x627: {  	v4 =	vadd.f32 v29, v4;
	v29 =	vld [tilespmem:s1+$0x0];
	s1 =	sor.u32 $0x10100, s26  }
0x628: {  	v0 =	vadd.f32 v25, v0;
	s2 =	sor.u32 s0, s2;
	[smem:$0x785] =	sst s1  }
0x629: {  	v1 =	vadd.f32 v6, v1;
	s1 =	sor.u32 s0, s1;
	v6 =	vld [tilespmem:s2+$0x0]  }
0x62a: {  	v0 =	vadd.f32 v7, v0;
	s2 =	sor.u32 $0x10180, s26;
	v7 =	vld [tilespmem:s1+$0x0];
	s1 =	sor.u32 $0x10300, s26  }
0x62b: {  	[smem:$0x788] =	sst s1;
	s25 =	sor.u32 s0, s2  }
0x62c: {  	v2 =	vadd.f32 v27, v2;
	v1 =	vadd.f32 v5, v1;
	v5 =	vld [tilespmem:s25+$0x0];
	s25 =	sld [smem:$0x75B]  }
0x62d: {  	s26 =	sor.u32 $0x10380, s26;
	s1 =	sor.u32 s0, s1  }
0x62e: {  	v2 =	vadd.f32 v30, v2;
	v30 =	vld [tilespmem:s1+$0x0];
	s1 =	sor.u32 s0, s26  }
0x62f: {  	v1 =	vadd.f32 v3, v1;
	v3 =	vld [tilespmem:s1+$0x0];
	s1 =	sor.u32 s17, s25;
	s25 =	sld [smem:$0x75C];
	_ =	sdelay $0x1  }
0x630: {  	v1 =	vadd.f32 v6, v1  }
0x631: {  	v13 =	vld [tilespmem:s1+$0x0];
	s1 =	sor.u32 s17, s25;
	s25 =	sld [smem:$0x75D]  }
0x632: {  	v0 =	vadd.f32 v8, v0;
	v1 =	vadd.f32 v5, v1  }
0x633: {  	v19 =	vld [tilespmem:s1+$0x0]  }
0x634: {  	v0 =	vadd.f32 v9, v0;
	v3 =	vadd.f32 v3, v1;
	v1 =	vld [tilespmem:$0x1F680];
	s1 =	sor.u32 s17, s25;
	s25 =	sld [smem:$0x75E]  }
0x635: {  	v4 =	vadd.f32 v31, v4  }
0x636: {  	v2 =	vadd.f32 v32, v2;
	v0 =	vadd.f32 v29, v0  }
0x637: {  	v4 =	vadd.f32 v33, v4;
	v18 =	vld [tilespmem:s1+$0x0];
	s1 =	sor.u32 s17, s25;
	s25 =	sld [smem:$0x75F]  }
0x638: {  	v2 =	vadd.f32 v34, v2;
	v0 =	vadd.f32 v7, v0  }
0x639: {  	v4 =	vadd.f32 v35, v4;
	v5 =	vadd.f32 v1, v11;
	v11 =	vld [tilespmem:$0x1F6C0]  }
0x63a: {  	v2 =	vadd.f32 v36, v2;
	v0 =	vadd.f32 v30, v0;
	v16 =	vld [tilespmem:s1+$0x0];
	s1 =	sor.u32 s17, s25;
	s25 =	sld [smem:$0x760]  }
0x63b: {  	v4 =	vadd.f32 v37, v4  }
0x63c: {  	v2 =	vadd.f32 v38, v2;
	v0 =	vadd.f32 v3, v0;
	v3 =	vld [tilespmem:$0x1F6A0]  }
0x63d: {  	v4 =	vadd.f32 v39, v4;
	v8 =	vld [tilespmem:s1+$0x0];
	s1 =	sor.u32 s17, s25;
	s25 =	sld [smem:$0x761]  }
0x63e: {  	v2 =	vadd.f32 v40, v2;
	v1 =	vld [tilespmem:$0x1F690]  }
0x63f: {  	v4 =	vadd.f32 v41, v4;
	v5 =	vadd.f32 v11, v5;
	v11 =	vld [tilespmem:$0x1F6D0]  }
0x640: {  	v2 =	vadd.f32 v42, v2;
	v9 =	vld [tilespmem:s1+$0x0];
	s1 =	sor.u32 s17, s25;
	s25 =	sld [smem:$0x762]  }
0x641: {  	v4 =	vadd.f32 v43, v4  }
0x642: {  	v2 =	vadd.f32 v44, v2;
	v7 =	vadd.f32 v3, v28;
	v3 =	vld [tilespmem:$0x1F6B0]  }
0x643: {  	v6 =	vadd.f32 v1, v10;
	v1 =	vld [tilespmem:s1+$0x0];
	s1 =	sor.u32 s17, s25;
	s25 =	sld [smem:$0x763]  }
0x644: {  	v4 =	vadd.f32 v4, v2;
	v2 =	vld [tilespmem:s1+$0x0];
	s1 =	simm.s32 $0x40  }
0x645: {  	v6 =	vadd.f32 v11, v6;
	v11 =	vld [tilespmem:$0x1F6E0];
	s1 =	sand.u32 $0x180, s1  }
0x646: {  	v0 =	vadd.f32 v0, v4;
	s25 =	sor.u32 s17, s25;
	s0 =	sor.u32 s0, s1  }
0x647: {  	v10 =	vadd.f32 v3, v12;
	v3 =	vld [tilespmem:s25+$0x0];
	s0 =	sor.u32 $0x11000, s0  }
0x648: {  	s25 =	sld [smem:$0x764];
	[tilespmem:s0+$0x0] =	vst.add.f32.msk $0xffff, v0  }
0x649: {  	v0 =	vld [tilespmem:$0x1F6F0]  }
0x64a: {  	v7 =	vadd.f32 v11, v7;
	v11 =	vld [tilespmem:$0x1F750]  }
0x64b: {  	v31 =	vld [tilespmem:$0x1F7D0]  }
0x64c: {  	v32 =	vld [tilespmem:$0x1F810]  }
0x64d: {  	v33 =	vld [tilespmem:$0x1F820]  }
0x64e: {  	v34 =	vld [tilespmem:$0x1F830]  }
0x64f: {  	v35 =	vld [tilespmem:$0x1F840]  }
0x650: {  	v36 =	vld [tilespmem:$0x1F850]  }
0x651: {  	v37 =	vld [tilespmem:$0x1F860]  }
0x652: {  	v38 =	vld [tilespmem:$0x1F870]  }
0x653: {  	v39 =	vld [tilespmem:$0x1F880]  }
0x654: {  	v40 =	vld [tilespmem:$0x1F890]  }
0x655: {  	v41 =	vld [tilespmem:$0x1F8A0]  }
0x656: {  	s0 =	sld [smem:$0x765];
	v42 =	vld [tilespmem:$0x1F8B0]  }
0x657: {  	v43 =	vld [tilespmem:$0x1F8C0]  }
0x658: {  	v44 =	vld [tilespmem:$0x1F8D0];
	s1 =	sor.u32 s17, s25  }
0x659: {  	v4 =	vld [tilespmem:s1+$0x0];
	s1 =	sld [smem:$0x766];
	s0 =	sor.u32 s17, s0  }
0x65a: {  	v12 =	vld [tilespmem:s0+$0x0];
	v24 =	vadd.f32 v35, v34  }
0x65b: {  	s9 =	sor.u32 s31, s9;
	v0 =	vadd.f32 v0, v10;
	v10 =	vld [tilespmem:$0x1F700];
	v26 =	vadd.f32 v39, v38  }
0x65c: {  	s0 =	sor.u32 s17, s1;
	v25 =	vadd.f32 v37, v36;
	v37 =	vld [tilespmem:s9+$0x0];
	v24 =	vadd.f32 v41, v24  }
0x65d: {  	v15 =	vld [tilespmem:s0+$0x0];
	v26 =	vadd.f32 v43, v26  }
0x65e: {  	v24 =	vadd.f32 v52, v24;
	v52 =	vld [tilespmem:$0x1F8E0]  }
0x65f: {  	v26 =	vadd.f32 v53, v26;
	v53 =	vld [tilespmem:$0x1F8F0]  }
0x660: {  	v23 =	vadd.f32 v33, v32;
	v5 =	vadd.f32 v10, v5;
	v10 =	vld [tilespmem:$0x1F710]  }
0x661: {  	v24 =	vadd.f32 v54, v24;
	v54 =	vld [tilespmem:$0x1F900]  }
0x662: {  	v23 =	vadd.f32 v40, v23;
	v26 =	vadd.f32 v55, v26;
	v55 =	vld [tilespmem:$0x1F910]  }
0x663: {  	v25 =	vadd.f32 v42, v25;
	v24 =	vadd.f32 v56, v24;
	v56 =	vld [tilespmem:$0x1F920]  }
0x664: {  	v23 =	vadd.f32 v44, v23;
	v26 =	vadd.f32 v57, v26;
	v57 =	vld [tilespmem:$0x1F930]  }
0x665: {  	v25 =	vadd.f32 v52, v25;
	v52 =	vld [tilespmem:$0x1F990]  }
0x666: {  	v23 =	vadd.f32 v53, v23;
	v53 =	vld [tilespmem:$0x1F9A0]  }
0x667: {  	v6 =	vadd.f32 v10, v6;
	v10 =	vld [tilespmem:$0x1F720]  }
0x668: {  	v24 =	vadd.f32 v58, v24;
	v58 =	vld [tilespmem:$0x1F940]  }
0x669: {  	v26 =	vadd.f32 v59, v26;
	v59 =	vld [tilespmem:$0x1F950]  }
0x66a: {  	v25 =	vadd.f32 v54, v25;
	v54 =	vld [tilespmem:$0x1F9B0]  }
0x66b: {  	v23 =	vadd.f32 v55, v23;
	v55 =	vld [tilespmem:$0x1F9C0]  }
0x66c: {  	v6 =	vadd.f32 v11, v6;
	v11 =	vld [tilespmem:$0x1F760]  }
0x66d: {  	v24 =	vadd.f32 v60, v24;
	v60 =	vld [tilespmem:$0x1F960]  }
0x66e: {  	v7 =	vadd.f32 v10, v7;
	v10 =	vld [tilespmem:$0x1F730]  }
0x66f: {  	v26 =	vadd.f32 v61, v26;
	v61 =	vld [tilespmem:$0x1F970]  }
0x670: {  	v25 =	vadd.f32 v56, v25;
	v56 =	vld [tilespmem:$0x1F9D0]  }
0x671: {  	v23 =	vadd.f32 v57, v23;
	v57 =	vld [tilespmem:$0x1F9E0]  }
0x672: {  	v7 =	vadd.f32 v11, v7;
	v11 =	vld [tilespmem:$0x1F770]  }
0x673: {  	s25 =	sld [smem:$0x767];
	v0 =	vadd.f32 v10, v0;
	v10 =	vld [tilespmem:$0x1F740]  }
0x674: {  	s9 =	sor.u32 s31, s13;
	v24 =	vadd.f32 v62, v24;
	v62 =	vld [tilespmem:$0x1F980];
	v25 =	vadd.f32 v58, v25  }
0x675: {  	s10 =	sor.u32 s31, s10;
	s1 =	sld [smem:$0x768];
	v23 =	vadd.f32 v59, v23;
	v59 =	vld [tilespmem:s9+$0x0]  }
0x676: {  	s0 =	sor.u32 s17, s25;
	s25 =	sld [smem:$0x769];
	v25 =	vadd.f32 v60, v25;
	v60 =	vld [tilespmem:s10+$0x0]  }
0x677: {  	v0 =	vadd.f32 v11, v0;
	v11 =	vld [tilespmem:$0x1F780]  }
0x678: {  	v10 =	vadd.f32 v10, v5;
	v5 =	vld [tilespmem:s0+$0x0];
	s0 =	sor.u32 s17, s1  }
0x679: {  	s1 =	sor.u32 s17, s25;
	v17 =	vld [tilespmem:s0+$0x0]  }
0x67a: {  	s17 =	sor.u32 s31, s3;
	v20 =	vld [tilespmem:s1+$0x0]  }
0x67b: {  	v24 =	vadd.f32 v53, v24;
	v14 =	vld [tilespmem:s17+$0x180]  }
0x67c: {  	v27 =	vld [tilespmem:s17+$0x200]  }
0x67d: {  	v24 =	vadd.f32 v49, v24;
	v28 =	vld [tilespmem:s17+$0x280]  }
0x67e: {  	v29 =	vld [tilespmem:s17+$0x300]  }
0x67f: {  	v24 =	vadd.f32 v48, v24;
	v10 =	vadd.f32 v11, v10;
	v11 =	vld [tilespmem:$0x1F790]  }
0x680: {  	s25 =	sor.u32 s31, s15;
	v30 =	vld [tilespmem:s17+$0x380]  }
0x681: {  	v13 =	vadd.f32 v13, v24;
	s3 =	sor.u32 s31, s7;
	v32 =	vld [tilespmem:s25+$0x0]  }
0x682: {  	s15 =	sor.u32 s31, s4;
	v34 =	vld [tilespmem:s3+$0x0]  }
0x683: {  	v8 =	vadd.f32 v8, v13;
	v38 =	vld [tilespmem:s15+$0x0]  }
0x684: {  	s13 =	sor.u32 s31, s20;
	v11 =	vadd.f32 v11, v6;
	v6 =	vld [tilespmem:$0x1F7A0]  }
0x685: {  	v26 =	vadd.f32 v63, v26;
	v3 =	vadd.f32 v3, v8;
	v8 =	vld [tilespmem:s13+$0x0]  }
0x686: {  	v25 =	vadd.f32 v62, v25;
	s1 =	sor.u32 s31, s5;
	v21 =	vadd.f32 v31, v11;
	v11 =	vld [tilespmem:$0x1F7E0]  }
0x687: {  	v23 =	vadd.f32 v61, v23;
	s25 =	sor.u32 s31, s11;
	v33 =	vld [tilespmem:s1+$0x0]  }
0x688: {  	v26 =	vadd.f32 v51, v26;
	v25 =	vadd.f32 v54, v25;
	v41 =	vld [tilespmem:s25+$0x0]  }
0x689: {  	v23 =	vadd.f32 v52, v23;
	s5 =	sld [smem:$0x76A];
	s1 =	sor.u32 s31, s6;
	v7 =	vadd.f32 v6, v7;
	v6 =	vld [tilespmem:$0x1F7B0]  }
0x68a: {  	v26 =	vadd.f32 v50, v26;
	v25 =	vadd.f32 v56, v25;
	v42 =	vld [tilespmem:s1+$0x0]  }
0x68b: {  	v23 =	vadd.f32 v55, v23;
	s6 =	sor.u32 s31, s8;
	v22 =	vadd.f32 v11, v7;
	v7 =	vld [tilespmem:$0x1F7F0]  }
0x68c: {  	v25 =	vadd.f32 v47, v25;
	v50 =	vld [tilespmem:s6+$0x0];
	s0 =	sor.u32 s31, s5  }
0x68d: {  	v26 =	vadd.f32 v46, v26;
	v23 =	vadd.f32 v57, v23;
	s7 =	sld [smem:$0x76B];
	v35 =	vld [tilespmem:s0+$0x0]  }
0x68e: {  	v19 =	vadd.f32 v19, v25;
	s5 =	sor.u32 s31, s12;
	v0 =	vadd.f32 v6, v0;
	v6 =	vld [tilespmem:$0x1F7C0]  }
0x68f: {  	s9 =	sld [smem:$0x77A];
	v18 =	vadd.f32 v18, v26;
	v23 =	vadd.f32 v45, v23;
	v49 =	vld [tilespmem:s5+$0x0]  }
0x690: {  	s10 =	sld [smem:$0x77B];
	v9 =	vadd.f32 v9, v19;
	s0 =	sor.u32 s31, s7;
	v0 =	vadd.f32 v7, v0;
	v7 =	vld [tilespmem:$0x1F800]  }
0x691: {  	s4 =	sld [smem:$0x76F];
	s15 =	sor.u32 s31, s14;
	v16 =	vadd.f32 v16, v23;
	v36 =	vld [tilespmem:s0+$0x0]  }
0x692: {  	v1 =	vadd.f32 v1, v18;
	s3 =	sld [smem:$0x76E];
	v4 =	vadd.f32 v4, v9;
	v9 =	vld [tilespmem:s15+$0x0]  }
0x693: {  	s11 =	sld [smem:$0x772];
	v2 =	vadd.f32 v2, v16;
	v11 =	vld [tilespmem:s17+$0x80];
	v10 =	vadd.f32 v6, v10  }
0x694: {  	v1 =	vadd.f32 v12, v1;
	s13 =	sld [smem:$0x77C];
	v3 =	vadd.f32 v5, v3;
	v6 =	vld [tilespmem:s17+$0x0]  }
0x695: {  	s18 =	sor.u32 s31, s18;
	v2 =	vadd.f32 v15, v2;
	v10 =	vadd.f32 v7, v10;
	v7 =	vld [tilespmem:s17+$0x100];
	s17 =	sld [smem:$0x76C]  }
0x696: {  	s20 =	sor.u32 s31, s22;
	s22 =	sor.u32 s31, s16;
	v1 =	vadd.f32 v20, v1;
	v31 =	vld [tilespmem:s18+$0x0];
	s18 =	sld [smem:$0x76D]  }
0x697: {  	s14 =	sld [smem:$0x77D];
	v4 =	vadd.f32 v17, v4;
	v2 =	vadd.f32 v3, v2;
	v3 =	vld [tilespmem:s22+$0x0]  }
0x698: {  	s8 =	sld [smem:$0x771];
	v0 =	vadd.f32 v10, v0;
	v10 =	vld [tilespmem:s20+$0x0];
	s0 =	sor.u32 s31, s17  }
0x699: {  	s25 =	sld [smem:$0x776];
	v1 =	vadd.f32 v1, v4;
	v39 =	vld [tilespmem:s0+$0x0];
	s0 =	sor.u32 s31, s18  }
0x69a: {  	s1 =	sld [smem:$0x777];
	v40 =	vld [tilespmem:s0+$0x0];
	s0 =	sor.u32 s31, s3  }
0x69b: {  	s7 =	sld [smem:$0x770];
	v4 =	vadd.f32 v1, v2;
	s3 =	sor.u32 s31, s24;
	v43 =	vld [tilespmem:s0+$0x0]  }
0x69c: {  	s6 =	sld [smem:$0x779];
	v1 =	vadd.f32 v27, v6;
	v6 =	vadd.f32 v28, v11;
	s0 =	sor.u32 s31, s4;
	v11 =	vld [tilespmem:s3+$0x0]  }
0x69d: {  	s12 =	sld [smem:$0x773];
	s4 =	sor.u32 s31, s19;
	v44 =	vld [tilespmem:s0+$0x0]  }
0x69e: {  	s5 =	sld [smem:$0x778];
	s0 =	sor.u32 s31, s7;
	v47 =	vld [tilespmem:s4+$0x0]  }
0x69f: {  	s15 =	sld [smem:$0x77E];
	s7 =	sor.u32 s31, s28;
	v58 =	vld [tilespmem:s0+$0x0]  }
0x6a0: {  	s22 =	sld [smem:$0x784];
	v1 =	vadd.f32 v31, v1;
	s0 =	sor.u32 s31, s8;
	v53 =	vld [tilespmem:s7+$0x0]  }
0x6a1: {  	v14 =	vadd.f32 v30, v14;
	s20 =	sld [smem:$0x782];
	s8 =	sor.u32 s31, s21;
	v46 =	vld [tilespmem:s0+$0x0]  }
0x6a2: {  	s17 =	sld [smem:$0x774];
	v1 =	vadd.f32 v35, v1;
	s0 =	sor.u32 s31, s11;
	v54 =	vld [tilespmem:s8+$0x0]  }
0x6a3: {  	v14 =	vadd.f32 v34, v14;
	s18 =	sld [smem:$0x775];
	s11 =	sor.u32 s31, s29;
	v61 =	vld [tilespmem:s0+$0x0]  }
0x6a4: {  	v7 =	vadd.f32 v29, v7;
	s19 =	sld [smem:$0x781];
	v1 =	vadd.f32 v39, v1;
	s0 =	sor.u32 s31, s12;
	v57 =	vld [tilespmem:s11+$0x0]  }
0x6a5: {  	v45 =	vadd.f32 v22, v21;
	v6 =	vadd.f32 v32, v6;
	s21 =	sld [smem:$0x783];
	v62 =	vld [tilespmem:s0+$0x0];
	s0 =	sor.u32 s31, s17  }
0x6a6: {  	v7 =	vadd.f32 v33, v7;
	s12 =	sor.u32 s31, s23;
	s23 =	sld [smem:$0x785];
	v1 =	vadd.f32 v43, v1;
	v5 =	vld [tilespmem:s0+$0x0];
	s0 =	sor.u32 s31, s18  }
0x6a7: {  	v15 =	vadd.f32 v0, v45;
	v6 =	vadd.f32 v36, v6;
	s17 =	sld [smem:$0x77F];
	v63 =	vld [tilespmem:s0+$0x0]  }
0x6a8: {  	s16 =	sor.u32 s31, s30;
	s30 =	simm.s32 $0x11000;
	v7 =	vadd.f32 v37, v7;
	s18 =	sld [smem:$0x780];
	v1 =	vadd.f32 v58, v1;
	v58 =	vld [tilespmem:s12+$0x0]  }
0x6a9: {  	v14 =	vadd.f32 v38, v14;
	v6 =	vadd.f32 v40, v6;
	s0 =	sor.u32 s31, s25;
	s25 =	sld [smem:$0x786];
	[tilespmem:s30+$0x0] =	vst.add.f32.msk $0xffff, v15  }
0x6aa: {  	v7 =	vadd.f32 v41, v7;
	v0 =	vld [tilespmem:s0+$0x0];
	s0 =	sor.u32 s31, s1  }
0x6ab: {  	v14 =	vadd.f32 v42, v14;
	v6 =	vadd.f32 v44, v6;
	v2 =	vld [tilespmem:s0+$0x0];
	s0 =	sor.u32 s31, s5  }
0x6ac: {  	v7 =	vadd.f32 v49, v7;
	v1 =	vadd.f32 v61, v1;
	v51 =	vld [tilespmem:s0+$0x0];
	s0 =	sor.u32 s31, s6  }
0x6ad: {  	v14 =	vadd.f32 v50, v14;
	v6 =	vadd.f32 v46, v6;
	v52 =	vld [tilespmem:s0+$0x0]  }
0x6ae: {  	v7 =	vadd.f32 v59, v7;
	s0 =	sor.u32 s31, s9;
	v1 =	vadd.f32 v5, v1;
	v5 =	vld [tilespmem:s16+$0x0]  }
0x6af: {  	v14 =	vadd.f32 v60, v14;
	v55 =	vld [tilespmem:s0+$0x0];
	s0 =	sor.u32 s31, s10  }
0x6b0: {  	v6 =	vadd.f32 v62, v6;
	v7 =	vadd.f32 v8, v7;
	v56 =	vld [tilespmem:s0+$0x0];
	s0 =	sor.u32 s31, s13  }
0x6b1: {  	v9 =	vadd.f32 v9, v14;
	v59 =	vld [tilespmem:s0+$0x0];
	s0 =	sor.u32 s31, s14  }
0x6b2: {  	v6 =	vadd.f32 v63, v6;
	v7 =	vadd.f32 v10, v7;
	v60 =	vld [tilespmem:s0+$0x0];
	s0 =	sor.u32 s31, s15  }
0x6b3: {  	v3 =	vadd.f32 v3, v9;
	v0 =	vadd.f32 v0, v1;
	v8 =	vld [tilespmem:s0+$0x0];
	s0 =	sor.u32 s31, s17  }
0x6b4: {  	v1 =	vadd.f32 v2, v6;
	v2 =	vadd.f32 v11, v7;
	v10 =	vld [tilespmem:s0+$0x0];
	s0 =	sor.u32 s31, s18  }
0x6b5: {  	v3 =	vadd.f32 v47, v3;
	v0 =	vadd.f32 v51, v0;
	v9 =	vld [tilespmem:s0+$0x0];
	s0 =	sor.u32 s31, s19  }
0x6b6: {  	v1 =	vadd.f32 v52, v1;
	v2 =	vadd.f32 v53, v2;
	v6 =	vld [tilespmem:s0+$0x0];
	s0 =	sor.u32 s31, s20  }
0x6b7: {  	v3 =	vadd.f32 v54, v3;
	v61 =	vadd.f32 v55, v0;
	v7 =	vld [tilespmem:s0+$0x0];
	s0 =	sor.u32 s31, s21  }
0x6b8: {  	s24 =	sor.u32 s31, s2;
	v62 =	vadd.f32 v56, v1;
	v63 =	vadd.f32 v57, v2;
	v11 =	vld [tilespmem:s0+$0x0]  }
0x6b9: {  	s28 =	sld [smem:$0x787];
	v3 =	vadd.f32 v58, v3;
	v1 =	vld [tilespmem:s24+$0x0];
	v12 =	vadd.f32 v59, v61;
	s0 =	sor.u32 s31, s22  }
0x6ba: {  	s29 =	sld [smem:$0x788];
	v13 =	vadd.f32 v60, v62;
	v8 =	vadd.f32 v8, v63;
	v0 =	vld [tilespmem:s0+$0x0];
	s0 =	sor.u32 s31, s23  }
0x6bb: {  	v5 =	vadd.f32 v5, v3;
	v10 =	vadd.f32 v10, v12;
	v2 =	vld [tilespmem:s0+$0x0];
	s0 =	sor.u32 s31, s25  }
0x6bc: {  	s1 =	sor.u32 s31, s28;
	s18 =	simm.s32 $0x4;
	s24 =	sor.u32 s31, s26;
	v9 =	vadd.f32 v9, v13;
	v3 =	vld [tilespmem:s0+$0x0];
	v8 =	vadd.f32 v6, v8  }
0x6bd: {  	s19 =	simm.s32 $0x300;
	s20 =	simm.s32 $0x60;
	s25 =	sor.u32 s31, s29;
	v7 =	vadd.f32 v7, v5;
	v5 =	vld [tilespmem:s1+$0x0];
	v6 =	vadd.f32 v11, v10  }
.LBB2_7:
0x6be: {  	s14 =	sand.u32 $0x60, s20;
	s15 =	sand.u32 $0xC00, s19  }
0x6bf: {  	s30 =	sadd.s32 $0x20, s30;
	s0 =	sor.u32 $0x10200, s15;
	s5 =	sor.u32 $0x10, s14  }
0x6c0: {  	v10 =	vld [tilespmem:s25+$0x0];
	s25 =	sor.u32 $0x10280, s15;
	s2 =	sor.u32 $0x10000, s15;
	s29 =	sor.u32 $0x10080, s15  }
0x6c1: {  	s31 =	sor.u32 $0xF200, s15;
	s7 =	sor.u32 $0xF280, s15;
	s1 =	sor.u32 s14, s0  }
0x6c2: {  	s8 =	sor.u32 $0xF000, s15;
	s3 =	sor.u32 s14, s25;
	[dreg:$0x4] =	wrdreg s1  }
0x6c3: {  	s12 =	sor.u32 $0xF080, s15;
	s28 =	sor.u32 s14, s2;
	[dreg:$0x6] =	wrdreg s3  }
0x6c4: {  	s13 =	sor.u32 $0xE200, s15;
	s4 =	sor.u32 s14, s29;
	[dreg:$0x8] =	wrdreg s28  }
0x6c5: {  	s22 =	sor.u32 $0xE280, s15;
	s6 =	sor.u32 s14, s31;
	[dreg:$0xa] =	wrdreg s4  }
0x6c6: {  	s23 =	sor.u32 $0xE000, s15;
	s9 =	sor.u32 s14, s7;
	[dreg:$0xc] =	wrdreg s6  }
0x6c7: {  	v11 =	vld [tilespmem:s24+$0x0];
	s0 =	sor.u32 s5, s0;
	s11 =	sor.u32 s14, s8;
	[dreg:$0xe] =	wrdreg s9  }
0x6c8: {  	[tilespmem:s30+$0x0] =	vst.add.f32.msk $0xffff, v4;
	s26 =	sor.u32 s5, s25;
	s16 =	sor.u32 s14, s12;
	[dreg:$0x10] =	wrdreg s11  }
0x6c9: {  	s2 =	sor.u32 s5, s2;
	s21 =	sor.u32 s14, s13;
	[dreg:$0x12] =	wrdreg s16;
	v9 =	vadd.f32 v0, v9;
	v0 =	vld [tilespmem:s0+$0x0]  }
0x6ca: {  	s10 =	sor.u32 s5, s7;
	s24 =	sor.u32 s14, s22;
	[dreg:$0x14] =	wrdreg s21;
	v7 =	vadd.f32 v1, v7;
	v1 =	vld [tilespmem:s26+$0x0]  }
0x6cb: {  	s25 =	sor.u32 s5, s22;
	s1 =	sor.u32 s5, s29;
	[dreg:$0x16] =	wrdreg s24;
	v8 =	vadd.f32 v2, v8;
	v2 =	vld [tilespmem:s2+$0x0]  }
0x6cc: {  	s28 =	sor.u32 $0xE080, s15;
	s29 =	sor.u32 $0xD200, s15;
	s6 =	sor.u32 $0xD280, s15;
	v4 =	vadd.f32 v3, v6;
	v3 =	vld [tilespmem:s1+$0x0]  }
0x6cd: {  	s11 =	sor.u32 $0xD080, s15;
	s21 =	sor.u32 $0xC280, s15;
	v6 =	vld [tilespmem:s10+$0x0];
	s3 =	sor.u32 s5, s28  }
0x6ce: {  	s0 =	sor.u32 s5, s31;
	s1 =	sor.u32 s5, s8;
	s9 =	sor.u32 s5, s6;
	v12 =	vld [tilespmem:s3+$0x0]  }
0x6cf: {  	s26 =	sor.u32 s14, s23;
	s31 =	sor.u32 s14, s28;
	s16 =	sor.u32 s5, s11;
	v14 =	vld [tilespmem:s9+$0x0]  }
0x6d0: {  	s4 =	sor.u32 s14, s29;
	s24 =	sor.u32 s5, s21;
	[dreg:$0x18] =	wrdreg s26;
	v16 =	vld [tilespmem:s16+$0x0]  }
0x6d1: {  	s8 =	sor.u32 s14, s6;
	[dreg:$0x1a] =	wrdreg s31;
	s26 =	sor.u32 $0xC080, s15;
	v18 =	vld [tilespmem:s24+$0x0]  }
0x6d2: {  	[dreg:$0x1c] =	wrdreg s4;
	s4 =	sor.u32 $0xB280, s15;
	v8 =	vadd.f32 v10, v8;
	v10 =	vld [tilespmem:s25+$0x0];
	s31 =	sor.u32 s5, s26  }
0x6d3: {  	[dreg:$0x1e] =	wrdreg s8;
	v5 =	vadd.f32 v5, v9;
	s8 =	sor.u32 s5, s4;
	v20 =	vld [tilespmem:s31+$0x0]  }
0x6d4: {  	v7 =	vadd.f32 v11, v7;
	v22 =	vld [tilespmem:s8+$0x0]  }
0x6d5: {  	v4 =	vadd.f32 v5, v4;
	v5 =	vld [tilespmem:s0+$0x0]  }
0x6d6: {  	s17 =	sor.u32 s5, s12;
	s7 =	sor.u32 $0xD000, s15;
	v9 =	vadd.f32 v7, v8;
	v7 =	vld [tilespmem:s1+$0x0]  }
0x6d7: {  	s12 =	sor.u32 $0xC200, s15;
	s10 =	sor.u32 s14, s7;
	v8 =	vld [tilespmem:s17+$0x0];
	s1 =	sor.u32 s5, s23  }
0x6d8: {  	s22 =	sor.u32 $0xC000, s15;
	[smem:$0x72A] =	sst s10;
	s0 =	sor.u32 s5, s13;
	v11 =	vld [tilespmem:s1+$0x0]  }
0x6d9: {  	s10 =	sor.u32 $0xB080, s15;
	s13 =	sor.u32 s14, s11;
	s1 =	sor.u32 s5, s7;
	v4 =	vadd.f32 v9, v4;
	v9 =	vld [tilespmem:s0+$0x0]  }
0x6da: {  	s28 =	sor.u32 $0xB200, s15;
	[smem:$0x72B] =	sst s13;
	s13 =	sor.u32 s5, s10;
	v15 =	vld [tilespmem:s1+$0x0]  }
0x6db: {  	s17 =	sor.u32 s14, s12;
	s23 =	sor.u32 s14, s21;
	s0 =	sor.u32 s5, s29;
	v24 =	vld [tilespmem:s13+$0x0]  }
0x6dc: {  	[smem:$0x728] =	sst s17;
	s17 =	sor.u32 $0xA280, s15;
	s1 =	sor.u32 s5, s22;
	v13 =	vld [tilespmem:s0+$0x0]  }
0x6dd: {  	s25 =	sor.u32 s14, s22;
	[smem:$0x729] =	sst s23;
	s23 =	sor.u32 s5, s17;
	v19 =	vld [tilespmem:s1+$0x0]  }
0x6de: {  	s6 =	sor.u32 $0xB000, s15;
	[smem:$0x726] =	sst s25;
	s0 =	sor.u32 s5, s12;
	v26 =	vld [tilespmem:s23+$0x0]  }
0x6df: {  	s25 =	sor.u32 $0xA080, s15;
	s29 =	sor.u32 s14, s26;
	s1 =	sor.u32 s5, s6;
	v17 =	vld [tilespmem:s0+$0x0]  }
0x6e0: {  	s26 =	sor.u32 $0x9000, s15;
	[smem:$0x727] =	sst s29;
	s29 =	sor.u32 s5, s25;
	v23 =	vld [tilespmem:s1+$0x0]  }
0x6e1: {  	s3 =	sor.u32 s14, s28;
	s31 =	sor.u32 s5, s26;
	v28 =	vld [tilespmem:s29+$0x0]  }
0x6e2: {  	s9 =	sor.u32 s14, s6;
	[smem:$0x723] =	sst s3;
	v29 =	vld [tilespmem:s31+$0x0]  }
0x6e3: {  	[smem:$0x71F] =	sst s9;
	v30 =	vld [tilespmem:s31+$0x80]  }
0x6e4: {  	s8 =	sor.u32 $0xA300, s15;
	s11 =	sor.u32 $0xA200, s15;
	s7 =	sor.u32 s14, s4;
	v31 =	vld [tilespmem:s31+$0x100]  }
0x6e5: {  	s21 =	sor.u32 $0xA000, s15;
	s16 =	sor.u32 s14, s11;
	[smem:$0x724] =	sst s7;
	v32 =	vld [tilespmem:s31+$0x180]  }
0x6e6: {  	s24 =	sor.u32 s14, s21;
	s4 =	sor.u32 $0xA100, s15;
	[smem:$0x71B] =	sst s16;
	v33 =	vld [tilespmem:s31+$0x200]  }
0x6e7: {  	s22 =	sor.u32 s14, s17;
	[smem:$0x718] =	sst s24;
	s7 =	sor.u32 $0xA180, s15;
	v34 =	vld [tilespmem:s31+$0x280]  }
0x6e8: {  	s16 =	sor.u32 $0xB100, s15;
	s12 =	sor.u32 s14, s10;
	[smem:$0x71C] =	sst s22;
	v35 =	vld [tilespmem:s31+$0x300]  }
0x6e9: {  	s6 =	sor.u32 s14, s4;
	s9 =	sor.u32 s5, s7;
	s10 =	sor.u32 s14, s8;
	v36 =	vld [tilespmem:s31+$0x380]  }
0x6ea: {  	s22 =	sor.u32 $0xB180, s15;
	s23 =	sor.u32 s5, s16;
	[smem:$0x720] =	sst s12;
	v38 =	vld [tilespmem:s9+$0x0]  }
0x6eb: {  	s0 =	sor.u32 s5, s28;
	s1 =	sor.u32 s5, s21;
	[smem:$0x71A] =	sst s6;
	v51 =	vld [tilespmem:s23+$0x0]  }
0x6ec: {  	s28 =	sor.u32 s14, s25;
	s29 =	sor.u32 s14, s7;
	[smem:$0x71D] =	sst s10;
	v21 =	vld [tilespmem:s0+$0x0]  }
0x6ed: {  	s12 =	sor.u32 s5, s8;
	s21 =	sor.u32 s14, s16;
	s24 =	sor.u32 s14, s22;
	v27 =	vld [tilespmem:s1+$0x0]  }
0x6ee: {  	s25 =	sor.u32 $0xB300, s15;
	s31 =	sor.u32 $0xB380, s15;
	s1 =	sor.u32 s5, s4;
	v39 =	vld [tilespmem:s12+$0x0]  }
0x6ef: {  	s0 =	sor.u32 s5, s11;
	[smem:$0x719] =	sst s28;
	s11 =	sor.u32 $0xA380, s15;
	v37 =	vld [tilespmem:s1+$0x0]  }
0x6f0: {  	s7 =	sor.u32 $0xC180, s15;
	[smem:$0x721] =	sst s21;
	v25 =	vld [tilespmem:s0+$0x0];
	s17 =	sor.u32 s5, s11  }
0x6f1: {  	s9 =	sor.u32 $0xC300, s15;
	[smem:$0x722] =	sst s24;
	s2 =	sor.u32 s5, s25;
	v50 =	vld [tilespmem:s17+$0x0];
	v29 =	vadd.f32 v33, v29;
	v30 =	vadd.f32 v34, v30  }
0x6f2: {  	s28 =	sor.u32 s14, s25;
	s0 =	sor.u32 s14, s26;
	s26 =	sor.u32 s5, s22;
	v55 =	vld [tilespmem:s2+$0x0];
	v31 =	vadd.f32 v35, v31;
	v32 =	vadd.f32 v36, v32  }
0x6f3: {  	s4 =	sor.u32 $0xC100, s15;
	s6 =	sor.u32 s5, s31;
	s10 =	sor.u32 s5, s7;
	v52 =	vld [tilespmem:s26+$0x0];
	v27 =	vadd.f32 v27, v29;
	v28 =	vadd.f32 v28, v30  }
0x6f4: {  	s12 =	sor.u32 s5, s9;
	s21 =	sor.u32 $0xD180, s15;
	s25 =	sor.u32 $0xD300, s15;
	v56 =	vld [tilespmem:s6+$0x0];
	v53 =	vadd.f32 v37, v31;
	v54 =	vadd.f32 v38, v32  }
0x6f5: {  	s13 =	sor.u32 s14, s11;
	[smem:$0x725] =	sst s28;
	s8 =	sor.u32 s5, s4;
	v60 =	vld [tilespmem:s10+$0x0];
	v25 =	vadd.f32 v25, v27;
	v26 =	vadd.f32 v26, v28  }
0x6f6: {  	s22 =	sor.u32 s14, s7;
	s28 =	sor.u32 s14, s9;
	s11 =	sor.u32 $0xC380, s15;
	v63 =	vld [tilespmem:s12+$0x0];
	v57 =	vadd.f32 v39, v53;
	v58 =	vadd.f32 v50, v54  }
0x6f7: {  	s12 =	sor.u32 s14, s21;
	s3 =	sor.u32 s5, s21;
	s6 =	sor.u32 s5, s25;
	v59 =	vld [tilespmem:s8+$0x0];
	v23 =	vadd.f32 v23, v25;
	v24 =	vadd.f32 v24, v26  }
0x6f8: {  	[smem:$0x71E] =	sst s13;
	s13 =	sor.u32 $0xD100, s15;
	s17 =	sor.u32 s5, s11;
	v40 =	vld [tilespmem:s6+$0x0];
	v61 =	vadd.f32 v51, v57;
	v62 =	vadd.f32 v52, v58  }
0x6f9: {  	s21 =	sor.u32 s14, s25;
	s7 =	sor.u32 $0xE100, s15;
	s24 =	sor.u32 s5, s13;
	v33 =	vld [tilespmem:s17+$0x0];
	v21 =	vadd.f32 v21, v23;
	v22 =	vadd.f32 v22, v24  }
0x6fa: {  	s25 =	sor.u32 $0xE380, s15;
	s26 =	sor.u32 s14, s31;
	s31 =	sor.u32 s14, s4;
	v36 =	vld [tilespmem:s24+$0x0];
	v34 =	vadd.f32 v55, v61;
	v35 =	vadd.f32 v56, v62  }
0x6fb: {  	s16 =	sor.u32 s14, s11;
	s4 =	sor.u32 $0xD380, s15;
	s11 =	sor.u32 s5, s7;
	v37 =	vld [tilespmem:s3+$0x0];
	v19 =	vadd.f32 v19, v21;
	v20 =	vadd.f32 v20, v22  }
0x6fc: {  	s9 =	sor.u32 $0xE180, s15;
	s6 =	sor.u32 s14, s25;
	s8 =	sor.u32 s5, s4;
	v44 =	vld [tilespmem:s11+$0x0];
	v38 =	vadd.f32 v59, v34;
	v39 =	vadd.f32 v60, v35  }
0x6fd: {  	s23 =	sor.u32 s14, s13;
	v41 =	vld [tilespmem:s8+$0x0];
	s17 =	sor.u32 $0xE300, s15;
	s24 =	sor.u32 s5, s9;
	v17 =	vadd.f32 v17, v19;
	v18 =	vadd.f32 v18, v20  }
0x6fe: {  	s10 =	sor.u32 s14, s4;
	s13 =	sor.u32 s14, s7;
	v45 =	vld [tilespmem:s24+$0x0];
	s4 =	sor.u32 s5, s17;
	v42 =	vadd.f32 v63, v38;
	v43 =	vadd.f32 v33, v39  }
0x6ff: {  	s11 =	sor.u32 s14, s17;
	s17 =	sor.u32 s5, s25;
	v48 =	vld [tilespmem:s4+$0x0];
	s4 =	sor.u32 $0xF180, s15;
	v15 =	vadd.f32 v15, v17;
	v16 =	vadd.f32 v16, v18  }
0x700: {  	s7 =	sor.u32 $0xF100, s15;
	v49 =	vld [tilespmem:s17+$0x0];
	s3 =	sor.u32 s14, s4;
	s4 =	sor.u32 s5, s4;
	v46 =	vadd.f32 v36, v42;
	v47 =	vadd.f32 v37, v43  }
0x701: {  	s8 =	sor.u32 s14, s9;
	s24 =	sor.u32 s5, s7;
	s25 =	sor.u32 $0xF300, s15;
	v53 =	vld [tilespmem:s4+$0x0];
	v13 =	vadd.f32 v13, v15;
	v14 =	vadd.f32 v14, v16  }
0x702: {  	s9 =	sor.u32 s14, s7;
	s7 =	sor.u32 s14, s25;
	s25 =	sor.u32 s5, s25;
	v52 =	vld [tilespmem:s24+$0x0];
	v50 =	vadd.f32 v40, v46;
	v51 =	vadd.f32 v41, v47  }
0x703: {  	s17 =	sor.u32 $0xF380, s15;
	v56 =	vld [tilespmem:s25+$0x0];
	v11 =	vadd.f32 v11, v13;
	v12 =	vadd.f32 v12, v14  }
0x704: {  	s2 =	sor.u32 s14, s17;
	s17 =	sor.u32 s5, s17;
	s24 =	sor.u32 $0x10100, s15;
	v62 =	vld [tilespmem:s0+$0x80];
	v54 =	vadd.f32 v44, v50;
	v55 =	vadd.f32 v45, v51  }
0x705: {  	s4 =	sor.u32 s14, s24;
	s24 =	sor.u32 s5, s24;
	s25 =	sor.u32 $0x10180, s15;
	v9 =	vadd.f32 v9, v11;
	v10 =	vadd.f32 v10, v12;
	v11 =	vld [tilespmem:s17+$0x0]  }
0x706: {  	s1 =	sor.u32 s14, s25;
	v59 =	vld [tilespmem:s24+$0x0];
	s24 =	sor.u32 s5, s25;
	s17 =	sor.u32 $0x10300, s15;
	v57 =	vadd.f32 v48, v54;
	v58 =	vadd.f32 v49, v55  }
0x707: {  	s15 =	sor.u32 $0x10380, s15;
	s25 =	sor.u32 s14, s17;
	s17 =	sor.u32 s5, s17;
	v7 =	vadd.f32 v7, v9;
	v8 =	vadd.f32 v8, v10;
	v9 =	vld [tilespmem:s24+$0x0]  }
0x708: {  	s24 =	sor.u32 s14, s15;
	v10 =	vadd.f32 v52, v57;
	v60 =	vadd.f32 v53, v58;
	v61 =	vld [tilespmem:s17+$0x0];
	s15 =	sor.u32 s5, s15  }
0x709: {  	v5 =	vadd.f32 v5, v7;
	v6 =	vadd.f32 v6, v8;
	v7 =	vld [tilespmem:s15+$0x0]  }
0x70a: {  	v8 =	vld [tilespmem:s0+$0x0];
	v10 =	vadd.f32 v56, v10;
	v11 =	vadd.f32 v11, v60  }
0x70b: {  	v2 =	vadd.f32 v2, v5;
	v3 =	vadd.f32 v3, v6;
	v5 =	vld [tilespmem:s0+$0x100]  }
0x70c: {  	v6 =	vadd.f32 v59, v10;
	v10 =	vld [tilespmem:s0+$0x180];
	v9 =	vadd.f32 v9, v11  }
0x70d: {  	v0 =	vadd.f32 v0, v2;
	v1 =	vadd.f32 v1, v3;
	v2 =	vld [tilespmem:s0+$0x200]  }
0x70e: {  	s15 =	sld [smem:$0x718];
	v3 =	vadd.f32 v61, v6;
	v6 =	vadd.f32 v7, v9;
	v7 =	vld [tilespmem:s0+$0x280]  }
0x70f: {  	s17 =	sand.u32 $0x180, s20;
	v9 =	vld [tilespmem:s0+$0x300]  }
0x710: {  	v0 =	vadd.f32 v1, v0;
	v1 =	vadd.f32 v6, v3;
	v3 =	vld [tilespmem:s0+$0x380];
	s0 =	sor.u32 s5, s17;
	s17 =	sld [smem:$0x719]  }
0x711: {  	v6 =	vld [tilespmem:s15+$0x0]  }
0x712: {  	v11 =	vld [tilespmem:s2+$0x0];
	s5 =	sld [smem:$0x71A];
	v0 =	vadd.f32 v1, v0  }
0x713: {  	s14 =	sld [smem:$0x71B];
	s0 =	sor.u32 $0x11000, s0;
	v1 =	vadd.f32 v2, v8;
	v2 =	vld [tilespmem:s17+$0x0]  }
0x714: {  	[tilespmem:s0+$0x0] =	vst.add.f32.msk $0xffff, v0  }
0x715: {  	s17 =	sld [smem:$0x71D];
	v0 =	vadd.f32 v9, v5;
	v5 =	vld [tilespmem:s5+$0x0]  }
0x716: {  	s15 =	sld [smem:$0x71C];
	v1 =	vadd.f32 v6, v1;
	v6 =	vld [tilespmem:s14+$0x0]  }
0x717: {  	v8 =	vld [tilespmem:s29+$0x0];
	s29 =	sld [smem:$0x71E];
	v7 =	vadd.f32 v7, v62  }
0x718: {  	s14 =	sld [smem:$0x720];
	v9 =	vld [tilespmem:s17+$0x0]  }
0x719: {  	s5 =	sld [smem:$0x71F];
	v2 =	vadd.f32 v2, v7;
	v7 =	vld [tilespmem:s15+$0x0]  }
0x71a: {  	v3 =	vadd.f32 v3, v10;
	s17 =	sld [smem:$0x722];
	v0 =	vadd.f32 v5, v0;
	v5 =	vld [tilespmem:s29+$0x0]  }
0x71b: {  	s15 =	sld [smem:$0x721];
	v1 =	vadd.f32 v6, v1;
	v6 =	vld [tilespmem:s14+$0x0]  }
0x71c: {  	v3 =	vadd.f32 v8, v3;
	v8 =	vld [tilespmem:s5+$0x0];
	s29 =	sld [smem:$0x723]  }
0x71d: {  	s14 =	sld [smem:$0x725];
	v0 =	vadd.f32 v9, v0;
	v9 =	vld [tilespmem:s17+$0x0]  }
0x71e: {  	s5 =	sld [smem:$0x724];
	v2 =	vadd.f32 v7, v2;
	v7 =	vld [tilespmem:s15+$0x0]  }
0x71f: {  	s15 =	sld [smem:$0x726];
	v3 =	vadd.f32 v5, v3;
	v5 =	vld [tilespmem:s29+$0x0]  }
0x720: {  	v2 =	vadd.f32 v6, v2;
	v6 =	vld [tilespmem:s14+$0x0]  }
0x721: {  	s17 =	sld [smem:$0x727];
	v1 =	vadd.f32 v8, v1;
	v8 =	vld [tilespmem:s5+$0x0]  }
0x722: {  	v3 =	vadd.f32 v9, v3;
	v9 =	vld [tilespmem:s15+$0x0]  }
0x723: {  	v0 =	vadd.f32 v7, v0;
	v7 =	vld [tilespmem:s26+$0x0]  }
0x724: {  	v1 =	vadd.f32 v5, v1;
	v5 =	vld [tilespmem:s17+$0x0]  }
0x725: {  	v0 =	vadd.f32 v6, v0;
	v6 =	vld [tilespmem:s22+$0x0];
	s22 =	sld [smem:$0x728]  }
0x726: {  	v2 =	vadd.f32 v8, v2;
	v8 =	vld [tilespmem:s31+$0x0]  }
0x727: {  	v10 =	vld [tilespmem:s7+$0x0];
	s26 =	sld [smem:$0x729]  }
0x728: {  	v3 =	vadd.f32 v7, v3;
	v7 =	vld [tilespmem:s22+$0x0]  }
0x729: {  	v2 =	vadd.f32 v5, v2;
	v5 =	vld [tilespmem:s28+$0x0];
	s28 =	sld [smem:$0x72A]  }
0x72a: {  	s29 =	sld [smem:$0x72B];
	v1 =	vadd.f32 v9, v1;
	v9 =	vld [tilespmem:s26+$0x0]  }
0x72b: {  	v0 =	vadd.f32 v8, v0;
	v8 =	vld [tilespmem:s16+$0x0]  }
0x72c: {  	v3 =	vadd.f32 v6, v3;
	v6 =	vld [tilespmem:s28+$0x0]  }
0x72d: {  	v1 =	vadd.f32 v7, v1;
	v7 =	vld [tilespmem:s29+$0x0]  }
0x72e: {  	v0 =	vadd.f32 v5, v0;
	v5 =	vld [tilespmem:s12+$0x0]  }
0x72f: {  	s31 =	rddreg [dreg:$0x1c];
	v2 =	vadd.f32 v9, v2;
	v9 =	vld [tilespmem:s23+$0x0]  }
0x730: {  	s5 =	rddreg [dreg:$0x1e];
	v3 =	vadd.f32 v8, v3;
	v8 =	vld [tilespmem:s31+$0x0]  }
0x731: {  	v1 =	vadd.f32 v6, v1;
	v6 =	vld [tilespmem:s5+$0x0]  }
0x732: {  	s12 =	rddreg [dreg:$0x18];
	v2 =	vadd.f32 v7, v2;
	v7 =	vld [tilespmem:s21+$0x0]  }
0x733: {  	v3 =	vadd.f32 v5, v3;
	v5 =	vld [tilespmem:s12+$0x0]  }
0x734: {  	s14 =	rddreg [dreg:$0x1a];
	v0 =	vadd.f32 v9, v0;
	v9 =	vld [tilespmem:s10+$0x0]  }
0x735: {  	v1 =	vadd.f32 v8, v1;
	v8 =	vld [tilespmem:s14+$0x0]  }
0x736: {  	v2 =	vadd.f32 v6, v2;
	v6 =	vld [tilespmem:s13+$0x0]  }
0x737: {  	s16 =	rddreg [dreg:$0x16];
	v0 =	vadd.f32 v7, v0;
	v7 =	vld [tilespmem:s8+$0x0]  }
0x738: {  	s15 =	rddreg [dreg:$0x14];
	v1 =	vadd.f32 v5, v1;
	v5 =	vld [tilespmem:s16+$0x0]  }
0x739: {  	v3 =	vadd.f32 v9, v3;
	v9 =	vld [tilespmem:s15+$0x0]  }
0x73a: {  	v2 =	vadd.f32 v8, v2;
	v8 =	vld [tilespmem:s11+$0x0]  }
0x73b: {  	s17 =	rddreg [dreg:$0x10];
	v0 =	vadd.f32 v6, v0;
	v6 =	vld [tilespmem:s6+$0x0]  }
0x73c: {  	v3 =	vadd.f32 v7, v3;
	v7 =	vld [tilespmem:s17+$0x0]  }
0x73d: {  	s21 =	rddreg [dreg:$0x12];
	v2 =	vadd.f32 v5, v2;
	v5 =	vld [tilespmem:s9+$0x0]  }
0x73e: {  	v1 =	vadd.f32 v9, v1;
	v9 =	vld [tilespmem:s21+$0x0]  }
0x73f: {  	s22 =	rddreg [dreg:$0xc];
	v0 =	vadd.f32 v8, v0;
	v8 =	vld [tilespmem:s3+$0x0]  }
0x740: {  	s23 =	rddreg [dreg:$0xe];
	v3 =	vadd.f32 v6, v3;
	v6 =	vld [tilespmem:s22+$0x0]  }
0x741: {  	s18 =	sadd.s32 $0x2, s18;
	s26 =	rddreg [dreg:$0x8];
	v1 =	vadd.f32 v7, v1;
	v7 =	vld [tilespmem:s23+$0x0]  }
0x742: {  	p1 =	slt.u32 s18, $0x1E;
	v63 =	vld [tilespmem:s26+$0x0];
	s28 =	rddreg [dreg:$0xa];
	v5 =	vadd.f32 v5, v0  }
.Ltmp4:
0x743: {  	s31 =	rddreg [dreg:$0x6];
	v2 =	vadd.f32 v9, v2;
	v0 =	vld [tilespmem:s28+$0x0];
	(pc) =	sbr.rel @p1 .LBB2_7-.Ltmp4, $4  }
0x744: {  	v3 =	vadd.f32 v8, v3;
	v8 =	vadd.f32 v10, v5;
	v5 =	vld [tilespmem:s31+$0x0]  }
0x745: {  	v6 =	vadd.f32 v6, v1;
	v1 =	vld [tilespmem:s1+$0x0]  }
0x746: {  	s29 =	rddreg [dreg:$0x4];
	v9 =	vadd.f32 v7, v2;
	v2 =	vld [tilespmem:s4+$0x0]  }
0x747: {  	s19 =	sadd.s32 $0x100, s19;
	s20 =	sadd.s32 $0x20, s20;
	v7 =	vadd.f32 v11, v3;
	v3 =	vld [tilespmem:s29+$0x0];
	v6 =	vadd.f32 v63, v6  }
0x748: {  	v10 =	vld [tilespmem:s25+$0x0]  }
0x749: {  	v11 =	vld [tilespmem:s24+$0x0];
	_ =	sdelay $0x1  }
0x74a: {  	v0 =	vadd.f32 v0, v9  }
0x74b: {  	v1 =	vadd.f32 v1, v7;
	v2 =	vadd.f32 v2, v8  }
0x74c: {  	v0 =	vadd.f32 v5, v0;
	v3 =	vadd.f32 v3, v6  }
0x74d: {  	v2 =	vadd.f32 v10, v2;
	v1 =	vadd.f32 v11, v1;
	_ =	sdelay $0x1  }
.Ltmp5:
0x74e: {  	v0 =	vadd.f32 v0, v3;
	v1 =	vadd.f32 v1, v2;
	(pc) =	sbr.rel @p0 .LBB2_10-.Ltmp5, $4  }
0x74f: {  	_ = 	snop  }
0x750: {  	s0 =	sadd.s32 $0x20, s30;
	v0 =	vadd.f32 v1, v0  }
0x751: {  	[tilespmem:s0+$0x0] =	vst.add.f32.msk $0xffff, v4;
	s0 =	sadd.s32 $0x20, s0  }
0x752: {  	[tilespmem:s0+$0x0] =	vst.add.f32.msk $0xffff, v0  }
0x753: {  	s0 =	sld [smem:$0x72C];
	_ =	sdelay $0x2  }
0x754: {  	s0 =	sshrl.u32 s0, $0x2  }
0x755: {  	v0 =	vld [tilespmem:s0+$0x180];
	_ =	sdelay $0x2  }
0x756: {  	v2 =	vld [tilespmem:$0x1FFD0];
	_ =	sdelay $0x1  }
0x757: {  	v3 =	vld [tilespmem:$0x1FFE0];
	v1 =	vshll.u32 v0, $0x2  }
0x758: {  	v0 =	vand.u32 $0x7, v0;
	v1 =	vand.u32 $0xFFFFFFE0, v1  }
0x759: {  	v4 =	vld [tilespmem:$0x1FFF0];
	v0 =	vor.u32 v0, v1  }
0x75a: {  	v1 =	vperm.xlane v0, v2;
	_ =	sdelay $0x1  }
0x75b: {  	v1 =	vadd.s32 v3, v1;
	_ =	sdelay $0x1  }
0x75c: {  	v0 =	vperm.xlane v0, v4  }
0x75d: {  	s1 =	rddreg [dreg:$0x1]  }
0x75e: {  	s2 =	simm.s32 $0x0;
	s3 =	simm.s32 $0x9000;
	s15 =	sld [smem:$0x7FB];
	v0 =	vadd.s32 v3, v0  }
0x75f: {  	[tilespmem:s3], [sflag:$0x2] =	stream.indirect_vreg.gather [hbm4b:s1+s2], $0x80, v1, vm0, $0xb8;
	[tilespmem:$0x11200] =	vst v63  }
0x760: {  	s4 =	simm.s32 $0x9800  }
0x761: {  	[tilespmem:s4], [sflag:$0x2] =	stream.indirect_vreg.gather [hbm4b:s15+s2], $0x80, v1, vm0, $0xb8;
	[tilespmem:$0x11200] =	vst v63  }
0x762: {  	s16 =	simm.s32 $0xA000  }
0x763: {  	[tilespmem:s16], [sflag:$0x2] =	stream.indirect_vreg.gather [hbm4b:s1+s2], $0x80, v0, vm0, $0xb8;
	[tilespmem:$0x11200] =	vst v63  }
0x764: {  	s17 =	simm.s32 $0xA800  }
0x765: {  	[tilespmem:s17], [sflag:$0x2] =	stream.indirect_vreg.gather [hbm4b:s15+s2], $0x80, v0, vm0, $0xb8;
	[tilespmem:$0x11200] =	vst v63  }
0x766: {  	v0 =	vld [tilespmem:s0+$0x190];
	_ =	sdelay $0x4  }
0x767: {  	v61 =	vshll.u32 v0, $0x2  }
0x768: {  	v0 =	vand.u32 $0x7, v0;
	v1 =	vand.u32 $0xFFFFFFE0, v61  }
0x769: {  	v0 =	vor.u32 v0, v1  }
0x76a: {  	v1 =	vperm.xlane v0, v2;
	_ =	sdelay $0x1  }
0x76b: {  	v1 =	vadd.s32 v3, v1;
	_ =	sdelay $0x1  }
0x76c: {  	v0 =	vperm.xlane v0, v4;
	_ =	sdelay $0x1  }
0x76d: {  	s18 =	simm.s32 $0xB000;
	v0 =	vadd.s32 v3, v0  }
0x76e: {  	[tilespmem:s18], [sflag:$0x2] =	stream.indirect_vreg.gather [hbm4b:s1+s2], $0x80, v1, vm0, $0xb8;
	[tilespmem:$0x11200] =	vst v63  }
0x76f: {  	s19 =	simm.s32 $0xB800  }
0x770: {  	[tilespmem:s19], [sflag:$0x2] =	stream.indirect_vreg.gather [hbm4b:s15+s2], $0x80, v1, vm0, $0xb8;
	[tilespmem:$0x11200] =	vst v63  }
0x771: {  	s20 =	simm.s32 $0xC000  }
0x772: {  	[tilespmem:s20], [sflag:$0x2] =	stream.indirect_vreg.gather [hbm4b:s1+s2], $0x80, v0, vm0, $0xb8;
	[tilespmem:$0x11200] =	vst v63  }
0x773: {  	s21 =	simm.s32 $0xC800  }
0x774: {  	[tilespmem:s21], [sflag:$0x2] =	stream.indirect_vreg.gather [hbm4b:s15+s2], $0x80, v0, vm0, $0xb8;
	[tilespmem:$0x11200] =	vst v63  }
0x775: {  	v0 =	vld [tilespmem:s0+$0x1A0];
	_ =	sdelay $0x4  }
0x776: {  	v62 =	vshll.u32 v0, $0x2  }
0x777: {  	v0 =	vand.u32 $0x7, v0;
	v1 =	vand.u32 $0xFFFFFFE0, v62  }
0x778: {  	v0 =	vor.u32 v0, v1  }
0x779: {  	v1 =	vperm.xlane v0, v2;
	_ =	sdelay $0x1  }
0x77a: {  	v1 =	vadd.s32 v3, v1;
	_ =	sdelay $0x1  }
0x77b: {  	v0 =	vperm.xlane v0, v4;
	_ =	sdelay $0x1  }
0x77c: {  	s22 =	simm.s32 $0xD000;
	v0 =	vadd.s32 v3, v0  }
0x77d: {  	[tilespmem:s22], [sflag:$0x2] =	stream.indirect_vreg.gather [hbm4b:s1+s2], $0x80, v1, vm0, $0xb8;
	[tilespmem:$0x11200] =	vst v63  }
0x77e: {  	s23 =	simm.s32 $0xD800  }
0x77f: {  	[tilespmem:s23], [sflag:$0x2] =	stream.indirect_vreg.gather [hbm4b:s15+s2], $0x80, v1, vm0, $0xb8;
	[tilespmem:$0x11200] =	vst v63  }
0x780: {  	s24 =	simm.s32 $0xE000  }
0x781: {  	[tilespmem:s24], [sflag:$0x2] =	stream.indirect_vreg.gather [hbm4b:s1+s2], $0x80, v0, vm0, $0xb8;
	[tilespmem:$0x11200] =	vst v63  }
0x782: {  	s25 =	simm.s32 $0xE800  }
0x783: {  	[tilespmem:s25], [sflag:$0x2] =	stream.indirect_vreg.gather [hbm4b:s15+s2], $0x80, v0, vm0, $0xb8;
	[tilespmem:$0x11200] =	vst v63  }
0x784: {  	v0 =	vld [tilespmem:s0+$0x1B0];
	_ =	sdelay $0x4  }
0x785: {  	v63 =	vshll.u32 v0, $0x2  }
0x786: {  	v0 =	vand.u32 $0x7, v0;
	v1 =	vand.u32 $0xFFFFFFE0, v63  }
0x787: {  	v0 =	vor.u32 v0, v1  }
0x788: {  	v1 =	vperm.xlane v0, v2;
	_ =	sdelay $0x1  }
0x789: {  	v1 =	vadd.s32 v3, v1;
	_ =	sdelay $0x2  }
0x78a: {  	v0 =	vperm.xlane v0, v4  }
0x78b: {  	s26 =	simm.s32 $0xF000  }
0x78c: {  	v0 =	vadd.s32 v3, v0;
	[tilespmem:s26], [sflag:$0x2] =	stream.indirect_vreg.gather [hbm4b:s1+s2], $0x80, v1, vm0, $0xb8;
	[tilespmem:$0x11200] =	vst v63  }
0x78d: {  	s28 =	simm.s32 $0xF800;
	s31 =	sld [smem:$0x7F9]  }
0x78e: {  	[tilespmem:s28], [sflag:$0x2] =	stream.indirect_vreg.gather [hbm4b:s15+s2], $0x80, v1, vm0, $0xb8;
	[tilespmem:$0x11200] =	vst v63  }
.Ltmp6:
0x78f: {  	_ = 	snop;
	(pc) =	sbr.rel .LBB2_2-.Ltmp6, $4  }
0x790: {  	s29 =	simm.s32 $0x10000;
	s0 =	sadd.s32 $0x1, s31  }
0x791: {  	[tilespmem:s29], [sflag:$0x2] =	stream.indirect_vreg.gather [hbm4b:s1+s2], $0x80, v0, vm0, $0xb8;
	[tilespmem:$0x11200] =	vst v63  }
0x792: {  	s30 =	simm.s32 $0x10800;
	[smem:$0x7F9] =	sst s0  }
0x793: {  	[tilespmem:s30], [sflag:$0x2] =	stream.indirect_vreg.gather [hbm4b:s15+s2], $0x80, v0, vm0, $0xb8;
	[tilespmem:$0x11200] =	vst v63  }
.LBB2_11:
0x794: {  	_ =	sfence.sel $0x180000  }
0x795: {  	[bflag:$0x0] =	sbarrier.arrive $0xFFFF  }
0x796: {  	_ =	strace $0x90000047  }
0x797: {  	s0 =	stileid.u32;
	[bflag:$0x2] =	sbarrier.arrive $0xFFFF  }
0x798: {  	p0 =	sne.s32 s0, $0x0;
	s0 =	rddreg [dreg:$0x2]  }
0x799: {  	s0 =	sadd.s32 @!p0 $0x100000, s0  }
0x79a: {  	[sflag:s0] =	ssyncadd.tile.s32 @!p0 $0x1;
	_ =	shalt  }
.Lfunc_end2:
_tile_overlayer_lowered:
.L_overlay_start_2:
0x79b: {  	(tag) =	ssettag $0x2  }
0x79c: {  	s0 =	rddreg [dreg:$0x0];
	s2 =	stileid.u32  }
0x79d: {  	s1 =	rddreg [dreg:$0x1];
	p0 =	sne.s32 s2, $0x0  }
0x79e: {  	s3 =	rddreg [dreg:$0x2];
	[bflag:$0x3] =	sbarrier.arrive $0xFFFF;
	s2 =	simm.s32 @!p0 $0x1C03  }
0x79f: {  	[timem:s3], [sflag:s2] =	dma.local @!p0 [hbm:s0], s1  }
0x7a0: {  	s0 =	simm.s32 @!p0 $0x3  }
0x7a1: {  	_ =	swait.ge @!p0 [sflag:s0], s1  }
0x7a2: {  	s1 =	ssub.s32 @!p0 $0x0, s1;
	[sflag:s0] =	ssyncset.done @!p0 $0x0  }
0x7a3: {  	[sflag:s0] =	ssyncadd.s32 @!p0 s1  }
0x7a4: {  	[bflag:$0x3] =	sbarrier.arrive $0xFFFF  }
0x7a5: {  	_ =	shalt  }

</sc_bundles>
